<compile_context>
chip_gen: v7x
topology: tpu7x:2x2x1
jax: 0.10.2.dev20260603
libtpu: 0.0.44.dev20260713+nightly
codegen_flags: <defaults>
</compile_context>

<pallas_src>
import functools

import jax
import jax.numpy as jnp
from jax import lax
from jax.experimental import pallas as pl
from jax.experimental.pallas import tpu as pltpu
from jax.experimental.pallas import tpu_sc as plsc

NUM_CORES = 2
NUM_SUBCORES = 16
NUM_WORKERS = NUM_CORES * NUM_SUBCORES
LANES = 16

BATCH = 16384
EMBED_DIM = 32
NROWS = 1000000
TROWS = NROWS // 4
BROWS = NROWS // 128
BTAIL = BROWS * 128
B_PER_W = BATCH // NUM_WORKERS
SUB = 128
N_SUB = B_PER_W // SUB
N_BLOCKS = SUB // LANES


def _mf_body(uid_hbm, iid_hbm, utab_hbm, itab_hbm, bias_hbm, btail_hbm,
             out_hbm, uidx, iidx, ugrp, igrp, ibg, ucol, icol, bgr, btl,
             out_v, sem, bsem):
    wid = lax.axis_index("s") * NUM_CORES + lax.axis_index("c")
    base = wid * B_PER_W

    pltpu.sync_copy(uid_hbm.at[pl.ds(base, B_PER_W)], uidx)
    pltpu.sync_copy(iid_hbm.at[pl.ds(base, B_PER_W)], iidx)
    tl = pltpu.async_copy(btail_hbm, btl, bsem)

    @pl.loop(0, B_PER_W // LANES)
    def _grp_block(i):
        off = pl.multiple_of(i * LANES, LANES)
        uv = uidx[pl.ds(off, LANES)]
        iv = iidx[pl.ds(off, LANES)]
        ugrp[pl.ds(off, LANES)] = lax.shift_right_logical(uv, 2)
        igrp[pl.ds(off, LANES)] = lax.shift_right_logical(iv, 2)
        ibg[pl.ds(off, LANES)] = jnp.minimum(
            lax.shift_right_logical(iv, 7), BROWS - 1)

    bias_copies = []
    for j in range(N_SUB):
        cds = pl.ds(j * SUB, SUB)
        bias_copies.append(
            pltpu.async_copy(bias_hbm.at[ibg.at[cds]], bgr.at[cds], bsem))
    for cp in bias_copies:
        cp.wait()
    tl.wait()

    @pl.loop(0, N_SUB, unroll=1)
    def _sub_batch(sb):
        k0 = pl.multiple_of(sb * SUB, SUB)
        cds = pl.ds(k0, SUB)
        cu = pltpu.async_copy(utab_hbm.at[ugrp.at[cds]], ucol, sem)
        ci = pltpu.async_copy(itab_hbm.at[igrp.at[cds]], icol, sem)
        cu.wait()
        ci.wait()

        for bi in range(N_BLOCKS):
            b0 = pl.multiple_of(k0 + bi * LANES, LANES)
            uv = uidx[pl.ds(b0, LANES)]
            iv = iidx[pl.ds(b0, LANES)]
            ucl = (uv & 3) * EMBED_DIM
            icl = (iv & 3) * EMBED_DIM
            row16 = lax.iota(jnp.int32, LANES) + bi * LANES
            bmain = plsc.load_gather(bgr, [k0 + row16, iv & 127])
            btail = plsc.load_gather(btl, [jnp.maximum(iv - BTAIL, 0)])
            acc = jnp.where(iv >= BTAIL, btail, bmain)
            for d in range(EMBED_DIM):
                gu = plsc.load_gather(ucol, [row16, ucl + d])
                gi = plsc.load_gather(icol, [row16, icl + d])
                acc = acc + gu * gi
            out_v[pl.ds(b0, LANES)] = acc

    pltpu.sync_copy(out_v, out_hbm.at[pl.ds(base, B_PER_W)])


_mf_call = functools.partial(
    pl.kernel,
    out_type=jax.ShapeDtypeStruct((BATCH,), jnp.float32),
    mesh=plsc.VectorSubcoreMesh(core_axis_name="c", subcore_axis_name="s",
                                num_cores=NUM_CORES,
                                num_subcores=NUM_SUBCORES),
    scratch_types=[
        pltpu.VMEM((B_PER_W,), jnp.int32),
        pltpu.VMEM((B_PER_W,), jnp.int32),
        pltpu.VMEM((B_PER_W,), jnp.int32),
        pltpu.VMEM((B_PER_W,), jnp.int32),
        pltpu.VMEM((B_PER_W,), jnp.int32),
        pltpu.VMEM((SUB, 128), jnp.float32),
        pltpu.VMEM((SUB, 128), jnp.float32),
        pltpu.VMEM((B_PER_W, 128), jnp.float32),
        pltpu.VMEM((NROWS - BROWS * 128,), jnp.float32),
        pltpu.VMEM((B_PER_W,), jnp.float32),
        pltpu.SemaphoreType.DMA,
        pltpu.SemaphoreType.DMA,
    ],
    compiler_params=pltpu.CompilerParams(needs_layout_passes=False),
)(_mf_body)


@jax.jit
def kernel(user_ids, item_ids, user_table, item_table, item_bias_table):
    ut = user_table.reshape(TROWS, 128)
    it = item_table.reshape(TROWS, 128)
    bflat = item_bias_table.reshape(NROWS)
    bt = bflat[:BTAIL].reshape(BROWS, 128)
    btail = bflat[BTAIL:]
    return _mf_call(user_ids.astype(jnp.int32), item_ids.astype(jnp.int32),
                    ut, it, bt, btail)

# --- scband reference (transcript-rebuilt; emitter-appended) ---
"""Pipeline reference for scband-mf-16879221473505 (READ-ONLY COPY).

The authoritative reference and input builder live on the scoring server;
editing this copy changes nothing except your own understanding.
"""

import jax, jax.numpy as jnp
import numpy as np

NUM_USERS = 1000000
NUM_ITEMS = 1000000
EMBED_DIM = 32
BATCH = 16384


def setup_inputs(seed: int = 0) -> dict:
    key = jax.random.key(seed)
    k1, k2, k3, k4 = jax.random.split(key, 4)
    user_ids = jax.random.randint(k1, (BATCH,), 0, NUM_USERS, dtype=jnp.int64 if jax.config.jax_enable_x64 else jnp.int32)
    item_ids = jax.random.randint(k2, (BATCH,), 0, NUM_ITEMS, dtype=jnp.int64 if jax.config.jax_enable_x64 else jnp.int32)
    # uniform init like nn.init uniform for embeddings, zeros for biases
    user_table = jax.random.uniform(k3, (NUM_USERS, EMBED_DIM), dtype=jnp.float32)
    item_table = jax.random.uniform(k4, (NUM_ITEMS, EMBED_DIM), dtype=jnp.float32)
    item_bias_table = jnp.zeros((NUM_ITEMS, 1), dtype=jnp.float32)
    return {
        "user_ids": user_ids,
        "item_ids": item_ids,
        "user_table": user_table,
        "item_table": item_table,
        "item_bias_table": item_bias_table,
    }


def reference(user_ids, item_ids, user_table, item_table, item_bias_table):
    user_embs = jnp.take(user_table, user_ids, axis=0)          # [B, D]
    item_embs = jnp.take(item_table, item_ids, axis=0)          # [B, D]
    item_bias = jnp.take(item_bias_table, item_ids, axis=0)     # [B, 1]
    ratings = jnp.sum(user_embs * item_embs, axis=-1) + jnp.squeeze(item_bias)
    return ratings

if __name__ == "__main__":
    import jax
    _d = setup_inputs()
    print(jax.jit(kernel)(*tuple(_d.values())))

</pallas_src>

<mosaic_0001>
#map = affine_map<(d0, d1) -> (0)>
#map1 = affine_map<(d0, d1) -> (0, 0)>
module attributes {stable_mosaic.version = 14 : i64} {
  func.func @_mf_body(%arg0: i32, %arg1: i32, %arg2: memref<16384xi32, #tpu.memory_space<hbm>>, %arg3: memref<16384xi32, #tpu.memory_space<hbm>>, %arg4: memref<250000x128xf32, #tpu.memory_space<hbm>>, %arg5: memref<250000x128xf32, #tpu.memory_space<hbm>>, %arg6: memref<7812x128xf32, #tpu.memory_space<hbm>>, %arg7: memref<64xf32, #tpu.memory_space<hbm>>, %arg8: memref<16384xf32, #tpu.memory_space<hbm>>, %arg9: memref<512xi32, #tpu.memory_space<vmem>>, %arg10: memref<512xi32, #tpu.memory_space<vmem>>, %arg11: memref<512xi32, #tpu.memory_space<vmem>>, %arg12: memref<512xi32, #tpu.memory_space<vmem>>, %arg13: memref<512xi32, #tpu.memory_space<vmem>>, %arg14: memref<128x128xf32, #tpu.memory_space<vmem>>, %arg15: memref<128x128xf32, #tpu.memory_space<vmem>>, %arg16: memref<512x128xf32, #tpu.memory_space<vmem>>, %arg17: memref<64xf32, #tpu.memory_space<vmem>>, %arg18: memref<512xf32, #tpu.memory_space<vmem>>, %arg19: memref<!tpu.dma_semaphore, #tpu.memory_space<semaphore_mem>>, %arg20: memref<!tpu.dma_semaphore, #tpu.memory_space<semaphore_mem>>) attributes {dimension_semantics = [#tpu.dimension_semantics<core_parallel>, #tpu.dimension_semantics<subcore_parallel>], iteration_bounds = array<i64: 2, 16>, scalar_prefetch = 0 : i64, scratch_operands = 12 : i64, tpu.core_type = #tpu.core_type<sc_vector_subcore>, window_params = [{transform_indices = #map}, {transform_indices = #map}, {transform_indices = #map1}, {transform_indices = #map1}, {transform_indices = #map1}, {transform_indices = #map}, {transform_indices = #map}]} {
    %mul3A = arith.constant 2 : i32
    %mul3A_0 = arith.muli %arg1, %mul3A : i32
    %add3A = arith.addi %mul3A_0, %arg0 : i32
    %mul3A_1 = arith.constant 512 : i32
    %mul3A_2 = arith.muli %add3A, %mul3A_1 : i32
    "tpu.region"() ({
      %run_scoped3A = tpu.sem_alloc : memref<!tpu.dma_semaphore, #tpu.memory_space<semaphore_mem>>
      %dma_start3A_74 = tpu.memref_slice %arg2[%mul3A_2] : memref<16384xi32, #tpu.memory_space<hbm>> -> memref<512xi32, #tpu.memory_space<hbm>>
      %dma_start3A_75 = tpu.memref_slice %arg2[%mul3A_2] : memref<16384xi32, #tpu.memory_space<hbm>> -> memref<512xi32, #tpu.memory_space<hbm>>
      tpu.enqueue_dma source(%dma_start3A_75 : memref<512xi32, #tpu.memory_space<hbm>>) target(%arg9 : memref<512xi32, #tpu.memory_space<vmem>>) target_semaphore(%run_scoped3A : memref<!tpu.dma_semaphore, #tpu.memory_space<semaphore_mem>>)
      %dma_wait3A_76 = tpu.memref_slice %arg2[%mul3A_2] : memref<16384xi32, #tpu.memory_space<hbm>> -> memref<512xi32, #tpu.memory_space<hbm>>
      %dma_wait3A_77 = tpu.memref_slice %arg2[%mul3A_2] : memref<16384xi32, #tpu.memory_space<hbm>> -> memref<512xi32, #tpu.memory_space<hbm>>
      tpu.wait_dma2 semaphore(%run_scoped3A : memref<!tpu.dma_semaphore, #tpu.memory_space<semaphore_mem>>) src(%dma_wait3A_77 : memref<512xi32, #tpu.memory_space<hbm>>) dst(%arg9 : memref<512xi32, #tpu.memory_space<vmem>>)
      tpu.yield
    }) : () -> ()
    "tpu.region"() ({
      %run_scoped3A = tpu.sem_alloc : memref<!tpu.dma_semaphore, #tpu.memory_space<semaphore_mem>>
      %dma_start3A_74 = tpu.memref_slice %arg3[%mul3A_2] : memref<16384xi32, #tpu.memory_space<hbm>> -> memref<512xi32, #tpu.memory_space<hbm>>
      %dma_start3A_75 = tpu.memref_slice %arg3[%mul3A_2] : memref<16384xi32, #tpu.memory_space<hbm>> -> memref<512xi32, #tpu.memory_space<hbm>>
      tpu.enqueue_dma source(%dma_start3A_75 : memref<512xi32, #tpu.memory_space<hbm>>) target(%arg10 : memref<512xi32, #tpu.memory_space<vmem>>) target_semaphore(%run_scoped3A : memref<!tpu.dma_semaphore, #tpu.memory_space<semaphore_mem>>)
      %dma_wait3A_76 = tpu.memref_slice %arg3[%mul3A_2] : memref<16384xi32, #tpu.memory_space<hbm>> -> memref<512xi32, #tpu.memory_space<hbm>>
      %dma_wait3A_77 = tpu.memref_slice %arg3[%mul3A_2] : memref<16384xi32, #tpu.memory_space<hbm>> -> memref<512xi32, #tpu.memory_space<hbm>>
      tpu.wait_dma2 semaphore(%run_scoped3A : memref<!tpu.dma_semaphore, #tpu.memory_space<semaphore_mem>>) src(%dma_wait3A_77 : memref<512xi32, #tpu.memory_space<hbm>>) dst(%arg10 : memref<512xi32, #tpu.memory_space<vmem>>)
      tpu.yield
    }) : () -> ()
    tpu.enqueue_dma source(%arg7 : memref<64xf32, #tpu.memory_space<hbm>>) target(%arg17 : memref<64xf32, #tpu.memory_space<vmem>>) target_semaphore(%arg20 : memref<!tpu.dma_semaphore, #tpu.memory_space<semaphore_mem>>)
    %scan3A = arith.constant 0 : i32
    %scan3A_3 = arith.constant 32 : i32
    %scan3A_4 = arith.addi %scan3A, %scan3A_3 : i32
    %scan3A_5 = arith.constant 1 : i32
    scf.for %scan3A_74 = %scan3A to %scan3A_4 step %scan3A_5  : i32 {
      %mul3A_75 = arith.constant 1 : i32
      %mul3A_76 = arith.muli %scan3A_74, %mul3A_75 : i32
      %add3A_77 = arith.constant 0 : i32
      %add3A_78 = arith.addi %add3A_77, %mul3A_76 : i32
      %mul3A_79 = arith.constant 16 : i32
      %mul3A_80 = arith.muli %add3A_78, %mul3A_79 : i32
      %multiple_of3A = tpu.assume_multiple %mul3A_80, 16 : i32
      %get3A = arith.index_cast %multiple_of3A : i32 to index
      %get3A_81 = tpu.vector_load %arg9[%get3A] {strides = array<i32>} : memref<512xi32, #tpu.memory_space<vmem>>, vector<16xi32>,
      %get3A_82 = arith.index_cast %multiple_of3A : i32 to index
      %get3A_83 = tpu.vector_load %arg10[%get3A_82] {strides = array<i32>} : memref<512xi32, #tpu.memory_space<vmem>>, vector<16xi32>,
      %shift_right_logical3A = arith.constant 2 : i32
      %shift_right_logical3A_84 = vector.broadcast %shift_right_logical3A : i32 to vector<16xi32>
      %shift_right_logical3A_85 = arith.shrui %get3A_81, %shift_right_logical3A_84 : vector<16xi32>
      %swap3A = arith.index_cast %multiple_of3A : i32 to index
      %swap3A_86 = tpu.vector_load %arg11[%swap3A] {strides = array<i32>} : memref<512xi32, #tpu.memory_space<vmem>>, vector<16xi32>,
      tpu.vector_store %arg11[%swap3A], %shift_right_logical3A_85 {strides = array<i32>} : memref<512xi32, #tpu.memory_space<vmem>>, vector<16xi32>,
      %shift_right_logical3A_87 = arith.constant 2 : i32
      %shift_right_logical3A_88 = vector.broadcast %shift_right_logical3A_87 : i32 to vector<16xi32>
      %shift_right_logical3A_89 = arith.shrui %get3A_83, %shift_right_logical3A_88 : vector<16xi32>
      %swap3A_90 = arith.index_cast %multiple_of3A : i32 to index
      %swap3A_91 = tpu.vector_load %arg12[%swap3A_90] {strides = array<i32>} : memref<512xi32, #tpu.memory_space<vmem>>, vector<16xi32>,
      tpu.vector_store %arg12[%swap3A_90], %shift_right_logical3A_89 {strides = array<i32>} : memref<512xi32, #tpu.memory_space<vmem>>, vector<16xi32>,
      %shift_right_logical3A_92 = arith.constant 7 : i32
      %shift_right_logical3A_93 = vector.broadcast %shift_right_logical3A_92 : i32 to vector<16xi32>
      %shift_right_logical3A_94 = arith.shrui %get3A_83, %shift_right_logical3A_93 : vector<16xi32>
      %min3A = arith.constant 7811 : i32
      %min3A_95 = vector.broadcast %min3A : i32 to vector<16xi32>
      %min3A_96 = arith.minsi %shift_right_logical3A_94, %min3A_95 : vector<16xi32>
      %swap3A_97 = arith.index_cast %multiple_of3A : i32 to index
      %swap3A_98 = tpu.vector_load %arg13[%swap3A_97] {strides = array<i32>} : memref<512xi32, #tpu.memory_space<vmem>>, vector<16xi32>,
      tpu.vector_store %arg13[%swap3A_97], %min3A_96 {strides = array<i32>} : memref<512xi32, #tpu.memory_space<vmem>>, vector<16xi32>,
    }
    %scan3A_6 = arith.constant 32 : i32
    %dma_start3A = arith.constant 0 : i32
    %dma_start3A_7 = arith.constant 0 : i32
    %dma_start3A_8 = tpu.memref_slice %arg16[%dma_start3A, %dma_start3A_7] : memref<512x128xf32, #tpu.memory_space<vmem>> -> memref<128x128xf32, #tpu.memory_space<vmem>>
    %dma_start3A_9 = arith.constant 0 : i32
    %dma_start3A_10 = tpu.memref_slice %arg13[%dma_start3A_9] : memref<512xi32, #tpu.memory_space<vmem>> -> memref<128xi32, #tpu.memory_space<vmem>>
    %dma_start3A_11 = arith.constant 0 : i32
    %dma_start3A_12 = arith.constant 0 : i32
    %dma_start3A_13 = tpu.memref_slice %arg6[%dma_start3A_11, %dma_start3A_12] : memref<7812x128xf32, #tpu.memory_space<hbm>> -> memref<7812x128xf32, #tpu.memory_space<hbm>>
    tpu.enqueue_indirect_dma source(%dma_start3A_13 : memref<7812x128xf32, #tpu.memory_space<hbm>>) target(%dma_start3A_8 : memref<128x128xf32, #tpu.memory_space<vmem>>) offsets(%dma_start3A_10 : memref<128xi32, #tpu.memory_space<vmem>>) semaphore(%arg20 : memref<!tpu.dma_semaphore, #tpu.memory_space<semaphore_mem>>)
    %dma_start3A_14 = arith.constant 128 : i32
    %dma_start3A_15 = arith.constant 0 : i32
    %dma_start3A_16 = tpu.memref_slice %arg16[%dma_start3A_14, %dma_start3A_15] : memref<512x128xf32, #tpu.memory_space<vmem>> -> memref<128x128xf32, #tpu.memory_space<vmem>>
    %dma_start3A_17 = arith.constant 128 : i32
    %dma_start3A_18 = tpu.memref_slice %arg13[%dma_start3A_17] : memref<512xi32, #tpu.memory_space<vmem>> -> memref<128xi32, #tpu.memory_space<vmem>>
    %dma_start3A_19 = arith.constant 0 : i32
    %dma_start3A_20 = arith.constant 0 : i32
    %dma_start3A_21 = tpu.memref_slice %arg6[%dma_start3A_19, %dma_start3A_20] : memref<7812x128xf32, #tpu.memory_space<hbm>> -> memref<7812x128xf32, #tpu.memory_space<hbm>>
    tpu.enqueue_indirect_dma source(%dma_start3A_21 : memref<7812x128xf32, #tpu.memory_space<hbm>>) target(%dma_start3A_16 : memref<128x128xf32, #tpu.memory_space<vmem>>) offsets(%dma_start3A_18 : memref<128xi32, #tpu.memory_space<vmem>>) semaphore(%arg20 : memref<!tpu.dma_semaphore, #tpu.memory_space<semaphore_mem>>)
    %dma_start3A_22 = arith.constant 256 : i32
    %dma_start3A_23 = arith.constant 0 : i32
    %dma_start3A_24 = tpu.memref_slice %arg16[%dma_start3A_22, %dma_start3A_23] : memref<512x128xf32, #tpu.memory_space<vmem>> -> memref<128x128xf32, #tpu.memory_space<vmem>>
    %dma_start3A_25 = arith.constant 256 : i32
    %dma_start3A_26 = tpu.memref_slice %arg13[%dma_start3A_25] : memref<512xi32, #tpu.memory_space<vmem>> -> memref<128xi32, #tpu.memory_space<vmem>>
    %dma_start3A_27 = arith.constant 0 : i32
    %dma_start3A_28 = arith.constant 0 : i32
    %dma_start3A_29 = tpu.memref_slice %arg6[%dma_start3A_27, %dma_start3A_28] : memref<7812x128xf32, #tpu.memory_space<hbm>> -> memref<7812x128xf32, #tpu.memory_space<hbm>>
    tpu.enqueue_indirect_dma source(%dma_start3A_29 : memref<7812x128xf32, #tpu.memory_space<hbm>>) target(%dma_start3A_24 : memref<128x128xf32, #tpu.memory_space<vmem>>) offsets(%dma_start3A_26 : memref<128xi32, #tpu.memory_space<vmem>>) semaphore(%arg20 : memref<!tpu.dma_semaphore, #tpu.memory_space<semaphore_mem>>)
    %dma_start3A_30 = arith.constant 384 : i32
    %dma_start3A_31 = arith.constant 0 : i32
    %dma_start3A_32 = tpu.memref_slice %arg16[%dma_start3A_30, %dma_start3A_31] : memref<512x128xf32, #tpu.memory_space<vmem>> -> memref<128x128xf32, #tpu.memory_space<vmem>>
    %dma_start3A_33 = arith.constant 384 : i32
    %dma_start3A_34 = tpu.memref_slice %arg13[%dma_start3A_33] : memref<512xi32, #tpu.memory_space<vmem>> -> memref<128xi32, #tpu.memory_space<vmem>>
    %dma_start3A_35 = arith.constant 0 : i32
    %dma_start3A_36 = arith.constant 0 : i32
    %dma_start3A_37 = tpu.memref_slice %arg6[%dma_start3A_35, %dma_start3A_36] : memref<7812x128xf32, #tpu.memory_space<hbm>> -> memref<7812x128xf32, #tpu.memory_space<hbm>>
    tpu.enqueue_indirect_dma source(%dma_start3A_37 : memref<7812x128xf32, #tpu.memory_space<hbm>>) target(%dma_start3A_32 : memref<128x128xf32, #tpu.memory_space<vmem>>) offsets(%dma_start3A_34 : memref<128xi32, #tpu.memory_space<vmem>>) semaphore(%arg20 : memref<!tpu.dma_semaphore, #tpu.memory_space<semaphore_mem>>)
    %dma_wait3A = arith.constant 0 : i32
    %dma_wait3A_38 = arith.constant 0 : i32
    %dma_wait3A_39 = tpu.memref_slice %arg16[%dma_wait3A, %dma_wait3A_38] : memref<512x128xf32, #tpu.memory_space<vmem>> -> memref<128x128xf32, #tpu.memory_space<vmem>>
    %dma_wait3A_40 = arith.constant 0 : i32
    %dma_wait3A_41 = tpu.memref_slice %arg13[%dma_wait3A_40] : memref<512xi32, #tpu.memory_space<vmem>> -> memref<128xi32, #tpu.memory_space<vmem>>
    %dma_wait3A_42 = arith.constant 0 : i32
    %dma_wait3A_43 = arith.constant 0 : i32
    %dma_wait3A_44 = tpu.memref_slice %arg6[%dma_wait3A_42, %dma_wait3A_43] : memref<7812x128xf32, #tpu.memory_space<hbm>> -> memref<7812x128xf32, #tpu.memory_space<hbm>>
    tpu.wait_indirect_dma semaphore(%arg20 : memref<!tpu.dma_semaphore, #tpu.memory_space<semaphore_mem>>) src(%dma_wait3A_44 : memref<7812x128xf32, #tpu.memory_space<hbm>>) dst(%dma_wait3A_39 : memref<128x128xf32, #tpu.memory_space<vmem>>)
    %dma_wait3A_45 = arith.constant 128 : i32
    %dma_wait3A_46 = arith.constant 0 : i32
    %dma_wait3A_47 = tpu.memref_slice %arg16[%dma_wait3A_45, %dma_wait3A_46] : memref<512x128xf32, #tpu.memory_space<vmem>> -> memref<128x128xf32, #tpu.memory_space<vmem>>
    %dma_wait3A_48 = arith.constant 128 : i32
    %dma_wait3A_49 = tpu.memref_slice %arg13[%dma_wait3A_48] : memref<512xi32, #tpu.memory_space<vmem>> -> memref<128xi32, #tpu.memory_space<vmem>>
    %dma_wait3A_50 = arith.constant 0 : i32
    %dma_wait3A_51 = arith.constant 0 : i32
    %dma_wait3A_52 = tpu.memref_slice %arg6[%dma_wait3A_50, %dma_wait3A_51] : memref<7812x128xf32, #tpu.memory_space<hbm>> -> memref<7812x128xf32, #tpu.memory_space<hbm>>
    tpu.wait_indirect_dma semaphore(%arg20 : memref<!tpu.dma_semaphore, #tpu.memory_space<semaphore_mem>>) src(%dma_wait3A_52 : memref<7812x128xf32, #tpu.memory_space<hbm>>) dst(%dma_wait3A_47 : memref<128x128xf32, #tpu.memory_space<vmem>>)
    %dma_wait3A_53 = arith.constant 256 : i32
    %dma_wait3A_54 = arith.constant 0 : i32
    %dma_wait3A_55 = tpu.memref_slice %arg16[%dma_wait3A_53, %dma_wait3A_54] : memref<512x128xf32, #tpu.memory_space<vmem>> -> memref<128x128xf32, #tpu.memory_space<vmem>>
    %dma_wait3A_56 = arith.constant 256 : i32
    %dma_wait3A_57 = tpu.memref_slice %arg13[%dma_wait3A_56] : memref<512xi32, #tpu.memory_space<vmem>> -> memref<128xi32, #tpu.memory_space<vmem>>
    %dma_wait3A_58 = arith.constant 0 : i32
    %dma_wait3A_59 = arith.constant 0 : i32
    %dma_wait3A_60 = tpu.memref_slice %arg6[%dma_wait3A_58, %dma_wait3A_59] : memref<7812x128xf32, #tpu.memory_space<hbm>> -> memref<7812x128xf32, #tpu.memory_space<hbm>>
    tpu.wait_indirect_dma semaphore(%arg20 : memref<!tpu.dma_semaphore, #tpu.memory_space<semaphore_mem>>) src(%dma_wait3A_60 : memref<7812x128xf32, #tpu.memory_space<hbm>>) dst(%dma_wait3A_55 : memref<128x128xf32, #tpu.memory_space<vmem>>)
    %dma_wait3A_61 = arith.constant 384 : i32
    %dma_wait3A_62 = arith.constant 0 : i32
    %dma_wait3A_63 = tpu.memref_slice %arg16[%dma_wait3A_61, %dma_wait3A_62] : memref<512x128xf32, #tpu.memory_space<vmem>> -> memref<128x128xf32, #tpu.memory_space<vmem>>
    %dma_wait3A_64 = arith.constant 384 : i32
    %dma_wait3A_65 = tpu.memref_slice %arg13[%dma_wait3A_64] : memref<512xi32, #tpu.memory_space<vmem>> -> memref<128xi32, #tpu.memory_space<vmem>>
    %dma_wait3A_66 = arith.constant 0 : i32
    %dma_wait3A_67 = arith.constant 0 : i32
    %dma_wait3A_68 = tpu.memref_slice %arg6[%dma_wait3A_66, %dma_wait3A_67] : memref<7812x128xf32, #tpu.memory_space<hbm>> -> memref<7812x128xf32, #tpu.memory_space<hbm>>
    tpu.wait_indirect_dma semaphore(%arg20 : memref<!tpu.dma_semaphore, #tpu.memory_space<semaphore_mem>>) src(%dma_wait3A_68 : memref<7812x128xf32, #tpu.memory_space<hbm>>) dst(%dma_wait3A_63 : memref<128x128xf32, #tpu.memory_space<vmem>>)
    tpu.wait_dma2 semaphore(%arg20 : memref<!tpu.dma_semaphore, #tpu.memory_space<semaphore_mem>>) src(%arg7 : memref<64xf32, #tpu.memory_space<hbm>>) dst(%arg17 : memref<64xf32, #tpu.memory_space<vmem>>)
    %scan3A_69 = arith.constant 0 : i32
    %scan3A_70 = arith.constant 4 : i32
    %scan3A_71 = arith.addi %scan3A_69, %scan3A_70 : i32
    %scan3A_72 = arith.constant 1 : i32
    scf.for %scan3A_74 = %scan3A_69 to %scan3A_71 step %scan3A_72  : i32 {
      %mul3A_75 = arith.constant 1 : i32
      %mul3A_76 = arith.muli %scan3A_74, %mul3A_75 : i32
      %add3A_77 = arith.constant 0 : i32
      %add3A_78 = arith.addi %add3A_77, %mul3A_76 : i32
      %mul3A_79 = arith.constant 128 : i32
      %mul3A_80 = arith.muli %add3A_78, %mul3A_79 : i32
      %multiple_of3A = tpu.assume_multiple %mul3A_80, 128 : i32
      %dma_start3A_81 = tpu.memref_slice %arg11[%multiple_of3A] : memref<512xi32, #tpu.memory_space<vmem>> -> memref<128xi32, #tpu.memory_space<vmem>>
      %dma_start3A_82 = arith.constant 0 : i32
      %dma_start3A_83 = arith.constant 0 : i32
      %dma_start3A_84 = tpu.memref_slice %arg4[%dma_start3A_82, %dma_start3A_83] : memref<250000x128xf32, #tpu.memory_space<hbm>> -> memref<250000x128xf32, #tpu.memory_space<hbm>>
      tpu.enqueue_indirect_dma source(%dma_start3A_84 : memref<250000x128xf32, #tpu.memory_space<hbm>>) target(%arg14 : memref<128x128xf32, #tpu.memory_space<vmem>>) offsets(%dma_start3A_81 : memref<128xi32, #tpu.memory_space<vmem>>) semaphore(%arg19 : memref<!tpu.dma_semaphore, #tpu.memory_space<semaphore_mem>>)
      %dma_start3A_85 = tpu.memref_slice %arg12[%multiple_of3A] : memref<512xi32, #tpu.memory_space<vmem>> -> memref<128xi32, #tpu.memory_space<vmem>>
      %dma_start3A_86 = arith.constant 0 : i32
      %dma_start3A_87 = arith.constant 0 : i32
      %dma_start3A_88 = tpu.memref_slice %arg5[%dma_start3A_86, %dma_start3A_87] : memref<250000x128xf32, #tpu.memory_space<hbm>> -> memref<250000x128xf32, #tpu.memory_space<hbm>>
      tpu.enqueue_indirect_dma source(%dma_start3A_88 : memref<250000x128xf32, #tpu.memory_space<hbm>>) target(%arg15 : memref<128x128xf32, #tpu.memory_space<vmem>>) offsets(%dma_start3A_85 : memref<128xi32, #tpu.memory_space<vmem>>) semaphore(%arg19 : memref<!tpu.dma_semaphore, #tpu.memory_space<semaphore_mem>>)
      %dma_wait3A_89 = tpu.memref_slice %arg11[%multiple_of3A] : memref<512xi32, #tpu.memory_space<vmem>> -> memref<128xi32, #tpu.memory_space<vmem>>
      %dma_wait3A_90 = arith.constant 0 : i32
      %dma_wait3A_91 = arith.constant 0 : i32
      %dma_wait3A_92 = tpu.memref_slice %arg4[%dma_wait3A_90, %dma_wait3A_91] : memref<250000x128xf32, #tpu.memory_space<hbm>> -> memref<250000x128xf32, #tpu.memory_space<hbm>>
      tpu.wait_indirect_dma semaphore(%arg19 : memref<!tpu.dma_semaphore, #tpu.memory_space<semaphore_mem>>) src(%dma_wait3A_92 : memref<250000x128xf32, #tpu.memory_space<hbm>>) dst(%arg14 : memref<128x128xf32, #tpu.memory_space<vmem>>)
      %dma_wait3A_93 = tpu.memref_slice %arg12[%multiple_of3A] : memref<512xi32, #tpu.memory_space<vmem>> -> memref<128xi32, #tpu.memory_space<vmem>>
      %dma_wait3A_94 = arith.constant 0 : i32
      %dma_wait3A_95 = arith.constant 0 : i32
      %dma_wait3A_96 = tpu.memref_slice %arg5[%dma_wait3A_94, %dma_wait3A_95] : memref<250000x128xf32, #tpu.memory_space<hbm>> -> memref<250000x128xf32, #tpu.memory_space<hbm>>
      tpu.wait_indirect_dma semaphore(%arg19 : memref<!tpu.dma_semaphore, #tpu.memory_space<semaphore_mem>>) src(%dma_wait3A_96 : memref<250000x128xf32, #tpu.memory_space<hbm>>) dst(%arg15 : memref<128x128xf32, #tpu.memory_space<vmem>>)
      %add3A_97 = arith.constant 0 : i32
      %add3A_98 = arith.addi %multiple_of3A, %add3A_97 : i32
      %multiple_of3A_99 = tpu.assume_multiple %add3A_98, 16 : i32
      %get3A = arith.index_cast %multiple_of3A_99 : i32 to index
      %get3A_100 = tpu.vector_load %arg9[%get3A] {strides = array<i32>} : memref<512xi32, #tpu.memory_space<vmem>>, vector<16xi32>,
      %get3A_101 = arith.index_cast %multiple_of3A_99 : i32 to index
      %get3A_102 = tpu.vector_load %arg10[%get3A_101] {strides = array<i32>} : memref<512xi32, #tpu.memory_space<vmem>>, vector<16xi32>,
      %and3A = arith.constant 3 : i32
      %and3A_103 = vector.broadcast %and3A : i32 to vector<16xi32>
      %and3A_104 = arith.andi %get3A_100, %and3A_103 : vector<16xi32>
      %mul3A_105 = arith.constant 32 : i32
      %mul3A_106 = vector.broadcast %mul3A_105 : i32 to vector<16xi32>
      %mul3A_107 = arith.muli %and3A_104, %mul3A_106 : vector<16xi32>
      %and3A_108 = arith.constant 3 : i32
      %and3A_109 = vector.broadcast %and3A_108 : i32 to vector<16xi32>
      %and3A_110 = arith.andi %get3A_102, %and3A_109 : vector<16xi32>
      %mul3A_111 = arith.constant 32 : i32
      %mul3A_112 = vector.broadcast %mul3A_111 : i32 to vector<16xi32>
      %mul3A_113 = arith.muli %and3A_110, %mul3A_112 : vector<16xi32>
      %iota3A = tpu.iota {dimensions = array<i32: 0>} : vector<16xi32>
      %add3A_114 = arith.constant 0 : i32
      %add3A_115 = vector.broadcast %add3A_114 : i32 to vector<16xi32>
      %add3A_116 = arith.addi %iota3A, %add3A_115 : vector<16xi32>
      %add3A_117 = vector.broadcast %multiple_of3A : i32 to vector<16xi32>
      %add3A_118 = arith.addi %add3A_117, %add3A_116 : vector<16xi32>
      %and3A_119 = arith.constant 127 : i32
      %and3A_120 = vector.broadcast %and3A_119 : i32 to vector<16xi32>
      %and3A_121 = arith.andi %get3A_102, %and3A_120 : vector<16xi32>
      %gather3A = tpu.vector_load_idx %arg16[%add3A_118, %and3A_121] : memref<512x128xf32, #tpu.memory_space<vmem>>[vector<16xi32>, vector<16xi32>], vector<16xf32>,
      %sub3A = arith.constant 999936 : i32
      %sub3A_122 = vector.broadcast %sub3A : i32 to vector<16xi32>
      %sub3A_123 = arith.subi %get3A_102, %sub3A_122 : vector<16xi32>
      %max3A = arith.constant 0 : i32
      %max3A_124 = vector.broadcast %max3A : i32 to vector<16xi32>
      %max3A_125 = arith.maxsi %sub3A_123, %max3A_124 : vector<16xi32>
      %gather3A_126 = tpu.vector_load_idx %arg17[%max3A_125] : memref<64xf32, #tpu.memory_space<vmem>>[vector<16xi32>], vector<16xf32>,
      %ge3A = arith.constant 999936 : i32
      %ge3A_127 = vector.broadcast %ge3A : i32 to vector<16xi32>
      %ge3A_128 = arith.cmpi sge, %get3A_102, %ge3A_127 : vector<16xi32>
      %select_n3A = arith.select %ge3A_128, %gather3A_126, %gather3A : vector<16xi1>, vector<16xf32>
      %add3A_129 = arith.constant 0 : i32
      %add3A_130 = vector.broadcast %add3A_129 : i32 to vector<16xi32>
      %add3A_131 = arith.addi %mul3A_107, %add3A_130 : vector<16xi32>
      %gather3A_132 = tpu.vector_load_idx %arg14[%add3A_116, %add3A_131] : memref<128x128xf32, #tpu.memory_space<vmem>>[vector<16xi32>, vector<16xi32>], vector<16xf32>,
      %add3A_133 = arith.constant 0 : i32
      %add3A_134 = vector.broadcast %add3A_133 : i32 to vector<16xi32>
      %add3A_135 = arith.addi %mul3A_113, %add3A_134 : vector<16xi32>
      %gather3A_136 = tpu.vector_load_idx %arg15[%add3A_116, %add3A_135] : memref<128x128xf32, #tpu.memory_space<vmem>>[vector<16xi32>, vector<16xi32>], vector<16xf32>,
      %mul3A_137 = arith.mulf %gather3A_132, %gather3A_136 : vector<16xf32>
      %add3A_138 = arith.addf %select_n3A, %mul3A_137 : vector<16xf32>
      %add3A_139 = arith.constant 1 : i32
      %add3A_140 = vector.broadcast %add3A_139 : i32 to vector<16xi32>
      %add3A_141 = arith.addi %mul3A_107, %add3A_140 : vector<16xi32>
      %gather3A_142 = tpu.vector_load_idx %arg14[%add3A_116, %add3A_141] : memref<128x128xf32, #tpu.memory_space<vmem>>[vector<16xi32>, vector<16xi32>], vector<16xf32>,
      %add3A_143 = arith.constant 1 : i32
      %add3A_144 = vector.broadcast %add3A_143 : i32 to vector<16xi32>
      %add3A_145 = arith.addi %mul3A_113, %add3A_144 : vector<16xi32>
      %gather3A_146 = tpu.vector_load_idx %arg15[%add3A_116, %add3A_145] : memref<128x128xf32, #tpu.memory_space<vmem>>[vector<16xi32>, vector<16xi32>], vector<16xf32>,
      %mul3A_147 = arith.mulf %gather3A_142, %gather3A_146 : vector<16xf32>
      %add3A_148 = arith.addf %add3A_138, %mul3A_147 : vector<16xf32>
      %add3A_149 = arith.constant 2 : i32
      %add3A_150 = vector.broadcast %add3A_149 : i32 to vector<16xi32>
      %add3A_151 = arith.addi %mul3A_107, %add3A_150 : vector<16xi32>
      %gather3A_152 = tpu.vector_load_idx %arg14[%add3A_116, %add3A_151] : memref<128x128xf32, #tpu.memory_space<vmem>>[vector<16xi32>, vector<16xi32>], vector<16xf32>,
      %add3A_153 = arith.constant 2 : i32
      %add3A_154 = vector.broadcast %add3A_153 : i32 to vector<16xi32>
      %add3A_155 = arith.addi %mul3A_113, %add3A_154 : vector<16xi32>
      %gather3A_156 = tpu.vector_load_idx %arg15[%add3A_116, %add3A_155] : memref<128x128xf32, #tpu.memory_space<vmem>>[vector<16xi32>, vector<16xi32>], vector<16xf32>,
      %mul3A_157 = arith.mulf %gather3A_152, %gather3A_156 : vector<16xf32>
      %add3A_158 = arith.addf %add3A_148, %mul3A_157 : vector<16xf32>
      %add3A_159 = arith.constant 3 : i32
      %add3A_160 = vector.broadcast %add3A_159 : i32 to vector<16xi32>
      %add3A_161 = arith.addi %mul3A_107, %add3A_160 : vector<16xi32>
      %gather3A_162 = tpu.vector_load_idx %arg14[%add3A_116, %add3A_161] : memref<128x128xf32, #tpu.memory_space<vmem>>[vector<16xi32>, vector<16xi32>], vector<16xf32>,
      %add3A_163 = arith.constant 3 : i32
      %add3A_164 = vector.broadcast %add3A_163 : i32 to vector<16xi32>
      %add3A_165 = arith.addi %mul3A_113, %add3A_164 : vector<16xi32>
      %gather3A_166 = tpu.vector_load_idx %arg15[%add3A_116, %add3A_165] : memref<128x128xf32, #tpu.memory_space<vmem>>[vector<16xi32>, vector<16xi32>], vector<16xf32>,
      %mul3A_167 = arith.mulf %gather3A_162, %gather3A_166 : vector<16xf32>
      %add3A_168 = arith.addf %add3A_158, %mul3A_167 : vector<16xf32>
      %add3A_169 = arith.constant 4 : i32
      %add3A_170 = vector.broadcast %add3A_169 : i32 to vector<16xi32>
      %add3A_171 = arith.addi %mul3A_107, %add3A_170 : vector<16xi32>
      %gather3A_172 = tpu.vector_load_idx %arg14[%add3A_116, %add3A_171] : memref<128x128xf32, #tpu.memory_space<vmem>>[vector<16xi32>, vector<16xi32>], vector<16xf32>,
      %add3A_173 = arith.constant 4 : i32
      %add3A_174 = vector.broadcast %add3A_173 : i32 to vector<16xi32>
      %add3A_175 = arith.addi %mul3A_113, %add3A_174 : vector<16xi32>
      %gather3A_176 = tpu.vector_load_idx %arg15[%add3A_116, %add3A_175] : memref<128x128xf32, #tpu.memory_space<vmem>>[vector<16xi32>, vector<16xi32>], vector<16xf32>,
      %mul3A_177 = arith.mulf %gather3A_172, %gather3A_176 : vector<16xf32>
      %add3A_178 = arith.addf %add3A_168, %mul3A_177 : vector<16xf32>
      %add3A_179 = arith.constant 5 : i32
      %add3A_180 = vector.broadcast %add3A_179 : i32 to vector<16xi32>
      %add3A_181 = arith.addi %mul3A_107, %add3A_180 : vector<16xi32>
      %gather3A_182 = tpu.vector_load_idx %arg14[%add3A_116, %add3A_181] : memref<128x128xf32, #tpu.memory_space<vmem>>[vector<16xi32>, vector<16xi32>], vector<16xf32>,
      %add3A_183 = arith.constant 5 : i32
      %add3A_184 = vector.broadcast %add3A_183 : i32 to vector<16xi32>
      %add3A_185 = arith.addi %mul3A_113, %add3A_184 : vector<16xi32>
      %gather3A_186 = tpu.vector_load_idx %arg15[%add3A_116, %add3A_185] : memref<128x128xf32, #tpu.memory_space<vmem>>[vector<16xi32>, vector<16xi32>], vector<16xf32>,
      %mul3A_187 = arith.mulf %gather3A_182, %gather3A_186 : vector<16xf32>
      %add3A_188 = arith.addf %add3A_178, %mul3A_187 : vector<16xf32>
      %add3A_189 = arith.constant 6 : i32
      %add3A_190 = vector.broadcast %add3A_189 : i32 to vector<16xi32>
      %add3A_191 = arith.addi %mul3A_107, %add3A_190 : vector<16xi32>
      %gather3A_192 = tpu.vector_load_idx %arg14[%add3A_116, %add3A_191] : memref<128x128xf32, #tpu.memory_space<vmem>>[vector<16xi32>, vector<16xi32>], vector<16xf32>,
      %add3A_193 = arith.constant 6 : i32
      %add3A_194 = vector.broadcast %add3A_193 : i32 to vector<16xi32>
      %add3A_195 = arith.addi %mul3A_113, %add3A_194 : vector<16xi32>
      %gather3A_196 = tpu.vector_load_idx %arg15[%add3A_116, %add3A_195] : memref<128x128xf32, #tpu.memory_space<vmem>>[vector<16xi32>, vector<16xi32>], vector<16xf32>,
      %mul3A_197 = arith.mulf %gather3A_192, %gather3A_196 : vector<16xf32>
      %add3A_198 = arith.addf %add3A_188, %mul3A_197 : vector<16xf32>
      %add3A_199 = arith.constant 7 : i32
      %add3A_200 = vector.broadcast %add3A_199 : i32 to vector<16xi32>
      %add3A_201 = arith.addi %mul3A_107, %add3A_200 : vector<16xi32>
      %gather3A_202 = tpu.vector_load_idx %arg14[%add3A_116, %add3A_201] : memref<128x128xf32, #tpu.memory_space<vmem>>[vector<16xi32>, vector<16xi32>], vector<16xf32>,
      %add3A_203 = arith.constant 7 : i32
      %add3A_204 = vector.broadcast %add3A_203 : i32 to vector<16xi32>
      %add3A_205 = arith.addi %mul3A_113, %add3A_204 : vector<16xi32>
      %gather3A_206 = tpu.vector_load_idx %arg15[%add3A_116, %add3A_205] : memref<128x128xf32, #tpu.memory_space<vmem>>[vector<16xi32>, vector<16xi32>], vector<16xf32>,
      %mul3A_207 = arith.mulf %gather3A_202, %gather3A_206 : vector<16xf32>
      %add3A_208 = arith.addf %add3A_198, %mul3A_207 : vector<16xf32>
      %add3A_209 = arith.constant 8 : i32
      %add3A_210 = vector.broadcast %add3A_209 : i32 to vector<16xi32>
      %add3A_211 = arith.addi %mul3A_107, %add3A_210 : vector<16xi32>
      %gather3A_212 = tpu.vector_load_idx %arg14[%add3A_116, %add3A_211] : memref<128x128xf32, #tpu.memory_space<vmem>>[vector<16xi32>, vector<16xi32>], vector<16xf32>,
      %add3A_213 = arith.constant 8 : i32
      %add3A_214 = vector.broadcast %add3A_213 : i32 to vector<16xi32>
      %add3A_215 = arith.addi %mul3A_113, %add3A_214 : vector<16xi32>
      %gather3A_216 = tpu.vector_load_idx %arg15[%add3A_116, %add3A_215] : memref<128x128xf32, #tpu.memory_space<vmem>>[vector<16xi32>, vector<16xi32>], vector<16xf32>,
      %mul3A_217 = arith.mulf %gather3A_212, %gather3A_216 : vector<16xf32>
      %add3A_218 = arith.addf %add3A_208, %mul3A_217 : vector<16xf32>
      %add3A_219 = arith.constant 9 : i32
      %add3A_220 = vector.broadcast %add3A_219 : i32 to vector<16xi32>
      %add3A_221 = arith.addi %mul3A_107, %add3A_220 : vector<16xi32>
      %gather3A_222 = tpu.vector_load_idx %arg14[%add3A_116, %add3A_221] : memref<128x128xf32, #tpu.memory_space<vmem>>[vector<16xi32>, vector<16xi32>], vector<16xf32>,
      %add3A_223 = arith.constant 9 : i32
      %add3A_224 = vector.broadcast %add3A_223 : i32 to vector<16xi32>
      %add3A_225 = arith.addi %mul3A_113, %add3A_224 : vector<16xi32>
      %gather3A_226 = tpu.vector_load_idx %arg15[%add3A_116, %add3A_225] : memref<128x128xf32, #tpu.memory_space<vmem>>[vector<16xi32>, vector<16xi32>], vector<16xf32>,
      %mul3A_227 = arith.mulf %gather3A_222, %gather3A_226 : vector<16xf32>
      %add3A_228 = arith.addf %add3A_218, %mul3A_227 : vector<16xf32>
      %add3A_229 = arith.constant 10 : i32
      %add3A_230 = vector.broadcast %add3A_229 : i32 to vector<16xi32>
      %add3A_231 = arith.addi %mul3A_107, %add3A_230 : vector<16xi32>
      %gather3A_232 = tpu.vector_load_idx %arg14[%add3A_116, %add3A_231] : memref<128x128xf32, #tpu.memory_space<vmem>>[vector<16xi32>, vector<16xi32>], vector<16xf32>,
      %add3A_233 = arith.constant 10 : i32
      %add3A_234 = vector.broadcast %add3A_233 : i32 to vector<16xi32>
      %add3A_235 = arith.addi %mul3A_113, %add3A_234 : vector<16xi32>
      %gather3A_236 = tpu.vector_load_idx %arg15[%add3A_116, %add3A_235] : memref<128x128xf32, #tpu.memory_space<vmem>>[vector<16xi32>, vector<16xi32>], vector<16xf32>,
      %mul3A_237 = arith.mulf %gather3A_232, %gather3A_236 : vector<16xf32>
      %add3A_238 = arith.addf %add3A_228, %mul3A_237 : vector<16xf32>
      %add3A_239 = arith.constant 11 : i32
      %add3A_240 = vector.broadcast %add3A_239 : i32 to vector<16xi32>
      %add3A_241 = arith.addi %mul3A_107, %add3A_240 : vector<16xi32>
      %gather3A_242 = tpu.vector_load_idx %arg14[%add3A_116, %add3A_241] : memref<128x128xf32, #tpu.memory_space<vmem>>[vector<16xi32>, vector<16xi32>], vector<16xf32>,
      %add3A_243 = arith.constant 11 : i32
      %add3A_244 = vector.broadcast %add3A_243 : i32 to vector<16xi32>
      %add3A_245 = arith.addi %mul3A_113, %add3A_244 : vector<16xi32>
      %gather3A_246 = tpu.vector_load_idx %arg15[%add3A_116, %add3A_245] : memref<128x128xf32, #tpu.memory_space<vmem>>[vector<16xi32>, vector<16xi32>], vector<16xf32>,
      %mul3A_247 = arith.mulf %gather3A_242, %gather3A_246 : vector<16xf32>
      %add3A_248 = arith.addf %add3A_238, %mul3A_247 : vector<16xf32>
      %add3A_249 = arith.constant 12 : i32
      %add3A_250 = vector.broadcast %add3A_249 : i32 to vector<16xi32>
      %add3A_251 = arith.addi %mul3A_107, %add3A_250 : vector<16xi32>
      %gather3A_252 = tpu.vector_load_idx %arg14[%add3A_116, %add3A_251] : memref<128x128xf32, #tpu.memory_space<vmem>>[vector<16xi32>, vector<16xi32>], vector<16xf32>,
      %add3A_253 = arith.constant 12 : i32
      %add3A_254 = vector.broadcast %add3A_253 : i32 to vector<16xi32>
      %add3A_255 = arith.addi %mul3A_113, %add3A_254 : vector<16xi32>
      %gather3A_256 = tpu.vector_load_idx %arg15[%add3A_116, %add3A_255] : memref<128x128xf32, #tpu.memory_space<vmem>>[vector<16xi32>, vector<16xi32>], vector<16xf32>,
      %mul3A_257 = arith.mulf %gather3A_252, %gather3A_256 : vector<16xf32>
      %add3A_258 = arith.addf %add3A_248, %mul3A_257 : vector<16xf32>
      %add3A_259 = arith.constant 13 : i32
      %add3A_260 = vector.broadcast %add3A_259 : i32 to vector<16xi32>
      %add3A_261 = arith.addi %mul3A_107, %add3A_260 : vector<16xi32>
      %gather3A_262 = tpu.vector_load_idx %arg14[%add3A_116, %add3A_261] : memref<128x128xf32, #tpu.memory_space<vmem>>[vector<16xi32>, vector<16xi32>], vector<16xf32>,
      %add3A_263 = arith.constant 13 : i32
      %add3A_264 = vector.broadcast %add3A_263 : i32 to vector<16xi32>
      %add3A_265 = arith.addi %mul3A_113, %add3A_264 : vector<16xi32>
      %gather3A_266 = tpu.vector_load_idx %arg15[%add3A_116, %add3A_265] : memref<128x128xf32, #tpu.memory_space<vmem>>[vector<16xi32>, vector<16xi32>], vector<16xf32>,
      %mul3A_267 = arith.mulf %gather3A_262, %gather3A_266 : vector<16xf32>
      %add3A_268 = arith.addf %add3A_258, %mul3A_267 : vector<16xf32>
      %add3A_269 = arith.constant 14 : i32
      %add3A_270 = vector.broadcast %add3A_269 : i32 to vector<16xi32>
      %add3A_271 = arith.addi %mul3A_107, %add3A_270 : vector<16xi32>
      %gather3A_272 = tpu.vector_load_idx %arg14[%add3A_116, %add3A_271] : memref<128x128xf32, #tpu.memory_space<vmem>>[vector<16xi32>, vector<16xi32>], vector<16xf32>,
      %add3A_273 = arith.constant 14 : i32
      %add3A_274 = vector.broadcast %add3A_273 : i32 to vector<16xi32>
      %add3A_275 = arith.addi %mul3A_113, %add3A_274 : vector<16xi32>
      %gather3A_276 = tpu.vector_load_idx %arg15[%add3A_116, %add3A_275] : memref<128x128xf32, #tpu.memory_space<vmem>>[vector<16xi32>, vector<16xi32>], vector<16xf32>,
      %mul3A_277 = arith.mulf %gather3A_272, %gather3A_276 : vector<16xf32>
      %add3A_278 = arith.addf %add3A_268, %mul3A_277 : vector<16xf32>
      %add3A_279 = arith.constant 15 : i32
      %add3A_280 = vector.broadcast %add3A_279 : i32 to vector<16xi32>
      %add3A_281 = arith.addi %mul3A_107, %add3A_280 : vector<16xi32>
      %gather3A_282 = tpu.vector_load_idx %arg14[%add3A_116, %add3A_281] : memref<128x128xf32, #tpu.memory_space<vmem>>[vector<16xi32>, vector<16xi32>], vector<16xf32>,
      %add3A_283 = arith.constant 15 : i32
      %add3A_284 = vector.broadcast %add3A_283 : i32 to vector<16xi32>
      %add3A_285 = arith.addi %mul3A_113, %add3A_284 : vector<16xi32>
      %gather3A_286 = tpu.vector_load_idx %arg15[%add3A_116, %add3A_285] : memref<128x128xf32, #tpu.memory_space<vmem>>[vector<16xi32>, vector<16xi32>], vector<16xf32>,
      %mul3A_287 = arith.mulf %gather3A_282, %gather3A_286 : vector<16xf32>
      %add3A_288 = arith.addf %add3A_278, %mul3A_287 : vector<16xf32>
      %add3A_289 = arith.constant 16 : i32
      %add3A_290 = vector.broadcast %add3A_289 : i32 to vector<16xi32>
      %add3A_291 = arith.addi %mul3A_107, %add3A_290 : vector<16xi32>
      %gather3A_292 = tpu.vector_load_idx %arg14[%add3A_116, %add3A_291] : memref<128x128xf32, #tpu.memory_space<vmem>>[vector<16xi32>, vector<16xi32>], vector<16xf32>,
      %add3A_293 = arith.constant 16 : i32
      %add3A_294 = vector.broadcast %add3A_293 : i32 to vector<16xi32>
      %add3A_295 = arith.addi %mul3A_113, %add3A_294 : vector<16xi32>
      %gather3A_296 = tpu.vector_load_idx %arg15[%add3A_116, %add3A_295] : memref<128x128xf32, #tpu.memory_space<vmem>>[vector<16xi32>, vector<16xi32>], vector<16xf32>,
      %mul3A_297 = arith.mulf %gather3A_292, %gather3A_296 : vector<16xf32>
      %add3A_298 = arith.addf %add3A_288, %mul3A_297 : vector<16xf32>
      %add3A_299 = arith.constant 17 : i32
      %add3A_300 = vector.broadcast %add3A_299 : i32 to vector<16xi32>
      %add3A_301 = arith.addi %mul3A_107, %add3A_300 : vector<16xi32>
      %gather3A_302 = tpu.vector_load_idx %arg14[%add3A_116, %add3A_301] : memref<128x128xf32, #tpu.memory_space<vmem>>[vector<16xi32>, vector<16xi32>], vector<16xf32>,
      %add3A_303 = arith.constant 17 : i32
      %add3A_304 = vector.broadcast %add3A_303 : i32 to vector<16xi32>
      %add3A_305 = arith.addi %mul3A_113, %add3A_304 : vector<16xi32>
      %gather3A_306 = tpu.vector_load_idx %arg15[%add3A_116, %add3A_305] : memref<128x128xf32, #tpu.memory_space<vmem>>[vector<16xi32>, vector<16xi32>], vector<16xf32>,
      %mul3A_307 = arith.mulf %gather3A_302, %gather3A_306 : vector<16xf32>
      %add3A_308 = arith.addf %add3A_298, %mul3A_307 : vector<16xf32>
      %add3A_309 = arith.constant 18 : i32
      %add3A_310 = vector.broadcast %add3A_309 : i32 to vector<16xi32>
      %add3A_311 = arith.addi %mul3A_107, %add3A_310 : vector<16xi32>
      %gather3A_312 = tpu.vector_load_idx %arg14[%add3A_116, %add3A_311] : memref<128x128xf32, #tpu.memory_space<vmem>>[vector<16xi32>, vector<16xi32>], vector<16xf32>,
      %add3A_313 = arith.constant 18 : i32
      %add3A_314 = vector.broadcast %add3A_313 : i32 to vector<16xi32>
      %add3A_315 = arith.addi %mul3A_113, %add3A_314 : vector<16xi32>
      %gather3A_316 = tpu.vector_load_idx %arg15[%add3A_116, %add3A_315] : memref<128x128xf32, #tpu.memory_space<vmem>>[vector<16xi32>, vector<16xi32>], vector<16xf32>,
      %mul3A_317 = arith.mulf %gather3A_312, %gather3A_316 : vector<16xf32>
      %add3A_318 = arith.addf %add3A_308, %mul3A_317 : vector<16xf32>
      %add3A_319 = arith.constant 19 : i32
      %add3A_320 = vector.broadcast %add3A_319 : i32 to vector<16xi32>
      %add3A_321 = arith.addi %mul3A_107, %add3A_320 : vector<16xi32>
      %gather3A_322 = tpu.vector_load_idx %arg14[%add3A_116, %add3A_321] : memref<128x128xf32, #tpu.memory_space<vmem>>[vector<16xi32>, vector<16xi32>], vector<16xf32>,
      %add3A_323 = arith.constant 19 : i32
      %add3A_324 = vector.broadcast %add3A_323 : i32 to vector<16xi32>
      %add3A_325 = arith.addi %mul3A_113, %add3A_324 : vector<16xi32>
      %gather3A_326 = tpu.vector_load_idx %arg15[%add3A_116, %add3A_325] : memref<128x128xf32, #tpu.memory_space<vmem>>[vector<16xi32>, vector<16xi32>], vector<16xf32>,
      %mul3A_327 = arith.mulf %gather3A_322, %gather3A_326 : vector<16xf32>
      %add3A_328 = arith.addf %add3A_318, %mul3A_327 : vector<16xf32>
      %add3A_329 = arith.constant 20 : i32
      %add3A_330 = vector.broadcast %add3A_329 : i32 to vector<16xi32>
      %add3A_331 = arith.addi %mul3A_107, %add3A_330 : vector<16xi32>
      %gather3A_332 = tpu.vector_load_idx %arg14[%add3A_116, %add3A_331] : memref<128x128xf32, #tpu.memory_space<vmem>>[vector<16xi32>, vector<16xi32>], vector<16xf32>,
      %add3A_333 = arith.constant 20 : i32
      %add3A_334 = vector.broadcast %add3A_333 : i32 to vector<16xi32>
      %add3A_335 = arith.addi %mul3A_113, %add3A_334 : vector<16xi32>
      %gather3A_336 = tpu.vector_load_idx %arg15[%add3A_116, %add3A_335] : memref<128x128xf32, #tpu.memory_space<vmem>>[vector<16xi32>, vector<16xi32>], vector<16xf32>,
      %mul3A_337 = arith.mulf %gather3A_332, %gather3A_336 : vector<16xf32>
      %add3A_338 = arith.addf %add3A_328, %mul3A_337 : vector<16xf32>
      %add3A_339 = arith.constant 21 : i32
      %add3A_340 = vector.broadcast %add3A_339 : i32 to vector<16xi32>
      %add3A_341 = arith.addi %mul3A_107, %add3A_340 : vector<16xi32>
      %gather3A_342 = tpu.vector_load_idx %arg14[%add3A_116, %add3A_341] : memref<128x128xf32, #tpu.memory_space<vmem>>[vector<16xi32>, vector<16xi32>], vector<16xf32>,
      %add3A_343 = arith.constant 21 : i32
      %add3A_344 = vector.broadcast %add3A_343 : i32 to vector<16xi32>
      %add3A_345 = arith.addi %mul3A_113, %add3A_344 : vector<16xi32>
      %gather3A_346 = tpu.vector_load_idx %arg15[%add3A_116, %add3A_345] : memref<128x128xf32, #tpu.memory_space<vmem>>[vector<16xi32>, vector<16xi32>], vector<16xf32>,
      %mul3A_347 = arith.mulf %gather3A_342, %gather3A_346 : vector<16xf32>
      %add3A_348 = arith.addf %add3A_338, %mul3A_347 : vector<16xf32>
      %add3A_349 = arith.constant 22 : i32
      %add3A_350 = vector.broadcast %add3A_349 : i32 to vector<16xi32>
      %add3A_351 = arith.addi %mul3A_107, %add3A_350 : vector<16xi32>
      %gather3A_352 = tpu.vector_load_idx %arg14[%add3A_116, %add3A_351] : memref<128x128xf32, #tpu.memory_space<vmem>>[vector<16xi32>, vector<16xi32>], vector<16xf32>,
      %add3A_353 = arith.constant 22 : i32
      %add3A_354 = vector.broadcast %add3A_353 : i32 to vector<16xi32>
      %add3A_355 = arith.addi %mul3A_113, %add3A_354 : vector<16xi32>
      %gather3A_356 = tpu.vector_load_idx %arg15[%add3A_116, %add3A_355] : memref<128x128xf32, #tpu.memory_space<vmem>>[vector<16xi32>, vector<16xi32>], vector<16xf32>,
      %mul3A_357 = arith.mulf %gather3A_352, %gather3A_356 : vector<16xf32>
      %add3A_358 = arith.addf %add3A_348, %mul3A_357 : vector<16xf32>
      %add3A_359 = arith.constant 23 : i32
      %add3A_360 = vector.broadcast %add3A_359 : i32 to vector<16xi32>
      %add3A_361 = arith.addi %mul3A_107, %add3A_360 : vector<16xi32>
      %gather3A_362 = tpu.vector_load_idx %arg14[%add3A_116, %add3A_361] : memref<128x128xf32, #tpu.memory_space<vmem>>[vector<16xi32>, vector<16xi32>], vector<16xf32>,
      %add3A_363 = arith.constant 23 : i32
      %add3A_364 = vector.broadcast %add3A_363 : i32 to vector<16xi32>
      %add3A_365 = arith.addi %mul3A_113, %add3A_364 : vector<16xi32>
      %gather3A_366 = tpu.vector_load_idx %arg15[%add3A_116, %add3A_365] : memref<128x128xf32, #tpu.memory_space<vmem>>[vector<16xi32>, vector<16xi32>], vector<16xf32>,
      %mul3A_367 = arith.mulf %gather3A_362, %gather3A_366 : vector<16xf32>
      %add3A_368 = arith.addf %add3A_358, %mul3A_367 : vector<16xf32>
      %add3A_369 = arith.constant 24 : i32
      %add3A_370 = vector.broadcast %add3A_369 : i32 to vector<16xi32>
      %add3A_371 = arith.addi %mul3A_107, %add3A_370 : vector<16xi32>
      %gather3A_372 = tpu.vector_load_idx %arg14[%add3A_116, %add3A_371] : memref<128x128xf32, #tpu.memory_space<vmem>>[vector<16xi32>, vector<16xi32>], vector<16xf32>,
      %add3A_373 = arith.constant 24 : i32
      %add3A_374 = vector.broadcast %add3A_373 : i32 to vector<16xi32>
      %add3A_375 = arith.addi %mul3A_113, %add3A_374 : vector<16xi32>
      %gather3A_376 = tpu.vector_load_idx %arg15[%add3A_116, %add3A_375] : memref<128x128xf32, #tpu.memory_space<vmem>>[vector<16xi32>, vector<16xi32>], vector<16xf32>,
      %mul3A_377 = arith.mulf %gather3A_372, %gather3A_376 : vector<16xf32>
      %add3A_378 = arith.addf %add3A_368, %mul3A_377 : vector<16xf32>
      %add3A_379 = arith.constant 25 : i32
      %add3A_380 = vector.broadcast %add3A_379 : i32 to vector<16xi32>
      %add3A_381 = arith.addi %mul3A_107, %add3A_380 : vector<16xi32>
      %gather3A_382 = tpu.vector_load_idx %arg14[%add3A_116, %add3A_381] : memref<128x128xf32, #tpu.memory_space<vmem>>[vector<16xi32>, vector<16xi32>], vector<16xf32>,
      %add3A_383 = arith.constant 25 : i32
      %add3A_384 = vector.broadcast %add3A_383 : i32 to vector<16xi32>
      %add3A_385 = arith.addi %mul3A_113, %add3A_384 : vector<16xi32>
      %gather3A_386 = tpu.vector_load_idx %arg15[%add3A_116, %add3A_385] : memref<128x128xf32, #tpu.memory_space<vmem>>[vector<16xi32>, vector<16xi32>], vector<16xf32>,
      %mul3A_387 = arith.mulf %gather3A_382, %gather3A_386 : vector<16xf32>
      %add3A_388 = arith.addf %add3A_378, %mul3A_387 : vector<16xf32>
      %add3A_389 = arith.constant 26 : i32
      %add3A_390 = vector.broadcast %add3A_389 : i32 to vector<16xi32>
      %add3A_391 = arith.addi %mul3A_107, %add3A_390 : vector<16xi32>
      %gather3A_392 = tpu.vector_load_idx %arg14[%add3A_116, %add3A_391] : memref<128x128xf32, #tpu.memory_space<vmem>>[vector<16xi32>, vector<16xi32>], vector<16xf32>,
      %add3A_393 = arith.constant 26 : i32
      %add3A_394 = vector.broadcast %add3A_393 : i32 to vector<16xi32>
      %add3A_395 = arith.addi %mul3A_113, %add3A_394 : vector<16xi32>
      %gather3A_396 = tpu.vector_load_idx %arg15[%add3A_116, %add3A_395] : memref<128x128xf32, #tpu.memory_space<vmem>>[vector<16xi32>, vector<16xi32>], vector<16xf32>,
      %mul3A_397 = arith.mulf %gather3A_392, %gather3A_396 : vector<16xf32>
      %add3A_398 = arith.addf %add3A_388, %mul3A_397 : vector<16xf32>
      %add3A_399 = arith.constant 27 : i32
      %add3A_400 = vector.broadcast %add3A_399 : i32 to vector<16xi32>
      %add3A_401 = arith.addi %mul3A_107, %add3A_400 : vector<16xi32>
      %gather3A_402 = tpu.vector_load_idx %arg14[%add3A_116, %add3A_401] : memref<128x128xf32, #tpu.memory_space<vmem>>[vector<16xi32>, vector<16xi32>], vector<16xf32>,
      %add3A_403 = arith.constant 27 : i32
      %add3A_404 = vector.broadcast %add3A_403 : i32 to vector<16xi32>
      %add3A_405 = arith.addi %mul3A_113, %add3A_404 : vector<16xi32>
      %gather3A_406 = tpu.vector_load_idx %arg15[%add3A_116, %add3A_405] : memref<128x128xf32, #tpu.memory_space<vmem>>[vector<16xi32>, vector<16xi32>], vector<16xf32>,
      %mul3A_407 = arith.mulf %gather3A_402, %gather3A_406 : vector<16xf32>
      %add3A_408 = arith.addf %add3A_398, %mul3A_407 : vector<16xf32>
      %add3A_409 = arith.constant 28 : i32
      %add3A_410 = vector.broadcast %add3A_409 : i32 to vector<16xi32>
      %add3A_411 = arith.addi %mul3A_107, %add3A_410 : vector<16xi32>
      %gather3A_412 = tpu.vector_load_idx %arg14[%add3A_116, %add3A_411] : memref<128x128xf32, #tpu.memory_space<vmem>>[vector<16xi32>, vector<16xi32>], vector<16xf32>,
      %add3A_413 = arith.constant 28 : i32
      %add3A_414 = vector.broadcast %add3A_413 : i32 to vector<16xi32>
      %add3A_415 = arith.addi %mul3A_113, %add3A_414 : vector<16xi32>
      %gather3A_416 = tpu.vector_load_idx %arg15[%add3A_116, %add3A_415] : memref<128x128xf32, #tpu.memory_space<vmem>>[vector<16xi32>, vector<16xi32>], vector<16xf32>,
      %mul3A_417 = arith.mulf %gather3A_412, %gather3A_416 : vector<16xf32>
      %add3A_418 = arith.addf %add3A_408, %mul3A_417 : vector<16xf32>
      %add3A_419 = arith.constant 29 : i32
      %add3A_420 = vector.broadcast %add3A_419 : i32 to vector<16xi32>
      %add3A_421 = arith.addi %mul3A_107, %add3A_420 : vector<16xi32>
      %gather3A_422 = tpu.vector_load_idx %arg14[%add3A_116, %add3A_421] : memref<128x128xf32, #tpu.memory_space<vmem>>[vector<16xi32>, vector<16xi32>], vector<16xf32>,
      %add3A_423 = arith.constant 29 : i32
      %add3A_424 = vector.broadcast %add3A_423 : i32 to vector<16xi32>
      %add3A_425 = arith.addi %mul3A_113, %add3A_424 : vector<16xi32>
      %gather3A_426 = tpu.vector_load_idx %arg15[%add3A_116, %add3A_425] : memref<128x128xf32, #tpu.memory_space<vmem>>[vector<16xi32>, vector<16xi32>], vector<16xf32>,
      %mul3A_427 = arith.mulf %gather3A_422, %gather3A_426 : vector<16xf32>
      %add3A_428 = arith.addf %add3A_418, %mul3A_427 : vector<16xf32>
      %add3A_429 = arith.constant 30 : i32
      %add3A_430 = vector.broadcast %add3A_429 : i32 to vector<16xi32>
      %add3A_431 = arith.addi %mul3A_107, %add3A_430 : vector<16xi32>
      %gather3A_432 = tpu.vector_load_idx %arg14[%add3A_116, %add3A_431] : memref<128x128xf32, #tpu.memory_space<vmem>>[vector<16xi32>, vector<16xi32>], vector<16xf32>,
      %add3A_433 = arith.constant 30 : i32
      %add3A_434 = vector.broadcast %add3A_433 : i32 to vector<16xi32>
      %add3A_435 = arith.addi %mul3A_113, %add3A_434 : vector<16xi32>
      %gather3A_436 = tpu.vector_load_idx %arg15[%add3A_116, %add3A_435] : memref<128x128xf32, #tpu.memory_space<vmem>>[vector<16xi32>, vector<16xi32>], vector<16xf32>,
      %mul3A_437 = arith.mulf %gather3A_432, %gather3A_436 : vector<16xf32>
      %add3A_438 = arith.addf %add3A_428, %mul3A_437 : vector<16xf32>
      %add3A_439 = arith.constant 31 : i32
      %add3A_440 = vector.broadcast %add3A_439 : i32 to vector<16xi32>
      %add3A_441 = arith.addi %mul3A_107, %add3A_440 : vector<16xi32>
      %gather3A_442 = tpu.vector_load_idx %arg14[%add3A_116, %add3A_441] : memref<128x128xf32, #tpu.memory_space<vmem>>[vector<16xi32>, vector<16xi32>], vector<16xf32>,
      %add3A_443 = arith.constant 31 : i32
      %add3A_444 = vector.broadcast %add3A_443 : i32 to vector<16xi32>
      %add3A_445 = arith.addi %mul3A_113, %add3A_444 : vector<16xi32>
      %gather3A_446 = tpu.vector_load_idx %arg15[%add3A_116, %add3A_445] : memref<128x128xf32, #tpu.memory_space<vmem>>[vector<16xi32>, vector<16xi32>], vector<16xf32>,
      %mul3A_447 = arith.mulf %gather3A_442, %gather3A_446 : vector<16xf32>
      %add3A_448 = arith.addf %add3A_438, %mul3A_447 : vector<16xf32>
      %swap3A = arith.index_cast %multiple_of3A_99 : i32 to index
      %swap3A_449 = tpu.vector_load %arg18[%swap3A] {strides = array<i32>} : memref<512xf32, #tpu.memory_space<vmem>>, vector<16xf32>,
      tpu.vector_store %arg18[%swap3A], %add3A_448 {strides = array<i32>} : memref<512xf32, #tpu.memory_space<vmem>>, vector<16xf32>,
      %add3A_450 = arith.constant 16 : i32
      %add3A_451 = arith.addi %multiple_of3A, %add3A_450 : i32
      %multiple_of3A_452 = tpu.assume_multiple %add3A_451, 16 : i32
      %get3A_453 = arith.index_cast %multiple_of3A_452 : i32 to index
      %get3A_454 = tpu.vector_load %arg9[%get3A_453] {strides = array<i32>} : memref<512xi32, #tpu.memory_space<vmem>>, vector<16xi32>,
      %get3A_455 = arith.index_cast %multiple_of3A_452 : i32 to index
      %get3A_456 = tpu.vector_load %arg10[%get3A_455] {strides = array<i32>} : memref<512xi32, #tpu.memory_space<vmem>>, vector<16xi32>,
      %and3A_457 = arith.constant 3 : i32
      %and3A_458 = vector.broadcast %and3A_457 : i32 to vector<16xi32>
      %and3A_459 = arith.andi %get3A_454, %and3A_458 : vector<16xi32>
      %mul3A_460 = arith.constant 32 : i32
      %mul3A_461 = vector.broadcast %mul3A_460 : i32 to vector<16xi32>
      %mul3A_462 = arith.muli %and3A_459, %mul3A_461 : vector<16xi32>
      %and3A_463 = arith.constant 3 : i32
      %and3A_464 = vector.broadcast %and3A_463 : i32 to vector<16xi32>
      %and3A_465 = arith.andi %get3A_456, %and3A_464 : vector<16xi32>
      %mul3A_466 = arith.constant 32 : i32
      %mul3A_467 = vector.broadcast %mul3A_466 : i32 to vector<16xi32>
      %mul3A_468 = arith.muli %and3A_465, %mul3A_467 : vector<16xi32>
      %iota3A_469 = tpu.iota {dimensions = array<i32: 0>} : vector<16xi32>
      %add3A_470 = arith.constant 16 : i32
      %add3A_471 = vector.broadcast %add3A_470 : i32 to vector<16xi32>
      %add3A_472 = arith.addi %iota3A_469, %add3A_471 : vector<16xi32>
      %add3A_473 = vector.broadcast %multiple_of3A : i32 to vector<16xi32>
      %add3A_474 = arith.addi %add3A_473, %add3A_472 : vector<16xi32>
      %and3A_475 = arith.constant 127 : i32
      %and3A_476 = vector.broadcast %and3A_475 : i32 to vector<16xi32>
      %and3A_477 = arith.andi %get3A_456, %and3A_476 : vector<16xi32>
      %gather3A_478 = tpu.vector_load_idx %arg16[%add3A_474, %and3A_477] : memref<512x128xf32, #tpu.memory_space<vmem>>[vector<16xi32>, vector<16xi32>], vector<16xf32>,
      %sub3A_479 = arith.constant 999936 : i32
      %sub3A_480 = vector.broadcast %sub3A_479 : i32 to vector<16xi32>
      %sub3A_481 = arith.subi %get3A_456, %sub3A_480 : vector<16xi32>
      %max3A_482 = arith.constant 0 : i32
      %max3A_483 = vector.broadcast %max3A_482 : i32 to vector<16xi32>
      %max3A_484 = arith.maxsi %sub3A_481, %max3A_483 : vector<16xi32>
      %gather3A_485 = tpu.vector_load_idx %arg17[%max3A_484] : memref<64xf32, #tpu.memory_space<vmem>>[vector<16xi32>], vector<16xf32>,
      %ge3A_486 = arith.constant 999936 : i32
      %ge3A_487 = vector.broadcast %ge3A_486 : i32 to vector<16xi32>
      %ge3A_488 = arith.cmpi sge, %get3A_456, %ge3A_487 : vector<16xi32>
      %select_n3A_489 = arith.select %ge3A_488, %gather3A_485, %gather3A_478 : vector<16xi1>, vector<16xf32>
      %add3A_490 = arith.constant 0 : i32
      %add3A_491 = vector.broadcast %add3A_490 : i32 to vector<16xi32>
      %add3A_492 = arith.addi %mul3A_462, %add3A_491 : vector<16xi32>
      %gather3A_493 = tpu.vector_load_idx %arg14[%add3A_472, %add3A_492] : memref<128x128xf32, #tpu.memory_space<vmem>>[vector<16xi32>, vector<16xi32>], vector<16xf32>,
      %add3A_494 = arith.constant 0 : i32
      %add3A_495 = vector.broadcast %add3A_494 : i32 to vector<16xi32>
      %add3A_496 = arith.addi %mul3A_468, %add3A_495 : vector<16xi32>
      %gather3A_497 = tpu.vector_load_idx %arg15[%add3A_472, %add3A_496] : memref<128x128xf32, #tpu.memory_space<vmem>>[vector<16xi32>, vector<16xi32>], vector<16xf32>,
      %mul3A_498 = arith.mulf %gather3A_493, %gather3A_497 : vector<16xf32>
      %add3A_499 = arith.addf %select_n3A_489, %mul3A_498 : vector<16xf32>
      %add3A_500 = arith.constant 1 : i32
      %add3A_501 = vector.broadcast %add3A_500 : i32 to vector<16xi32>
      %add3A_502 = arith.addi %mul3A_462, %add3A_501 : vector<16xi32>
      %gather3A_503 = tpu.vector_load_idx %arg14[%add3A_472, %add3A_502] : memref<128x128xf32, #tpu.memory_space<vmem>>[vector<16xi32>, vector<16xi32>], vector<16xf32>,
      %add3A_504 = arith.constant 1 : i32
      %add3A_505 = vector.broadcast %add3A_504 : i32 to vector<16xi32>
      %add3A_506 = arith.addi %mul3A_468, %add3A_505 : vector<16xi32>
      %gather3A_507 = tpu.vector_load_idx %arg15[%add3A_472, %add3A_506] : memref<128x128xf32, #tpu.memory_space<vmem>>[vector<16xi32>, vector<16xi32>], vector<16xf32>,
      %mul3A_508 = arith.mulf %gather3A_503, %gather3A_507 : vector<16xf32>
      %add3A_509 = arith.addf %add3A_499, %mul3A_508 : vector<16xf32>
      %add3A_510 = arith.constant 2 : i32
      %add3A_511 = vector.broadcast %add3A_510 : i32 to vector<16xi32>
      %add3A_512 = arith.addi %mul3A_462, %add3A_511 : vector<16xi32>
      %gather3A_513 = tpu.vector_load_idx %arg14[%add3A_472, %add3A_512] : memref<128x128xf32, #tpu.memory_space<vmem>>[vector<16xi32>, vector<16xi32>], vector<16xf32>,
      %add3A_514 = arith.constant 2 : i32
      %add3A_515 = vector.broadcast %add3A_514 : i32 to vector<16xi32>
      %add3A_516 = arith.addi %mul3A_468, %add3A_515 : vector<16xi32>
      %gather3A_517 = tpu.vector_load_idx %arg15[%add3A_472, %add3A_516] : memref<128x128xf32, #tpu.memory_space<vmem>>[vector<16xi32>, vector<16xi32>], vector<16xf32>,
      %mul3A_518 = arith.mulf %gather3A_513, %gather3A_517 : vector<16xf32>
      %add3A_519 = arith.addf %add3A_509, %mul3A_518 : vector<16xf32>
      %add3A_520 = arith.constant 3 : i32
      %add3A_521 = vector.broadcast %add3A_520 : i32 to vector<16xi32>
      %add3A_522 = arith.addi %mul3A_462, %add3A_521 : vector<16xi32>
      %gather3A_523 = tpu.vector_load_idx %arg14[%add3A_472, %add3A_522] : memref<128x128xf32, #tpu.memory_space<vmem>>[vector<16xi32>, vector<16xi32>], vector<16xf32>,
      %add3A_524 = arith.constant 3 : i32
      %add3A_525 = vector.broadcast %add3A_524 : i32 to vector<16xi32>
      %add3A_526 = arith.addi %mul3A_468, %add3A_525 : vector<16xi32>
      %gather3A_527 = tpu.vector_load_idx %arg15[%add3A_472, %add3A_526] : memref<128x128xf32, #tpu.memory_space<vmem>>[vector<16xi32>, vector<16xi32>], vector<16xf32>,
      %mul3A_528 = arith.mulf %gather3A_523, %gather3A_527 : vector<16xf32>
      %add3A_529 = arith.addf %add3A_519, %mul3A_528 : vector<16xf32>
      %add3A_530 = arith.constant 4 : i32
      %add3A_531 = vector.broadcast %add3A_530 : i32 to vector<16xi32>
      %add3A_532 = arith.addi %mul3A_462, %add3A_531 : vector<16xi32>
      %gather3A_533 = tpu.vector_load_idx %arg14[%add3A_472, %add3A_532] : memref<128x128xf32, #tpu.memory_space<vmem>>[vector<16xi32>, vector<16xi32>], vector<16xf32>,
      %add3A_534 = arith.constant 4 : i32
      %add3A_535 = vector.broadcast %add3A_534 : i32 to vector<16xi32>
      %add3A_536 = arith.addi %mul3A_468, %add3A_535 : vector<16xi32>
      %gather3A_537 = tpu.vector_load_idx %arg15[%add3A_472, %add3A_536] : memref<128x128xf32, #tpu.memory_space<vmem>>[vector<16xi32>, vector<16xi32>], vector<16xf32>,
      %mul3A_538 = arith.mulf %gather3A_533, %gather3A_537 : vector<16xf32>
      %add3A_539 = arith.addf %add3A_529, %mul3A_538 : vector<16xf32>
      %add3A_540 = arith.constant 5 : i32
      %add3A_541 = vector.broadcast %add3A_540 : i32 to vector<16xi32>
      %add3A_542 = arith.addi %mul3A_462, %add3A_541 : vector<16xi32>
      %gather3A_543 = tpu.vector_load_idx %arg14[%add3A_472, %add3A_542] : memref<128x128xf32, #tpu.memory_space<vmem>>[vector<16xi32>, vector<16xi32>], vector<16xf32>,
      %add3A_544 = arith.constant 5 : i32
      %add3A_545 = vector.broadcast %add3A_544 : i32 to vector<16xi32>
      %add3A_546 = arith.addi %mul3A_468, %add3A_545 : vector<16xi32>
      %gather3A_547 = tpu.vector_load_idx %arg15[%add3A_472, %add3A_546] : memref<128x128xf32, #tpu.memory_space<vmem>>[vector<16xi32>, vector<16xi32>], vector<16xf32>,
      %mul3A_548 = arith.mulf %gather3A_543, %gather3A_547 : vector<16xf32>
      %add3A_549 = arith.addf %add3A_539, %mul3A_548 : vector<16xf32>
      %add3A_550 = arith.constant 6 : i32
      %add3A_551 = vector.broadcast %add3A_550 : i32 to vector<16xi32>
      %add3A_552 = arith.addi %mul3A_462, %add3A_551 : vector<16xi32>
      %gather3A_553 = tpu.vector_load_idx %arg14[%add3A_472, %add3A_552] : memref<128x128xf32, #tpu.memory_space<vmem>>[vector<16xi32>, vector<16xi32>], vector<16xf32>,
      %add3A_554 = arith.constant 6 : i32
      %add3A_555 = vector.broadcast %add3A_554 : i32 to vector<16xi32>
      %add3A_556 = arith.addi %mul3A_468, %add3A_555 : vector<16xi32>
      %gather3A_557 = tpu.vector_load_idx %arg15[%add3A_472, %add3A_556] : memref<128x128xf32, #tpu.memory_space<vmem>>[vector<16xi32>, vector<16xi32>], vector<16xf32>,
      %mul3A_558 = arith.mulf %gather3A_553, %gather3A_557 : vector<16xf32>
      %add3A_559 = arith.addf %add3A_549, %mul3A_558 : vector<16xf32>
      %add3A_560 = arith.constant 7 : i32
      %add3A_561 = vector.broadcast %add3A_560 : i32 to vector<16xi32>
      %add3A_562 = arith.addi %mul3A_462, %add3A_561 : vector<16xi32>
      %gather3A_563 = tpu.vector_load_idx %arg14[%add3A_472, %add3A_562] : memref<128x128xf32, #tpu.memory_space<vmem>>[vector<16xi32>, vector<16xi32>], vector<16xf32>,
      %add3A_564 = arith.constant 7 : i32
      %add3A_565 = vector.broadcast %add3A_564 : i32 to vector<16xi32>
      %add3A_566 = arith.addi %mul3A_468, %add3A_565 : vector<16xi32>
      %gather3A_567 = tpu.vector_load_idx %arg15[%add3A_472, %add3A_566] : memref<128x128xf32, #tpu.memory_space<vmem>>[vector<16xi32>, vector<16xi32>], vector<16xf32>,
      %mul3A_568 = arith.mulf %gather3A_563, %gather3A_567 : vector<16xf32>
      %add3A_569 = arith.addf %add3A_559, %mul3A_568 : vector<16xf32>
      %add3A_570 = arith.constant 8 : i32
      %add3A_571 = vector.broadcast %add3A_570 : i32 to vector<16xi32>
      %add3A_572 = arith.addi %mul3A_462, %add3A_571 : vector<16xi32>
      %gather3A_573 = tpu.vector_load_idx %arg14[%add3A_472, %add3A_572] : memref<128x128xf32, #tpu.memory_space<vmem>>[vector<16xi32>, vector<16xi32>], vector<16xf32>,
      %add3A_574 = arith.constant 8 : i32
      %add3A_575 = vector.broadcast %add3A_574 : i32 to vector<16xi32>
      %add3A_576 = arith.addi %mul3A_468, %add3A_575 : vector<16xi32>
      %gather3A_577 = tpu.vector_load_idx %arg15[%add3A_472, %add3A_576] : memref<128x128xf32, #tpu.memory_space<vmem>>[vector<16xi32>, vector<16xi32>], vector<16xf32>,
      %mul3A_578 = arith.mulf %gather3A_573, %gather3A_577 : vector<16xf32>
      %add3A_579 = arith.addf %add3A_569, %mul3A_578 : vector<16xf32>
      %add3A_580 = arith.constant 9 : i32
      %add3A_581 = vector.broadcast %add3A_580 : i32 to vector<16xi32>
      %add3A_582 = arith.addi %mul3A_462, %add3A_581 : vector<16xi32>
      %gather3A_583 = tpu.vector_load_idx %arg14[%add3A_472, %add3A_582] : memref<128x128xf32, #tpu.memory_space<vmem>>[vector<16xi32>, vector<16xi32>], vector<16xf32>,
      %add3A_584 = arith.constant 9 : i32
      %add3A_585 = vector.broadcast %add3A_584 : i32 to vector<16xi32>
      %add3A_586 = arith.addi %mul3A_468, %add3A_585 : vector<16xi32>
      %gather3A_587 = tpu.vector_load_idx %arg15[%add3A_472, %add3A_586] : memref<128x128xf32, #tpu.memory_space<vmem>>[vector<16xi32>, vector<16xi32>], vector<16xf32>,
      %mul3A_588 = arith.mulf %gather3A_583, %gather3A_587 : vector<16xf32>
      %add3A_589 = arith.addf %add3A_579, %mul3A_588 : vector<16xf32>
      %add3A_590 = arith.constant 10 : i32
      %add3A_591 = vector.broadcast %add3A_590 : i32 to vector<16xi32>
      %add3A_592 = arith.addi %mul3A_462, %add3A_591 : vector<16xi32>
      %gather3A_593 = tpu.vector_load_idx %arg14[%add3A_472, %add3A_592] : memref<128x128xf32, #tpu.memory_space<vmem>>[vector<16xi32>, vector<16xi32>], vector<16xf32>,
      %add3A_594 = arith.constant 10 : i32
      %add3A_595 = vector.broadcast %add3A_594 : i32 to vector<16xi32>
      %add3A_596 = arith.addi %mul3A_468, %add3A_595 : vector<16xi32>
      %gather3A_597 = tpu.vector_load_idx %arg15[%add3A_472, %add3A_596] : memref<128x128xf32, #tpu.memory_space<vmem>>[vector<16xi32>, vector<16xi32>], vector<16xf32>,
      %mul3A_598 = arith.mulf %gather3A_593, %gather3A_597 : vector<16xf32>
      %add3A_599 = arith.addf %add3A_589, %mul3A_598 : vector<16xf32>
      %add3A_600 = arith.constant 11 : i32
      %add3A_601 = vector.broadcast %add3A_600 : i32 to vector<16xi32>
      %add3A_602 = arith.addi %mul3A_462, %add3A_601 : vector<16xi32>
      %gather3A_603 = tpu.vector_load_idx %arg14[%add3A_472, %add3A_602] : memref<128x128xf32, #tpu.memory_space<vmem>>[vector<16xi32>, vector<16xi32>], vector<16xf32>,
      %add3A_604 = arith.constant 11 : i32
      %add3A_605 = vector.broadcast %add3A_604 : i32 to vector<16xi32>
      %add3A_606 = arith.addi %mul3A_468, %add3A_605 : vector<16xi32>
      %gather3A_607 = tpu.vector_load_idx %arg15[%add3A_472, %add3A_606] : memref<128x128xf32, #tpu.memory_space<vmem>>[vector<16xi32>, vector<16xi32>], vector<16xf32>,
      %mul3A_608 = arith.mulf %gather3A_603, %gather3A_607 : vector<16xf32>
      %add3A_609 = arith.addf %add3A_599, %mul3A_608 : vector<16xf32>
      %add3A_610 = arith.constant 12 : i32
      %add3A_611 = vector.broadcast %add3A_610 : i32 to vector<16xi32>
      %add3A_612 = arith.addi %mul3A_462, %add3A_611 : vector<16xi32>
      %gather3A_613 = tpu.vector_load_idx %arg14[%add3A_472, %add3A_612] : memref<128x128xf32, #tpu.memory_space<vmem>>[vector<16xi32>, vector<16xi32>], vector<16xf32>,
      %add3A_614 = arith.constant 12 : i32
      %add3A_615 = vector.broadcast %add3A_614 : i32 to vector<16xi32>
      %add3A_616 = arith.addi %mul3A_468, %add3A_615 : vector<16xi32>
      %gather3A_617 = tpu.vector_load_idx %arg15[%add3A_472, %add3A_616] : memref<128x128xf32, #tpu.memory_space<vmem>>[vector<16xi32>, vector<16xi32>], vector<16xf32>,
      %mul3A_618 = arith.mulf %gather3A_613, %gather3A_617 : vector<16xf32>
      %add3A_619 = arith.addf %add3A_609, %mul3A_618 : vector<16xf32>
      %add3A_620 = arith.constant 13 : i32
      %add3A_621 = vector.broadcast %add3A_620 : i32 to vector<16xi32>
      %add3A_622 = arith.addi %mul3A_462, %add3A_621 : vector<16xi32>
      %gather3A_623 = tpu.vector_load_idx %arg14[%add3A_472, %add3A_622] : memref<128x128xf32, #tpu.memory_space<vmem>>[vector<16xi32>, vector<16xi32>], vector<16xf32>,
      %add3A_624 = arith.constant 13 : i32
      %add3A_625 = vector.broadcast %add3A_624 : i32 to vector<16xi32>
      %add3A_626 = arith.addi %mul3A_468, %add3A_625 : vector<16xi32>
      %gather3A_627 = tpu.vector_load_idx %arg15[%add3A_472, %add3A_626] : memref<128x128xf32, #tpu.memory_space<vmem>>[vector<16xi32>, vector<16xi32>], vector<16xf32>,
      %mul3A_628 = arith.mulf %gather3A_623, %gather3A_627 : vector<16xf32>
      %add3A_629 = arith.addf %add3A_619, %mul3A_628 : vector<16xf32>
      %add3A_630 = arith.constant 14 : i32
      %add3A_631 = vector.broadcast %add3A_630 : i32 to vector<16xi32>
      %add3A_632 = arith.addi %mul3A_462, %add3A_631 : vector<16xi32>
      %gather3A_633 = tpu.vector_load_idx %arg14[%add3A_472, %add3A_632] : memref<128x128xf32, #tpu.memory_space<vmem>>[vector<16xi32>, vector<16xi32>], vector<16xf32>,
      %add3A_634 = arith.constant 14 : i32
      %add3A_635 = vector.broadcast %add3A_634 : i32 to vector<16xi32>
      %add3A_636 = arith.addi %mul3A_468, %add3A_635 : vector<16xi32>
      %gather3A_637 = tpu.vector_load_idx %arg15[%add3A_472, %add3A_636] : memref<128x128xf32, #tpu.memory_space<vmem>>[vector<16xi32>, vector<16xi32>], vector<16xf32>,
      %mul3A_638 = arith.mulf %gather3A_633, %gather3A_637 : vector<16xf32>
      %add3A_639 = arith.addf %add3A_629, %mul3A_638 : vector<16xf32>
      %add3A_640 = arith.constant 15 : i32
      %add3A_641 = vector.broadcast %add3A_640 : i32 to vector<16xi32>
      %add3A_642 = arith.addi %mul3A_462, %add3A_641 : vector<16xi32>
      %gather3A_643 = tpu.vector_load_idx %arg14[%add3A_472, %add3A_642] : memref<128x128xf32, #tpu.memory_space<vmem>>[vector<16xi32>, vector<16xi32>], vector<16xf32>,
      %add3A_644 = arith.constant 15 : i32
      %add3A_645 = vector.broadcast %add3A_644 : i32 to vector<16xi32>
      %add3A_646 = arith.addi %mul3A_468, %add3A_645 : vector<16xi32>
      %gather3A_647 = tpu.vector_load_idx %arg15[%add3A_472, %add3A_646] : memref<128x128xf32, #tpu.memory_space<vmem>>[vector<16xi32>, vector<16xi32>], vector<16xf32>,
      %mul3A_648 = arith.mulf %gather3A_643, %gather3A_647 : vector<16xf32>
      %add3A_649 = arith.addf %add3A_639, %mul3A_648 : vector<16xf32>
      %add3A_650 = arith.constant 16 : i32
      %add3A_651 = vector.broadcast %add3A_650 : i32 to vector<16xi32>
      %add3A_652 = arith.addi %mul3A_462, %add3A_651 : vector<16xi32>
      %gather3A_653 = tpu.vector_load_idx %arg14[%add3A_472, %add3A_652] : memref<128x128xf32, #tpu.memory_space<vmem>>[vector<16xi32>, vector<16xi32>], vector<16xf32>,
      %add3A_654 = arith.constant 16 : i32
      %add3A_655 = vector.broadcast %add3A_654 : i32 to vector<16xi32>
      %add3A_656 = arith.addi %mul3A_468, %add3A_655 : vector<16xi32>
      %gather3A_657 = tpu.vector_load_idx %arg15[%add3A_472, %add3A_656] : memref<128x128xf32, #tpu.memory_space<vmem>>[vector<16xi32>, vector<16xi32>], vector<16xf32>,
      %mul3A_658 = arith.mulf %gather3A_653, %gather3A_657 : vector<16xf32>
      %add3A_659 = arith.addf %add3A_649, %mul3A_658 : vector<16xf32>
      %add3A_660 = arith.constant 17 : i32
      %add3A_661 = vector.broadcast %add3A_660 : i32 to vector<16xi32>
      %add3A_662 = arith.addi %mul3A_462, %add3A_661 : vector<16xi32>
      %gather3A_663 = tpu.vector_load_idx %arg14[%add3A_472, %add3A_662] : memref<128x128xf32, #tpu.memory_space<vmem>>[vector<16xi32>, vector<16xi32>], vector<16xf32>,
      %add3A_664 = arith.constant 17 : i32
      %add3A_665 = vector.broadcast %add3A_664 : i32 to vector<16xi32>
      %add3A_666 = arith.addi %mul3A_468, %add3A_665 : vector<16xi32>
      %gather3A_667 = tpu.vector_load_idx %arg15[%add3A_472, %add3A_666] : memref<128x128xf32, #tpu.memory_space<vmem>>[vector<16xi32>, vector<16xi32>], vector<16xf32>,
      %mul3A_668 = arith.mulf %gather3A_663, %gather3A_667 : vector<16xf32>
      %add3A_669 = arith.addf %add3A_659, %mul3A_668 : vector<16xf32>
      %add3A_670 = arith.constant 18 : i32
      %add3A_671 = vector.broadcast %add3A_670 : i32 to vector<16xi32>
      %add3A_672 = arith.addi %mul3A_462, %add3A_671 : vector<16xi32>
      %gather3A_673 = tpu.vector_load_idx %arg14[%add3A_472, %add3A_672] : memref<128x128xf32, #tpu.memory_space<vmem>>[vector<16xi32>, vector<16xi32>], vector<16xf32>,
      %add3A_674 = arith.constant 18 : i32
      %add3A_675 = vector.broadcast %add3A_674 : i32 to vector<16xi32>
      %add3A_676 = arith.addi %mul3A_468, %add3A_675 : vector<16xi32>
      %gather3A_677 = tpu.vector_load_idx %arg15[%add3A_472, %add3A_676] : memref<128x128xf32, #tpu.memory_space<vmem>>[vector<16xi32>, vector<16xi32>], vector<16xf32>,
      %mul3A_678 = arith.mulf %gather3A_673, %gather3A_677 : vector<16xf32>
      %add3A_679 = arith.addf %add3A_669, %mul3A_678 : vector<16xf32>
      %add3A_680 = arith.constant 19 : i32
      %add3A_681 = vector.broadcast %add3A_680 : i32 to vector<16xi32>
      %add3A_682 = arith.addi %mul3A_462, %add3A_681 : vector<16xi32>
      %gather3A_683 = tpu.vector_load_idx %arg14[%add3A_472, %add3A_682] : memref<128x128xf32, #tpu.memory_space<vmem>>[vector<16xi32>, vector<16xi32>], vector<16xf32>,
      %add3A_684 = arith.constant 19 : i32
      %add3A_685 = vector.broadcast %add3A_684 : i32 to vector<16xi32>
      %add3A_686 = arith.addi %mul3A_468, %add3A_685 : vector<16xi32>
      %gather3A_687 = tpu.vector_load_idx %arg15[%add3A_472, %add3A_686] : memref<128x128xf32, #tpu.memory_space<vmem>>[vector<16xi32>, vector<16xi32>], vector<16xf32>,
      %mul3A_688 = arith.mulf %gather3A_683, %gather3A_687 : vector<16xf32>
      %add3A_689 = arith.addf %add3A_679, %mul3A_688 : vector<16xf32>
      %add3A_690 = arith.constant 20 : i32
      %add3A_691 = vector.broadcast %add3A_690 : i32 to vector<16xi32>
      %add3A_692 = arith.addi %mul3A_462, %add3A_691 : vector<16xi32>
      %gather3A_693 = tpu.vector_load_idx %arg14[%add3A_472, %add3A_692] : memref<128x128xf32, #tpu.memory_space<vmem>>[vector<16xi32>, vector<16xi32>], vector<16xf32>,
      %add3A_694 = arith.constant 20 : i32
      %add3A_695 = vector.broadcast %add3A_694 : i32 to vector<16xi32>
      %add3A_696 = arith.addi %mul3A_468, %add3A_695 : vector<16xi32>
      %gather3A_697 = tpu.vector_load_idx %arg15[%add3A_472, %add3A_696] : memref<128x128xf32, #tpu.memory_space<vmem>>[vector<16xi32>, vector<16xi32>], vector<16xf32>,
      %mul3A_698 = arith.mulf %gather3A_693, %gather3A_697 : vector<16xf32>
      %add3A_699 = arith.addf %add3A_689, %mul3A_698 : vector<16xf32>
      %add3A_700 = arith.constant 21 : i32
      %add3A_701 = vector.broadcast %add3A_700 : i32 to vector<16xi32>
      %add3A_702 = arith.addi %mul3A_462, %add3A_701 : vector<16xi32>
      %gather3A_703 = tpu.vector_load_idx %arg14[%add3A_472, %add3A_702] : memref<128x128xf32, #tpu.memory_space<vmem>>[vector<16xi32>, vector<16xi32>], vector<16xf32>,
      %add3A_704 = arith.constant 21 : i32
      %add3A_705 = vector.broadcast %add3A_704 : i32 to vector<16xi32>
      %add3A_706 = arith.addi %mul3A_468, %add3A_705 : vector<16xi32>
      %gather3A_707 = tpu.vector_load_idx %arg15[%add3A_472, %add3A_706] : memref<128x128xf32, #tpu.memory_space<vmem>>[vector<16xi32>, vector<16xi32>], vector<16xf32>,
      %mul3A_708 = arith.mulf %gather3A_703, %gather3A_707 : vector<16xf32>
      %add3A_709 = arith.addf %add3A_699, %mul3A_708 : vector<16xf32>
      %add3A_710 = arith.constant 22 : i32
      %add3A_711 = vector.broadcast %add3A_710 : i32 to vector<16xi32>
      %add3A_712 = arith.addi %mul3A_462, %add3A_711 : vector<16xi32>
      %gather3A_713 = tpu.vector_load_idx %arg14[%add3A_472, %add3A_712] : memref<128x128xf32, #tpu.memory_space<vmem>>[vector<16xi32>, vector<16xi32>], vector<16xf32>,
      %add3A_714 = arith.constant 22 : i32
      %add3A_715 = vector.broadcast %add3A_714 : i32 to vector<16xi32>
      %add3A_716 = arith.addi %mul3A_468, %add3A_715 : vector<16xi32>
      %gather3A_717 = tpu.vector_load_idx %arg15[%add3A_472, %add3A_716] : memref<128x128xf32, #tpu.memory_space<vmem>>[vector<16xi32>, vector<16xi32>], vector<16xf32>,
      %mul3A_718 = arith.mulf %gather3A_713, %gather3A_717 : vector<16xf32>
      %add3A_719 = arith.addf %add3A_709, %mul3A_718 : vector<16xf32>
      %add3A_720 = arith.constant 23 : i32
      %add3A_721 = vector.broadcast %add3A_720 : i32 to vector<16xi32>
      %add3A_722 = arith.addi %mul3A_462, %add3A_721 : vector<16xi32>
      %gather3A_723 = tpu.vector_load_idx %arg14[%add3A_472, %add3A_722] : memref<128x128xf32, #tpu.memory_space<vmem>>[vector<16xi32>, vector<16xi32>], vector<16xf32>,
      %add3A_724 = arith.constant 23 : i32
      %add3A_725 = vector.broadcast %add3A_724 : i32 to vector<16xi32>
      %add3A_726 = arith.addi %mul3A_468, %add3A_725 : vector<16xi32>
      %gather3A_727 = tpu.vector_load_idx %arg15[%add3A_472, %add3A_726] : memref<128x128xf32, #tpu.memory_space<vmem>>[vector<16xi32>, vector<16xi32>], vector<16xf32>,
      %mul3A_728 = arith.mulf %gather3A_723, %gather3A_727 : vector<16xf32>
      %add3A_729 = arith.addf %add3A_719, %mul3A_728 : vector<16xf32>
      %add3A_730 = arith.constant 24 : i32
      %add3A_731 = vector.broadcast %add3A_730 : i32 to vector<16xi32>
      %add3A_732 = arith.addi %mul3A_462, %add3A_731 : vector<16xi32>
      %gather3A_733 = tpu.vector_load_idx %arg14[%add3A_472, %add3A_732] : memref<128x128xf32, #tpu.memory_space<vmem>>[vector<16xi32>, vector<16xi32>], vector<16xf32>,
      %add3A_734 = arith.constant 24 : i32
      %add3A_735 = vector.broadcast %add3A_734 : i32 to vector<16xi32>
      %add3A_736 = arith.addi %mul3A_468, %add3A_735 : vector<16xi32>
      %gather3A_737 = tpu.vector_load_idx %arg15[%add3A_472, %add3A_736] : memref<128x128xf32, #tpu.memory_space<vmem>>[vector<16xi32>, vector<16xi32>], vector<16xf32>,
      %mul3A_738 = arith.mulf %gather3A_733, %gather3A_737 : vector<16xf32>
      %add3A_739 = arith.addf %add3A_729, %mul3A_738 : vector<16xf32>
      %add3A_740 = arith.constant 25 : i32
      %add3A_741 = vector.broadcast %add3A_740 : i32 to vector<16xi32>
      %add3A_742 = arith.addi %mul3A_462, %add3A_741 : vector<16xi32>
      %gather3A_743 = tpu.vector_load_idx %arg14[%add3A_472, %add3A_742] : memref<128x128xf32, #tpu.memory_space<vmem>>[vector<16xi32>, vector<16xi32>], vector<16xf32>,
      %add3A_744 = arith.constant 25 : i32
      %add3A_745 = vector.broadcast %add3A_744 : i32 to vector<16xi32>
      %add3A_746 = arith.addi %mul3A_468, %add3A_745 : vector<16xi32>
      %gather3A_747 = tpu.vector_load_idx %arg15[%add3A_472, %add3A_746] : memref<128x128xf32, #tpu.memory_space<vmem>>[vector<16xi32>, vector<16xi32>], vector<16xf32>,
      %mul3A_748 = arith.mulf %gather3A_743, %gather3A_747 : vector<16xf32>
      %add3A_749 = arith.addf %add3A_739, %mul3A_748 : vector<16xf32>
      %add3A_750 = arith.constant 26 : i32
      %add3A_751 = vector.broadcast %add3A_750 : i32 to vector<16xi32>
      %add3A_752 = arith.addi %mul3A_462, %add3A_751 : vector<16xi32>
      %gather3A_753 = tpu.vector_load_idx %arg14[%add3A_472, %add3A_752] : memref<128x128xf32, #tpu.memory_space<vmem>>[vector<16xi32>, vector<16xi32>], vector<16xf32>,
      %add3A_754 = arith.constant 26 : i32
      %add3A_755 = vector.broadcast %add3A_754 : i32 to vector<16xi32>
      %add3A_756 = arith.addi %mul3A_468, %add3A_755 : vector<16xi32>
      %gather3A_757 = tpu.vector_load_idx %arg15[%add3A_472, %add3A_756] : memref<128x128xf32, #tpu.memory_space<vmem>>[vector<16xi32>, vector<16xi32>], vector<16xf32>,
      %mul3A_758 = arith.mulf %gather3A_753, %gather3A_757 : vector<16xf32>
      %add3A_759 = arith.addf %add3A_749, %mul3A_758 : vector<16xf32>
      %add3A_760 = arith.constant 27 : i32
      %add3A_761 = vector.broadcast %add3A_760 : i32 to vector<16xi32>
      %add3A_762 = arith.addi %mul3A_462, %add3A_761 : vector<16xi32>
      %gather3A_763 = tpu.vector_load_idx %arg14[%add3A_472, %add3A_762] : memref<128x128xf32, #tpu.memory_space<vmem>>[vector<16xi32>, vector<16xi32>], vector<16xf32>,
      %add3A_764 = arith.constant 27 : i32
      %add3A_765 = vector.broadcast %add3A_764 : i32 to vector<16xi32>
      %add3A_766 = arith.addi %mul3A_468, %add3A_765 : vector<16xi32>
      %gather3A_767 = tpu.vector_load_idx %arg15[%add3A_472, %add3A_766] : memref<128x128xf32, #tpu.memory_space<vmem>>[vector<16xi32>, vector<16xi32>], vector<16xf32>,
      %mul3A_768 = arith.mulf %gather3A_763, %gather3A_767 : vector<16xf32>
      %add3A_769 = arith.addf %add3A_759, %mul3A_768 : vector<16xf32>
      %add3A_770 = arith.constant 28 : i32
      %add3A_771 = vector.broadcast %add3A_770 : i32 to vector<16xi32>
      %add3A_772 = arith.addi %mul3A_462, %add3A_771 : vector<16xi32>
      %gather3A_773 = tpu.vector_load_idx %arg14[%add3A_472, %add3A_772] : memref<128x128xf32, #tpu.memory_space<vmem>>[vector<16xi32>, vector<16xi32>], vector<16xf32>,
      %add3A_774 = arith.constant 28 : i32
      %add3A_775 = vector.broadcast %add3A_774 : i32 to vector<16xi32>
      %add3A_776 = arith.addi %mul3A_468, %add3A_775 : vector<16xi32>
      %gather3A_777 = tpu.vector_load_idx %arg15[%add3A_472, %add3A_776] : memref<128x128xf32, #tpu.memory_space<vmem>>[vector<16xi32>, vector<16xi32>], vector<16xf32>,
      %mul3A_778 = arith.mulf %gather3A_773, %gather3A_777 : vector<16xf32>
      %add3A_779 = arith.addf %add3A_769, %mul3A_778 : vector<16xf32>
      %add3A_780 = arith.constant 29 : i32
      %add3A_781 = vector.broadcast %add3A_780 : i32 to vector<16xi32>
      %add3A_782 = arith.addi %mul3A_462, %add3A_781 : vector<16xi32>
      %gather3A_783 = tpu.vector_load_idx %arg14[%add3A_472, %add3A_782] : memref<128x128xf32, #tpu.memory_space<vmem>>[vector<16xi32>, vector<16xi32>], vector<16xf32>,
      %add3A_784 = arith.constant 29 : i32
      %add3A_785 = vector.broadcast %add3A_784 : i32 to vector<16xi32>
      %add3A_786 = arith.addi %mul3A_468, %add3A_785 : vector<16xi32>
      %gather3A_787 = tpu.vector_load_idx %arg15[%add3A_472, %add3A_786] : memref<128x128xf32, #tpu.memory_space<vmem>>[vector<16xi32>, vector<16xi32>], vector<16xf32>,
      %mul3A_788 = arith.mulf %gather3A_783, %gather3A_787 : vector<16xf32>
      %add3A_789 = arith.addf %add3A_779, %mul3A_788 : vector<16xf32>
      %add3A_790 = arith.constant 30 : i32
      %add3A_791 = vector.broadcast %add3A_790 : i32 to vector<16xi32>
      %add3A_792 = arith.addi %mul3A_462, %add3A_791 : vector<16xi32>
      %gather3A_793 = tpu.vector_load_idx %arg14[%add3A_472, %add3A_792] : memref<128x128xf32, #tpu.memory_space<vmem>>[vector<16xi32>, vector<16xi32>], vector<16xf32>,
      %add3A_794 = arith.constant 30 : i32
      %add3A_795 = vector.broadcast %add3A_794 : i32 to vector<16xi32>
      %add3A_796 = arith.addi %mul3A_468, %add3A_795 : vector<16xi32>
      %gather3A_797 = tpu.vector_load_idx %arg15[%add3A_472, %add3A_796] : memref<128x128xf32, #tpu.memory_space<vmem>>[vector<16xi32>, vector<16xi32>], vector<16xf32>,
      %mul3A_798 = arith.mulf %gather3A_793, %gather3A_797 : vector<16xf32>
      %add3A_799 = arith.addf %add3A_789, %mul3A_798 : vector<16xf32>
      %add3A_800 = arith.constant 31 : i32
      %add3A_801 = vector.broadcast %add3A_800 : i32 to vector<16xi32>
      %add3A_802 = arith.addi %mul3A_462, %add3A_801 : vector<16xi32>
      %gather3A_803 = tpu.vector_load_idx %arg14[%add3A_472, %add3A_802] : memref<128x128xf32, #tpu.memory_space<vmem>>[vector<16xi32>, vector<16xi32>], vector<16xf32>,
      %add3A_804 = arith.constant 31 : i32
      %add3A_805 = vector.broadcast %add3A_804 : i32 to vector<16xi32>
      %add3A_806 = arith.addi %mul3A_468, %add3A_805 : vector<16xi32>
      %gather3A_807 = tpu.vector_load_idx %arg15[%add3A_472, %add3A_806] : memref<128x128xf32, #tpu.memory_space<vmem>>[vector<16xi32>, vector<16xi32>], vector<16xf32>,
      %mul3A_808 = arith.mulf %gather3A_803, %gather3A_807 : vector<16xf32>
      %add3A_809 = arith.addf %add3A_799, %mul3A_808 : vector<16xf32>
      %swap3A_810 = arith.index_cast %multiple_of3A_452 : i32 to index
      %swap3A_811 = tpu.vector_load %arg18[%swap3A_810] {strides = array<i32>} : memref<512xf32, #tpu.memory_space<vmem>>, vector<16xf32>,
      tpu.vector_store %arg18[%swap3A_810], %add3A_809 {strides = array<i32>} : memref<512xf32, #tpu.memory_space<vmem>>, vector<16xf32>,
      %add3A_812 = arith.constant 32 : i32
      %add3A_813 = arith.addi %multiple_of3A, %add3A_812 : i32
      %multiple_of3A_814 = tpu.assume_multiple %add3A_813, 16 : i32
      %get3A_815 = arith.index_cast %multiple_of3A_814 : i32 to index
      %get3A_816 = tpu.vector_load %arg9[%get3A_815] {strides = array<i32>} : memref<512xi32, #tpu.memory_space<vmem>>, vector<16xi32>,
      %get3A_817 = arith.index_cast %multiple_of3A_814 : i32 to index
      %get3A_818 = tpu.vector_load %arg10[%get3A_817] {strides = array<i32>} : memref<512xi32, #tpu.memory_space<vmem>>, vector<16xi32>,
      %and3A_819 = arith.constant 3 : i32
      %and3A_820 = vector.broadcast %and3A_819 : i32 to vector<16xi32>
      %and3A_821 = arith.andi %get3A_816, %and3A_820 : vector<16xi32>
      %mul3A_822 = arith.constant 32 : i32
      %mul3A_823 = vector.broadcast %mul3A_822 : i32 to vector<16xi32>
      %mul3A_824 = arith.muli %and3A_821, %mul3A_823 : vector<16xi32>
      %and3A_825 = arith.constant 3 : i32
      %and3A_826 = vector.broadcast %and3A_825 : i32 to vector<16xi32>
      %and3A_827 = arith.andi %get3A_818, %and3A_826 : vector<16xi32>
      %mul3A_828 = arith.constant 32 : i32
      %mul3A_829 = vector.broadcast %mul3A_828 : i32 to vector<16xi32>
      %mul3A_830 = arith.muli %and3A_827, %mul3A_829 : vector<16xi32>
      %iota3A_831 = tpu.iota {dimensions = array<i32: 0>} : vector<16xi32>
      %add3A_832 = arith.constant 32 : i32
      %add3A_833 = vector.broadcast %add3A_832 : i32 to vector<16xi32>
      %add3A_834 = arith.addi %iota3A_831, %add3A_833 : vector<16xi32>
      %add3A_835 = vector.broadcast %multiple_of3A : i32 to vector<16xi32>
      %add3A_836 = arith.addi %add3A_835, %add3A_834 : vector<16xi32>
      %and3A_837 = arith.constant 127 : i32
      %and3A_838 = vector.broadcast %and3A_837 : i32 to vector<16xi32>
      %and3A_839 = arith.andi %get3A_818, %and3A_838 : vector<16xi32>
      %gather3A_840 = tpu.vector_load_idx %arg16[%add3A_836, %and3A_839] : memref<512x128xf32, #tpu.memory_space<vmem>>[vector<16xi32>, vector<16xi32>], vector<16xf32>,
      %sub3A_841 = arith.constant 999936 : i32
      %sub3A_842 = vector.broadcast %sub3A_841 : i32 to vector<16xi32>
      %sub3A_843 = arith.subi %get3A_818, %sub3A_842 : vector<16xi32>
      %max3A_844 = arith.constant 0 : i32
      %max3A_845 = vector.broadcast %max3A_844 : i32 to vector<16xi32>
      %max3A_846 = arith.maxsi %sub3A_843, %max3A_845 : vector<16xi32>
      %gather3A_847 = tpu.vector_load_idx %arg17[%max3A_846] : memref<64xf32, #tpu.memory_space<vmem>>[vector<16xi32>], vector<16xf32>,
      %ge3A_848 = arith.constant 999936 : i32
      %ge3A_849 = vector.broadcast %ge3A_848 : i32 to vector<16xi32>
      %ge3A_850 = arith.cmpi sge, %get3A_818, %ge3A_849 : vector<16xi32>
      %select_n3A_851 = arith.select %ge3A_850, %gather3A_847, %gather3A_840 : vector<16xi1>, vector<16xf32>
      %add3A_852 = arith.constant 0 : i32
      %add3A_853 = vector.broadcast %add3A_852 : i32 to vector<16xi32>
      %add3A_854 = arith.addi %mul3A_824, %add3A_853 : vector<16xi32>
      %gather3A_855 = tpu.vector_load_idx %arg14[%add3A_834, %add3A_854] : memref<128x128xf32, #tpu.memory_space<vmem>>[vector<16xi32>, vector<16xi32>], vector<16xf32>,
      %add3A_856 = arith.constant 0 : i32
      %add3A_857 = vector.broadcast %add3A_856 : i32 to vector<16xi32>
      %add3A_858 = arith.addi %mul3A_830, %add3A_857 : vector<16xi32>
      %gather3A_859 = tpu.vector_load_idx %arg15[%add3A_834, %add3A_858] : memref<128x128xf32, #tpu.memory_space<vmem>>[vector<16xi32>, vector<16xi32>], vector<16xf32>,
      %mul3A_860 = arith.mulf %gather3A_855, %gather3A_859 : vector<16xf32>
      %add3A_861 = arith.addf %select_n3A_851, %mul3A_860 : vector<16xf32>
      %add3A_862 = arith.constant 1 : i32
      %add3A_863 = vector.broadcast %add3A_862 : i32 to vector<16xi32>
      %add3A_864 = arith.addi %mul3A_824, %add3A_863 : vector<16xi32>
      %gather3A_865 = tpu.vector_load_idx %arg14[%add3A_834, %add3A_864] : memref<128x128xf32, #tpu.memory_space<vmem>>[vector<16xi32>, vector<16xi32>], vector<16xf32>,
      %add3A_866 = arith.constant 1 : i32
      %add3A_867 = vector.broadcast %add3A_866 : i32 to vector<16xi32>
      %add3A_868 = arith.addi %mul3A_830, %add3A_867 : vector<16xi32>
      %gather3A_869 = tpu.vector_load_idx %arg15[%add3A_834, %add3A_868] : memref<128x128xf32, #tpu.memory_space<vmem>>[vector<16xi32>, vector<16xi32>], vector<16xf32>,
      %mul3A_870 = arith.mulf %gather3A_865, %gather3A_869 : vector<16xf32>
      %add3A_871 = arith.addf %add3A_861, %mul3A_870 : vector<16xf32>
      %add3A_872 = arith.constant 2 : i32
      %add3A_873 = vector.broadcast %add3A_872 : i32 to vector<16xi32>
      %add3A_874 = arith.addi %mul3A_824, %add3A_873 : vector<16xi32>
      %gather3A_875 = tpu.vector_load_idx %arg14[%add3A_834, %add3A_874] : memref<128x128xf32, #tpu.memory_space<vmem>>[vector<16xi32>, vector<16xi32>], vector<16xf32>,
      %add3A_876 = arith.constant 2 : i32
      %add3A_877 = vector.broadcast %add3A_876 : i32 to vector<16xi32>
      %add3A_878 = arith.addi %mul3A_830, %add3A_877 : vector<16xi32>
      %gather3A_879 = tpu.vector_load_idx %arg15[%add3A_834, %add3A_878] : memref<128x128xf32, #tpu.memory_space<vmem>>[vector<16xi32>, vector<16xi32>], vector<16xf32>,
      %mul3A_880 = arith.mulf %gather3A_875, %gather3A_879 : vector<16xf32>
      %add3A_881 = arith.addf %add3A_871, %mul3A_880 : vector<16xf32>
      %add3A_882 = arith.constant 3 : i32
      %add3A_883 = vector.broadcast %add3A_882 : i32 to vector<16xi32>
      %add3A_884 = arith.addi %mul3A_824, %add3A_883 : vector<16xi32>
      %gather3A_885 = tpu.vector_load_idx %arg14[%add3A_834, %add3A_884] : memref<128x128xf32, #tpu.memory_space<vmem>>[vector<16xi32>, vector<16xi32>], vector<16xf32>,
      %add3A_886 = arith.constant 3 : i32
      %add3A_887 = vector.broadcast %add3A_886 : i32 to vector<16xi32>
      %add3A_888 = arith.addi %mul3A_830, %add3A_887 : vector<16xi32>
      %gather3A_889 = tpu.vector_load_idx %arg15[%add3A_834, %add3A_888] : memref<128x128xf32, #tpu.memory_space<vmem>>[vector<16xi32>, vector<16xi32>], vector<16xf32>,
      %mul3A_890 = arith.mulf %gather3A_885, %gather3A_889 : vector<16xf32>
      %add3A_891 = arith.addf %add3A_881, %mul3A_890 : vector<16xf32>
      %add3A_892 = arith.constant 4 : i32
      %add3A_893 = vector.broadcast %add3A_892 : i32 to vector<16xi32>
      %add3A_894 = arith.addi %mul3A_824, %add3A_893 : vector<16xi32>
      %gather3A_895 = tpu.vector_load_idx %arg14[%add3A_834, %add3A_894] : memref<128x128xf32, #tpu.memory_space<vmem>>[vector<16xi32>, vector<16xi32>], vector<16xf32>,
      %add3A_896 = arith.constant 4 : i32
      %add3A_897 = vector.broadcast %add3A_896 : i32 to vector<16xi32>
      %add3A_898 = arith.addi %mul3A_830, %add3A_897 : vector<16xi32>
      %gather3A_899 = tpu.vector_load_idx %arg15[%add3A_834, %add3A_898] : memref<128x128xf32, #tpu.memory_space<vmem>>[vector<16xi32>, vector<16xi32>], vector<16xf32>,
      %mul3A_900 = arith.mulf %gather3A_895, %gather3A_899 : vector<16xf32>
      %add3A_901 = arith.addf %add3A_891, %mul3A_900 : vector<16xf32>
      %add3A_902 = arith.constant 5 : i32
      %add3A_903 = vector.broadcast %add3A_902 : i32 to vector<16xi32>
      %add3A_904 = arith.addi %mul3A_824, %add3A_903 : vector<16xi32>
      %gather3A_905 = tpu.vector_load_idx %arg14[%add3A_834, %add3A_904] : memref<128x128xf32, #tpu.memory_space<vmem>>[vector<16xi32>, vector<16xi32>], vector<16xf32>,
      %add3A_906 = arith.constant 5 : i32
      %add3A_907 = vector.broadcast %add3A_906 : i32 to vector<16xi32>
      %add3A_908 = arith.addi %mul3A_830, %add3A_907 : vector<16xi32>
      %gather3A_909 = tpu.vector_load_idx %arg15[%add3A_834, %add3A_908] : memref<128x128xf32, #tpu.memory_space<vmem>>[vector<16xi32>, vector<16xi32>], vector<16xf32>,
      %mul3A_910 = arith.mulf %gather3A_905, %gather3A_909 : vector<16xf32>
      %add3A_911 = arith.addf %add3A_901, %mul3A_910 : vector<16xf32>
      %add3A_912 = arith.constant 6 : i32
      %add3A_913 = vector.broadcast %add3A_912 : i32 to vector<16xi32>
      %add3A_914 = arith.addi %mul3A_824, %add3A_913 : vector<16xi32>
      %gather3A_915 = tpu.vector_load_idx %arg14[%add3A_834, %add3A_914] : memref<128x128xf32, #tpu.memory_space<vmem>>[vector<16xi32>, vector<16xi32>], vector<16xf32>,
      %add3A_916 = arith.constant 6 : i32
      %add3A_917 = vector.broadcast %add3A_916 : i32 to vector<16xi32>
      %add3A_918 = arith.addi %mul3A_830, %add3A_917 : vector<16xi32>
      %gather3A_919 = tpu.vector_load_idx %arg15[%add3A_834, %add3A_918] : memref<128x128xf32, #tpu.memory_space<vmem>>[vector<16xi32>, vector<16xi32>], vector<16xf32>,
      %mul3A_920 = arith.mulf %gather3A_915, %gather3A_919 : vector<16xf32>
      %add3A_921 = arith.addf %add3A_911, %mul3A_920 : vector<16xf32>
      %add3A_922 = arith.constant 7 : i32
      %add3A_923 = vector.broadcast %add3A_922 : i32 to vector<16xi32>
      %add3A_924 = arith.addi %mul3A_824, %add3A_923 : vector<16xi32>
      %gather3A_925 = tpu.vector_load_idx %arg14[%add3A_834, %add3A_924] : memref<128x128xf32, #tpu.memory_space<vmem>>[vector<16xi32>, vector<16xi32>], vector<16xf32>,
      %add3A_926 = arith.constant 7 : i32
      %add3A_927 = vector.broadcast %add3A_926 : i32 to vector<16xi32>
      %add3A_928 = arith.addi %mul3A_830, %add3A_927 : vector<16xi32>
      %gather3A_929 = tpu.vector_load_idx %arg15[%add3A_834, %add3A_928] : memref<128x128xf32, #tpu.memory_space<vmem>>[vector<16xi32>, vector<16xi32>], vector<16xf32>,
      %mul3A_930 = arith.mulf %gather3A_925, %gather3A_929 : vector<16xf32>
      %add3A_931 = arith.addf %add3A_921, %mul3A_930 : vector<16xf32>
      %add3A_932 = arith.constant 8 : i32
      %add3A_933 = vector.broadcast %add3A_932 : i32 to vector<16xi32>
      %add3A_934 = arith.addi %mul3A_824, %add3A_933 : vector<16xi32>
      %gather3A_935 = tpu.vector_load_idx %arg14[%add3A_834, %add3A_934] : memref<128x128xf32, #tpu.memory_space<vmem>>[vector<16xi32>, vector<16xi32>], vector<16xf32>,
      %add3A_936 = arith.constant 8 : i32
      %add3A_937 = vector.broadcast %add3A_936 : i32 to vector<16xi32>
      %add3A_938 = arith.addi %mul3A_830, %add3A_937 : vector<16xi32>
      %gather3A_939 = tpu.vector_load_idx %arg15[%add3A_834, %add3A_938] : memref<128x128xf32, #tpu.memory_space<vmem>>[vector<16xi32>, vector<16xi32>], vector<16xf32>,
      %mul3A_940 = arith.mulf %gather3A_935, %gather3A_939 : vector<16xf32>
      %add3A_941 = arith.addf %add3A_931, %mul3A_940 : vector<16xf32>
      %add3A_942 = arith.constant 9 : i32
      %add3A_943 = vector.broadcast %add3A_942 : i32 to vector<16xi32>
      %add3A_944 = arith.addi %mul3A_824, %add3A_943 : vector<16xi32>
      %gather3A_945 = tpu.vector_load_idx %arg14[%add3A_834, %add3A_944] : memref<128x128xf32, #tpu.memory_space<vmem>>[vector<16xi32>, vector<16xi32>], vector<16xf32>,
      %add3A_946 = arith.constant 9 : i32
      %add3A_947 = vector.broadcast %add3A_946 : i32 to vector<16xi32>
      %add3A_948 = arith.addi %mul3A_830, %add3A_947 : vector<16xi32>
      %gather3A_949 = tpu.vector_load_idx %arg15[%add3A_834, %add3A_948] : memref<128x128xf32, #tpu.memory_space<vmem>>[vector<16xi32>, vector<16xi32>], vector<16xf32>,
      %mul3A_950 = arith.mulf %gather3A_945, %gather3A_949 : vector<16xf32>
      %add3A_951 = arith.addf %add3A_941, %mul3A_950 : vector<16xf32>
      %add3A_952 = arith.constant 10 : i32
      %add3A_953 = vector.broadcast %add3A_952 : i32 to vector<16xi32>
      %add3A_954 = arith.addi %mul3A_824, %add3A_953 : vector<16xi32>
      %gather3A_955 = tpu.vector_load_idx %arg14[%add3A_834, %add3A_954] : memref<128x128xf32, #tpu.memory_space<vmem>>[vector<16xi32>, vector<16xi32>], vector<16xf32>,
      %add3A_956 = arith.constant 10 : i32
      %add3A_957 = vector.broadcast %add3A_956 : i32 to vector<16xi32>
      %add3A_958 = arith.addi %mul3A_830, %add3A_957 : vector<16xi32>
      %gather3A_959 = tpu.vector_load_idx %arg15[%add3A_834, %add3A_958] : memref<128x128xf32, #tpu.memory_space<vmem>>[vector<16xi32>, vector<16xi32>], vector<16xf32>,
      %mul3A_960 = arith.mulf %gather3A_955, %gather3A_959 : vector<16xf32>
      %add3A_961 = arith.addf %add3A_951, %mul3A_960 : vector<16xf32>
      %add3A_962 = arith.constant 11 : i32
      %add3A_963 = vector.broadcast %add3A_962 : i32 to vector<16xi32>
      %add3A_964 = arith.addi %mul3A_824, %add3A_963 : vector<16xi32>
      %gather3A_965 = tpu.vector_load_idx %arg14[%add3A_834, %add3A_964] : memref<128x128xf32, #tpu.memory_space<vmem>>[vector<16xi32>, vector<16xi32>], vector<16xf32>,
      %add3A_966 = arith.constant 11 : i32
      %add3A_967 = vector.broadcast %add3A_966 : i32 to vector<16xi32>
      %add3A_968 = arith.addi %mul3A_830, %add3A_967 : vector<16xi32>
      %gather3A_969 = tpu.vector_load_idx %arg15[%add3A_834, %add3A_968] : memref<128x128xf32, #tpu.memory_space<vmem>>[vector<16xi32>, vector<16xi32>], vector<16xf32>,
      %mul3A_970 = arith.mulf %gather3A_965, %gather3A_969 : vector<16xf32>
      %add3A_971 = arith.addf %add3A_961, %mul3A_970 : vector<16xf32>
      %add3A_972 = arith.constant 12 : i32
      %add3A_973 = vector.broadcast %add3A_972 : i32 to vector<16xi32>
      %add3A_974 = arith.addi %mul3A_824, %add3A_973 : vector<16xi32>
      %gather3A_975 = tpu.vector_load_idx %arg14[%add3A_834, %add3A_974] : memref<128x128xf32, #tpu.memory_space<vmem>>[vector<16xi32>, vector<16xi32>], vector<16xf32>,
      %add3A_976 = arith.constant 12 : i32
      %add3A_977 = vector.broadcast %add3A_976 : i32 to vector<16xi32>
      %add3A_978 = arith.addi %mul3A_830, %add3A_977 : vector<16xi32>
      %gather3A_979 = tpu.vector_load_idx %arg15[%add3A_834, %add3A_978] : memref<128x128xf32, #tpu.memory_space<vmem>>[vector<16xi32>, vector<16xi32>], vector<16xf32>,
      %mul3A_980 = arith.mulf %gather3A_975, %gather3A_979 : vector<16xf32>
      %add3A_981 = arith.addf %add3A_971, %mul3A_980 : vector<16xf32>
      %add3A_982 = arith.constant 13 : i32
      %add3A_983 = vector.broadcast %add3A_982 : i32 to vector<16xi32>
      %add3A_984 = arith.addi %mul3A_824, %add3A_983 : vector<16xi32>
      %gather3A_985 = tpu.vector_load_idx %arg14[%add3A_834, %add3A_984] : memref<128x128xf32, #tpu.memory_space<vmem>>[vector<16xi32>, vector<16xi32>], vector<16xf32>,
      %add3A_986 = arith.constant 13 : i32
      %add3A_987 = vector.broadcast %add3A_986 : i32 to vector<16xi32>
      %add3A_988 = arith.addi %mul3A_830, %add3A_987 : vector<16xi32>
      %gather3A_989 = tpu.vector_load_idx %arg15[%add3A_834, %add3A_988] : memref<128x128xf32, #tpu.memory_space<vmem>>[vector<16xi32>, vector<16xi32>], vector<16xf32>,
      %mul3A_990 = arith.mulf %gather3A_985, %gather3A_989 : vector<16xf32>
      %add3A_991 = arith.addf %add3A_981, %mul3A_990 : vector<16xf32>
      %add3A_992 = arith.constant 14 : i32
      %add3A_993 = vector.broadcast %add3A_992 : i32 to vector<16xi32>
      %add3A_994 = arith.addi %mul3A_824, %add3A_993 : vector<16xi32>
      %gather3A_995 = tpu.vector_load_idx %arg14[%add3A_834, %add3A_994] : memref<128x128xf32, #tpu.memory_space<vmem>>[vector<16xi32>, vector<16xi32>], vector<16xf32>,
      %add3A_996 = arith.constant 14 : i32
      %add3A_997 = vector.broadcast %add3A_996 : i32 to vector<16xi32>
      %add3A_998 = arith.addi %mul3A_830, %add3A_997 : vector<16xi32>
      %gather3A_999 = tpu.vector_load_idx %arg15[%add3A_834, %add3A_998] : memref<128x128xf32, #tpu.memory_space<vmem>>[vector<16xi32>, vector<16xi32>], vector<16xf32>,
      %mul3A_1000 = arith.mulf %gather3A_995, %gather3A_999 : vector<16xf32>
      %add3A_1001 = arith.addf %add3A_991, %mul3A_1000 : vector<16xf32>
      %add3A_1002 = arith.constant 15 : i32
      %add3A_1003 = vector.broadcast %add3A_1002 : i32 to vector<16xi32>
      %add3A_1004 = arith.addi %mul3A_824, %add3A_1003 : vector<16xi32>
      %gather3A_1005 = tpu.vector_load_idx %arg14[%add3A_834, %add3A_1004] : memref<128x128xf32, #tpu.memory_space<vmem>>[vector<16xi32>, vector<16xi32>], vector<16xf32>,
      %add3A_1006 = arith.constant 15 : i32
      %add3A_1007 = vector.broadcast %add3A_1006 : i32 to vector<16xi32>
      %add3A_1008 = arith.addi %mul3A_830, %add3A_1007 : vector<16xi32>
      %gather3A_1009 = tpu.vector_load_idx %arg15[%add3A_834, %add3A_1008] : memref<128x128xf32, #tpu.memory_space<vmem>>[vector<16xi32>, vector<16xi32>], vector<16xf32>,
      %mul3A_1010 = arith.mulf %gather3A_1005, %gather3A_1009 : vector<16xf32>
      %add3A_1011 = arith.addf %add3A_1001, %mul3A_1010 : vector<16xf32>
      %add3A_1012 = arith.constant 16 : i32
      %add3A_1013 = vector.broadcast %add3A_1012 : i32 to vector<16xi32>
      %add3A_1014 = arith.addi %mul3A_824, %add3A_1013 : vector<16xi32>
      %gather3A_1015 = tpu.vector_load_idx %arg14[%add3A_834, %add3A_1014] : memref<128x128xf32, #tpu.memory_space<vmem>>[vector<16xi32>, vector<16xi32>], vector<16xf32>,
      %add3A_1016 = arith.constant 16 : i32
      %add3A_1017 = vector.broadcast %add3A_1016 : i32 to vector<16xi32>
      %add3A_1018 = arith.addi %mul3A_830, %add3A_1017 : vector<16xi32>
      %gather3A_1019 = tpu.vector_load_idx %arg15[%add3A_834, %add3A_1018] : memref<128x128xf32, #tpu.memory_space<vmem>>[vector<16xi32>, vector<16xi32>], vector<16xf32>,
      %mul3A_1020 = arith.mulf %gather3A_1015, %gather3A_1019 : vector<16xf32>
      %add3A_1021 = arith.addf %add3A_1011, %mul3A_1020 : vector<16xf32>
      %add3A_1022 = arith.constant 17 : i32
      %add3A_1023 = vector.broadcast %add3A_1022 : i32 to vector<16xi32>
      %add3A_1024 = arith.addi %mul3A_824, %add3A_1023 : vector<16xi32>
      %gather3A_1025 = tpu.vector_load_idx %arg14[%add3A_834, %add3A_1024] : memref<128x128xf32, #tpu.memory_space<vmem>>[vector<16xi32>, vector<16xi32>], vector<16xf32>,
      %add3A_1026 = arith.constant 17 : i32
      %add3A_1027 = vector.broadcast %add3A_1026 : i32 to vector<16xi32>
      %add3A_1028 = arith.addi %mul3A_830, %add3A_1027 : vector<16xi32>
      %gather3A_1029 = tpu.vector_load_idx %arg15[%add3A_834, %add3A_1028] : memref<128x128xf32, #tpu.memory_space<vmem>>[vector<16xi32>, vector<16xi32>], vector<16xf32>,
      %mul3A_1030 = arith.mulf %gather3A_1025, %gather3A_1029 : vector<16xf32>
      %add3A_1031 = arith.addf %add3A_1021, %mul3A_1030 : vector<16xf32>
      %add3A_1032 = arith.constant 18 : i32
      %add3A_1033 = vector.broadcast %add3A_1032 : i32 to vector<16xi32>
      %add3A_1034 = arith.addi %mul3A_824, %add3A_1033 : vector<16xi32>
      %gather3A_1035 = tpu.vector_load_idx %arg14[%add3A_834, %add3A_1034] : memref<128x128xf32, #tpu.memory_space<vmem>>[vector<16xi32>, vector<16xi32>], vector<16xf32>,
      %add3A_1036 = arith.constant 18 : i32
      %add3A_1037 = vector.broadcast %add3A_1036 : i32 to vector<16xi32>
      %add3A_1038 = arith.addi %mul3A_830, %add3A_1037 : vector<16xi32>
      %gather3A_1039 = tpu.vector_load_idx %arg15[%add3A_834, %add3A_1038] : memref<128x128xf32, #tpu.memory_space<vmem>>[vector<16xi32>, vector<16xi32>], vector<16xf32>,
      %mul3A_1040 = arith.mulf %gather3A_1035, %gather3A_1039 : vector<16xf32>
      %add3A_1041 = arith.addf %add3A_1031, %mul3A_1040 : vector<16xf32>
      %add3A_1042 = arith.constant 19 : i32
      %add3A_1043 = vector.broadcast %add3A_1042 : i32 to vector<16xi32>
      %add3A_1044 = arith.addi %mul3A_824, %add3A_1043 : vector<16xi32>
      %gather3A_1045 = tpu.vector_load_idx %arg14[%add3A_834, %add3A_1044] : memref<128x128xf32, #tpu.memory_space<vmem>>[vector<16xi32>, vector<16xi32>], vector<16xf32>,
      %add3A_1046 = arith.constant 19 : i32
      %add3A_1047 = vector.broadcast %add3A_1046 : i32 to vector<16xi32>
      %add3A_1048 = arith.addi %mul3A_830, %add3A_1047 : vector<16xi32>
      %gather3A_1049 = tpu.vector_load_idx %arg15[%add3A_834, %add3A_1048] : memref<128x128xf32, #tpu.memory_space<vmem>>[vector<16xi32>, vector<16xi32>], vector<16xf32>,
      %mul3A_1050 = arith.mulf %gather3A_1045, %gather3A_1049 : vector<16xf32>
      %add3A_1051 = arith.addf %add3A_1041, %mul3A_1050 : vector<16xf32>
      %add3A_1052 = arith.constant 20 : i32
      %add3A_1053 = vector.broadcast %add3A_1052 : i32 to vector<16xi32>
      %add3A_1054 = arith.addi %mul3A_824, %add3A_1053 : vector<16xi32>
      %gather3A_1055 = tpu.vector_load_idx %arg14[%add3A_834, %add3A_1054] : memref<128x128xf32, #tpu.memory_space<vmem>>[vector<16xi32>, vector<16xi32>], vector<16xf32>,
      %add3A_1056 = arith.constant 20 : i32
      %add3A_1057 = vector.broadcast %add3A_1056 : i32 to vector<16xi32>
      %add3A_1058 = arith.addi %mul3A_830, %add3A_1057 : vector<16xi32>
      %gather3A_1059 = tpu.vector_load_idx %arg15[%add3A_834, %add3A_1058] : memref<128x128xf32, #tpu.memory_space<vmem>>[vector<16xi32>, vector<16xi32>], vector<16xf32>,
      %mul3A_1060 = arith.mulf %gather3A_1055, %gather3A_1059 : vector<16xf32>
      %add3A_1061 = arith.addf %add3A_1051, %mul3A_1060 : vector<16xf32>
      %add3A_1062 = arith.constant 21 : i32
      %add3A_1063 = vector.broadcast %add3A_1062 : i32 to vector<16xi32>
      %add3A_1064 = arith.addi %mul3A_824, %add3A_1063 : vector<16xi32>
      %gather3A_1065 = tpu.vector_load_idx %arg14[%add3A_834, %add3A_1064] : memref<128x128xf32, #tpu.memory_space<vmem>>[vector<16xi32>, vector<16xi32>], vector<16xf32>,
      %add3A_1066 = arith.constant 21 : i32
      %add3A_1067 = vector.broadcast %add3A_1066 : i32 to vector<16xi32>
      %add3A_1068 = arith.addi %mul3A_830, %add3A_1067 : vector<16xi32>
      %gather3A_1069 = tpu.vector_load_idx %arg15[%add3A_834, %add3A_1068] : memref<128x128xf32, #tpu.memory_space<vmem>>[vector<16xi32>, vector<16xi32>], vector<16xf32>,
      %mul3A_1070 = arith.mulf %gather3A_1065, %gather3A_1069 : vector<16xf32>
      %add3A_1071 = arith.addf %add3A_1061, %mul3A_1070 : vector<16xf32>
      %add3A_1072 = arith.constant 22 : i32
      %add3A_1073 = vector.broadcast %add3A_1072 : i32 to vector<16xi32>
      %add3A_1074 = arith.addi %mul3A_824, %add3A_1073 : vector<16xi32>
      %gather3A_1075 = tpu.vector_load_idx %arg14[%add3A_834, %add3A_1074] : memref<128x128xf32, #tpu.memory_space<vmem>>[vector<16xi32>, vector<16xi32>], vector<16xf32>,
      %add3A_1076 = arith.constant 22 : i32
      %add3A_1077 = vector.broadcast %add3A_1076 : i32 to vector<16xi32>
      %add3A_1078 = arith.addi %mul3A_830, %add3A_1077 : vector<16xi32>
      %gather3A_1079 = tpu.vector_load_idx %arg15[%add3A_834, %add3A_1078] : memref<128x128xf32, #tpu.memory_space<vmem>>[vector<16xi32>, vector<16xi32>], vector<16xf32>,
      %mul3A_1080 = arith.mulf %gather3A_1075, %gather3A_1079 : vector<16xf32>
      %add3A_1081 = arith.addf %add3A_1071, %mul3A_1080 : vector<16xf32>
      %add3A_1082 = arith.constant 23 : i32
      %add3A_1083 = vector.broadcast %add3A_1082 : i32 to vector<16xi32>
      %add3A_1084 = arith.addi %mul3A_824, %add3A_1083 : vector<16xi32>
      %gather3A_1085 = tpu.vector_load_idx %arg14[%add3A_834, %add3A_1084] : memref<128x128xf32, #tpu.memory_space<vmem>>[vector<16xi32>, vector<16xi32>], vector<16xf32>,
      %add3A_1086 = arith.constant 23 : i32
      %add3A_1087 = vector.broadcast %add3A_1086 : i32 to vector<16xi32>
      %add3A_1088 = arith.addi %mul3A_830, %add3A_1087 : vector<16xi32>
      %gather3A_1089 = tpu.vector_load_idx %arg15[%add3A_834, %add3A_1088] : memref<128x128xf32, #tpu.memory_space<vmem>>[vector<16xi32>, vector<16xi32>], vector<16xf32>,
      %mul3A_1090 = arith.mulf %gather3A_1085, %gather3A_1089 : vector<16xf32>
      %add3A_1091 = arith.addf %add3A_1081, %mul3A_1090 : vector<16xf32>
      %add3A_1092 = arith.constant 24 : i32
      %add3A_1093 = vector.broadcast %add3A_1092 : i32 to vector<16xi32>
      %add3A_1094 = arith.addi %mul3A_824, %add3A_1093 : vector<16xi32>
      %gather3A_1095 = tpu.vector_load_idx %arg14[%add3A_834, %add3A_1094] : memref<128x128xf32, #tpu.memory_space<vmem>>[vector<16xi32>, vector<16xi32>], vector<16xf32>,
      %add3A_1096 = arith.constant 24 : i32
      %add3A_1097 = vector.broadcast %add3A_1096 : i32 to vector<16xi32>
      %add3A_1098 = arith.addi %mul3A_830, %add3A_1097 : vector<16xi32>
      %gather3A_1099 = tpu.vector_load_idx %arg15[%add3A_834, %add3A_1098] : memref<128x128xf32, #tpu.memory_space<vmem>>[vector<16xi32>, vector<16xi32>], vector<16xf32>,
      %mul3A_1100 = arith.mulf %gather3A_1095, %gather3A_1099 : vector<16xf32>
      %add3A_1101 = arith.addf %add3A_1091, %mul3A_1100 : vector<16xf32>
      %add3A_1102 = arith.constant 25 : i32
      %add3A_1103 = vector.broadcast %add3A_1102 : i32 to vector<16xi32>
      %add3A_1104 = arith.addi %mul3A_824, %add3A_1103 : vector<16xi32>
      %gather3A_1105 = tpu.vector_load_idx %arg14[%add3A_834, %add3A_1104] : memref<128x128xf32, #tpu.memory_space<vmem>>[vector<16xi32>, vector<16xi32>], vector<16xf32>,
      %add3A_1106 = arith.constant 25 : i32
      %add3A_1107 = vector.broadcast %add3A_1106 : i32 to vector<16xi32>
      %add3A_1108 = arith.addi %mul3A_830, %add3A_1107 : vector<16xi32>
      %gather3A_1109 = tpu.vector_load_idx %arg15[%add3A_834, %add3A_1108] : memref<128x128xf32, #tpu.memory_space<vmem>>[vector<16xi32>, vector<16xi32>], vector<16xf32>,
      %mul3A_1110 = arith.mulf %gather3A_1105, %gather3A_1109 : vector<16xf32>
      %add3A_1111 = arith.addf %add3A_1101, %mul3A_1110 : vector<16xf32>
      %add3A_1112 = arith.constant 26 : i32
      %add3A_1113 = vector.broadcast %add3A_1112 : i32 to vector<16xi32>
      %add3A_1114 = arith.addi %mul3A_824, %add3A_1113 : vector<16xi32>
      %gather3A_1115 = tpu.vector_load_idx %arg14[%add3A_834, %add3A_1114] : memref<128x128xf32, #tpu.memory_space<vmem>>[vector<16xi32>, vector<16xi32>], vector<16xf32>,
      %add3A_1116 = arith.constant 26 : i32
      %add3A_1117 = vector.broadcast %add3A_1116 : i32 to vector<16xi32>
      %add3A_1118 = arith.addi %mul3A_830, %add3A_1117 : vector<16xi32>
      %gather3A_1119 = tpu.vector_load_idx %arg15[%add3A_834, %add3A_1118] : memref<128x128xf32, #tpu.memory_space<vmem>>[vector<16xi32>, vector<16xi32>], vector<16xf32>,
      %mul3A_1120 = arith.mulf %gather3A_1115, %gather3A_1119 : vector<16xf32>
      %add3A_1121 = arith.addf %add3A_1111, %mul3A_1120 : vector<16xf32>
      %add3A_1122 = arith.constant 27 : i32
      %add3A_1123 = vector.broadcast %add3A_1122 : i32 to vector<16xi32>
      %add3A_1124 = arith.addi %mul3A_824, %add3A_1123 : vector<16xi32>
      %gather3A_1125 = tpu.vector_load_idx %arg14[%add3A_834, %add3A_1124] : memref<128x128xf32, #tpu.memory_space<vmem>>[vector<16xi32>, vector<16xi32>], vector<16xf32>,
      %add3A_1126 = arith.constant 27 : i32
      %add3A_1127 = vector.broadcast %add3A_1126 : i32 to vector<16xi32>
      %add3A_1128 = arith.addi %mul3A_830, %add3A_1127 : vector<16xi32>
      %gather3A_1129 = tpu.vector_load_idx %arg15[%add3A_834, %add3A_1128] : memref<128x128xf32, #tpu.memory_space<vmem>>[vector<16xi32>, vector<16xi32>], vector<16xf32>,
      %mul3A_1130 = arith.mulf %gather3A_1125, %gather3A_1129 : vector<16xf32>
      %add3A_1131 = arith.addf %add3A_1121, %mul3A_1130 : vector<16xf32>
      %add3A_1132 = arith.constant 28 : i32
      %add3A_1133 = vector.broadcast %add3A_1132 : i32 to vector<16xi32>
      %add3A_1134 = arith.addi %mul3A_824, %add3A_1133 : vector<16xi32>
      %gather3A_1135 = tpu.vector_load_idx %arg14[%add3A_834, %add3A_1134] : memref<128x128xf32, #tpu.memory_space<vmem>>[vector<16xi32>, vector<16xi32>], vector<16xf32>,
      %add3A_1136 = arith.constant 28 : i32
      %add3A_1137 = vector.broadcast %add3A_1136 : i32 to vector<16xi32>
      %add3A_1138 = arith.addi %mul3A_830, %add3A_1137 : vector<16xi32>
      %gather3A_1139 = tpu.vector_load_idx %arg15[%add3A_834, %add3A_1138] : memref<128x128xf32, #tpu.memory_space<vmem>>[vector<16xi32>, vector<16xi32>], vector<16xf32>,
      %mul3A_1140 = arith.mulf %gather3A_1135, %gather3A_1139 : vector<16xf32>
      %add3A_1141 = arith.addf %add3A_1131, %mul3A_1140 : vector<16xf32>
      %add3A_1142 = arith.constant 29 : i32
      %add3A_1143 = vector.broadcast %add3A_1142 : i32 to vector<16xi32>
      %add3A_1144 = arith.addi %mul3A_824, %add3A_1143 : vector<16xi32>
      %gather3A_1145 = tpu.vector_load_idx %arg14[%add3A_834, %add3A_1144] : memref<128x128xf32, #tpu.memory_space<vmem>>[vector<16xi32>, vector<16xi32>], vector<16xf32>,
      %add3A_1146 = arith.constant 29 : i32
      %add3A_1147 = vector.broadcast %add3A_1146 : i32 to vector<16xi32>
      %add3A_1148 = arith.addi %mul3A_830, %add3A_1147 : vector<16xi32>
      %gather3A_1149 = tpu.vector_load_idx %arg15[%add3A_834, %add3A_1148] : memref<128x128xf32, #tpu.memory_space<vmem>>[vector<16xi32>, vector<16xi32>], vector<16xf32>,
      %mul3A_1150 = arith.mulf %gather3A_1145, %gather3A_1149 : vector<16xf32>
      %add3A_1151 = arith.addf %add3A_1141, %mul3A_1150 : vector<16xf32>
      %add3A_1152 = arith.constant 30 : i32
      %add3A_1153 = vector.broadcast %add3A_1152 : i32 to vector<16xi32>
      %add3A_1154 = arith.addi %mul3A_824, %add3A_1153 : vector<16xi32>
      %gather3A_1155 = tpu.vector_load_idx %arg14[%add3A_834, %add3A_1154] : memref<128x128xf32, #tpu.memory_space<vmem>>[vector<16xi32>, vector<16xi32>], vector<16xf32>,
      %add3A_1156 = arith.constant 30 : i32
      %add3A_1157 = vector.broadcast %add3A_1156 : i32 to vector<16xi32>
      %add3A_1158 = arith.addi %mul3A_830, %add3A_1157 : vector<16xi32>
      %gather3A_1159 = tpu.vector_load_idx %arg15[%add3A_834, %add3A_1158] : memref<128x128xf32, #tpu.memory_space<vmem>>[vector<16xi32>, vector<16xi32>], vector<16xf32>,
      %mul3A_1160 = arith.mulf %gather3A_1155, %gather3A_1159 : vector<16xf32>
      %add3A_1161 = arith.addf %add3A_1151, %mul3A_1160 : vector<16xf32>
      %add3A_1162 = arith.constant 31 : i32
      %add3A_1163 = vector.broadcast %add3A_1162 : i32 to vector<16xi32>
      %add3A_1164 = arith.addi %mul3A_824, %add3A_1163 : vector<16xi32>
      %gather3A_1165 = tpu.vector_load_idx %arg14[%add3A_834, %add3A_1164] : memref<128x128xf32, #tpu.memory_space<vmem>>[vector<16xi32>, vector<16xi32>], vector<16xf32>,
      %add3A_1166 = arith.constant 31 : i32
      %add3A_1167 = vector.broadcast %add3A_1166 : i32 to vector<16xi32>
      %add3A_1168 = arith.addi %mul3A_830, %add3A_1167 : vector<16xi32>
      %gather3A_1169 = tpu.vector_load_idx %arg15[%add3A_834, %add3A_1168] : memref<128x128xf32, #tpu.memory_space<vmem>>[vector<16xi32>, vector<16xi32>], vector<16xf32>,
      %mul3A_1170 = arith.mulf %gather3A_1165, %gather3A_1169 : vector<16xf32>
      %add3A_1171 = arith.addf %add3A_1161, %mul3A_1170 : vector<16xf32>
      %swap3A_1172 = arith.index_cast %multiple_of3A_814 : i32 to index
      %swap3A_1173 = tpu.vector_load %arg18[%swap3A_1172] {strides = array<i32>} : memref<512xf32, #tpu.memory_space<vmem>>, vector<16xf32>,
      tpu.vector_store %arg18[%swap3A_1172], %add3A_1171 {strides = array<i32>} : memref<512xf32, #tpu.memory_space<vmem>>, vector<16xf32>,
      %add3A_1174 = arith.constant 48 : i32
      %add3A_1175 = arith.addi %multiple_of3A, %add3A_1174 : i32
      %multiple_of3A_1176 = tpu.assume_multiple %add3A_1175, 16 : i32
      %get3A_1177 = arith.index_cast %multiple_of3A_1176 : i32 to index
      %get3A_1178 = tpu.vector_load %arg9[%get3A_1177] {strides = array<i32>} : memref<512xi32, #tpu.memory_space<vmem>>, vector<16xi32>,
      %get3A_1179 = arith.index_cast %multiple_of3A_1176 : i32 to index
      %get3A_1180 = tpu.vector_load %arg10[%get3A_1179] {strides = array<i32>} : memref<512xi32, #tpu.memory_space<vmem>>, vector<16xi32>,
      %and3A_1181 = arith.constant 3 : i32
      %and3A_1182 = vector.broadcast %and3A_1181 : i32 to vector<16xi32>
      %and3A_1183 = arith.andi %get3A_1178, %and3A_1182 : vector<16xi32>
      %mul3A_1184 = arith.constant 32 : i32
      %mul3A_1185 = vector.broadcast %mul3A_1184 : i32 to vector<16xi32>
      %mul3A_1186 = arith.muli %and3A_1183, %mul3A_1185 : vector<16xi32>
      %and3A_1187 = arith.constant 3 : i32
      %and3A_1188 = vector.broadcast %and3A_1187 : i32 to vector<16xi32>
      %and3A_1189 = arith.andi %get3A_1180, %and3A_1188 : vector<16xi32>
      %mul3A_1190 = arith.constant 32 : i32
      %mul3A_1191 = vector.broadcast %mul3A_1190 : i32 to vector<16xi32>
      %mul3A_1192 = arith.muli %and3A_1189, %mul3A_1191 : vector<16xi32>
      %iota3A_1193 = tpu.iota {dimensions = array<i32: 0>} : vector<16xi32>
      %add3A_1194 = arith.constant 48 : i32
      %add3A_1195 = vector.broadcast %add3A_1194 : i32 to vector<16xi32>
      %add3A_1196 = arith.addi %iota3A_1193, %add3A_1195 : vector<16xi32>
      %add3A_1197 = vector.broadcast %multiple_of3A : i32 to vector<16xi32>
      %add3A_1198 = arith.addi %add3A_1197, %add3A_1196 : vector<16xi32>
      %and3A_1199 = arith.constant 127 : i32
      %and3A_1200 = vector.broadcast %and3A_1199 : i32 to vector<16xi32>
      %and3A_1201 = arith.andi %get3A_1180, %and3A_1200 : vector<16xi32>
      %gather3A_1202 = tpu.vector_load_idx %arg16[%add3A_1198, %and3A_1201] : memref<512x128xf32, #tpu.memory_space<vmem>>[vector<16xi32>, vector<16xi32>], vector<16xf32>,
      %sub3A_1203 = arith.constant 999936 : i32
      %sub3A_1204 = vector.broadcast %sub3A_1203 : i32 to vector<16xi32>
      %sub3A_1205 = arith.subi %get3A_1180, %sub3A_1204 : vector<16xi32>
      %max3A_1206 = arith.constant 0 : i32
      %max3A_1207 = vector.broadcast %max3A_1206 : i32 to vector<16xi32>
      %max3A_1208 = arith.maxsi %sub3A_1205, %max3A_1207 : vector<16xi32>
      %gather3A_1209 = tpu.vector_load_idx %arg17[%max3A_1208] : memref<64xf32, #tpu.memory_space<vmem>>[vector<16xi32>], vector<16xf32>,
      %ge3A_1210 = arith.constant 999936 : i32
      %ge3A_1211 = vector.broadcast %ge3A_1210 : i32 to vector<16xi32>
      %ge3A_1212 = arith.cmpi sge, %get3A_1180, %ge3A_1211 : vector<16xi32>
      %select_n3A_1213 = arith.select %ge3A_1212, %gather3A_1209, %gather3A_1202 : vector<16xi1>, vector<16xf32>
      %add3A_1214 = arith.constant 0 : i32
      %add3A_1215 = vector.broadcast %add3A_1214 : i32 to vector<16xi32>
      %add3A_1216 = arith.addi %mul3A_1186, %add3A_1215 : vector<16xi32>
      %gather3A_1217 = tpu.vector_load_idx %arg14[%add3A_1196, %add3A_1216] : memref<128x128xf32, #tpu.memory_space<vmem>>[vector<16xi32>, vector<16xi32>], vector<16xf32>,
      %add3A_1218 = arith.constant 0 : i32
      %add3A_1219 = vector.broadcast %add3A_1218 : i32 to vector<16xi32>
      %add3A_1220 = arith.addi %mul3A_1192, %add3A_1219 : vector<16xi32>
      %gather3A_1221 = tpu.vector_load_idx %arg15[%add3A_1196, %add3A_1220] : memref<128x128xf32, #tpu.memory_space<vmem>>[vector<16xi32>, vector<16xi32>], vector<16xf32>,
      %mul3A_1222 = arith.mulf %gather3A_1217, %gather3A_1221 : vector<16xf32>
      %add3A_1223 = arith.addf %select_n3A_1213, %mul3A_1222 : vector<16xf32>
      %add3A_1224 = arith.constant 1 : i32
      %add3A_1225 = vector.broadcast %add3A_1224 : i32 to vector<16xi32>
      %add3A_1226 = arith.addi %mul3A_1186, %add3A_1225 : vector<16xi32>
      %gather3A_1227 = tpu.vector_load_idx %arg14[%add3A_1196, %add3A_1226] : memref<128x128xf32, #tpu.memory_space<vmem>>[vector<16xi32>, vector<16xi32>], vector<16xf32>,
      %add3A_1228 = arith.constant 1 : i32
      %add3A_1229 = vector.broadcast %add3A_1228 : i32 to vector<16xi32>
      %add3A_1230 = arith.addi %mul3A_1192, %add3A_1229 : vector<16xi32>
      %gather3A_1231 = tpu.vector_load_idx %arg15[%add3A_1196, %add3A_1230] : memref<128x128xf32, #tpu.memory_space<vmem>>[vector<16xi32>, vector<16xi32>], vector<16xf32>,
      %mul3A_1232 = arith.mulf %gather3A_1227, %gather3A_1231 : vector<16xf32>
      %add3A_1233 = arith.addf %add3A_1223, %mul3A_1232 : vector<16xf32>
      %add3A_1234 = arith.constant 2 : i32
      %add3A_1235 = vector.broadcast %add3A_1234 : i32 to vector<16xi32>
      %add3A_1236 = arith.addi %mul3A_1186, %add3A_1235 : vector<16xi32>
      %gather3A_1237 = tpu.vector_load_idx %arg14[%add3A_1196, %add3A_1236] : memref<128x128xf32, #tpu.memory_space<vmem>>[vector<16xi32>, vector<16xi32>], vector<16xf32>,
      %add3A_1238 = arith.constant 2 : i32
      %add3A_1239 = vector.broadcast %add3A_1238 : i32 to vector<16xi32>
      %add3A_1240 = arith.addi %mul3A_1192, %add3A_1239 : vector<16xi32>
      %gather3A_1241 = tpu.vector_load_idx %arg15[%add3A_1196, %add3A_1240] : memref<128x128xf32, #tpu.memory_space<vmem>>[vector<16xi32>, vector<16xi32>], vector<16xf32>,
      %mul3A_1242 = arith.mulf %gather3A_1237, %gather3A_1241 : vector<16xf32>
      %add3A_1243 = arith.addf %add3A_1233, %mul3A_1242 : vector<16xf32>
      %add3A_1244 = arith.constant 3 : i32
      %add3A_1245 = vector.broadcast %add3A_1244 : i32 to vector<16xi32>
      %add3A_1246 = arith.addi %mul3A_1186, %add3A_1245 : vector<16xi32>
      %gather3A_1247 = tpu.vector_load_idx %arg14[%add3A_1196, %add3A_1246] : memref<128x128xf32, #tpu.memory_space<vmem>>[vector<16xi32>, vector<16xi32>], vector<16xf32>,
      %add3A_1248 = arith.constant 3 : i32
      %add3A_1249 = vector.broadcast %add3A_1248 : i32 to vector<16xi32>
      %add3A_1250 = arith.addi %mul3A_1192, %add3A_1249 : vector<16xi32>
      %gather3A_1251 = tpu.vector_load_idx %arg15[%add3A_1196, %add3A_1250] : memref<128x128xf32, #tpu.memory_space<vmem>>[vector<16xi32>, vector<16xi32>], vector<16xf32>,
      %mul3A_1252 = arith.mulf %gather3A_1247, %gather3A_1251 : vector<16xf32>
      %add3A_1253 = arith.addf %add3A_1243, %mul3A_1252 : vector<16xf32>
      %add3A_1254 = arith.constant 4 : i32
      %add3A_1255 = vector.broadcast %add3A_1254 : i32 to vector<16xi32>
      %add3A_1256 = arith.addi %mul3A_1186, %add3A_1255 : vector<16xi32>
      %gather3A_1257 = tpu.vector_load_idx %arg14[%add3A_1196, %add3A_1256] : memref<128x128xf32, #tpu.memory_space<vmem>>[vector<16xi32>, vector<16xi32>], vector<16xf32>,
      %add3A_1258 = arith.constant 4 : i32
      %add3A_1259 = vector.broadcast %add3A_1258 : i32 to vector<16xi32>
      %add3A_1260 = arith.addi %mul3A_1192, %add3A_1259 : vector<16xi32>
      %gather3A_1261 = tpu.vector_load_idx %arg15[%add3A_1196, %add3A_1260] : memref<128x128xf32, #tpu.memory_space<vmem>>[vector<16xi32>, vector<16xi32>], vector<16xf32>,
      %mul3A_1262 = arith.mulf %gather3A_1257, %gather3A_1261 : vector<16xf32>
      %add3A_1263 = arith.addf %add3A_1253, %mul3A_1262 : vector<16xf32>
      %add3A_1264 = arith.constant 5 : i32
      %add3A_1265 = vector.broadcast %add3A_1264 : i32 to vector<16xi32>
      %add3A_1266 = arith.addi %mul3A_1186, %add3A_1265 : vector<16xi32>
      %gather3A_1267 = tpu.vector_load_idx %arg14[%add3A_1196, %add3A_1266] : memref<128x128xf32, #tpu.memory_space<vmem>>[vector<16xi32>, vector<16xi32>], vector<16xf32>,
      %add3A_1268 = arith.constant 5 : i32
      %add3A_1269 = vector.broadcast %add3A_1268 : i32 to vector<16xi32>
      %add3A_1270 = arith.addi %mul3A_1192, %add3A_1269 : vector<16xi32>
      %gather3A_1271 = tpu.vector_load_idx %arg15[%add3A_1196, %add3A_1270] : memref<128x128xf32, #tpu.memory_space<vmem>>[vector<16xi32>, vector<16xi32>], vector<16xf32>,
      %mul3A_1272 = arith.mulf %gather3A_1267, %gather3A_1271 : vector<16xf32>
      %add3A_1273 = arith.addf %add3A_1263, %mul3A_1272 : vector<16xf32>
      %add3A_1274 = arith.constant 6 : i32
      %add3A_1275 = vector.broadcast %add3A_1274 : i32 to vector<16xi32>
      %add3A_1276 = arith.addi %mul3A_1186, %add3A_1275 : vector<16xi32>
      %gather3A_1277 = tpu.vector_load_idx %arg14[%add3A_1196, %add3A_1276] : memref<128x128xf32, #tpu.memory_space<vmem>>[vector<16xi32>, vector<16xi32>], vector<16xf32>,
      %add3A_1278 = arith.constant 6 : i32
      %add3A_1279 = vector.broadcast %add3A_1278 : i32 to vector<16xi32>
      %add3A_1280 = arith.addi %mul3A_1192, %add3A_1279 : vector<16xi32>
      %gather3A_1281 = tpu.vector_load_idx %arg15[%add3A_1196, %add3A_1280] : memref<128x128xf32, #tpu.memory_space<vmem>>[vector<16xi32>, vector<16xi32>], vector<16xf32>,
      %mul3A_1282 = arith.mulf %gather3A_1277, %gather3A_1281 : vector<16xf32>
      %add3A_1283 = arith.addf %add3A_1273, %mul3A_1282 : vector<16xf32>
      %add3A_1284 = arith.constant 7 : i32
      %add3A_1285 = vector.broadcast %add3A_1284 : i32 to vector<16xi32>
      %add3A_1286 = arith.addi %mul3A_1186, %add3A_1285 : vector<16xi32>
      %gather3A_1287 = tpu.vector_load_idx %arg14[%add3A_1196, %add3A_1286] : memref<128x128xf32, #tpu.memory_space<vmem>>[vector<16xi32>, vector<16xi32>], vector<16xf32>,
      %add3A_1288 = arith.constant 7 : i32
      %add3A_1289 = vector.broadcast %add3A_1288 : i32 to vector<16xi32>
      %add3A_1290 = arith.addi %mul3A_1192, %add3A_1289 : vector<16xi32>
      %gather3A_1291 = tpu.vector_load_idx %arg15[%add3A_1196, %add3A_1290] : memref<128x128xf32, #tpu.memory_space<vmem>>[vector<16xi32>, vector<16xi32>], vector<16xf32>,
      %mul3A_1292 = arith.mulf %gather3A_1287, %gather3A_1291 : vector<16xf32>
      %add3A_1293 = arith.addf %add3A_1283, %mul3A_1292 : vector<16xf32>
      %add3A_1294 = arith.constant 8 : i32
      %add3A_1295 = vector.broadcast %add3A_1294 : i32 to vector<16xi32>
      %add3A_1296 = arith.addi %mul3A_1186, %add3A_1295 : vector<16xi32>
      %gather3A_1297 = tpu.vector_load_idx %arg14[%add3A_1196, %add3A_1296] : memref<128x128xf32, #tpu.memory_space<vmem>>[vector<16xi32>, vector<16xi32>], vector<16xf32>,
      %add3A_1298 = arith.constant 8 : i32
      %add3A_1299 = vector.broadcast %add3A_1298 : i32 to vector<16xi32>
      %add3A_1300 = arith.addi %mul3A_1192, %add3A_1299 : vector<16xi32>
      %gather3A_1301 = tpu.vector_load_idx %arg15[%add3A_1196, %add3A_1300] : memref<128x128xf32, #tpu.memory_space<vmem>>[vector<16xi32>, vector<16xi32>], vector<16xf32>,
      %mul3A_1302 = arith.mulf %gather3A_1297, %gather3A_1301 : vector<16xf32>
      %add3A_1303 = arith.addf %add3A_1293, %mul3A_1302 : vector<16xf32>
      %add3A_1304 = arith.constant 9 : i32
      %add3A_1305 = vector.broadcast %add3A_1304 : i32 to vector<16xi32>
      %add3A_1306 = arith.addi %mul3A_1186, %add3A_1305 : vector<16xi32>
      %gather3A_1307 = tpu.vector_load_idx %arg14[%add3A_1196, %add3A_1306] : memref<128x128xf32, #tpu.memory_space<vmem>>[vector<16xi32>, vector<16xi32>], vector<16xf32>,
      %add3A_1308 = arith.constant 9 : i32
      %add3A_1309 = vector.broadcast %add3A_1308 : i32 to vector<16xi32>
      %add3A_1310 = arith.addi %mul3A_1192, %add3A_1309 : vector<16xi32>
      %gather3A_1311 = tpu.vector_load_idx %arg15[%add3A_1196, %add3A_1310] : memref<128x128xf32, #tpu.memory_space<vmem>>[vector<16xi32>, vector<16xi32>], vector<16xf32>,
      %mul3A_1312 = arith.mulf %gather3A_1307, %gather3A_1311 : vector<16xf32>
      %add3A_1313 = arith.addf %add3A_1303, %mul3A_1312 : vector<16xf32>
      %add3A_1314 = arith.constant 10 : i32
      %add3A_1315 = vector.broadcast %add3A_1314 : i32 to vector<16xi32>
      %add3A_1316 = arith.addi %mul3A_1186, %add3A_1315 : vector<16xi32>
      %gather3A_1317 = tpu.vector_load_idx %arg14[%add3A_1196, %add3A_1316] : memref<128x128xf32, #tpu.memory_space<vmem>>[vector<16xi32>, vector<16xi32>], vector<16xf32>,
      %add3A_1318 = arith.constant 10 : i32
      %add3A_1319 = vector.broadcast %add3A_1318 : i32 to vector<16xi32>
      %add3A_1320 = arith.addi %mul3A_1192, %add3A_1319 : vector<16xi32>
      %gather3A_1321 = tpu.vector_load_idx %arg15[%add3A_1196, %add3A_1320] : memref<128x128xf32, #tpu.memory_space<vmem>>[vector<16xi32>, vector<16xi32>], vector<16xf32>,
      %mul3A_1322 = arith.mulf %gather3A_1317, %gather3A_1321 : vector<16xf32>
      %add3A_1323 = arith.addf %add3A_1313, %mul3A_1322 : vector<16xf32>
      %add3A_1324 = arith.constant 11 : i32
      %add3A_1325 = vector.broadcast %add3A_1324 : i32 to vector<16xi32>
      %add3A_1326 = arith.addi %mul3A_1186, %add3A_1325 : vector<16xi32>
      %gather3A_1327 = tpu.vector_load_idx %arg14[%add3A_1196, %add3A_1326] : memref<128x128xf32, #tpu.memory_space<vmem>>[vector<16xi32>, vector<16xi32>], vector<16xf32>,
      %add3A_1328 = arith.constant 11 : i32
      %add3A_1329 = vector.broadcast %add3A_1328 : i32 to vector<16xi32>
      %add3A_1330 = arith.addi %mul3A_1192, %add3A_1329 : vector<16xi32>
      %gather3A_1331 = tpu.vector_load_idx %arg15[%add3A_1196, %add3A_1330] : memref<128x128xf32, #tpu.memory_space<vmem>>[vector<16xi32>, vector<16xi32>], vector<16xf32>,
      %mul3A_1332 = arith.mulf %gather3A_1327, %gather3A_1331 : vector<16xf32>
      %add3A_1333 = arith.addf %add3A_1323, %mul3A_1332 : vector<16xf32>
      %add3A_1334 = arith.constant 12 : i32
      %add3A_1335 = vector.broadcast %add3A_1334 : i32 to vector<16xi32>
      %add3A_1336 = arith.addi %mul3A_1186, %add3A_1335 : vector<16xi32>
      %gather3A_1337 = tpu.vector_load_idx %arg14[%add3A_1196, %add3A_1336] : memref<128x128xf32, #tpu.memory_space<vmem>>[vector<16xi32>, vector<16xi32>], vector<16xf32>,
      %add3A_1338 = arith.constant 12 : i32
      %add3A_1339 = vector.broadcast %add3A_1338 : i32 to vector<16xi32>
      %add3A_1340 = arith.addi %mul3A_1192, %add3A_1339 : vector<16xi32>
      %gather3A_1341 = tpu.vector_load_idx %arg15[%add3A_1196, %add3A_1340] : memref<128x128xf32, #tpu.memory_space<vmem>>[vector<16xi32>, vector<16xi32>], vector<16xf32>,
      %mul3A_1342 = arith.mulf %gather3A_1337, %gather3A_1341 : vector<16xf32>
      %add3A_1343 = arith.addf %add3A_1333, %mul3A_1342 : vector<16xf32>
      %add3A_1344 = arith.constant 13 : i32
      %add3A_1345 = vector.broadcast %add3A_1344 : i32 to vector<16xi32>
      %add3A_1346 = arith.addi %mul3A_1186, %add3A_1345 : vector<16xi32>
      %gather3A_1347 = tpu.vector_load_idx %arg14[%add3A_1196, %add3A_1346] : memref<128x128xf32, #tpu.memory_space<vmem>>[vector<16xi32>, vector<16xi32>], vector<16xf32>,
      %add3A_1348 = arith.constant 13 : i32
      %add3A_1349 = vector.broadcast %add3A_1348 : i32 to vector<16xi32>
      %add3A_1350 = arith.addi %mul3A_1192, %add3A_1349 : vector<16xi32>
      %gather3A_1351 = tpu.vector_load_idx %arg15[%add3A_1196, %add3A_1350] : memref<128x128xf32, #tpu.memory_space<vmem>>[vector<16xi32>, vector<16xi32>], vector<16xf32>,
      %mul3A_1352 = arith.mulf %gather3A_1347, %gather3A_1351 : vector<16xf32>
      %add3A_1353 = arith.addf %add3A_1343, %mul3A_1352 : vector<16xf32>
      %add3A_1354 = arith.constant 14 : i32
      %add3A_1355 = vector.broadcast %add3A_1354 : i32 to vector<16xi32>
      %add3A_1356 = arith.addi %mul3A_1186, %add3A_1355 : vector<16xi32>
      %gather3A_1357 = tpu.vector_load_idx %arg14[%add3A_1196, %add3A_1356] : memref<128x128xf32, #tpu.memory_space<vmem>>[vector<16xi32>, vector<16xi32>], vector<16xf32>,
      %add3A_1358 = arith.constant 14 : i32
      %add3A_1359 = vector.broadcast %add3A_1358 : i32 to vector<16xi32>
      %add3A_1360 = arith.addi %mul3A_1192, %add3A_1359 : vector<16xi32>
      %gather3A_1361 = tpu.vector_load_idx %arg15[%add3A_1196, %add3A_1360] : memref<128x128xf32, #tpu.memory_space<vmem>>[vector<16xi32>, vector<16xi32>], vector<16xf32>,
      %mul3A_1362 = arith.mulf %gather3A_1357, %gather3A_1361 : vector<16xf32>
      %add3A_1363 = arith.addf %add3A_1353, %mul3A_1362 : vector<16xf32>
      %add3A_1364 = arith.constant 15 : i32
      %add3A_1365 = vector.broadcast %add3A_1364 : i32 to vector<16xi32>
      %add3A_1366 = arith.addi %mul3A_1186, %add3A_1365 : vector<16xi32>
      %gather3A_1367 = tpu.vector_load_idx %arg14[%add3A_1196, %add3A_1366] : memref<128x128xf32, #tpu.memory_space<vmem>>[vector<16xi32>, vector<16xi32>], vector<16xf32>,
      %add3A_1368 = arith.constant 15 : i32
      %add3A_1369 = vector.broadcast %add3A_1368 : i32 to vector<16xi32>
      %add3A_1370 = arith.addi %mul3A_1192, %add3A_1369 : vector<16xi32>
      %gather3A_1371 = tpu.vector_load_idx %arg15[%add3A_1196, %add3A_1370] : memref<128x128xf32, #tpu.memory_space<vmem>>[vector<16xi32>, vector<16xi32>], vector<16xf32>,
      %mul3A_1372 = arith.mulf %gather3A_1367, %gather3A_1371 : vector<16xf32>
      %add3A_1373 = arith.addf %add3A_1363, %mul3A_1372 : vector<16xf32>
      %add3A_1374 = arith.constant 16 : i32
      %add3A_1375 = vector.broadcast %add3A_1374 : i32 to vector<16xi32>
      %add3A_1376 = arith.addi %mul3A_1186, %add3A_1375 : vector<16xi32>
      %gather3A_1377 = tpu.vector_load_idx %arg14[%add3A_1196, %add3A_1376] : memref<128x128xf32, #tpu.memory_space<vmem>>[vector<16xi32>, vector<16xi32>], vector<16xf32>,
      %add3A_1378 = arith.constant 16 : i32
      %add3A_1379 = vector.broadcast %add3A_1378 : i32 to vector<16xi32>
      %add3A_1380 = arith.addi %mul3A_1192, %add3A_1379 : vector<16xi32>
      %gather3A_1381 = tpu.vector_load_idx %arg15[%add3A_1196, %add3A_1380] : memref<128x128xf32, #tpu.memory_space<vmem>>[vector<16xi32>, vector<16xi32>], vector<16xf32>,
      %mul3A_1382 = arith.mulf %gather3A_1377, %gather3A_1381 : vector<16xf32>
      %add3A_1383 = arith.addf %add3A_1373, %mul3A_1382 : vector<16xf32>
      %add3A_1384 = arith.constant 17 : i32
      %add3A_1385 = vector.broadcast %add3A_1384 : i32 to vector<16xi32>
      %add3A_1386 = arith.addi %mul3A_1186, %add3A_1385 : vector<16xi32>
      %gather3A_1387 = tpu.vector_load_idx %arg14[%add3A_1196, %add3A_1386] : memref<128x128xf32, #tpu.memory_space<vmem>>[vector<16xi32>, vector<16xi32>], vector<16xf32>,
      %add3A_1388 = arith.constant 17 : i32
      %add3A_1389 = vector.broadcast %add3A_1388 : i32 to vector<16xi32>
      %add3A_1390 = arith.addi %mul3A_1192, %add3A_1389 : vector<16xi32>
      %gather3A_1391 = tpu.vector_load_idx %arg15[%add3A_1196, %add3A_1390] : memref<128x128xf32, #tpu.memory_space<vmem>>[vector<16xi32>, vector<16xi32>], vector<16xf32>,
      %mul3A_1392 = arith.mulf %gather3A_1387, %gather3A_1391 : vector<16xf32>
      %add3A_1393 = arith.addf %add3A_1383, %mul3A_1392 : vector<16xf32>
      %add3A_1394 = arith.constant 18 : i32
      %add3A_1395 = vector.broadcast %add3A_1394 : i32 to vector<16xi32>
      %add3A_1396 = arith.addi %mul3A_1186, %add3A_1395 : vector<16xi32>
      %gather3A_1397 = tpu.vector_load_idx %arg14[%add3A_1196, %add3A_1396] : memref<128x128xf32, #tpu.memory_space<vmem>>[vector<16xi32>, vector<16xi32>], vector<16xf32>,
      %add3A_1398 = arith.constant 18 : i32
      %add3A_1399 = vector.broadcast %add3A_1398 : i32 to vector<16xi32>
      %add3A_1400 = arith.addi %mul3A_1192, %add3A_1399 : vector<16xi32>
      %gather3A_1401 = tpu.vector_load_idx %arg15[%add3A_1196, %add3A_1400] : memref<128x128xf32, #tpu.memory_space<vmem>>[vector<16xi32>, vector<16xi32>], vector<16xf32>,
      %mul3A_1402 = arith.mulf %gather3A_1397, %gather3A_1401 : vector<16xf32>
      %add3A_1403 = arith.addf %add3A_1393, %mul3A_1402 : vector<16xf32>
      %add3A_1404 = arith.constant 19 : i32
      %add3A_1405 = vector.broadcast %add3A_1404 : i32 to vector<16xi32>
      %add3A_1406 = arith.addi %mul3A_1186, %add3A_1405 : vector<16xi32>
      %gather3A_1407 = tpu.vector_load_idx %arg14[%add3A_1196, %add3A_1406] : memref<128x128xf32, #tpu.memory_space<vmem>>[vector<16xi32>, vector<16xi32>], vector<16xf32>,
      %add3A_1408 = arith.constant 19 : i32
      %add3A_1409 = vector.broadcast %add3A_1408 : i32 to vector<16xi32>
      %add3A_1410 = arith.addi %mul3A_1192, %add3A_1409 : vector<16xi32>
      %gather3A_1411 = tpu.vector_load_idx %arg15[%add3A_1196, %add3A_1410] : memref<128x128xf32, #tpu.memory_space<vmem>>[vector<16xi32>, vector<16xi32>], vector<16xf32>,
      %mul3A_1412 = arith.mulf %gather3A_1407, %gather3A_1411 : vector<16xf32>
      %add3A_1413 = arith.addf %add3A_1403, %mul3A_1412 : vector<16xf32>
      %add3A_1414 = arith.constant 20 : i32
      %add3A_1415 = vector.broadcast %add3A_1414 : i32 to vector<16xi32>
      %add3A_1416 = arith.addi %mul3A_1186, %add3A_1415 : vector<16xi32>
      %gather3A_1417 = tpu.vector_load_idx %arg14[%add3A_1196, %add3A_1416] : memref<128x128xf32, #tpu.memory_space<vmem>>[vector<16xi32>, vector<16xi32>], vector<16xf32>,
      %add3A_1418 = arith.constant 20 : i32
      %add3A_1419 = vector.broadcast %add3A_1418 : i32 to vector<16xi32>
      %add3A_1420 = arith.addi %mul3A_1192, %add3A_1419 : vector<16xi32>
      %gather3A_1421 = tpu.vector_load_idx %arg15[%add3A_1196, %add3A_1420] : memref<128x128xf32, #tpu.memory_space<vmem>>[vector<16xi32>, vector<16xi32>], vector<16xf32>,
      %mul3A_1422 = arith.mulf %gather3A_1417, %gather3A_1421 : vector<16xf32>
      %add3A_1423 = arith.addf %add3A_1413, %mul3A_1422 : vector<16xf32>
      %add3A_1424 = arith.constant 21 : i32
      %add3A_1425 = vector.broadcast %add3A_1424 : i32 to vector<16xi32>
      %add3A_1426 = arith.addi %mul3A_1186, %add3A_1425 : vector<16xi32>
      %gather3A_1427 = tpu.vector_load_idx %arg14[%add3A_1196, %add3A_1426] : memref<128x128xf32, #tpu.memory_space<vmem>>[vector<16xi32>, vector<16xi32>], vector<16xf32>,
      %add3A_1428 = arith.constant 21 : i32
      %add3A_1429 = vector.broadcast %add3A_1428 : i32 to vector<16xi32>
      %add3A_1430 = arith.addi %mul3A_1192, %add3A_1429 : vector<16xi32>
      %gather3A_1431 = tpu.vector_load_idx %arg15[%add3A_1196, %add3A_1430] : memref<128x128xf32, #tpu.memory_space<vmem>>[vector<16xi32>, vector<16xi32>], vector<16xf32>,
      %mul3A_1432 = arith.mulf %gather3A_1427, %gather3A_1431 : vector<16xf32>
      %add3A_1433 = arith.addf %add3A_1423, %mul3A_1432 : vector<16xf32>
      %add3A_1434 = arith.constant 22 : i32
      %add3A_1435 = vector.broadcast %add3A_1434 : i32 to vector<16xi32>
      %add3A_1436 = arith.addi %mul3A_1186, %add3A_1435 : vector<16xi32>
      %gather3A_1437 = tpu.vector_load_idx %arg14[%add3A_1196, %add3A_1436] : memref<128x128xf32, #tpu.memory_space<vmem>>[vector<16xi32>, vector<16xi32>], vector<16xf32>,
      %add3A_1438 = arith.constant 22 : i32
      %add3A_1439 = vector.broadcast %add3A_1438 : i32 to vector<16xi32>
      %add3A_1440 = arith.addi %mul3A_1192, %add3A_1439 : vector<16xi32>
      %gather3A_1441 = tpu.vector_load_idx %arg15[%add3A_1196, %add3A_1440] : memref<128x128xf32, #tpu.memory_space<vmem>>[vector<16xi32>, vector<16xi32>], vector<16xf32>,
      %mul3A_1442 = arith.mulf %gather3A_1437, %gather3A_1441 : vector<16xf32>
      %add3A_1443 = arith.addf %add3A_1433, %mul3A_1442 : vector<16xf32>
      %add3A_1444 = arith.constant 23 : i32
      %add3A_1445 = vector.broadcast %add3A_1444 : i32 to vector<16xi32>
      %add3A_1446 = arith.addi %mul3A_1186, %add3A_1445 : vector<16xi32>
      %gather3A_1447 = tpu.vector_load_idx %arg14[%add3A_1196, %add3A_1446] : memref<128x128xf32, #tpu.memory_space<vmem>>[vector<16xi32>, vector<16xi32>], vector<16xf32>,
      %add3A_1448 = arith.constant 23 : i32
      %add3A_1449 = vector.broadcast %add3A_1448 : i32 to vector<16xi32>
      %add3A_1450 = arith.addi %mul3A_1192, %add3A_1449 : vector<16xi32>
      %gather3A_1451 = tpu.vector_load_idx %arg15[%add3A_1196, %add3A_1450] : memref<128x128xf32, #tpu.memory_space<vmem>>[vector<16xi32>, vector<16xi32>], vector<16xf32>,
      %mul3A_1452 = arith.mulf %gather3A_1447, %gather3A_1451 : vector<16xf32>
      %add3A_1453 = arith.addf %add3A_1443, %mul3A_1452 : vector<16xf32>
      %add3A_1454 = arith.constant 24 : i32
      %add3A_1455 = vector.broadcast %add3A_1454 : i32 to vector<16xi32>
      %add3A_1456 = arith.addi %mul3A_1186, %add3A_1455 : vector<16xi32>
      %gather3A_1457 = tpu.vector_load_idx %arg14[%add3A_1196, %add3A_1456] : memref<128x128xf32, #tpu.memory_space<vmem>>[vector<16xi32>, vector<16xi32>], vector<16xf32>,
      %add3A_1458 = arith.constant 24 : i32
      %add3A_1459 = vector.broadcast %add3A_1458 : i32 to vector<16xi32>
      %add3A_1460 = arith.addi %mul3A_1192, %add3A_1459 : vector<16xi32>
      %gather3A_1461 = tpu.vector_load_idx %arg15[%add3A_1196, %add3A_1460] : memref<128x128xf32, #tpu.memory_space<vmem>>[vector<16xi32>, vector<16xi32>], vector<16xf32>,
      %mul3A_1462 = arith.mulf %gather3A_1457, %gather3A_1461 : vector<16xf32>
      %add3A_1463 = arith.addf %add3A_1453, %mul3A_1462 : vector<16xf32>
      %add3A_1464 = arith.constant 25 : i32
      %add3A_1465 = vector.broadcast %add3A_1464 : i32 to vector<16xi32>
      %add3A_1466 = arith.addi %mul3A_1186, %add3A_1465 : vector<16xi32>
      %gather3A_1467 = tpu.vector_load_idx %arg14[%add3A_1196, %add3A_1466] : memref<128x128xf32, #tpu.memory_space<vmem>>[vector<16xi32>, vector<16xi32>], vector<16xf32>,
      %add3A_1468 = arith.constant 25 : i32
      %add3A_1469 = vector.broadcast %add3A_1468 : i32 to vector<16xi32>
      %add3A_1470 = arith.addi %mul3A_1192, %add3A_1469 : vector<16xi32>
      %gather3A_1471 = tpu.vector_load_idx %arg15[%add3A_1196, %add3A_1470] : memref<128x128xf32, #tpu.memory_space<vmem>>[vector<16xi32>, vector<16xi32>], vector<16xf32>,
      %mul3A_1472 = arith.mulf %gather3A_1467, %gather3A_1471 : vector<16xf32>
      %add3A_1473 = arith.addf %add3A_1463, %mul3A_1472 : vector<16xf32>
      %add3A_1474 = arith.constant 26 : i32
      %add3A_1475 = vector.broadcast %add3A_1474 : i32 to vector<16xi32>
      %add3A_1476 = arith.addi %mul3A_1186, %add3A_1475 : vector<16xi32>
      %gather3A_1477 = tpu.vector_load_idx %arg14[%add3A_1196, %add3A_1476] : memref<128x128xf32, #tpu.memory_space<vmem>>[vector<16xi32>, vector<16xi32>], vector<16xf32>,
      %add3A_1478 = arith.constant 26 : i32
      %add3A_1479 = vector.broadcast %add3A_1478 : i32 to vector<16xi32>
      %add3A_1480 = arith.addi %mul3A_1192, %add3A_1479 : vector<16xi32>
      %gather3A_1481 = tpu.vector_load_idx %arg15[%add3A_1196, %add3A_1480] : memref<128x128xf32, #tpu.memory_space<vmem>>[vector<16xi32>, vector<16xi32>], vector<16xf32>,
      %mul3A_1482 = arith.mulf %gather3A_1477, %gather3A_1481 : vector<16xf32>
      %add3A_1483 = arith.addf %add3A_1473, %mul3A_1482 : vector<16xf32>
      %add3A_1484 = arith.constant 27 : i32
      %add3A_1485 = vector.broadcast %add3A_1484 : i32 to vector<16xi32>
      %add3A_1486 = arith.addi %mul3A_1186, %add3A_1485 : vector<16xi32>
      %gather3A_1487 = tpu.vector_load_idx %arg14[%add3A_1196, %add3A_1486] : memref<128x128xf32, #tpu.memory_space<vmem>>[vector<16xi32>, vector<16xi32>], vector<16xf32>,
      %add3A_1488 = arith.constant 27 : i32
      %add3A_1489 = vector.broadcast %add3A_1488 : i32 to vector<16xi32>
      %add3A_1490 = arith.addi %mul3A_1192, %add3A_1489 : vector<16xi32>
      %gather3A_1491 = tpu.vector_load_idx %arg15[%add3A_1196, %add3A_1490] : memref<128x128xf32, #tpu.memory_space<vmem>>[vector<16xi32>, vector<16xi32>], vector<16xf32>,
      %mul3A_1492 = arith.mulf %gather3A_1487, %gather3A_1491 : vector<16xf32>
      %add3A_1493 = arith.addf %add3A_1483, %mul3A_1492 : vector<16xf32>
      %add3A_1494 = arith.constant 28 : i32
      %add3A_1495 = vector.broadcast %add3A_1494 : i32 to vector<16xi32>
      %add3A_1496 = arith.addi %mul3A_1186, %add3A_1495 : vector<16xi32>
      %gather3A_1497 = tpu.vector_load_idx %arg14[%add3A_1196, %add3A_1496] : memref<128x128xf32, #tpu.memory_space<vmem>>[vector<16xi32>, vector<16xi32>], vector<16xf32>,
      %add3A_1498 = arith.constant 28 : i32
      %add3A_1499 = vector.broadcast %add3A_1498 : i32 to vector<16xi32>
      %add3A_1500 = arith.addi %mul3A_1192, %add3A_1499 : vector<16xi32>
      %gather3A_1501 = tpu.vector_load_idx %arg15[%add3A_1196, %add3A_1500] : memref<128x128xf32, #tpu.memory_space<vmem>>[vector<16xi32>, vector<16xi32>], vector<16xf32>,
      %mul3A_1502 = arith.mulf %gather3A_1497, %gather3A_1501 : vector<16xf32>
      %add3A_1503 = arith.addf %add3A_1493, %mul3A_1502 : vector<16xf32>
      %add3A_1504 = arith.constant 29 : i32
      %add3A_1505 = vector.broadcast %add3A_1504 : i32 to vector<16xi32>
      %add3A_1506 = arith.addi %mul3A_1186, %add3A_1505 : vector<16xi32>
      %gather3A_1507 = tpu.vector_load_idx %arg14[%add3A_1196, %add3A_1506] : memref<128x128xf32, #tpu.memory_space<vmem>>[vector<16xi32>, vector<16xi32>], vector<16xf32>,
      %add3A_1508 = arith.constant 29 : i32
      %add3A_1509 = vector.broadcast %add3A_1508 : i32 to vector<16xi32>
      %add3A_1510 = arith.addi %mul3A_1192, %add3A_1509 : vector<16xi32>
      %gather3A_1511 = tpu.vector_load_idx %arg15[%add3A_1196, %add3A_1510] : memref<128x128xf32, #tpu.memory_space<vmem>>[vector<16xi32>, vector<16xi32>], vector<16xf32>,
      %mul3A_1512 = arith.mulf %gather3A_1507, %gather3A_1511 : vector<16xf32>
      %add3A_1513 = arith.addf %add3A_1503, %mul3A_1512 : vector<16xf32>
      %add3A_1514 = arith.constant 30 : i32
      %add3A_1515 = vector.broadcast %add3A_1514 : i32 to vector<16xi32>
      %add3A_1516 = arith.addi %mul3A_1186, %add3A_1515 : vector<16xi32>
      %gather3A_1517 = tpu.vector_load_idx %arg14[%add3A_1196, %add3A_1516] : memref<128x128xf32, #tpu.memory_space<vmem>>[vector<16xi32>, vector<16xi32>], vector<16xf32>,
      %add3A_1518 = arith.constant 30 : i32
      %add3A_1519 = vector.broadcast %add3A_1518 : i32 to vector<16xi32>
      %add3A_1520 = arith.addi %mul3A_1192, %add3A_1519 : vector<16xi32>
      %gather3A_1521 = tpu.vector_load_idx %arg15[%add3A_1196, %add3A_1520] : memref<128x128xf32, #tpu.memory_space<vmem>>[vector<16xi32>, vector<16xi32>], vector<16xf32>,
      %mul3A_1522 = arith.mulf %gather3A_1517, %gather3A_1521 : vector<16xf32>
      %add3A_1523 = arith.addf %add3A_1513, %mul3A_1522 : vector<16xf32>
      %add3A_1524 = arith.constant 31 : i32
      %add3A_1525 = vector.broadcast %add3A_1524 : i32 to vector<16xi32>
      %add3A_1526 = arith.addi %mul3A_1186, %add3A_1525 : vector<16xi32>
      %gather3A_1527 = tpu.vector_load_idx %arg14[%add3A_1196, %add3A_1526] : memref<128x128xf32, #tpu.memory_space<vmem>>[vector<16xi32>, vector<16xi32>], vector<16xf32>,
      %add3A_1528 = arith.constant 31 : i32
      %add3A_1529 = vector.broadcast %add3A_1528 : i32 to vector<16xi32>
      %add3A_1530 = arith.addi %mul3A_1192, %add3A_1529 : vector<16xi32>
      %gather3A_1531 = tpu.vector_load_idx %arg15[%add3A_1196, %add3A_1530] : memref<128x128xf32, #tpu.memory_space<vmem>>[vector<16xi32>, vector<16xi32>], vector<16xf32>,
      %mul3A_1532 = arith.mulf %gather3A_1527, %gather3A_1531 : vector<16xf32>
      %add3A_1533 = arith.addf %add3A_1523, %mul3A_1532 : vector<16xf32>
      %swap3A_1534 = arith.index_cast %multiple_of3A_1176 : i32 to index
      %swap3A_1535 = tpu.vector_load %arg18[%swap3A_1534] {strides = array<i32>} : memref<512xf32, #tpu.memory_space<vmem>>, vector<16xf32>,
      tpu.vector_store %arg18[%swap3A_1534], %add3A_1533 {strides = array<i32>} : memref<512xf32, #tpu.memory_space<vmem>>, vector<16xf32>,
      %add3A_1536 = arith.constant 64 : i32
      %add3A_1537 = arith.addi %multiple_of3A, %add3A_1536 : i32
      %multiple_of3A_1538 = tpu.assume_multiple %add3A_1537, 16 : i32
      %get3A_1539 = arith.index_cast %multiple_of3A_1538 : i32 to index
      %get3A_1540 = tpu.vector_load %arg9[%get3A_1539] {strides = array<i32>} : memref<512xi32, #tpu.memory_space<vmem>>, vector<16xi32>,
      %get3A_1541 = arith.index_cast %multiple_of3A_1538 : i32 to index
      %get3A_1542 = tpu.vector_load %arg10[%get3A_1541] {strides = array<i32>} : memref<512xi32, #tpu.memory_space<vmem>>, vector<16xi32>,
      %and3A_1543 = arith.constant 3 : i32
      %and3A_1544 = vector.broadcast %and3A_1543 : i32 to vector<16xi32>
      %and3A_1545 = arith.andi %get3A_1540, %and3A_1544 : vector<16xi32>
      %mul3A_1546 = arith.constant 32 : i32
      %mul3A_1547 = vector.broadcast %mul3A_1546 : i32 to vector<16xi32>
      %mul3A_1548 = arith.muli %and3A_1545, %mul3A_1547 : vector<16xi32>
      %and3A_1549 = arith.constant 3 : i32
      %and3A_1550 = vector.broadcast %and3A_1549 : i32 to vector<16xi32>
      %and3A_1551 = arith.andi %get3A_1542, %and3A_1550 : vector<16xi32>
      %mul3A_1552 = arith.constant 32 : i32
      %mul3A_1553 = vector.broadcast %mul3A_1552 : i32 to vector<16xi32>
      %mul3A_1554 = arith.muli %and3A_1551, %mul3A_1553 : vector<16xi32>
      %iota3A_1555 = tpu.iota {dimensions = array<i32: 0>} : vector<16xi32>
      %add3A_1556 = arith.constant 64 : i32
      %add3A_1557 = vector.broadcast %add3A_1556 : i32 to vector<16xi32>
      %add3A_1558 = arith.addi %iota3A_1555, %add3A_1557 : vector<16xi32>
      %add3A_1559 = vector.broadcast %multiple_of3A : i32 to vector<16xi32>
      %add3A_1560 = arith.addi %add3A_1559, %add3A_1558 : vector<16xi32>
      %and3A_1561 = arith.constant 127 : i32
      %and3A_1562 = vector.broadcast %and3A_1561 : i32 to vector<16xi32>
      %and3A_1563 = arith.andi %get3A_1542, %and3A_1562 : vector<16xi32>
      %gather3A_1564 = tpu.vector_load_idx %arg16[%add3A_1560, %and3A_1563] : memref<512x128xf32, #tpu.memory_space<vmem>>[vector<16xi32>, vector<16xi32>], vector<16xf32>,
      %sub3A_1565 = arith.constant 999936 : i32
      %sub3A_1566 = vector.broadcast %sub3A_1565 : i32 to vector<16xi32>
      %sub3A_1567 = arith.subi %get3A_1542, %sub3A_1566 : vector<16xi32>
      %max3A_1568 = arith.constant 0 : i32
      %max3A_1569 = vector.broadcast %max3A_1568 : i32 to vector<16xi32>
      %max3A_1570 = arith.maxsi %sub3A_1567, %max3A_1569 : vector<16xi32>
      %gather3A_1571 = tpu.vector_load_idx %arg17[%max3A_1570] : memref<64xf32, #tpu.memory_space<vmem>>[vector<16xi32>], vector<16xf32>,
      %ge3A_1572 = arith.constant 999936 : i32
      %ge3A_1573 = vector.broadcast %ge3A_1572 : i32 to vector<16xi32>
      %ge3A_1574 = arith.cmpi sge, %get3A_1542, %ge3A_1573 : vector<16xi32>
      %select_n3A_1575 = arith.select %ge3A_1574, %gather3A_1571, %gather3A_1564 : vector<16xi1>, vector<16xf32>
      %add3A_1576 = arith.constant 0 : i32
      %add3A_1577 = vector.broadcast %add3A_1576 : i32 to vector<16xi32>
      %add3A_1578 = arith.addi %mul3A_1548, %add3A_1577 : vector<16xi32>
      %gather3A_1579 = tpu.vector_load_idx %arg14[%add3A_1558, %add3A_1578] : memref<128x128xf32, #tpu.memory_space<vmem>>[vector<16xi32>, vector<16xi32>], vector<16xf32>,
      %add3A_1580 = arith.constant 0 : i32
      %add3A_1581 = vector.broadcast %add3A_1580 : i32 to vector<16xi32>
      %add3A_1582 = arith.addi %mul3A_1554, %add3A_1581 : vector<16xi32>
      %gather3A_1583 = tpu.vector_load_idx %arg15[%add3A_1558, %add3A_1582] : memref<128x128xf32, #tpu.memory_space<vmem>>[vector<16xi32>, vector<16xi32>], vector<16xf32>,
      %mul3A_1584 = arith.mulf %gather3A_1579, %gather3A_1583 : vector<16xf32>
      %add3A_1585 = arith.addf %select_n3A_1575, %mul3A_1584 : vector<16xf32>
      %add3A_1586 = arith.constant 1 : i32
      %add3A_1587 = vector.broadcast %add3A_1586 : i32 to vector<16xi32>
      %add3A_1588 = arith.addi %mul3A_1548, %add3A_1587 : vector<16xi32>
      %gather3A_1589 = tpu.vector_load_idx %arg14[%add3A_1558, %add3A_1588] : memref<128x128xf32, #tpu.memory_space<vmem>>[vector<16xi32>, vector<16xi32>], vector<16xf32>,
      %add3A_1590 = arith.constant 1 : i32
      %add3A_1591 = vector.broadcast %add3A_1590 : i32 to vector<16xi32>
      %add3A_1592 = arith.addi %mul3A_1554, %add3A_1591 : vector<16xi32>
      %gather3A_1593 = tpu.vector_load_idx %arg15[%add3A_1558, %add3A_1592] : memref<128x128xf32, #tpu.memory_space<vmem>>[vector<16xi32>, vector<16xi32>], vector<16xf32>,
      %mul3A_1594 = arith.mulf %gather3A_1589, %gather3A_1593 : vector<16xf32>
      %add3A_1595 = arith.addf %add3A_1585, %mul3A_1594 : vector<16xf32>
      %add3A_1596 = arith.constant 2 : i32
      %add3A_1597 = vector.broadcast %add3A_1596 : i32 to vector<16xi32>
      %add3A_1598 = arith.addi %mul3A_1548, %add3A_1597 : vector<16xi32>
      %gather3A_1599 = tpu.vector_load_idx %arg14[%add3A_1558, %add3A_1598] : memref<128x128xf32, #tpu.memory_space<vmem>>[vector<16xi32>, vector<16xi32>], vector<16xf32>,
      %add3A_1600 = arith.constant 2 : i32
      %add3A_1601 = vector.broadcast %add3A_1600 : i32 to vector<16xi32>
      %add3A_1602 = arith.addi %mul3A_1554, %add3A_1601 : vector<16xi32>
      %gather3A_1603 = tpu.vector_load_idx %arg15[%add3A_1558, %add3A_1602] : memref<128x128xf32, #tpu.memory_space<vmem>>[vector<16xi32>, vector<16xi32>], vector<16xf32>,
      %mul3A_1604 = arith.mulf %gather3A_1599, %gather3A_1603 : vector<16xf32>
      %add3A_1605 = arith.addf %add3A_1595, %mul3A_1604 : vector<16xf32>
      %add3A_1606 = arith.constant 3 : i32
      %add3A_1607 = vector.broadcast %add3A_1606 : i32 to vector<16xi32>
      %add3A_1608 = arith.addi %mul3A_1548, %add3A_1607 : vector<16xi32>
      %gather3A_1609 = tpu.vector_load_idx %arg14[%add3A_1558, %add3A_1608] : memref<128x128xf32, #tpu.memory_space<vmem>>[vector<16xi32>, vector<16xi32>], vector<16xf32>,
      %add3A_1610 = arith.constant 3 : i32
      %add3A_1611 = vector.broadcast %add3A_1610 : i32 to vector<16xi32>
      %add3A_1612 = arith.addi %mul3A_1554, %add3A_1611 : vector<16xi32>
      %gather3A_1613 = tpu.vector_load_idx %arg15[%add3A_1558, %add3A_1612] : memref<128x128xf32, #tpu.memory_space<vmem>>[vector<16xi32>, vector<16xi32>], vector<16xf32>,
      %mul3A_1614 = arith.mulf %gather3A_1609, %gather3A_1613 : vector<16xf32>
      %add3A_1615 = arith.addf %add3A_1605, %mul3A_1614 : vector<16xf32>
      %add3A_1616 = arith.constant 4 : i32
      %add3A_1617 = vector.broadcast %add3A_1616 : i32 to vector<16xi32>
      %add3A_1618 = arith.addi %mul3A_1548, %add3A_1617 : vector<16xi32>
      %gather3A_1619 = tpu.vector_load_idx %arg14[%add3A_1558, %add3A_1618] : memref<128x128xf32, #tpu.memory_space<vmem>>[vector<16xi32>, vector<16xi32>], vector<16xf32>,
      %add3A_1620 = arith.constant 4 : i32
      %add3A_1621 = vector.broadcast %add3A_1620 : i32 to vector<16xi32>
      %add3A_1622 = arith.addi %mul3A_1554, %add3A_1621 : vector<16xi32>
      %gather3A_1623 = tpu.vector_load_idx %arg15[%add3A_1558, %add3A_1622] : memref<128x128xf32, #tpu.memory_space<vmem>>[vector<16xi32>, vector<16xi32>], vector<16xf32>,
      %mul3A_1624 = arith.mulf %gather3A_1619, %gather3A_1623 : vector<16xf32>
      %add3A_1625 = arith.addf %add3A_1615, %mul3A_1624 : vector<16xf32>
      %add3A_1626 = arith.constant 5 : i32
      %add3A_1627 = vector.broadcast %add3A_1626 : i32 to vector<16xi32>
      %add3A_1628 = arith.addi %mul3A_1548, %add3A_1627 : vector<16xi32>
      %gather3A_1629 = tpu.vector_load_idx %arg14[%add3A_1558, %add3A_1628] : memref<128x128xf32, #tpu.memory_space<vmem>>[vector<16xi32>, vector<16xi32>], vector<16xf32>,
      %add3A_1630 = arith.constant 5 : i32
      %add3A_1631 = vector.broadcast %add3A_1630 : i32 to vector<16xi32>
      %add3A_1632 = arith.addi %mul3A_1554, %add3A_1631 : vector<16xi32>
      %gather3A_1633 = tpu.vector_load_idx %arg15[%add3A_1558, %add3A_1632] : memref<128x128xf32, #tpu.memory_space<vmem>>[vector<16xi32>, vector<16xi32>], vector<16xf32>,
      %mul3A_1634 = arith.mulf %gather3A_1629, %gather3A_1633 : vector<16xf32>
      %add3A_1635 = arith.addf %add3A_1625, %mul3A_1634 : vector<16xf32>
      %add3A_1636 = arith.constant 6 : i32
      %add3A_1637 = vector.broadcast %add3A_1636 : i32 to vector<16xi32>
      %add3A_1638 = arith.addi %mul3A_1548, %add3A_1637 : vector<16xi32>
      %gather3A_1639 = tpu.vector_load_idx %arg14[%add3A_1558, %add3A_1638] : memref<128x128xf32, #tpu.memory_space<vmem>>[vector<16xi32>, vector<16xi32>], vector<16xf32>,
      %add3A_1640 = arith.constant 6 : i32
      %add3A_1641 = vector.broadcast %add3A_1640 : i32 to vector<16xi32>
      %add3A_1642 = arith.addi %mul3A_1554, %add3A_1641 : vector<16xi32>
      %gather3A_1643 = tpu.vector_load_idx %arg15[%add3A_1558, %add3A_1642] : memref<128x128xf32, #tpu.memory_space<vmem>>[vector<16xi32>, vector<16xi32>], vector<16xf32>,
      %mul3A_1644 = arith.mulf %gather3A_1639, %gather3A_1643 : vector<16xf32>
      %add3A_1645 = arith.addf %add3A_1635, %mul3A_1644 : vector<16xf32>
      %add3A_1646 = arith.constant 7 : i32
      %add3A_1647 = vector.broadcast %add3A_1646 : i32 to vector<16xi32>
      %add3A_1648 = arith.addi %mul3A_1548, %add3A_1647 : vector<16xi32>
      %gather3A_1649 = tpu.vector_load_idx %arg14[%add3A_1558, %add3A_1648] : memref<128x128xf32, #tpu.memory_space<vmem>>[vector<16xi32>, vector<16xi32>], vector<16xf32>,
      %add3A_1650 = arith.constant 7 : i32
      %add3A_1651 = vector.broadcast %add3A_1650 : i32 to vector<16xi32>
      %add3A_1652 = arith.addi %mul3A_1554, %add3A_1651 : vector<16xi32>
      %gather3A_1653 = tpu.vector_load_idx %arg15[%add3A_1558, %add3A_1652] : memref<128x128xf32, #tpu.memory_space<vmem>>[vector<16xi32>, vector<16xi32>], vector<16xf32>,
      %mul3A_1654 = arith.mulf %gather3A_1649, %gather3A_1653 : vector<16xf32>
      %add3A_1655 = arith.addf %add3A_1645, %mul3A_1654 : vector<16xf32>
      %add3A_1656 = arith.constant 8 : i32
      %add3A_1657 = vector.broadcast %add3A_1656 : i32 to vector<16xi32>
      %add3A_1658 = arith.addi %mul3A_1548, %add3A_1657 : vector<16xi32>
      %gather3A_1659 = tpu.vector_load_idx %arg14[%add3A_1558, %add3A_1658] : memref<128x128xf32, #tpu.memory_space<vmem>>[vector<16xi32>, vector<16xi32>], vector<16xf32>,
      %add3A_1660 = arith.constant 8 : i32
      %add3A_1661 = vector.broadcast %add3A_1660 : i32 to vector<16xi32>
      %add3A_1662 = arith.addi %mul3A_1554, %add3A_1661 : vector<16xi32>
      %gather3A_1663 = tpu.vector_load_idx %arg15[%add3A_1558, %add3A_1662] : memref<128x128xf32, #tpu.memory_space<vmem>>[vector<16xi32>, vector<16xi32>], vector<16xf32>,
      %mul3A_1664 = arith.mulf %gather3A_1659, %gather3A_1663 : vector<16xf32>
      %add3A_1665 = arith.addf %add3A_1655, %mul3A_1664 : vector<16xf32>
      %add3A_1666 = arith.constant 9 : i32
      %add3A_1667 = vector.broadcast %add3A_1666 : i32 to vector<16xi32>
      %add3A_1668 = arith.addi %mul3A_1548, %add3A_1667 : vector<16xi32>
      %gather3A_1669 = tpu.vector_load_idx %arg14[%add3A_1558, %add3A_1668] : memref<128x128xf32, #tpu.memory_space<vmem>>[vector<16xi32>, vector<16xi32>], vector<16xf32>,
      %add3A_1670 = arith.constant 9 : i32
      %add3A_1671 = vector.broadcast %add3A_1670 : i32 to vector<16xi32>
      %add3A_1672 = arith.addi %mul3A_1554, %add3A_1671 : vector<16xi32>
      %gather3A_1673 = tpu.vector_load_idx %arg15[%add3A_1558, %add3A_1672] : memref<128x128xf32, #tpu.memory_space<vmem>>[vector<16xi32>, vector<16xi32>], vector<16xf32>,
      %mul3A_1674 = arith.mulf %gather3A_1669, %gather3A_1673 : vector<16xf32>
      %add3A_1675 = arith.addf %add3A_1665, %mul3A_1674 : vector<16xf32>
      %add3A_1676 = arith.constant 10 : i32
      %add3A_1677 = vector.broadcast %add3A_1676 : i32 to vector<16xi32>
      %add3A_1678 = arith.addi %mul3A_1548, %add3A_1677 : vector<16xi32>
      %gather3A_1679 = tpu.vector_load_idx %arg14[%add3A_1558, %add3A_1678] : memref<128x128xf32, #tpu.memory_space<vmem>>[vector<16xi32>, vector<16xi32>], vector<16xf32>,
      %add3A_1680 = arith.constant 10 : i32
      %add3A_1681 = vector.broadcast %add3A_1680 : i32 to vector<16xi32>
      %add3A_1682 = arith.addi %mul3A_1554, %add3A_1681 : vector<16xi32>
      %gather3A_1683 = tpu.vector_load_idx %arg15[%add3A_1558, %add3A_1682] : memref<128x128xf32, #tpu.memory_space<vmem>>[vector<16xi32>, vector<16xi32>], vector<16xf32>,
      %mul3A_1684 = arith.mulf %gather3A_1679, %gather3A_1683 : vector<16xf32>
      %add3A_1685 = arith.addf %add3A_1675, %mul3A_1684 : vector<16xf32>
      %add3A_1686 = arith.constant 11 : i32
      %add3A_1687 = vector.broadcast %add3A_1686 : i32 to vector<16xi32>
      %add3A_1688 = arith.addi %mul3A_1548, %add3A_1687 : vector<16xi32>
      %gather3A_1689 = tpu.vector_load_idx %arg14[%add3A_1558, %add3A_1688] : memref<128x128xf32, #tpu.memory_space<vmem>>[vector<16xi32>, vector<16xi32>], vector<16xf32>,
      %add3A_1690 = arith.constant 11 : i32
      %add3A_1691 = vector.broadcast %add3A_1690 : i32 to vector<16xi32>
      %add3A_1692 = arith.addi %mul3A_1554, %add3A_1691 : vector<16xi32>
      %gather3A_1693 = tpu.vector_load_idx %arg15[%add3A_1558, %add3A_1692] : memref<128x128xf32, #tpu.memory_space<vmem>>[vector<16xi32>, vector<16xi32>], vector<16xf32>,
      %mul3A_1694 = arith.mulf %gather3A_1689, %gather3A_1693 : vector<16xf32>
      %add3A_1695 = arith.addf %add3A_1685, %mul3A_1694 : vector<16xf32>
      %add3A_1696 = arith.constant 12 : i32
      %add3A_1697 = vector.broadcast %add3A_1696 : i32 to vector<16xi32>
      %add3A_1698 = arith.addi %mul3A_1548, %add3A_1697 : vector<16xi32>
      %gather3A_1699 = tpu.vector_load_idx %arg14[%add3A_1558, %add3A_1698] : memref<128x128xf32, #tpu.memory_space<vmem>>[vector<16xi32>, vector<16xi32>], vector<16xf32>,
      %add3A_1700 = arith.constant 12 : i32
      %add3A_1701 = vector.broadcast %add3A_1700 : i32 to vector<16xi32>
      %add3A_1702 = arith.addi %mul3A_1554, %add3A_1701 : vector<16xi32>
      %gather3A_1703 = tpu.vector_load_idx %arg15[%add3A_1558, %add3A_1702] : memref<128x128xf32, #tpu.memory_space<vmem>>[vector<16xi32>, vector<16xi32>], vector<16xf32>,
      %mul3A_1704 = arith.mulf %gather3A_1699, %gather3A_1703 : vector<16xf32>
      %add3A_1705 = arith.addf %add3A_1695, %mul3A_1704 : vector<16xf32>
      %add3A_1706 = arith.constant 13 : i32
      %add3A_1707 = vector.broadcast %add3A_1706 : i32 to vector<16xi32>
      %add3A_1708 = arith.addi %mul3A_1548, %add3A_1707 : vector<16xi32>
      %gather3A_1709 = tpu.vector_load_idx %arg14[%add3A_1558, %add3A_1708] : memref<128x128xf32, #tpu.memory_space<vmem>>[vector<16xi32>, vector<16xi32>], vector<16xf32>,
      %add3A_1710 = arith.constant 13 : i32
      %add3A_1711 = vector.broadcast %add3A_1710 : i32 to vector<16xi32>
      %add3A_1712 = arith.addi %mul3A_1554, %add3A_1711 : vector<16xi32>
      %gather3A_1713 = tpu.vector_load_idx %arg15[%add3A_1558, %add3A_1712] : memref<128x128xf32, #tpu.memory_space<vmem>>[vector<16xi32>, vector<16xi32>], vector<16xf32>,
      %mul3A_1714 = arith.mulf %gather3A_1709, %gather3A_1713 : vector<16xf32>
      %add3A_1715 = arith.addf %add3A_1705, %mul3A_1714 : vector<16xf32>
      %add3A_1716 = arith.constant 14 : i32
      %add3A_1717 = vector.broadcast %add3A_1716 : i32 to vector<16xi32>
      %add3A_1718 = arith.addi %mul3A_1548, %add3A_1717 : vector<16xi32>
      %gather3A_1719 = tpu.vector_load_idx %arg14[%add3A_1558, %add3A_1718] : memref<128x128xf32, #tpu.memory_space<vmem>>[vector<16xi32>, vector<16xi32>], vector<16xf32>,
      %add3A_1720 = arith.constant 14 : i32
      %add3A_1721 = vector.broadcast %add3A_1720 : i32 to vector<16xi32>
      %add3A_1722 = arith.addi %mul3A_1554, %add3A_1721 : vector<16xi32>
      %gather3A_1723 = tpu.vector_load_idx %arg15[%add3A_1558, %add3A_1722] : memref<128x128xf32, #tpu.memory_space<vmem>>[vector<16xi32>, vector<16xi32>], vector<16xf32>,
      %mul3A_1724 = arith.mulf %gather3A_1719, %gather3A_1723 : vector<16xf32>
      %add3A_1725 = arith.addf %add3A_1715, %mul3A_1724 : vector<16xf32>
      %add3A_1726 = arith.constant 15 : i32
      %add3A_1727 = vector.broadcast %add3A_1726 : i32 to vector<16xi32>
      %add3A_1728 = arith.addi %mul3A_1548, %add3A_1727 : vector<16xi32>
      %gather3A_1729 = tpu.vector_load_idx %arg14[%add3A_1558, %add3A_1728] : memref<128x128xf32, #tpu.memory_space<vmem>>[vector<16xi32>, vector<16xi32>], vector<16xf32>,
      %add3A_1730 = arith.constant 15 : i32
      %add3A_1731 = vector.broadcast %add3A_1730 : i32 to vector<16xi32>
      %add3A_1732 = arith.addi %mul3A_1554, %add3A_1731 : vector<16xi32>
      %gather3A_1733 = tpu.vector_load_idx %arg15[%add3A_1558, %add3A_1732] : memref<128x128xf32, #tpu.memory_space<vmem>>[vector<16xi32>, vector<16xi32>], vector<16xf32>,
      %mul3A_1734 = arith.mulf %gather3A_1729, %gather3A_1733 : vector<16xf32>
      %add3A_1735 = arith.addf %add3A_1725, %mul3A_1734 : vector<16xf32>
      %add3A_1736 = arith.constant 16 : i32
      %add3A_1737 = vector.broadcast %add3A_1736 : i32 to vector<16xi32>
      %add3A_1738 = arith.addi %mul3A_1548, %add3A_1737 : vector<16xi32>
      %gather3A_1739 = tpu.vector_load_idx %arg14[%add3A_1558, %add3A_1738] : memref<128x128xf32, #tpu.memory_space<vmem>>[vector<16xi32>, vector<16xi32>], vector<16xf32>,
      %add3A_1740 = arith.constant 16 : i32
      %add3A_1741 = vector.broadcast %add3A_1740 : i32 to vector<16xi32>
      %add3A_1742 = arith.addi %mul3A_1554, %add3A_1741 : vector<16xi32>
      %gather3A_1743 = tpu.vector_load_idx %arg15[%add3A_1558, %add3A_1742] : memref<128x128xf32, #tpu.memory_space<vmem>>[vector<16xi32>, vector<16xi32>], vector<16xf32>,
      %mul3A_1744 = arith.mulf %gather3A_1739, %gather3A_1743 : vector<16xf32>
      %add3A_1745 = arith.addf %add3A_1735, %mul3A_1744 : vector<16xf32>
      %add3A_1746 = arith.constant 17 : i32
      %add3A_1747 = vector.broadcast %add3A_1746 : i32 to vector<16xi32>
      %add3A_1748 = arith.addi %mul3A_1548, %add3A_1747 : vector<16xi32>
      %gather3A_1749 = tpu.vector_load_idx %arg14[%add3A_1558, %add3A_1748] : memref<128x128xf32, #tpu.memory_space<vmem>>[vector<16xi32>, vector<16xi32>], vector<16xf32>,
      %add3A_1750 = arith.constant 17 : i32
      %add3A_1751 = vector.broadcast %add3A_1750 : i32 to vector<16xi32>
      %add3A_1752 = arith.addi %mul3A_1554, %add3A_1751 : vector<16xi32>
      %gather3A_1753 = tpu.vector_load_idx %arg15[%add3A_1558, %add3A_1752] : memref<128x128xf32, #tpu.memory_space<vmem>>[vector<16xi32>, vector<16xi32>], vector<16xf32>,
      %mul3A_1754 = arith.mulf %gather3A_1749, %gather3A_1753 : vector<16xf32>
      %add3A_1755 = arith.addf %add3A_1745, %mul3A_1754 : vector<16xf32>
      %add3A_1756 = arith.constant 18 : i32
      %add3A_1757 = vector.broadcast %add3A_1756 : i32 to vector<16xi32>
      %add3A_1758 = arith.addi %mul3A_1548, %add3A_1757 : vector<16xi32>
      %gather3A_1759 = tpu.vector_load_idx %arg14[%add3A_1558, %add3A_1758] : memref<128x128xf32, #tpu.memory_space<vmem>>[vector<16xi32>, vector<16xi32>], vector<16xf32>,
      %add3A_1760 = arith.constant 18 : i32
      %add3A_1761 = vector.broadcast %add3A_1760 : i32 to vector<16xi32>
      %add3A_1762 = arith.addi %mul3A_1554, %add3A_1761 : vector<16xi32>
      %gather3A_1763 = tpu.vector_load_idx %arg15[%add3A_1558, %add3A_1762] : memref<128x128xf32, #tpu.memory_space<vmem>>[vector<16xi32>, vector<16xi32>], vector<16xf32>,
      %mul3A_1764 = arith.mulf %gather3A_1759, %gather3A_1763 : vector<16xf32>
      %add3A_1765 = arith.addf %add3A_1755, %mul3A_1764 : vector<16xf32>
      %add3A_1766 = arith.constant 19 : i32
      %add3A_1767 = vector.broadcast %add3A_1766 : i32 to vector<16xi32>
      %add3A_1768 = arith.addi %mul3A_1548, %add3A_1767 : vector<16xi32>
      %gather3A_1769 = tpu.vector_load_idx %arg14[%add3A_1558, %add3A_1768] : memref<128x128xf32, #tpu.memory_space<vmem>>[vector<16xi32>, vector<16xi32>], vector<16xf32>,
      %add3A_1770 = arith.constant 19 : i32
      %add3A_1771 = vector.broadcast %add3A_1770 : i32 to vector<16xi32>
      %add3A_1772 = arith.addi %mul3A_1554, %add3A_1771 : vector<16xi32>
      %gather3A_1773 = tpu.vector_load_idx %arg15[%add3A_1558, %add3A_1772] : memref<128x128xf32, #tpu.memory_space<vmem>>[vector<16xi32>, vector<16xi32>], vector<16xf32>,
      %mul3A_1774 = arith.mulf %gather3A_1769, %gather3A_1773 : vector<16xf32>
      %add3A_1775 = arith.addf %add3A_1765, %mul3A_1774 : vector<16xf32>
      %add3A_1776 = arith.constant 20 : i32
      %add3A_1777 = vector.broadcast %add3A_1776 : i32 to vector<16xi32>
      %add3A_1778 = arith.addi %mul3A_1548, %add3A_1777 : vector<16xi32>
      %gather3A_1779 = tpu.vector_load_idx %arg14[%add3A_1558, %add3A_1778] : memref<128x128xf32, #tpu.memory_space<vmem>>[vector<16xi32>, vector<16xi32>], vector<16xf32>,
      %add3A_1780 = arith.constant 20 : i32
      %add3A_1781 = vector.broadcast %add3A_1780 : i32 to vector<16xi32>
      %add3A_1782 = arith.addi %mul3A_1554, %add3A_1781 : vector<16xi32>
      %gather3A_1783 = tpu.vector_load_idx %arg15[%add3A_1558, %add3A_1782] : memref<128x128xf32, #tpu.memory_space<vmem>>[vector<16xi32>, vector<16xi32>], vector<16xf32>,
      %mul3A_1784 = arith.mulf %gather3A_1779, %gather3A_1783 : vector<16xf32>
      %add3A_1785 = arith.addf %add3A_1775, %mul3A_1784 : vector<16xf32>
      %add3A_1786 = arith.constant 21 : i32
      %add3A_1787 = vector.broadcast %add3A_1786 : i32 to vector<16xi32>
      %add3A_1788 = arith.addi %mul3A_1548, %add3A_1787 : vector<16xi32>
      %gather3A_1789 = tpu.vector_load_idx %arg14[%add3A_1558, %add3A_1788] : memref<128x128xf32, #tpu.memory_space<vmem>>[vector<16xi32>, vector<16xi32>], vector<16xf32>,
      %add3A_1790 = arith.constant 21 : i32
      %add3A_1791 = vector.broadcast %add3A_1790 : i32 to vector<16xi32>
      %add3A_1792 = arith.addi %mul3A_1554, %add3A_1791 : vector<16xi32>
      %gather3A_1793 = tpu.vector_load_idx %arg15[%add3A_1558, %add3A_1792] : memref<128x128xf32, #tpu.memory_space<vmem>>[vector<16xi32>, vector<16xi32>], vector<16xf32>,
      %mul3A_1794 = arith.mulf %gather3A_1789, %gather3A_1793 : vector<16xf32>
      %add3A_1795 = arith.addf %add3A_1785, %mul3A_1794 : vector<16xf32>
      %add3A_1796 = arith.constant 22 : i32
      %add3A_1797 = vector.broadcast %add3A_1796 : i32 to vector<16xi32>
      %add3A_1798 = arith.addi %mul3A_1548, %add3A_1797 : vector<16xi32>
      %gather3A_1799 = tpu.vector_load_idx %arg14[%add3A_1558, %add3A_1798] : memref<128x128xf32, #tpu.memory_space<vmem>>[vector<16xi32>, vector<16xi32>], vector<16xf32>,
      %add3A_1800 = arith.constant 22 : i32
      %add3A_1801 = vector.broadcast %add3A_1800 : i32 to vector<16xi32>
      %add3A_1802 = arith.addi %mul3A_1554, %add3A_1801 : vector<16xi32>
      %gather3A_1803 = tpu.vector_load_idx %arg15[%add3A_1558, %add3A_1802] : memref<128x128xf32, #tpu.memory_space<vmem>>[vector<16xi32>, vector<16xi32>], vector<16xf32>,
      %mul3A_1804 = arith.mulf %gather3A_1799, %gather3A_1803 : vector<16xf32>
      %add3A_1805 = arith.addf %add3A_1795, %mul3A_1804 : vector<16xf32>
      %add3A_1806 = arith.constant 23 : i32
      %add3A_1807 = vector.broadcast %add3A_1806 : i32 to vector<16xi32>
      %add3A_1808 = arith.addi %mul3A_1548, %add3A_1807 : vector<16xi32>
      %gather3A_1809 = tpu.vector_load_idx %arg14[%add3A_1558, %add3A_1808] : memref<128x128xf32, #tpu.memory_space<vmem>>[vector<16xi32>, vector<16xi32>], vector<16xf32>,
      %add3A_1810 = arith.constant 23 : i32
      %add3A_1811 = vector.broadcast %add3A_1810 : i32 to vector<16xi32>
      %add3A_1812 = arith.addi %mul3A_1554, %add3A_1811 : vector<16xi32>
      %gather3A_1813 = tpu.vector_load_idx %arg15[%add3A_1558, %add3A_1812] : memref<128x128xf32, #tpu.memory_space<vmem>>[vector<16xi32>, vector<16xi32>], vector<16xf32>,
      %mul3A_1814 = arith.mulf %gather3A_1809, %gather3A_1813 : vector<16xf32>
      %add3A_1815 = arith.addf %add3A_1805, %mul3A_1814 : vector<16xf32>
      %add3A_1816 = arith.constant 24 : i32
      %add3A_1817 = vector.broadcast %add3A_1816 : i32 to vector<16xi32>
      %add3A_1818 = arith.addi %mul3A_1548, %add3A_1817 : vector<16xi32>
      %gather3A_1819 = tpu.vector_load_idx %arg14[%add3A_1558, %add3A_1818] : memref<128x128xf32, #tpu.memory_space<vmem>>[vector<16xi32>, vector<16xi32>], vector<16xf32>,
      %add3A_1820 = arith.constant 24 : i32
      %add3A_1821 = vector.broadcast %add3A_1820 : i32 to vector<16xi32>
      %add3A_1822 = arith.addi %mul3A_1554, %add3A_1821 : vector<16xi32>
      %gather3A_1823 = tpu.vector_load_idx %arg15[%add3A_1558, %add3A_1822] : memref<128x128xf32, #tpu.memory_space<vmem>>[vector<16xi32>, vector<16xi32>], vector<16xf32>,
      %mul3A_1824 = arith.mulf %gather3A_1819, %gather3A_1823 : vector<16xf32>
      %add3A_1825 = arith.addf %add3A_1815, %mul3A_1824 : vector<16xf32>
      %add3A_1826 = arith.constant 25 : i32
      %add3A_1827 = vector.broadcast %add3A_1826 : i32 to vector<16xi32>
      %add3A_1828 = arith.addi %mul3A_1548, %add3A_1827 : vector<16xi32>
      %gather3A_1829 = tpu.vector_load_idx %arg14[%add3A_1558, %add3A_1828] : memref<128x128xf32, #tpu.memory_space<vmem>>[vector<16xi32>, vector<16xi32>], vector<16xf32>,
      %add3A_1830 = arith.constant 25 : i32
      %add3A_1831 = vector.broadcast %add3A_1830 : i32 to vector<16xi32>
      %add3A_1832 = arith.addi %mul3A_1554, %add3A_1831 : vector<16xi32>
      %gather3A_1833 = tpu.vector_load_idx %arg15[%add3A_1558, %add3A_1832] : memref<128x128xf32, #tpu.memory_space<vmem>>[vector<16xi32>, vector<16xi32>], vector<16xf32>,
      %mul3A_1834 = arith.mulf %gather3A_1829, %gather3A_1833 : vector<16xf32>
      %add3A_1835 = arith.addf %add3A_1825, %mul3A_1834 : vector<16xf32>
      %add3A_1836 = arith.constant 26 : i32
      %add3A_1837 = vector.broadcast %add3A_1836 : i32 to vector<16xi32>
      %add3A_1838 = arith.addi %mul3A_1548, %add3A_1837 : vector<16xi32>
      %gather3A_1839 = tpu.vector_load_idx %arg14[%add3A_1558, %add3A_1838] : memref<128x128xf32, #tpu.memory_space<vmem>>[vector<16xi32>, vector<16xi32>], vector<16xf32>,
      %add3A_1840 = arith.constant 26 : i32
      %add3A_1841 = vector.broadcast %add3A_1840 : i32 to vector<16xi32>
      %add3A_1842 = arith.addi %mul3A_1554, %add3A_1841 : vector<16xi32>
      %gather3A_1843 = tpu.vector_load_idx %arg15[%add3A_1558, %add3A_1842] : memref<128x128xf32, #tpu.memory_space<vmem>>[vector<16xi32>, vector<16xi32>], vector<16xf32>,
      %mul3A_1844 = arith.mulf %gather3A_1839, %gather3A_1843 : vector<16xf32>
      %add3A_1845 = arith.addf %add3A_1835, %mul3A_1844 : vector<16xf32>
      %add3A_1846 = arith.constant 27 : i32
      %add3A_1847 = vector.broadcast %add3A_1846 : i32 to vector<16xi32>
      %add3A_1848 = arith.addi %mul3A_1548, %add3A_1847 : vector<16xi32>
      %gather3A_1849 = tpu.vector_load_idx %arg14[%add3A_1558, %add3A_1848] : memref<128x128xf32, #tpu.memory_space<vmem>>[vector<16xi32>, vector<16xi32>], vector<16xf32>,
      %add3A_1850 = arith.constant 27 : i32
      %add3A_1851 = vector.broadcast %add3A_1850 : i32 to vector<16xi32>
      %add3A_1852 = arith.addi %mul3A_1554, %add3A_1851 : vector<16xi32>
      %gather3A_1853 = tpu.vector_load_idx %arg15[%add3A_1558, %add3A_1852] : memref<128x128xf32, #tpu.memory_space<vmem>>[vector<16xi32>, vector<16xi32>], vector<16xf32>,
      %mul3A_1854 = arith.mulf %gather3A_1849, %gather3A_1853 : vector<16xf32>
      %add3A_1855 = arith.addf %add3A_1845, %mul3A_1854 : vector<16xf32>
      %add3A_1856 = arith.constant 28 : i32
      %add3A_1857 = vector.broadcast %add3A_1856 : i32 to vector<16xi32>
      %add3A_1858 = arith.addi %mul3A_1548, %add3A_1857 : vector<16xi32>
      %gather3A_1859 = tpu.vector_load_idx %arg14[%add3A_1558, %add3A_1858] : memref<128x128xf32, #tpu.memory_space<vmem>>[vector<16xi32>, vector<16xi32>], vector<16xf32>,
      %add3A_1860 = arith.constant 28 : i32
      %add3A_1861 = vector.broadcast %add3A_1860 : i32 to vector<16xi32>
      %add3A_1862 = arith.addi %mul3A_1554, %add3A_1861 : vector<16xi32>
      %gather3A_1863 = tpu.vector_load_idx %arg15[%add3A_1558, %add3A_1862] : memref<128x128xf32, #tpu.memory_space<vmem>>[vector<16xi32>, vector<16xi32>], vector<16xf32>,
      %mul3A_1864 = arith.mulf %gather3A_1859, %gather3A_1863 : vector<16xf32>
      %add3A_1865 = arith.addf %add3A_1855, %mul3A_1864 : vector<16xf32>
      %add3A_1866 = arith.constant 29 : i32
      %add3A_1867 = vector.broadcast %add3A_1866 : i32 to vector<16xi32>
      %add3A_1868 = arith.addi %mul3A_1548, %add3A_1867 : vector<16xi32>
      %gather3A_1869 = tpu.vector_load_idx %arg14[%add3A_1558, %add3A_1868] : memref<128x128xf32, #tpu.memory_space<vmem>>[vector<16xi32>, vector<16xi32>], vector<16xf32>,
      %add3A_1870 = arith.constant 29 : i32
      %add3A_1871 = vector.broadcast %add3A_1870 : i32 to vector<16xi32>
      %add3A_1872 = arith.addi %mul3A_1554, %add3A_1871 : vector<16xi32>
      %gather3A_1873 = tpu.vector_load_idx %arg15[%add3A_1558, %add3A_1872] : memref<128x128xf32, #tpu.memory_space<vmem>>[vector<16xi32>, vector<16xi32>], vector<16xf32>,
      %mul3A_1874 = arith.mulf %gather3A_1869, %gather3A_1873 : vector<16xf32>
      %add3A_1875 = arith.addf %add3A_1865, %mul3A_1874 : vector<16xf32>
      %add3A_1876 = arith.constant 30 : i32
      %add3A_1877 = vector.broadcast %add3A_1876 : i32 to vector<16xi32>
      %add3A_1878 = arith.addi %mul3A_1548, %add3A_1877 : vector<16xi32>
      %gather3A_1879 = tpu.vector_load_idx %arg14[%add3A_1558, %add3A_1878] : memref<128x128xf32, #tpu.memory_space<vmem>>[vector<16xi32>, vector<16xi32>], vector<16xf32>,
      %add3A_1880 = arith.constant 30 : i32
      %add3A_1881 = vector.broadcast %add3A_1880 : i32 to vector<16xi32>
      %add3A_1882 = arith.addi %mul3A_1554, %add3A_1881 : vector<16xi32>
      %gather3A_1883 = tpu.vector_load_idx %arg15[%add3A_1558, %add3A_1882] : memref<128x128xf32, #tpu.memory_space<vmem>>[vector<16xi32>, vector<16xi32>], vector<16xf32>,
      %mul3A_1884 = arith.mulf %gather3A_1879, %gather3A_1883 : vector<16xf32>
      %add3A_1885 = arith.addf %add3A_1875, %mul3A_1884 : vector<16xf32>
      %add3A_1886 = arith.constant 31 : i32
      %add3A_1887 = vector.broadcast %add3A_1886 : i32 to vector<16xi32>
      %add3A_1888 = arith.addi %mul3A_1548, %add3A_1887 : vector<16xi32>
      %gather3A_1889 = tpu.vector_load_idx %arg14[%add3A_1558, %add3A_1888] : memref<128x128xf32, #tpu.memory_space<vmem>>[vector<16xi32>, vector<16xi32>], vector<16xf32>,
      %add3A_1890 = arith.constant 31 : i32
      %add3A_1891 = vector.broadcast %add3A_1890 : i32 to vector<16xi32>
      %add3A_1892 = arith.addi %mul3A_1554, %add3A_1891 : vector<16xi32>
      %gather3A_1893 = tpu.vector_load_idx %arg15[%add3A_1558, %add3A_1892] : memref<128x128xf32, #tpu.memory_space<vmem>>[vector<16xi32>, vector<16xi32>], vector<16xf32>,
      %mul3A_1894 = arith.mulf %gather3A_1889, %gather3A_1893 : vector<16xf32>
      %add3A_1895 = arith.addf %add3A_1885, %mul3A_1894 : vector<16xf32>
      %swap3A_1896 = arith.index_cast %multiple_of3A_1538 : i32 to index
      %swap3A_1897 = tpu.vector_load %arg18[%swap3A_1896] {strides = array<i32>} : memref<512xf32, #tpu.memory_space<vmem>>, vector<16xf32>,
      tpu.vector_store %arg18[%swap3A_1896], %add3A_1895 {strides = array<i32>} : memref<512xf32, #tpu.memory_space<vmem>>, vector<16xf32>,
      %add3A_1898 = arith.constant 80 : i32
      %add3A_1899 = arith.addi %multiple_of3A, %add3A_1898 : i32
      %multiple_of3A_1900 = tpu.assume_multiple %add3A_1899, 16 : i32
      %get3A_1901 = arith.index_cast %multiple_of3A_1900 : i32 to index
      %get3A_1902 = tpu.vector_load %arg9[%get3A_1901] {strides = array<i32>} : memref<512xi32, #tpu.memory_space<vmem>>, vector<16xi32>,
      %get3A_1903 = arith.index_cast %multiple_of3A_1900 : i32 to index
      %get3A_1904 = tpu.vector_load %arg10[%get3A_1903] {strides = array<i32>} : memref<512xi32, #tpu.memory_space<vmem>>, vector<16xi32>,
      %and3A_1905 = arith.constant 3 : i32
      %and3A_1906 = vector.broadcast %and3A_1905 : i32 to vector<16xi32>
      %and3A_1907 = arith.andi %get3A_1902, %and3A_1906 : vector<16xi32>
      %mul3A_1908 = arith.constant 32 : i32
      %mul3A_1909 = vector.broadcast %mul3A_1908 : i32 to vector<16xi32>
      %mul3A_1910 = arith.muli %and3A_1907, %mul3A_1909 : vector<16xi32>
      %and3A_1911 = arith.constant 3 : i32
      %and3A_1912 = vector.broadcast %and3A_1911 : i32 to vector<16xi32>
      %and3A_1913 = arith.andi %get3A_1904, %and3A_1912 : vector<16xi32>
      %mul3A_1914 = arith.constant 32 : i32
      %mul3A_1915 = vector.broadcast %mul3A_1914 : i32 to vector<16xi32>
      %mul3A_1916 = arith.muli %and3A_1913, %mul3A_1915 : vector<16xi32>
      %iota3A_1917 = tpu.iota {dimensions = array<i32: 0>} : vector<16xi32>
      %add3A_1918 = arith.constant 80 : i32
      %add3A_1919 = vector.broadcast %add3A_1918 : i32 to vector<16xi32>
      %add3A_1920 = arith.addi %iota3A_1917, %add3A_1919 : vector<16xi32>
      %add3A_1921 = vector.broadcast %multiple_of3A : i32 to vector<16xi32>
      %add3A_1922 = arith.addi %add3A_1921, %add3A_1920 : vector<16xi32>
      %and3A_1923 = arith.constant 127 : i32
      %and3A_1924 = vector.broadcast %and3A_1923 : i32 to vector<16xi32>
      %and3A_1925 = arith.andi %get3A_1904, %and3A_1924 : vector<16xi32>
      %gather3A_1926 = tpu.vector_load_idx %arg16[%add3A_1922, %and3A_1925] : memref<512x128xf32, #tpu.memory_space<vmem>>[vector<16xi32>, vector<16xi32>], vector<16xf32>,
      %sub3A_1927 = arith.constant 999936 : i32
      %sub3A_1928 = vector.broadcast %sub3A_1927 : i32 to vector<16xi32>
      %sub3A_1929 = arith.subi %get3A_1904, %sub3A_1928 : vector<16xi32>
      %max3A_1930 = arith.constant 0 : i32
      %max3A_1931 = vector.broadcast %max3A_1930 : i32 to vector<16xi32>
      %max3A_1932 = arith.maxsi %sub3A_1929, %max3A_1931 : vector<16xi32>
      %gather3A_1933 = tpu.vector_load_idx %arg17[%max3A_1932] : memref<64xf32, #tpu.memory_space<vmem>>[vector<16xi32>], vector<16xf32>,
      %ge3A_1934 = arith.constant 999936 : i32
      %ge3A_1935 = vector.broadcast %ge3A_1934 : i32 to vector<16xi32>
      %ge3A_1936 = arith.cmpi sge, %get3A_1904, %ge3A_1935 : vector<16xi32>
      %select_n3A_1937 = arith.select %ge3A_1936, %gather3A_1933, %gather3A_1926 : vector<16xi1>, vector<16xf32>
      %add3A_1938 = arith.constant 0 : i32
      %add3A_1939 = vector.broadcast %add3A_1938 : i32 to vector<16xi32>
      %add3A_1940 = arith.addi %mul3A_1910, %add3A_1939 : vector<16xi32>
      %gather3A_1941 = tpu.vector_load_idx %arg14[%add3A_1920, %add3A_1940] : memref<128x128xf32, #tpu.memory_space<vmem>>[vector<16xi32>, vector<16xi32>], vector<16xf32>,
      %add3A_1942 = arith.constant 0 : i32
      %add3A_1943 = vector.broadcast %add3A_1942 : i32 to vector<16xi32>
      %add3A_1944 = arith.addi %mul3A_1916, %add3A_1943 : vector<16xi32>
      %gather3A_1945 = tpu.vector_load_idx %arg15[%add3A_1920, %add3A_1944] : memref<128x128xf32, #tpu.memory_space<vmem>>[vector<16xi32>, vector<16xi32>], vector<16xf32>,
      %mul3A_1946 = arith.mulf %gather3A_1941, %gather3A_1945 : vector<16xf32>
      %add3A_1947 = arith.addf %select_n3A_1937, %mul3A_1946 : vector<16xf32>
      %add3A_1948 = arith.constant 1 : i32
      %add3A_1949 = vector.broadcast %add3A_1948 : i32 to vector<16xi32>
      %add3A_1950 = arith.addi %mul3A_1910, %add3A_1949 : vector<16xi32>
      %gather3A_1951 = tpu.vector_load_idx %arg14[%add3A_1920, %add3A_1950] : memref<128x128xf32, #tpu.memory_space<vmem>>[vector<16xi32>, vector<16xi32>], vector<16xf32>,
      %add3A_1952 = arith.constant 1 : i32
      %add3A_1953 = vector.broadcast %add3A_1952 : i32 to vector<16xi32>
      %add3A_1954 = arith.addi %mul3A_1916, %add3A_1953 : vector<16xi32>
      %gather3A_1955 = tpu.vector_load_idx %arg15[%add3A_1920, %add3A_1954] : memref<128x128xf32, #tpu.memory_space<vmem>>[vector<16xi32>, vector<16xi32>], vector<16xf32>,
      %mul3A_1956 = arith.mulf %gather3A_1951, %gather3A_1955 : vector<16xf32>
      %add3A_1957 = arith.addf %add3A_1947, %mul3A_1956 : vector<16xf32>
      %add3A_1958 = arith.constant 2 : i32
      %add3A_1959 = vector.broadcast %add3A_1958 : i32 to vector<16xi32>
      %add3A_1960 = arith.addi %mul3A_1910, %add3A_1959 : vector<16xi32>
      %gather3A_1961 = tpu.vector_load_idx %arg14[%add3A_1920, %add3A_1960] : memref<128x128xf32, #tpu.memory_space<vmem>>[vector<16xi32>, vector<16xi32>], vector<16xf32>,
      %add3A_1962 = arith.constant 2 : i32
      %add3A_1963 = vector.broadcast %add3A_1962 : i32 to vector<16xi32>
      %add3A_1964 = arith.addi %mul3A_1916, %add3A_1963 : vector<16xi32>
      %gather3A_1965 = tpu.vector_load_idx %arg15[%add3A_1920, %add3A_1964] : memref<128x128xf32, #tpu.memory_space<vmem>>[vector<16xi32>, vector<16xi32>], vector<16xf32>,
      %mul3A_1966 = arith.mulf %gather3A_1961, %gather3A_1965 : vector<16xf32>
      %add3A_1967 = arith.addf %add3A_1957, %mul3A_1966 : vector<16xf32>
      %add3A_1968 = arith.constant 3 : i32
      %add3A_1969 = vector.broadcast %add3A_1968 : i32 to vector<16xi32>
      %add3A_1970 = arith.addi %mul3A_1910, %add3A_1969 : vector<16xi32>
      %gather3A_1971 = tpu.vector_load_idx %arg14[%add3A_1920, %add3A_1970] : memref<128x128xf32, #tpu.memory_space<vmem>>[vector<16xi32>, vector<16xi32>], vector<16xf32>,
      %add3A_1972 = arith.constant 3 : i32
      %add3A_1973 = vector.broadcast %add3A_1972 : i32 to vector<16xi32>
      %add3A_1974 = arith.addi %mul3A_1916, %add3A_1973 : vector<16xi32>
      %gather3A_1975 = tpu.vector_load_idx %arg15[%add3A_1920, %add3A_1974] : memref<128x128xf32, #tpu.memory_space<vmem>>[vector<16xi32>, vector<16xi32>], vector<16xf32>,
      %mul3A_1976 = arith.mulf %gather3A_1971, %gather3A_1975 : vector<16xf32>
      %add3A_1977 = arith.addf %add3A_1967, %mul3A_1976 : vector<16xf32>
      %add3A_1978 = arith.constant 4 : i32
      %add3A_1979 = vector.broadcast %add3A_1978 : i32 to vector<16xi32>
      %add3A_1980 = arith.addi %mul3A_1910, %add3A_1979 : vector<16xi32>
      %gather3A_1981 = tpu.vector_load_idx %arg14[%add3A_1920, %add3A_1980] : memref<128x128xf32, #tpu.memory_space<vmem>>[vector<16xi32>, vector<16xi32>], vector<16xf32>,
      %add3A_1982 = arith.constant 4 : i32
      %add3A_1983 = vector.broadcast %add3A_1982 : i32 to vector<16xi32>
      %add3A_1984 = arith.addi %mul3A_1916, %add3A_1983 : vector<16xi32>
      %gather3A_1985 = tpu.vector_load_idx %arg15[%add3A_1920, %add3A_1984] : memref<128x128xf32, #tpu.memory_space<vmem>>[vector<16xi32>, vector<16xi32>], vector<16xf32>,
      %mul3A_1986 = arith.mulf %gather3A_1981, %gather3A_1985 : vector<16xf32>
      %add3A_1987 = arith.addf %add3A_1977, %mul3A_1986 : vector<16xf32>
      %add3A_1988 = arith.constant 5 : i32
      %add3A_1989 = vector.broadcast %add3A_1988 : i32 to vector<16xi32>
      %add3A_1990 = arith.addi %mul3A_1910, %add3A_1989 : vector<16xi32>
      %gather3A_1991 = tpu.vector_load_idx %arg14[%add3A_1920, %add3A_1990] : memref<128x128xf32, #tpu.memory_space<vmem>>[vector<16xi32>, vector<16xi32>], vector<16xf32>,
      %add3A_1992 = arith.constant 5 : i32
      %add3A_1993 = vector.broadcast %add3A_1992 : i32 to vector<16xi32>
      %add3A_1994 = arith.addi %mul3A_1916, %add3A_1993 : vector<16xi32>
      %gather3A_1995 = tpu.vector_load_idx %arg15[%add3A_1920, %add3A_1994] : memref<128x128xf32, #tpu.memory_space<vmem>>[vector<16xi32>, vector<16xi32>], vector<16xf32>,
      %mul3A_1996 = arith.mulf %gather3A_1991, %gather3A_1995 : vector<16xf32>
      %add3A_1997 = arith.addf %add3A_1987, %mul3A_1996 : vector<16xf32>
      %add3A_1998 = arith.constant 6 : i32
      %add3A_1999 = vector.broadcast %add3A_1998 : i32 to vector<16xi32>
      %add3A_2000 = arith.addi %mul3A_1910, %add3A_1999 : vector<16xi32>
      %gather3A_2001 = tpu.vector_load_idx %arg14[%add3A_1920, %add3A_2000] : memref<128x128xf32, #tpu.memory_space<vmem>>[vector<16xi32>, vector<16xi32>], vector<16xf32>,
      %add3A_2002 = arith.constant 6 : i32
      %add3A_2003 = vector.broadcast %add3A_2002 : i32 to vector<16xi32>
      %add3A_2004 = arith.addi %mul3A_1916, %add3A_2003 : vector<16xi32>
      %gather3A_2005 = tpu.vector_load_idx %arg15[%add3A_1920, %add3A_2004] : memref<128x128xf32, #tpu.memory_space<vmem>>[vector<16xi32>, vector<16xi32>], vector<16xf32>,
      %mul3A_2006 = arith.mulf %gather3A_2001, %gather3A_2005 : vector<16xf32>
      %add3A_2007 = arith.addf %add3A_1997, %mul3A_2006 : vector<16xf32>
      %add3A_2008 = arith.constant 7 : i32
      %add3A_2009 = vector.broadcast %add3A_2008 : i32 to vector<16xi32>
      %add3A_2010 = arith.addi %mul3A_1910, %add3A_2009 : vector<16xi32>
      %gather3A_2011 = tpu.vector_load_idx %arg14[%add3A_1920, %add3A_2010] : memref<128x128xf32, #tpu.memory_space<vmem>>[vector<16xi32>, vector<16xi32>], vector<16xf32>,
      %add3A_2012 = arith.constant 7 : i32
      %add3A_2013 = vector.broadcast %add3A_2012 : i32 to vector<16xi32>
      %add3A_2014 = arith.addi %mul3A_1916, %add3A_2013 : vector<16xi32>
      %gather3A_2015 = tpu.vector_load_idx %arg15[%add3A_1920, %add3A_2014] : memref<128x128xf32, #tpu.memory_space<vmem>>[vector<16xi32>, vector<16xi32>], vector<16xf32>,
      %mul3A_2016 = arith.mulf %gather3A_2011, %gather3A_2015 : vector<16xf32>
      %add3A_2017 = arith.addf %add3A_2007, %mul3A_2016 : vector<16xf32>
      %add3A_2018 = arith.constant 8 : i32
      %add3A_2019 = vector.broadcast %add3A_2018 : i32 to vector<16xi32>
      %add3A_2020 = arith.addi %mul3A_1910, %add3A_2019 : vector<16xi32>
      %gather3A_2021 = tpu.vector_load_idx %arg14[%add3A_1920, %add3A_2020] : memref<128x128xf32, #tpu.memory_space<vmem>>[vector<16xi32>, vector<16xi32>], vector<16xf32>,
      %add3A_2022 = arith.constant 8 : i32
      %add3A_2023 = vector.broadcast %add3A_2022 : i32 to vector<16xi32>
      %add3A_2024 = arith.addi %mul3A_1916, %add3A_2023 : vector<16xi32>
      %gather3A_2025 = tpu.vector_load_idx %arg15[%add3A_1920, %add3A_2024] : memref<128x128xf32, #tpu.memory_space<vmem>>[vector<16xi32>, vector<16xi32>], vector<16xf32>,
      %mul3A_2026 = arith.mulf %gather3A_2021, %gather3A_2025 : vector<16xf32>
      %add3A_2027 = arith.addf %add3A_2017, %mul3A_2026 : vector<16xf32>
      %add3A_2028 = arith.constant 9 : i32
      %add3A_2029 = vector.broadcast %add3A_2028 : i32 to vector<16xi32>
      %add3A_2030 = arith.addi %mul3A_1910, %add3A_2029 : vector<16xi32>
      %gather3A_2031 = tpu.vector_load_idx %arg14[%add3A_1920, %add3A_2030] : memref<128x128xf32, #tpu.memory_space<vmem>>[vector<16xi32>, vector<16xi32>], vector<16xf32>,
      %add3A_2032 = arith.constant 9 : i32
      %add3A_2033 = vector.broadcast %add3A_2032 : i32 to vector<16xi32>
      %add3A_2034 = arith.addi %mul3A_1916, %add3A_2033 : vector<16xi32>
      %gather3A_2035 = tpu.vector_load_idx %arg15[%add3A_1920, %add3A_2034] : memref<128x128xf32, #tpu.memory_space<vmem>>[vector<16xi32>, vector<16xi32>], vector<16xf32>,
      %mul3A_2036 = arith.mulf %gather3A_2031, %gather3A_2035 : vector<16xf32>
      %add3A_2037 = arith.addf %add3A_2027, %mul3A_2036 : vector<16xf32>
      %add3A_2038 = arith.constant 10 : i32
      %add3A_2039 = vector.broadcast %add3A_2038 : i32 to vector<16xi32>
      %add3A_2040 = arith.addi %mul3A_1910, %add3A_2039 : vector<16xi32>
      %gather3A_2041 = tpu.vector_load_idx %arg14[%add3A_1920, %add3A_2040] : memref<128x128xf32, #tpu.memory_space<vmem>>[vector<16xi32>, vector<16xi32>], vector<16xf32>,
      %add3A_2042 = arith.constant 10 : i32
      %add3A_2043 = vector.broadcast %add3A_2042 : i32 to vector<16xi32>
      %add3A_2044 = arith.addi %mul3A_1916, %add3A_2043 : vector<16xi32>
      %gather3A_2045 = tpu.vector_load_idx %arg15[%add3A_1920, %add3A_2044] : memref<128x128xf32, #tpu.memory_space<vmem>>[vector<16xi32>, vector<16xi32>], vector<16xf32>,
      %mul3A_2046 = arith.mulf %gather3A_2041, %gather3A_2045 : vector<16xf32>
      %add3A_2047 = arith.addf %add3A_2037, %mul3A_2046 : vector<16xf32>
      %add3A_2048 = arith.constant 11 : i32
      %add3A_2049 = vector.broadcast %add3A_2048 : i32 to vector<16xi32>
      %add3A_2050 = arith.addi %mul3A_1910, %add3A_2049 : vector<16xi32>
      %gather3A_2051 = tpu.vector_load_idx %arg14[%add3A_1920, %add3A_2050] : memref<128x128xf32, #tpu.memory_space<vmem>>[vector<16xi32>, vector<16xi32>], vector<16xf32>,
      %add3A_2052 = arith.constant 11 : i32
      %add3A_2053 = vector.broadcast %add3A_2052 : i32 to vector<16xi32>
      %add3A_2054 = arith.addi %mul3A_1916, %add3A_2053 : vector<16xi32>
      %gather3A_2055 = tpu.vector_load_idx %arg15[%add3A_1920, %add3A_2054] : memref<128x128xf32, #tpu.memory_space<vmem>>[vector<16xi32>, vector<16xi32>], vector<16xf32>,
      %mul3A_2056 = arith.mulf %gather3A_2051, %gather3A_2055 : vector<16xf32>
      %add3A_2057 = arith.addf %add3A_2047, %mul3A_2056 : vector<16xf32>
      %add3A_2058 = arith.constant 12 : i32
      %add3A_2059 = vector.broadcast %add3A_2058 : i32 to vector<16xi32>
      %add3A_2060 = arith.addi %mul3A_1910, %add3A_2059 : vector<16xi32>
      %gather3A_2061 = tpu.vector_load_idx %arg14[%add3A_1920, %add3A_2060] : memref<128x128xf32, #tpu.memory_space<vmem>>[vector<16xi32>, vector<16xi32>], vector<16xf32>,
      %add3A_2062 = arith.constant 12 : i32
      %add3A_2063 = vector.broadcast %add3A_2062 : i32 to vector<16xi32>
      %add3A_2064 = arith.addi %mul3A_1916, %add3A_2063 : vector<16xi32>
      %gather3A_2065 = tpu.vector_load_idx %arg15[%add3A_1920, %add3A_2064] : memref<128x128xf32, #tpu.memory_space<vmem>>[vector<16xi32>, vector<16xi32>], vector<16xf32>,
      %mul3A_2066 = arith.mulf %gather3A_2061, %gather3A_2065 : vector<16xf32>
      %add3A_2067 = arith.addf %add3A_2057, %mul3A_2066 : vector<16xf32>
      %add3A_2068 = arith.constant 13 : i32
      %add3A_2069 = vector.broadcast %add3A_2068 : i32 to vector<16xi32>
      %add3A_2070 = arith.addi %mul3A_1910, %add3A_2069 : vector<16xi32>
      %gather3A_2071 = tpu.vector_load_idx %arg14[%add3A_1920, %add3A_2070] : memref<128x128xf32, #tpu.memory_space<vmem>>[vector<16xi32>, vector<16xi32>], vector<16xf32>,
      %add3A_2072 = arith.constant 13 : i32
      %add3A_2073 = vector.broadcast %add3A_2072 : i32 to vector<16xi32>
      %add3A_2074 = arith.addi %mul3A_1916, %add3A_2073 : vector<16xi32>
      %gather3A_2075 = tpu.vector_load_idx %arg15[%add3A_1920, %add3A_2074] : memref<128x128xf32, #tpu.memory_space<vmem>>[vector<16xi32>, vector<16xi32>], vector<16xf32>,
      %mul3A_2076 = arith.mulf %gather3A_2071, %gather3A_2075 : vector<16xf32>
      %add3A_2077 = arith.addf %add3A_2067, %mul3A_2076 : vector<16xf32>
      %add3A_2078 = arith.constant 14 : i32
      %add3A_2079 = vector.broadcast %add3A_2078 : i32 to vector<16xi32>
      %add3A_2080 = arith.addi %mul3A_1910, %add3A_2079 : vector<16xi32>
      %gather3A_2081 = tpu.vector_load_idx %arg14[%add3A_1920, %add3A_2080] : memref<128x128xf32, #tpu.memory_space<vmem>>[vector<16xi32>, vector<16xi32>], vector<16xf32>,
      %add3A_2082 = arith.constant 14 : i32
      %add3A_2083 = vector.broadcast %add3A_2082 : i32 to vector<16xi32>
      %add3A_2084 = arith.addi %mul3A_1916, %add3A_2083 : vector<16xi32>
      %gather3A_2085 = tpu.vector_load_idx %arg15[%add3A_1920, %add3A_2084] : memref<128x128xf32, #tpu.memory_space<vmem>>[vector<16xi32>, vector<16xi32>], vector<16xf32>,
      %mul3A_2086 = arith.mulf %gather3A_2081, %gather3A_2085 : vector<16xf32>
      %add3A_2087 = arith.addf %add3A_2077, %mul3A_2086 : vector<16xf32>
      %add3A_2088 = arith.constant 15 : i32
      %add3A_2089 = vector.broadcast %add3A_2088 : i32 to vector<16xi32>
      %add3A_2090 = arith.addi %mul3A_1910, %add3A_2089 : vector<16xi32>
      %gather3A_2091 = tpu.vector_load_idx %arg14[%add3A_1920, %add3A_2090] : memref<128x128xf32, #tpu.memory_space<vmem>>[vector<16xi32>, vector<16xi32>], vector<16xf32>,
      %add3A_2092 = arith.constant 15 : i32
      %add3A_2093 = vector.broadcast %add3A_2092 : i32 to vector<16xi32>
      %add3A_2094 = arith.addi %mul3A_1916, %add3A_2093 : vector<16xi32>
      %gather3A_2095 = tpu.vector_load_idx %arg15[%add3A_1920, %add3A_2094] : memref<128x128xf32, #tpu.memory_space<vmem>>[vector<16xi32>, vector<16xi32>], vector<16xf32>,
      %mul3A_2096 = arith.mulf %gather3A_2091, %gather3A_2095 : vector<16xf32>
      %add3A_2097 = arith.addf %add3A_2087, %mul3A_2096 : vector<16xf32>
      %add3A_2098 = arith.constant 16 : i32
      %add3A_2099 = vector.broadcast %add3A_2098 : i32 to vector<16xi32>
      %add3A_2100 = arith.addi %mul3A_1910, %add3A_2099 : vector<16xi32>
      %gather3A_2101 = tpu.vector_load_idx %arg14[%add3A_1920, %add3A_2100] : memref<128x128xf32, #tpu.memory_space<vmem>>[vector<16xi32>, vector<16xi32>], vector<16xf32>,
      %add3A_2102 = arith.constant 16 : i32
      %add3A_2103 = vector.broadcast %add3A_2102 : i32 to vector<16xi32>
      %add3A_2104 = arith.addi %mul3A_1916, %add3A_2103 : vector<16xi32>
      %gather3A_2105 = tpu.vector_load_idx %arg15[%add3A_1920, %add3A_2104] : memref<128x128xf32, #tpu.memory_space<vmem>>[vector<16xi32>, vector<16xi32>], vector<16xf32>,
      %mul3A_2106 = arith.mulf %gather3A_2101, %gather3A_2105 : vector<16xf32>
      %add3A_2107 = arith.addf %add3A_2097, %mul3A_2106 : vector<16xf32>
      %add3A_2108 = arith.constant 17 : i32
      %add3A_2109 = vector.broadcast %add3A_2108 : i32 to vector<16xi32>
      %add3A_2110 = arith.addi %mul3A_1910, %add3A_2109 : vector<16xi32>
      %gather3A_2111 = tpu.vector_load_idx %arg14[%add3A_1920, %add3A_2110] : memref<128x128xf32, #tpu.memory_space<vmem>>[vector<16xi32>, vector<16xi32>], vector<16xf32>,
      %add3A_2112 = arith.constant 17 : i32
      %add3A_2113 = vector.broadcast %add3A_2112 : i32 to vector<16xi32>
      %add3A_2114 = arith.addi %mul3A_1916, %add3A_2113 : vector<16xi32>
      %gather3A_2115 = tpu.vector_load_idx %arg15[%add3A_1920, %add3A_2114] : memref<128x128xf32, #tpu.memory_space<vmem>>[vector<16xi32>, vector<16xi32>], vector<16xf32>,
      %mul3A_2116 = arith.mulf %gather3A_2111, %gather3A_2115 : vector<16xf32>
      %add3A_2117 = arith.addf %add3A_2107, %mul3A_2116 : vector<16xf32>
      %add3A_2118 = arith.constant 18 : i32
      %add3A_2119 = vector.broadcast %add3A_2118 : i32 to vector<16xi32>
      %add3A_2120 = arith.addi %mul3A_1910, %add3A_2119 : vector<16xi32>
      %gather3A_2121 = tpu.vector_load_idx %arg14[%add3A_1920, %add3A_2120] : memref<128x128xf32, #tpu.memory_space<vmem>>[vector<16xi32>, vector<16xi32>], vector<16xf32>,
      %add3A_2122 = arith.constant 18 : i32
      %add3A_2123 = vector.broadcast %add3A_2122 : i32 to vector<16xi32>
      %add3A_2124 = arith.addi %mul3A_1916, %add3A_2123 : vector<16xi32>
      %gather3A_2125 = tpu.vector_load_idx %arg15[%add3A_1920, %add3A_2124] : memref<128x128xf32, #tpu.memory_space<vmem>>[vector<16xi32>, vector<16xi32>], vector<16xf32>,
      %mul3A_2126 = arith.mulf %gather3A_2121, %gather3A_2125 : vector<16xf32>
      %add3A_2127 = arith.addf %add3A_2117, %mul3A_2126 : vector<16xf32>
      %add3A_2128 = arith.constant 19 : i32
      %add3A_2129 = vector.broadcast %add3A_2128 : i32 to vector<16xi32>
      %add3A_2130 = arith.addi %mul3A_1910, %add3A_2129 : vector<16xi32>
      %gather3A_2131 = tpu.vector_load_idx %arg14[%add3A_1920, %add3A_2130] : memref<128x128xf32, #tpu.memory_space<vmem>>[vector<16xi32>, vector<16xi32>], vector<16xf32>,
      %add3A_2132 = arith.constant 19 : i32
      %add3A_2133 = vector.broadcast %add3A_2132 : i32 to vector<16xi32>
      %add3A_2134 = arith.addi %mul3A_1916, %add3A_2133 : vector<16xi32>
      %gather3A_2135 = tpu.vector_load_idx %arg15[%add3A_1920, %add3A_2134] : memref<128x128xf32, #tpu.memory_space<vmem>>[vector<16xi32>, vector<16xi32>], vector<16xf32>,
      %mul3A_2136 = arith.mulf %gather3A_2131, %gather3A_2135 : vector<16xf32>
      %add3A_2137 = arith.addf %add3A_2127, %mul3A_2136 : vector<16xf32>
      %add3A_2138 = arith.constant 20 : i32
      %add3A_2139 = vector.broadcast %add3A_2138 : i32 to vector<16xi32>
      %add3A_2140 = arith.addi %mul3A_1910, %add3A_2139 : vector<16xi32>
      %gather3A_2141 = tpu.vector_load_idx %arg14[%add3A_1920, %add3A_2140] : memref<128x128xf32, #tpu.memory_space<vmem>>[vector<16xi32>, vector<16xi32>], vector<16xf32>,
      %add3A_2142 = arith.constant 20 : i32
      %add3A_2143 = vector.broadcast %add3A_2142 : i32 to vector<16xi32>
      %add3A_2144 = arith.addi %mul3A_1916, %add3A_2143 : vector<16xi32>
      %gather3A_2145 = tpu.vector_load_idx %arg15[%add3A_1920, %add3A_2144] : memref<128x128xf32, #tpu.memory_space<vmem>>[vector<16xi32>, vector<16xi32>], vector<16xf32>,
      %mul3A_2146 = arith.mulf %gather3A_2141, %gather3A_2145 : vector<16xf32>
      %add3A_2147 = arith.addf %add3A_2137, %mul3A_2146 : vector<16xf32>
      %add3A_2148 = arith.constant 21 : i32
      %add3A_2149 = vector.broadcast %add3A_2148 : i32 to vector<16xi32>
      %add3A_2150 = arith.addi %mul3A_1910, %add3A_2149 : vector<16xi32>
      %gather3A_2151 = tpu.vector_load_idx %arg14[%add3A_1920, %add3A_2150] : memref<128x128xf32, #tpu.memory_space<vmem>>[vector<16xi32>, vector<16xi32>], vector<16xf32>,
      %add3A_2152 = arith.constant 21 : i32
      %add3A_2153 = vector.broadcast %add3A_2152 : i32 to vector<16xi32>
      %add3A_2154 = arith.addi %mul3A_1916, %add3A_2153 : vector<16xi32>
      %gather3A_2155 = tpu.vector_load_idx %arg15[%add3A_1920, %add3A_2154] : memref<128x128xf32, #tpu.memory_space<vmem>>[vector<16xi32>, vector<16xi32>], vector<16xf32>,
      %mul3A_2156 = arith.mulf %gather3A_2151, %gather3A_2155 : vector<16xf32>
      %add3A_2157 = arith.addf %add3A_2147, %mul3A_2156 : vector<16xf32>
      %add3A_2158 = arith.constant 22 : i32
      %add3A_2159 = vector.broadcast %add3A_2158 : i32 to vector<16xi32>
      %add3A_2160 = arith.addi %mul3A_1910, %add3A_2159 : vector<16xi32>
      %gather3A_2161 = tpu.vector_load_idx %arg14[%add3A_1920, %add3A_2160] : memref<128x128xf32, #tpu.memory_space<vmem>>[vector<16xi32>, vector<16xi32>], vector<16xf32>,
      %add3A_2162 = arith.constant 22 : i32
      %add3A_2163 = vector.broadcast %add3A_2162 : i32 to vector<16xi32>
      %add3A_2164 = arith.addi %mul3A_1916, %add3A_2163 : vector<16xi32>
      %gather3A_2165 = tpu.vector_load_idx %arg15[%add3A_1920, %add3A_2164] : memref<128x128xf32, #tpu.memory_space<vmem>>[vector<16xi32>, vector<16xi32>], vector<16xf32>,
      %mul3A_2166 = arith.mulf %gather3A_2161, %gather3A_2165 : vector<16xf32>
      %add3A_2167 = arith.addf %add3A_2157, %mul3A_2166 : vector<16xf32>
      %add3A_2168 = arith.constant 23 : i32
      %add3A_2169 = vector.broadcast %add3A_2168 : i32 to vector<16xi32>
      %add3A_2170 = arith.addi %mul3A_1910, %add3A_2169 : vector<16xi32>
      %gather3A_2171 = tpu.vector_load_idx %arg14[%add3A_1920, %add3A_2170] : memref<128x128xf32, #tpu.memory_space<vmem>>[vector<16xi32>, vector<16xi32>], vector<16xf32>,
      %add3A_2172 = arith.constant 23 : i32
      %add3A_2173 = vector.broadcast %add3A_2172 : i32 to vector<16xi32>
      %add3A_2174 = arith.addi %mul3A_1916, %add3A_2173 : vector<16xi32>
      %gather3A_2175 = tpu.vector_load_idx %arg15[%add3A_1920, %add3A_2174] : memref<128x128xf32, #tpu.memory_space<vmem>>[vector<16xi32>, vector<16xi32>], vector<16xf32>,
      %mul3A_2176 = arith.mulf %gather3A_2171, %gather3A_2175 : vector<16xf32>
      %add3A_2177 = arith.addf %add3A_2167, %mul3A_2176 : vector<16xf32>
      %add3A_2178 = arith.constant 24 : i32
      %add3A_2179 = vector.broadcast %add3A_2178 : i32 to vector<16xi32>
      %add3A_2180 = arith.addi %mul3A_1910, %add3A_2179 : vector<16xi32>
      %gather3A_2181 = tpu.vector_load_idx %arg14[%add3A_1920, %add3A_2180] : memref<128x128xf32, #tpu.memory_space<vmem>>[vector<16xi32>, vector<16xi32>], vector<16xf32>,
      %add3A_2182 = arith.constant 24 : i32
      %add3A_2183 = vector.broadcast %add3A_2182 : i32 to vector<16xi32>
      %add3A_2184 = arith.addi %mul3A_1916, %add3A_2183 : vector<16xi32>
      %gather3A_2185 = tpu.vector_load_idx %arg15[%add3A_1920, %add3A_2184] : memref<128x128xf32, #tpu.memory_space<vmem>>[vector<16xi32>, vector<16xi32>], vector<16xf32>,
      %mul3A_2186 = arith.mulf %gather3A_2181, %gather3A_2185 : vector<16xf32>
      %add3A_2187 = arith.addf %add3A_2177, %mul3A_2186 : vector<16xf32>
      %add3A_2188 = arith.constant 25 : i32
      %add3A_2189 = vector.broadcast %add3A_2188 : i32 to vector<16xi32>
      %add3A_2190 = arith.addi %mul3A_1910, %add3A_2189 : vector<16xi32>
      %gather3A_2191 = tpu.vector_load_idx %arg14[%add3A_1920, %add3A_2190] : memref<128x128xf32, #tpu.memory_space<vmem>>[vector<16xi32>, vector<16xi32>], vector<16xf32>,
      %add3A_2192 = arith.constant 25 : i32
      %add3A_2193 = vector.broadcast %add3A_2192 : i32 to vector<16xi32>
      %add3A_2194 = arith.addi %mul3A_1916, %add3A_2193 : vector<16xi32>
      %gather3A_2195 = tpu.vector_load_idx %arg15[%add3A_1920, %add3A_2194] : memref<128x128xf32, #tpu.memory_space<vmem>>[vector<16xi32>, vector<16xi32>], vector<16xf32>,
      %mul3A_2196 = arith.mulf %gather3A_2191, %gather3A_2195 : vector<16xf32>
      %add3A_2197 = arith.addf %add3A_2187, %mul3A_2196 : vector<16xf32>
      %add3A_2198 = arith.constant 26 : i32
      %add3A_2199 = vector.broadcast %add3A_2198 : i32 to vector<16xi32>
      %add3A_2200 = arith.addi %mul3A_1910, %add3A_2199 : vector<16xi32>
      %gather3A_2201 = tpu.vector_load_idx %arg14[%add3A_1920, %add3A_2200] : memref<128x128xf32, #tpu.memory_space<vmem>>[vector<16xi32>, vector<16xi32>], vector<16xf32>,
      %add3A_2202 = arith.constant 26 : i32
      %add3A_2203 = vector.broadcast %add3A_2202 : i32 to vector<16xi32>
      %add3A_2204 = arith.addi %mul3A_1916, %add3A_2203 : vector<16xi32>
      %gather3A_2205 = tpu.vector_load_idx %arg15[%add3A_1920, %add3A_2204] : memref<128x128xf32, #tpu.memory_space<vmem>>[vector<16xi32>, vector<16xi32>], vector<16xf32>,
      %mul3A_2206 = arith.mulf %gather3A_2201, %gather3A_2205 : vector<16xf32>
      %add3A_2207 = arith.addf %add3A_2197, %mul3A_2206 : vector<16xf32>
      %add3A_2208 = arith.constant 27 : i32
      %add3A_2209 = vector.broadcast %add3A_2208 : i32 to vector<16xi32>
      %add3A_2210 = arith.addi %mul3A_1910, %add3A_2209 : vector<16xi32>
      %gather3A_2211 = tpu.vector_load_idx %arg14[%add3A_1920, %add3A_2210] : memref<128x128xf32, #tpu.memory_space<vmem>>[vector<16xi32>, vector<16xi32>], vector<16xf32>,
      %add3A_2212 = arith.constant 27 : i32
      %add3A_2213 = vector.broadcast %add3A_2212 : i32 to vector<16xi32>
      %add3A_2214 = arith.addi %mul3A_1916, %add3A_2213 : vector<16xi32>
      %gather3A_2215 = tpu.vector_load_idx %arg15[%add3A_1920, %add3A_2214] : memref<128x128xf32, #tpu.memory_space<vmem>>[vector<16xi32>, vector<16xi32>], vector<16xf32>,
      %mul3A_2216 = arith.mulf %gather3A_2211, %gather3A_2215 : vector<16xf32>
      %add3A_2217 = arith.addf %add3A_2207, %mul3A_2216 : vector<16xf32>
      %add3A_2218 = arith.constant 28 : i32
      %add3A_2219 = vector.broadcast %add3A_2218 : i32 to vector<16xi32>
      %add3A_2220 = arith.addi %mul3A_1910, %add3A_2219 : vector<16xi32>
      %gather3A_2221 = tpu.vector_load_idx %arg14[%add3A_1920, %add3A_2220] : memref<128x128xf32, #tpu.memory_space<vmem>>[vector<16xi32>, vector<16xi32>], vector<16xf32>,
      %add3A_2222 = arith.constant 28 : i32
      %add3A_2223 = vector.broadcast %add3A_2222 : i32 to vector<16xi32>
      %add3A_2224 = arith.addi %mul3A_1916, %add3A_2223 : vector<16xi32>
      %gather3A_2225 = tpu.vector_load_idx %arg15[%add3A_1920, %add3A_2224] : memref<128x128xf32, #tpu.memory_space<vmem>>[vector<16xi32>, vector<16xi32>], vector<16xf32>,
      %mul3A_2226 = arith.mulf %gather3A_2221, %gather3A_2225 : vector<16xf32>
      %add3A_2227 = arith.addf %add3A_2217, %mul3A_2226 : vector<16xf32>
      %add3A_2228 = arith.constant 29 : i32
      %add3A_2229 = vector.broadcast %add3A_2228 : i32 to vector<16xi32>
      %add3A_2230 = arith.addi %mul3A_1910, %add3A_2229 : vector<16xi32>
      %gather3A_2231 = tpu.vector_load_idx %arg14[%add3A_1920, %add3A_2230] : memref<128x128xf32, #tpu.memory_space<vmem>>[vector<16xi32>, vector<16xi32>], vector<16xf32>,
      %add3A_2232 = arith.constant 29 : i32
      %add3A_2233 = vector.broadcast %add3A_2232 : i32 to vector<16xi32>
      %add3A_2234 = arith.addi %mul3A_1916, %add3A_2233 : vector<16xi32>
      %gather3A_2235 = tpu.vector_load_idx %arg15[%add3A_1920, %add3A_2234] : memref<128x128xf32, #tpu.memory_space<vmem>>[vector<16xi32>, vector<16xi32>], vector<16xf32>,
      %mul3A_2236 = arith.mulf %gather3A_2231, %gather3A_2235 : vector<16xf32>
      %add3A_2237 = arith.addf %add3A_2227, %mul3A_2236 : vector<16xf32>
      %add3A_2238 = arith.constant 30 : i32
      %add3A_2239 = vector.broadcast %add3A_2238 : i32 to vector<16xi32>
      %add3A_2240 = arith.addi %mul3A_1910, %add3A_2239 : vector<16xi32>
      %gather3A_2241 = tpu.vector_load_idx %arg14[%add3A_1920, %add3A_2240] : memref<128x128xf32, #tpu.memory_space<vmem>>[vector<16xi32>, vector<16xi32>], vector<16xf32>,
      %add3A_2242 = arith.constant 30 : i32
      %add3A_2243 = vector.broadcast %add3A_2242 : i32 to vector<16xi32>
      %add3A_2244 = arith.addi %mul3A_1916, %add3A_2243 : vector<16xi32>
      %gather3A_2245 = tpu.vector_load_idx %arg15[%add3A_1920, %add3A_2244] : memref<128x128xf32, #tpu.memory_space<vmem>>[vector<16xi32>, vector<16xi32>], vector<16xf32>,
      %mul3A_2246 = arith.mulf %gather3A_2241, %gather3A_2245 : vector<16xf32>
      %add3A_2247 = arith.addf %add3A_2237, %mul3A_2246 : vector<16xf32>
      %add3A_2248 = arith.constant 31 : i32
      %add3A_2249 = vector.broadcast %add3A_2248 : i32 to vector<16xi32>
      %add3A_2250 = arith.addi %mul3A_1910, %add3A_2249 : vector<16xi32>
      %gather3A_2251 = tpu.vector_load_idx %arg14[%add3A_1920, %add3A_2250] : memref<128x128xf32, #tpu.memory_space<vmem>>[vector<16xi32>, vector<16xi32>], vector<16xf32>,
      %add3A_2252 = arith.constant 31 : i32
      %add3A_2253 = vector.broadcast %add3A_2252 : i32 to vector<16xi32>
      %add3A_2254 = arith.addi %mul3A_1916, %add3A_2253 : vector<16xi32>
      %gather3A_2255 = tpu.vector_load_idx %arg15[%add3A_1920, %add3A_2254] : memref<128x128xf32, #tpu.memory_space<vmem>>[vector<16xi32>, vector<16xi32>], vector<16xf32>,
      %mul3A_2256 = arith.mulf %gather3A_2251, %gather3A_2255 : vector<16xf32>
      %add3A_2257 = arith.addf %add3A_2247, %mul3A_2256 : vector<16xf32>
      %swap3A_2258 = arith.index_cast %multiple_of3A_1900 : i32 to index
      %swap3A_2259 = tpu.vector_load %arg18[%swap3A_2258] {strides = array<i32>} : memref<512xf32, #tpu.memory_space<vmem>>, vector<16xf32>,
      tpu.vector_store %arg18[%swap3A_2258], %add3A_2257 {strides = array<i32>} : memref<512xf32, #tpu.memory_space<vmem>>, vector<16xf32>,
      %add3A_2260 = arith.constant 96 : i32
      %add3A_2261 = arith.addi %multiple_of3A, %add3A_2260 : i32
      %multiple_of3A_2262 = tpu.assume_multiple %add3A_2261, 16 : i32
      %get3A_2263 = arith.index_cast %multiple_of3A_2262 : i32 to index
      %get3A_2264 = tpu.vector_load %arg9[%get3A_2263] {strides = array<i32>} : memref<512xi32, #tpu.memory_space<vmem>>, vector<16xi32>,
      %get3A_2265 = arith.index_cast %multiple_of3A_2262 : i32 to index
      %get3A_2266 = tpu.vector_load %arg10[%get3A_2265] {strides = array<i32>} : memref<512xi32, #tpu.memory_space<vmem>>, vector<16xi32>,
      %and3A_2267 = arith.constant 3 : i32
      %and3A_2268 = vector.broadcast %and3A_2267 : i32 to vector<16xi32>
      %and3A_2269 = arith.andi %get3A_2264, %and3A_2268 : vector<16xi32>
      %mul3A_2270 = arith.constant 32 : i32
      %mul3A_2271 = vector.broadcast %mul3A_2270 : i32 to vector<16xi32>
      %mul3A_2272 = arith.muli %and3A_2269, %mul3A_2271 : vector<16xi32>
      %and3A_2273 = arith.constant 3 : i32
      %and3A_2274 = vector.broadcast %and3A_2273 : i32 to vector<16xi32>
      %and3A_2275 = arith.andi %get3A_2266, %and3A_2274 : vector<16xi32>
      %mul3A_2276 = arith.constant 32 : i32
      %mul3A_2277 = vector.broadcast %mul3A_2276 : i32 to vector<16xi32>
      %mul3A_2278 = arith.muli %and3A_2275, %mul3A_2277 : vector<16xi32>
      %iota3A_2279 = tpu.iota {dimensions = array<i32: 0>} : vector<16xi32>
      %add3A_2280 = arith.constant 96 : i32
      %add3A_2281 = vector.broadcast %add3A_2280 : i32 to vector<16xi32>
      %add3A_2282 = arith.addi %iota3A_2279, %add3A_2281 : vector<16xi32>
      %add3A_2283 = vector.broadcast %multiple_of3A : i32 to vector<16xi32>
      %add3A_2284 = arith.addi %add3A_2283, %add3A_2282 : vector<16xi32>
      %and3A_2285 = arith.constant 127 : i32
      %and3A_2286 = vector.broadcast %and3A_2285 : i32 to vector<16xi32>
      %and3A_2287 = arith.andi %get3A_2266, %and3A_2286 : vector<16xi32>
      %gather3A_2288 = tpu.vector_load_idx %arg16[%add3A_2284, %and3A_2287] : memref<512x128xf32, #tpu.memory_space<vmem>>[vector<16xi32>, vector<16xi32>], vector<16xf32>,
      %sub3A_2289 = arith.constant 999936 : i32
      %sub3A_2290 = vector.broadcast %sub3A_2289 : i32 to vector<16xi32>
      %sub3A_2291 = arith.subi %get3A_2266, %sub3A_2290 : vector<16xi32>
      %max3A_2292 = arith.constant 0 : i32
      %max3A_2293 = vector.broadcast %max3A_2292 : i32 to vector<16xi32>
      %max3A_2294 = arith.maxsi %sub3A_2291, %max3A_2293 : vector<16xi32>
      %gather3A_2295 = tpu.vector_load_idx %arg17[%max3A_2294] : memref<64xf32, #tpu.memory_space<vmem>>[vector<16xi32>], vector<16xf32>,
      %ge3A_2296 = arith.constant 999936 : i32
      %ge3A_2297 = vector.broadcast %ge3A_2296 : i32 to vector<16xi32>
      %ge3A_2298 = arith.cmpi sge, %get3A_2266, %ge3A_2297 : vector<16xi32>
      %select_n3A_2299 = arith.select %ge3A_2298, %gather3A_2295, %gather3A_2288 : vector<16xi1>, vector<16xf32>
      %add3A_2300 = arith.constant 0 : i32
      %add3A_2301 = vector.broadcast %add3A_2300 : i32 to vector<16xi32>
      %add3A_2302 = arith.addi %mul3A_2272, %add3A_2301 : vector<16xi32>
      %gather3A_2303 = tpu.vector_load_idx %arg14[%add3A_2282, %add3A_2302] : memref<128x128xf32, #tpu.memory_space<vmem>>[vector<16xi32>, vector<16xi32>], vector<16xf32>,
      %add3A_2304 = arith.constant 0 : i32
      %add3A_2305 = vector.broadcast %add3A_2304 : i32 to vector<16xi32>
      %add3A_2306 = arith.addi %mul3A_2278, %add3A_2305 : vector<16xi32>
      %gather3A_2307 = tpu.vector_load_idx %arg15[%add3A_2282, %add3A_2306] : memref<128x128xf32, #tpu.memory_space<vmem>>[vector<16xi32>, vector<16xi32>], vector<16xf32>,
      %mul3A_2308 = arith.mulf %gather3A_2303, %gather3A_2307 : vector<16xf32>
      %add3A_2309 = arith.addf %select_n3A_2299, %mul3A_2308 : vector<16xf32>
      %add3A_2310 = arith.constant 1 : i32
      %add3A_2311 = vector.broadcast %add3A_2310 : i32 to vector<16xi32>
      %add3A_2312 = arith.addi %mul3A_2272, %add3A_2311 : vector<16xi32>
      %gather3A_2313 = tpu.vector_load_idx %arg14[%add3A_2282, %add3A_2312] : memref<128x128xf32, #tpu.memory_space<vmem>>[vector<16xi32>, vector<16xi32>], vector<16xf32>,
      %add3A_2314 = arith.constant 1 : i32
      %add3A_2315 = vector.broadcast %add3A_2314 : i32 to vector<16xi32>
      %add3A_2316 = arith.addi %mul3A_2278, %add3A_2315 : vector<16xi32>
      %gather3A_2317 = tpu.vector_load_idx %arg15[%add3A_2282, %add3A_2316] : memref<128x128xf32, #tpu.memory_space<vmem>>[vector<16xi32>, vector<16xi32>], vector<16xf32>,
      %mul3A_2318 = arith.mulf %gather3A_2313, %gather3A_2317 : vector<16xf32>
      %add3A_2319 = arith.addf %add3A_2309, %mul3A_2318 : vector<16xf32>
      %add3A_2320 = arith.constant 2 : i32
      %add3A_2321 = vector.broadcast %add3A_2320 : i32 to vector<16xi32>
      %add3A_2322 = arith.addi %mul3A_2272, %add3A_2321 : vector<16xi32>
      %gather3A_2323 = tpu.vector_load_idx %arg14[%add3A_2282, %add3A_2322] : memref<128x128xf32, #tpu.memory_space<vmem>>[vector<16xi32>, vector<16xi32>], vector<16xf32>,
      %add3A_2324 = arith.constant 2 : i32
      %add3A_2325 = vector.broadcast %add3A_2324 : i32 to vector<16xi32>
      %add3A_2326 = arith.addi %mul3A_2278, %add3A_2325 : vector<16xi32>
      %gather3A_2327 = tpu.vector_load_idx %arg15[%add3A_2282, %add3A_2326] : memref<128x128xf32, #tpu.memory_space<vmem>>[vector<16xi32>, vector<16xi32>], vector<16xf32>,
      %mul3A_2328 = arith.mulf %gather3A_2323, %gather3A_2327 : vector<16xf32>
      %add3A_2329 = arith.addf %add3A_2319, %mul3A_2328 : vector<16xf32>
      %add3A_2330 = arith.constant 3 : i32
      %add3A_2331 = vector.broadcast %add3A_2330 : i32 to vector<16xi32>
      %add3A_2332 = arith.addi %mul3A_2272, %add3A_2331 : vector<16xi32>
      %gather3A_2333 = tpu.vector_load_idx %arg14[%add3A_2282, %add3A_2332] : memref<128x128xf32, #tpu.memory_space<vmem>>[vector<16xi32>, vector<16xi32>], vector<16xf32>,
      %add3A_2334 = arith.constant 3 : i32
      %add3A_2335 = vector.broadcast %add3A_2334 : i32 to vector<16xi32>
      %add3A_2336 = arith.addi %mul3A_2278, %add3A_2335 : vector<16xi32>
      %gather3A_2337 = tpu.vector_load_idx %arg15[%add3A_2282, %add3A_2336] : memref<128x128xf32, #tpu.memory_space<vmem>>[vector<16xi32>, vector<16xi32>], vector<16xf32>,
      %mul3A_2338 = arith.mulf %gather3A_2333, %gather3A_2337 : vector<16xf32>
      %add3A_2339 = arith.addf %add3A_2329, %mul3A_2338 : vector<16xf32>
      %add3A_2340 = arith.constant 4 : i32
      %add3A_2341 = vector.broadcast %add3A_2340 : i32 to vector<16xi32>
      %add3A_2342 = arith.addi %mul3A_2272, %add3A_2341 : vector<16xi32>
      %gather3A_2343 = tpu.vector_load_idx %arg14[%add3A_2282, %add3A_2342] : memref<128x128xf32, #tpu.memory_space<vmem>>[vector<16xi32>, vector<16xi32>], vector<16xf32>,
      %add3A_2344 = arith.constant 4 : i32
      %add3A_2345 = vector.broadcast %add3A_2344 : i32 to vector<16xi32>
      %add3A_2346 = arith.addi %mul3A_2278, %add3A_2345 : vector<16xi32>
      %gather3A_2347 = tpu.vector_load_idx %arg15[%add3A_2282, %add3A_2346] : memref<128x128xf32, #tpu.memory_space<vmem>>[vector<16xi32>, vector<16xi32>], vector<16xf32>,
      %mul3A_2348 = arith.mulf %gather3A_2343, %gather3A_2347 : vector<16xf32>
      %add3A_2349 = arith.addf %add3A_2339, %mul3A_2348 : vector<16xf32>
      %add3A_2350 = arith.constant 5 : i32
      %add3A_2351 = vector.broadcast %add3A_2350 : i32 to vector<16xi32>
      %add3A_2352 = arith.addi %mul3A_2272, %add3A_2351 : vector<16xi32>
      %gather3A_2353 = tpu.vector_load_idx %arg14[%add3A_2282, %add3A_2352] : memref<128x128xf32, #tpu.memory_space<vmem>>[vector<16xi32>, vector<16xi32>], vector<16xf32>,
      %add3A_2354 = arith.constant 5 : i32
      %add3A_2355 = vector.broadcast %add3A_2354 : i32 to vector<16xi32>
      %add3A_2356 = arith.addi %mul3A_2278, %add3A_2355 : vector<16xi32>
      %gather3A_2357 = tpu.vector_load_idx %arg15[%add3A_2282, %add3A_2356] : memref<128x128xf32, #tpu.memory_space<vmem>>[vector<16xi32>, vector<16xi32>], vector<16xf32>,
      %mul3A_2358 = arith.mulf %gather3A_2353, %gather3A_2357 : vector<16xf32>
      %add3A_2359 = arith.addf %add3A_2349, %mul3A_2358 : vector<16xf32>
      %add3A_2360 = arith.constant 6 : i32
      %add3A_2361 = vector.broadcast %add3A_2360 : i32 to vector<16xi32>
      %add3A_2362 = arith.addi %mul3A_2272, %add3A_2361 : vector<16xi32>
      %gather3A_2363 = tpu.vector_load_idx %arg14[%add3A_2282, %add3A_2362] : memref<128x128xf32, #tpu.memory_space<vmem>>[vector<16xi32>, vector<16xi32>], vector<16xf32>,
      %add3A_2364 = arith.constant 6 : i32
      %add3A_2365 = vector.broadcast %add3A_2364 : i32 to vector<16xi32>
      %add3A_2366 = arith.addi %mul3A_2278, %add3A_2365 : vector<16xi32>
      %gather3A_2367 = tpu.vector_load_idx %arg15[%add3A_2282, %add3A_2366] : memref<128x128xf32, #tpu.memory_space<vmem>>[vector<16xi32>, vector<16xi32>], vector<16xf32>,
      %mul3A_2368 = arith.mulf %gather3A_2363, %gather3A_2367 : vector<16xf32>
      %add3A_2369 = arith.addf %add3A_2359, %mul3A_2368 : vector<16xf32>
      %add3A_2370 = arith.constant 7 : i32
      %add3A_2371 = vector.broadcast %add3A_2370 : i32 to vector<16xi32>
      %add3A_2372 = arith.addi %mul3A_2272, %add3A_2371 : vector<16xi32>
      %gather3A_2373 = tpu.vector_load_idx %arg14[%add3A_2282, %add3A_2372] : memref<128x128xf32, #tpu.memory_space<vmem>>[vector<16xi32>, vector<16xi32>], vector<16xf32>,
      %add3A_2374 = arith.constant 7 : i32
      %add3A_2375 = vector.broadcast %add3A_2374 : i32 to vector<16xi32>
      %add3A_2376 = arith.addi %mul3A_2278, %add3A_2375 : vector<16xi32>
      %gather3A_2377 = tpu.vector_load_idx %arg15[%add3A_2282, %add3A_2376] : memref<128x128xf32, #tpu.memory_space<vmem>>[vector<16xi32>, vector<16xi32>], vector<16xf32>,
      %mul3A_2378 = arith.mulf %gather3A_2373, %gather3A_2377 : vector<16xf32>
      %add3A_2379 = arith.addf %add3A_2369, %mul3A_2378 : vector<16xf32>
      %add3A_2380 = arith.constant 8 : i32
      %add3A_2381 = vector.broadcast %add3A_2380 : i32 to vector<16xi32>
      %add3A_2382 = arith.addi %mul3A_2272, %add3A_2381 : vector<16xi32>
      %gather3A_2383 = tpu.vector_load_idx %arg14[%add3A_2282, %add3A_2382] : memref<128x128xf32, #tpu.memory_space<vmem>>[vector<16xi32>, vector<16xi32>], vector<16xf32>,
      %add3A_2384 = arith.constant 8 : i32
      %add3A_2385 = vector.broadcast %add3A_2384 : i32 to vector<16xi32>
      %add3A_2386 = arith.addi %mul3A_2278, %add3A_2385 : vector<16xi32>
      %gather3A_2387 = tpu.vector_load_idx %arg15[%add3A_2282, %add3A_2386] : memref<128x128xf32, #tpu.memory_space<vmem>>[vector<16xi32>, vector<16xi32>], vector<16xf32>,
      %mul3A_2388 = arith.mulf %gather3A_2383, %gather3A_2387 : vector<16xf32>
      %add3A_2389 = arith.addf %add3A_2379, %mul3A_2388 : vector<16xf32>
      %add3A_2390 = arith.constant 9 : i32
      %add3A_2391 = vector.broadcast %add3A_2390 : i32 to vector<16xi32>
      %add3A_2392 = arith.addi %mul3A_2272, %add3A_2391 : vector<16xi32>
      %gather3A_2393 = tpu.vector_load_idx %arg14[%add3A_2282, %add3A_2392] : memref<128x128xf32, #tpu.memory_space<vmem>>[vector<16xi32>, vector<16xi32>], vector<16xf32>,
      %add3A_2394 = arith.constant 9 : i32
      %add3A_2395 = vector.broadcast %add3A_2394 : i32 to vector<16xi32>
      %add3A_2396 = arith.addi %mul3A_2278, %add3A_2395 : vector<16xi32>
      %gather3A_2397 = tpu.vector_load_idx %arg15[%add3A_2282, %add3A_2396] : memref<128x128xf32, #tpu.memory_space<vmem>>[vector<16xi32>, vector<16xi32>], vector<16xf32>,
      %mul3A_2398 = arith.mulf %gather3A_2393, %gather3A_2397 : vector<16xf32>
      %add3A_2399 = arith.addf %add3A_2389, %mul3A_2398 : vector<16xf32>
      %add3A_2400 = arith.constant 10 : i32
      %add3A_2401 = vector.broadcast %add3A_2400 : i32 to vector<16xi32>
      %add3A_2402 = arith.addi %mul3A_2272, %add3A_2401 : vector<16xi32>
      %gather3A_2403 = tpu.vector_load_idx %arg14[%add3A_2282, %add3A_2402] : memref<128x128xf32, #tpu.memory_space<vmem>>[vector<16xi32>, vector<16xi32>], vector<16xf32>,
      %add3A_2404 = arith.constant 10 : i32
      %add3A_2405 = vector.broadcast %add3A_2404 : i32 to vector<16xi32>
      %add3A_2406 = arith.addi %mul3A_2278, %add3A_2405 : vector<16xi32>
      %gather3A_2407 = tpu.vector_load_idx %arg15[%add3A_2282, %add3A_2406] : memref<128x128xf32, #tpu.memory_space<vmem>>[vector<16xi32>, vector<16xi32>], vector<16xf32>,
      %mul3A_2408 = arith.mulf %gather3A_2403, %gather3A_2407 : vector<16xf32>
      %add3A_2409 = arith.addf %add3A_2399, %mul3A_2408 : vector<16xf32>
      %add3A_2410 = arith.constant 11 : i32
      %add3A_2411 = vector.broadcast %add3A_2410 : i32 to vector<16xi32>
      %add3A_2412 = arith.addi %mul3A_2272, %add3A_2411 : vector<16xi32>
      %gather3A_2413 = tpu.vector_load_idx %arg14[%add3A_2282, %add3A_2412] : memref<128x128xf32, #tpu.memory_space<vmem>>[vector<16xi32>, vector<16xi32>], vector<16xf32>,
      %add3A_2414 = arith.constant 11 : i32
      %add3A_2415 = vector.broadcast %add3A_2414 : i32 to vector<16xi32>
      %add3A_2416 = arith.addi %mul3A_2278, %add3A_2415 : vector<16xi32>
      %gather3A_2417 = tpu.vector_load_idx %arg15[%add3A_2282, %add3A_2416] : memref<128x128xf32, #tpu.memory_space<vmem>>[vector<16xi32>, vector<16xi32>], vector<16xf32>,
      %mul3A_2418 = arith.mulf %gather3A_2413, %gather3A_2417 : vector<16xf32>
      %add3A_2419 = arith.addf %add3A_2409, %mul3A_2418 : vector<16xf32>
      %add3A_2420 = arith.constant 12 : i32
      %add3A_2421 = vector.broadcast %add3A_2420 : i32 to vector<16xi32>
      %add3A_2422 = arith.addi %mul3A_2272, %add3A_2421 : vector<16xi32>
      %gather3A_2423 = tpu.vector_load_idx %arg14[%add3A_2282, %add3A_2422] : memref<128x128xf32, #tpu.memory_space<vmem>>[vector<16xi32>, vector<16xi32>], vector<16xf32>,
      %add3A_2424 = arith.constant 12 : i32
      %add3A_2425 = vector.broadcast %add3A_2424 : i32 to vector<16xi32>
      %add3A_2426 = arith.addi %mul3A_2278, %add3A_2425 : vector<16xi32>
      %gather3A_2427 = tpu.vector_load_idx %arg15[%add3A_2282, %add3A_2426] : memref<128x128xf32, #tpu.memory_space<vmem>>[vector<16xi32>, vector<16xi32>], vector<16xf32>,
      %mul3A_2428 = arith.mulf %gather3A_2423, %gather3A_2427 : vector<16xf32>
      %add3A_2429 = arith.addf %add3A_2419, %mul3A_2428 : vector<16xf32>
      %add3A_2430 = arith.constant 13 : i32
      %add3A_2431 = vector.broadcast %add3A_2430 : i32 to vector<16xi32>
      %add3A_2432 = arith.addi %mul3A_2272, %add3A_2431 : vector<16xi32>
      %gather3A_2433 = tpu.vector_load_idx %arg14[%add3A_2282, %add3A_2432] : memref<128x128xf32, #tpu.memory_space<vmem>>[vector<16xi32>, vector<16xi32>], vector<16xf32>,
      %add3A_2434 = arith.constant 13 : i32
      %add3A_2435 = vector.broadcast %add3A_2434 : i32 to vector<16xi32>
      %add3A_2436 = arith.addi %mul3A_2278, %add3A_2435 : vector<16xi32>
      %gather3A_2437 = tpu.vector_load_idx %arg15[%add3A_2282, %add3A_2436] : memref<128x128xf32, #tpu.memory_space<vmem>>[vector<16xi32>, vector<16xi32>], vector<16xf32>,
      %mul3A_2438 = arith.mulf %gather3A_2433, %gather3A_2437 : vector<16xf32>
      %add3A_2439 = arith.addf %add3A_2429, %mul3A_2438 : vector<16xf32>
      %add3A_2440 = arith.constant 14 : i32
      %add3A_2441 = vector.broadcast %add3A_2440 : i32 to vector<16xi32>
      %add3A_2442 = arith.addi %mul3A_2272, %add3A_2441 : vector<16xi32>
      %gather3A_2443 = tpu.vector_load_idx %arg14[%add3A_2282, %add3A_2442] : memref<128x128xf32, #tpu.memory_space<vmem>>[vector<16xi32>, vector<16xi32>], vector<16xf32>,
      %add3A_2444 = arith.constant 14 : i32
      %add3A_2445 = vector.broadcast %add3A_2444 : i32 to vector<16xi32>
      %add3A_2446 = arith.addi %mul3A_2278, %add3A_2445 : vector<16xi32>
      %gather3A_2447 = tpu.vector_load_idx %arg15[%add3A_2282, %add3A_2446] : memref<128x128xf32, #tpu.memory_space<vmem>>[vector<16xi32>, vector<16xi32>], vector<16xf32>,
      %mul3A_2448 = arith.mulf %gather3A_2443, %gather3A_2447 : vector<16xf32>
      %add3A_2449 = arith.addf %add3A_2439, %mul3A_2448 : vector<16xf32>
      %add3A_2450 = arith.constant 15 : i32
      %add3A_2451 = vector.broadcast %add3A_2450 : i32 to vector<16xi32>
      %add3A_2452 = arith.addi %mul3A_2272, %add3A_2451 : vector<16xi32>
      %gather3A_2453 = tpu.vector_load_idx %arg14[%add3A_2282, %add3A_2452] : memref<128x128xf32, #tpu.memory_space<vmem>>[vector<16xi32>, vector<16xi32>], vector<16xf32>,
      %add3A_2454 = arith.constant 15 : i32
      %add3A_2455 = vector.broadcast %add3A_2454 : i32 to vector<16xi32>
      %add3A_2456 = arith.addi %mul3A_2278, %add3A_2455 : vector<16xi32>
      %gather3A_2457 = tpu.vector_load_idx %arg15[%add3A_2282, %add3A_2456] : memref<128x128xf32, #tpu.memory_space<vmem>>[vector<16xi32>, vector<16xi32>], vector<16xf32>,
      %mul3A_2458 = arith.mulf %gather3A_2453, %gather3A_2457 : vector<16xf32>
      %add3A_2459 = arith.addf %add3A_2449, %mul3A_2458 : vector<16xf32>
      %add3A_2460 = arith.constant 16 : i32
      %add3A_2461 = vector.broadcast %add3A_2460 : i32 to vector<16xi32>
      %add3A_2462 = arith.addi %mul3A_2272, %add3A_2461 : vector<16xi32>
      %gather3A_2463 = tpu.vector_load_idx %arg14[%add3A_2282, %add3A_2462] : memref<128x128xf32, #tpu.memory_space<vmem>>[vector<16xi32>, vector<16xi32>], vector<16xf32>,
      %add3A_2464 = arith.constant 16 : i32
      %add3A_2465 = vector.broadcast %add3A_2464 : i32 to vector<16xi32>
      %add3A_2466 = arith.addi %mul3A_2278, %add3A_2465 : vector<16xi32>
      %gather3A_2467 = tpu.vector_load_idx %arg15[%add3A_2282, %add3A_2466] : memref<128x128xf32, #tpu.memory_space<vmem>>[vector<16xi32>, vector<16xi32>], vector<16xf32>,
      %mul3A_2468 = arith.mulf %gather3A_2463, %gather3A_2467 : vector<16xf32>
      %add3A_2469 = arith.addf %add3A_2459, %mul3A_2468 : vector<16xf32>
      %add3A_2470 = arith.constant 17 : i32
      %add3A_2471 = vector.broadcast %add3A_2470 : i32 to vector<16xi32>
      %add3A_2472 = arith.addi %mul3A_2272, %add3A_2471 : vector<16xi32>
      %gather3A_2473 = tpu.vector_load_idx %arg14[%add3A_2282, %add3A_2472] : memref<128x128xf32, #tpu.memory_space<vmem>>[vector<16xi32>, vector<16xi32>], vector<16xf32>,
      %add3A_2474 = arith.constant 17 : i32
      %add3A_2475 = vector.broadcast %add3A_2474 : i32 to vector<16xi32>
      %add3A_2476 = arith.addi %mul3A_2278, %add3A_2475 : vector<16xi32>
      %gather3A_2477 = tpu.vector_load_idx %arg15[%add3A_2282, %add3A_2476] : memref<128x128xf32, #tpu.memory_space<vmem>>[vector<16xi32>, vector<16xi32>], vector<16xf32>,
      %mul3A_2478 = arith.mulf %gather3A_2473, %gather3A_2477 : vector<16xf32>
      %add3A_2479 = arith.addf %add3A_2469, %mul3A_2478 : vector<16xf32>
      %add3A_2480 = arith.constant 18 : i32
      %add3A_2481 = vector.broadcast %add3A_2480 : i32 to vector<16xi32>
      %add3A_2482 = arith.addi %mul3A_2272, %add3A_2481 : vector<16xi32>
      %gather3A_2483 = tpu.vector_load_idx %arg14[%add3A_2282, %add3A_2482] : memref<128x128xf32, #tpu.memory_space<vmem>>[vector<16xi32>, vector<16xi32>], vector<16xf32>,
      %add3A_2484 = arith.constant 18 : i32
      %add3A_2485 = vector.broadcast %add3A_2484 : i32 to vector<16xi32>
      %add3A_2486 = arith.addi %mul3A_2278, %add3A_2485 : vector<16xi32>
      %gather3A_2487 = tpu.vector_load_idx %arg15[%add3A_2282, %add3A_2486] : memref<128x128xf32, #tpu.memory_space<vmem>>[vector<16xi32>, vector<16xi32>], vector<16xf32>,
      %mul3A_2488 = arith.mulf %gather3A_2483, %gather3A_2487 : vector<16xf32>
      %add3A_2489 = arith.addf %add3A_2479, %mul3A_2488 : vector<16xf32>
      %add3A_2490 = arith.constant 19 : i32
      %add3A_2491 = vector.broadcast %add3A_2490 : i32 to vector<16xi32>
      %add3A_2492 = arith.addi %mul3A_2272, %add3A_2491 : vector<16xi32>
      %gather3A_2493 = tpu.vector_load_idx %arg14[%add3A_2282, %add3A_2492] : memref<128x128xf32, #tpu.memory_space<vmem>>[vector<16xi32>, vector<16xi32>], vector<16xf32>,
      %add3A_2494 = arith.constant 19 : i32
      %add3A_2495 = vector.broadcast %add3A_2494 : i32 to vector<16xi32>
      %add3A_2496 = arith.addi %mul3A_2278, %add3A_2495 : vector<16xi32>
      %gather3A_2497 = tpu.vector_load_idx %arg15[%add3A_2282, %add3A_2496] : memref<128x128xf32, #tpu.memory_space<vmem>>[vector<16xi32>, vector<16xi32>], vector<16xf32>,
      %mul3A_2498 = arith.mulf %gather3A_2493, %gather3A_2497 : vector<16xf32>
      %add3A_2499 = arith.addf %add3A_2489, %mul3A_2498 : vector<16xf32>
      %add3A_2500 = arith.constant 20 : i32
      %add3A_2501 = vector.broadcast %add3A_2500 : i32 to vector<16xi32>
      %add3A_2502 = arith.addi %mul3A_2272, %add3A_2501 : vector<16xi32>
      %gather3A_2503 = tpu.vector_load_idx %arg14[%add3A_2282, %add3A_2502] : memref<128x128xf32, #tpu.memory_space<vmem>>[vector<16xi32>, vector<16xi32>], vector<16xf32>,
      %add3A_2504 = arith.constant 20 : i32
      %add3A_2505 = vector.broadcast %add3A_2504 : i32 to vector<16xi32>
      %add3A_2506 = arith.addi %mul3A_2278, %add3A_2505 : vector<16xi32>
      %gather3A_2507 = tpu.vector_load_idx %arg15[%add3A_2282, %add3A_2506] : memref<128x128xf32, #tpu.memory_space<vmem>>[vector<16xi32>, vector<16xi32>], vector<16xf32>,
      %mul3A_2508 = arith.mulf %gather3A_2503, %gather3A_2507 : vector<16xf32>
      %add3A_2509 = arith.addf %add3A_2499, %mul3A_2508 : vector<16xf32>
      %add3A_2510 = arith.constant 21 : i32
      %add3A_2511 = vector.broadcast %add3A_2510 : i32 to vector<16xi32>
      %add3A_2512 = arith.addi %mul3A_2272, %add3A_2511 : vector<16xi32>
      %gather3A_2513 = tpu.vector_load_idx %arg14[%add3A_2282, %add3A_2512] : memref<128x128xf32, #tpu.memory_space<vmem>>[vector<16xi32>, vector<16xi32>], vector<16xf32>,
      %add3A_2514 = arith.constant 21 : i32
      %add3A_2515 = vector.broadcast %add3A_2514 : i32 to vector<16xi32>
      %add3A_2516 = arith.addi %mul3A_2278, %add3A_2515 : vector<16xi32>
      %gather3A_2517 = tpu.vector_load_idx %arg15[%add3A_2282, %add3A_2516] : memref<128x128xf32, #tpu.memory_space<vmem>>[vector<16xi32>, vector<16xi32>], vector<16xf32>,
      %mul3A_2518 = arith.mulf %gather3A_2513, %gather3A_2517 : vector<16xf32>
      %add3A_2519 = arith.addf %add3A_2509, %mul3A_2518 : vector<16xf32>
      %add3A_2520 = arith.constant 22 : i32
      %add3A_2521 = vector.broadcast %add3A_2520 : i32 to vector<16xi32>
      %add3A_2522 = arith.addi %mul3A_2272, %add3A_2521 : vector<16xi32>
      %gather3A_2523 = tpu.vector_load_idx %arg14[%add3A_2282, %add3A_2522] : memref<128x128xf32, #tpu.memory_space<vmem>>[vector<16xi32>, vector<16xi32>], vector<16xf32>,
      %add3A_2524 = arith.constant 22 : i32
      %add3A_2525 = vector.broadcast %add3A_2524 : i32 to vector<16xi32>
      %add3A_2526 = arith.addi %mul3A_2278, %add3A_2525 : vector<16xi32>
      %gather3A_2527 = tpu.vector_load_idx %arg15[%add3A_2282, %add3A_2526] : memref<128x128xf32, #tpu.memory_space<vmem>>[vector<16xi32>, vector<16xi32>], vector<16xf32>,
      %mul3A_2528 = arith.mulf %gather3A_2523, %gather3A_2527 : vector<16xf32>
      %add3A_2529 = arith.addf %add3A_2519, %mul3A_2528 : vector<16xf32>
      %add3A_2530 = arith.constant 23 : i32
      %add3A_2531 = vector.broadcast %add3A_2530 : i32 to vector<16xi32>
      %add3A_2532 = arith.addi %mul3A_2272, %add3A_2531 : vector<16xi32>
      %gather3A_2533 = tpu.vector_load_idx %arg14[%add3A_2282, %add3A_2532] : memref<128x128xf32, #tpu.memory_space<vmem>>[vector<16xi32>, vector<16xi32>], vector<16xf32>,
      %add3A_2534 = arith.constant 23 : i32
      %add3A_2535 = vector.broadcast %add3A_2534 : i32 to vector<16xi32>
      %add3A_2536 = arith.addi %mul3A_2278, %add3A_2535 : vector<16xi32>
      %gather3A_2537 = tpu.vector_load_idx %arg15[%add3A_2282, %add3A_2536] : memref<128x128xf32, #tpu.memory_space<vmem>>[vector<16xi32>, vector<16xi32>], vector<16xf32>,
      %mul3A_2538 = arith.mulf %gather3A_2533, %gather3A_2537 : vector<16xf32>
      %add3A_2539 = arith.addf %add3A_2529, %mul3A_2538 : vector<16xf32>
      %add3A_2540 = arith.constant 24 : i32
      %add3A_2541 = vector.broadcast %add3A_2540 : i32 to vector<16xi32>
      %add3A_2542 = arith.addi %mul3A_2272, %add3A_2541 : vector<16xi32>
      %gather3A_2543 = tpu.vector_load_idx %arg14[%add3A_2282, %add3A_2542] : memref<128x128xf32, #tpu.memory_space<vmem>>[vector<16xi32>, vector<16xi32>], vector<16xf32>,
      %add3A_2544 = arith.constant 24 : i32
      %add3A_2545 = vector.broadcast %add3A_2544 : i32 to vector<16xi32>
      %add3A_2546 = arith.addi %mul3A_2278, %add3A_2545 : vector<16xi32>
      %gather3A_2547 = tpu.vector_load_idx %arg15[%add3A_2282, %add3A_2546] : memref<128x128xf32, #tpu.memory_space<vmem>>[vector<16xi32>, vector<16xi32>], vector<16xf32>,
      %mul3A_2548 = arith.mulf %gather3A_2543, %gather3A_2547 : vector<16xf32>
      %add3A_2549 = arith.addf %add3A_2539, %mul3A_2548 : vector<16xf32>
      %add3A_2550 = arith.constant 25 : i32
      %add3A_2551 = vector.broadcast %add3A_2550 : i32 to vector<16xi32>
      %add3A_2552 = arith.addi %mul3A_2272, %add3A_2551 : vector<16xi32>
      %gather3A_2553 = tpu.vector_load_idx %arg14[%add3A_2282, %add3A_2552] : memref<128x128xf32, #tpu.memory_space<vmem>>[vector<16xi32>, vector<16xi32>], vector<16xf32>,
      %add3A_2554 = arith.constant 25 : i32
      %add3A_2555 = vector.broadcast %add3A_2554 : i32 to vector<16xi32>
      %add3A_2556 = arith.addi %mul3A_2278, %add3A_2555 : vector<16xi32>
      %gather3A_2557 = tpu.vector_load_idx %arg15[%add3A_2282, %add3A_2556] : memref<128x128xf32, #tpu.memory_space<vmem>>[vector<16xi32>, vector<16xi32>], vector<16xf32>,
      %mul3A_2558 = arith.mulf %gather3A_2553, %gather3A_2557 : vector<16xf32>
      %add3A_2559 = arith.addf %add3A_2549, %mul3A_2558 : vector<16xf32>
      %add3A_2560 = arith.constant 26 : i32
      %add3A_2561 = vector.broadcast %add3A_2560 : i32 to vector<16xi32>
      %add3A_2562 = arith.addi %mul3A_2272, %add3A_2561 : vector<16xi32>
      %gather3A_2563 = tpu.vector_load_idx %arg14[%add3A_2282, %add3A_2562] : memref<128x128xf32, #tpu.memory_space<vmem>>[vector<16xi32>, vector<16xi32>], vector<16xf32>,
      %add3A_2564 = arith.constant 26 : i32
      %add3A_2565 = vector.broadcast %add3A_2564 : i32 to vector<16xi32>
      %add3A_2566 = arith.addi %mul3A_2278, %add3A_2565 : vector<16xi32>
      %gather3A_2567 = tpu.vector_load_idx %arg15[%add3A_2282, %add3A_2566] : memref<128x128xf32, #tpu.memory_space<vmem>>[vector<16xi32>, vector<16xi32>], vector<16xf32>,
      %mul3A_2568 = arith.mulf %gather3A_2563, %gather3A_2567 : vector<16xf32>
      %add3A_2569 = arith.addf %add3A_2559, %mul3A_2568 : vector<16xf32>
      %add3A_2570 = arith.constant 27 : i32
      %add3A_2571 = vector.broadcast %add3A_2570 : i32 to vector<16xi32>
      %add3A_2572 = arith.addi %mul3A_2272, %add3A_2571 : vector<16xi32>
      %gather3A_2573 = tpu.vector_load_idx %arg14[%add3A_2282, %add3A_2572] : memref<128x128xf32, #tpu.memory_space<vmem>>[vector<16xi32>, vector<16xi32>], vector<16xf32>,
      %add3A_2574 = arith.constant 27 : i32
      %add3A_2575 = vector.broadcast %add3A_2574 : i32 to vector<16xi32>
      %add3A_2576 = arith.addi %mul3A_2278, %add3A_2575 : vector<16xi32>
      %gather3A_2577 = tpu.vector_load_idx %arg15[%add3A_2282, %add3A_2576] : memref<128x128xf32, #tpu.memory_space<vmem>>[vector<16xi32>, vector<16xi32>], vector<16xf32>,
      %mul3A_2578 = arith.mulf %gather3A_2573, %gather3A_2577 : vector<16xf32>
      %add3A_2579 = arith.addf %add3A_2569, %mul3A_2578 : vector<16xf32>
      %add3A_2580 = arith.constant 28 : i32
      %add3A_2581 = vector.broadcast %add3A_2580 : i32 to vector<16xi32>
      %add3A_2582 = arith.addi %mul3A_2272, %add3A_2581 : vector<16xi32>
      %gather3A_2583 = tpu.vector_load_idx %arg14[%add3A_2282, %add3A_2582] : memref<128x128xf32, #tpu.memory_space<vmem>>[vector<16xi32>, vector<16xi32>], vector<16xf32>,
      %add3A_2584 = arith.constant 28 : i32
      %add3A_2585 = vector.broadcast %add3A_2584 : i32 to vector<16xi32>
      %add3A_2586 = arith.addi %mul3A_2278, %add3A_2585 : vector<16xi32>
      %gather3A_2587 = tpu.vector_load_idx %arg15[%add3A_2282, %add3A_2586] : memref<128x128xf32, #tpu.memory_space<vmem>>[vector<16xi32>, vector<16xi32>], vector<16xf32>,
      %mul3A_2588 = arith.mulf %gather3A_2583, %gather3A_2587 : vector<16xf32>
      %add3A_2589 = arith.addf %add3A_2579, %mul3A_2588 : vector<16xf32>
      %add3A_2590 = arith.constant 29 : i32
      %add3A_2591 = vector.broadcast %add3A_2590 : i32 to vector<16xi32>
      %add3A_2592 = arith.addi %mul3A_2272, %add3A_2591 : vector<16xi32>
      %gather3A_2593 = tpu.vector_load_idx %arg14[%add3A_2282, %add3A_2592] : memref<128x128xf32, #tpu.memory_space<vmem>>[vector<16xi32>, vector<16xi32>], vector<16xf32>,
      %add3A_2594 = arith.constant 29 : i32
      %add3A_2595 = vector.broadcast %add3A_2594 : i32 to vector<16xi32>
      %add3A_2596 = arith.addi %mul3A_2278, %add3A_2595 : vector<16xi32>
      %gather3A_2597 = tpu.vector_load_idx %arg15[%add3A_2282, %add3A_2596] : memref<128x128xf32, #tpu.memory_space<vmem>>[vector<16xi32>, vector<16xi32>], vector<16xf32>,
      %mul3A_2598 = arith.mulf %gather3A_2593, %gather3A_2597 : vector<16xf32>
      %add3A_2599 = arith.addf %add3A_2589, %mul3A_2598 : vector<16xf32>
      %add3A_2600 = arith.constant 30 : i32
      %add3A_2601 = vector.broadcast %add3A_2600 : i32 to vector<16xi32>
      %add3A_2602 = arith.addi %mul3A_2272, %add3A_2601 : vector<16xi32>
      %gather3A_2603 = tpu.vector_load_idx %arg14[%add3A_2282, %add3A_2602] : memref<128x128xf32, #tpu.memory_space<vmem>>[vector<16xi32>, vector<16xi32>], vector<16xf32>,
      %add3A_2604 = arith.constant 30 : i32
      %add3A_2605 = vector.broadcast %add3A_2604 : i32 to vector<16xi32>
      %add3A_2606 = arith.addi %mul3A_2278, %add3A_2605 : vector<16xi32>
      %gather3A_2607 = tpu.vector_load_idx %arg15[%add3A_2282, %add3A_2606] : memref<128x128xf32, #tpu.memory_space<vmem>>[vector<16xi32>, vector<16xi32>], vector<16xf32>,
      %mul3A_2608 = arith.mulf %gather3A_2603, %gather3A_2607 : vector<16xf32>
      %add3A_2609 = arith.addf %add3A_2599, %mul3A_2608 : vector<16xf32>
      %add3A_2610 = arith.constant 31 : i32
      %add3A_2611 = vector.broadcast %add3A_2610 : i32 to vector<16xi32>
      %add3A_2612 = arith.addi %mul3A_2272, %add3A_2611 : vector<16xi32>
      %gather3A_2613 = tpu.vector_load_idx %arg14[%add3A_2282, %add3A_2612] : memref<128x128xf32, #tpu.memory_space<vmem>>[vector<16xi32>, vector<16xi32>], vector<16xf32>,
      %add3A_2614 = arith.constant 31 : i32
      %add3A_2615 = vector.broadcast %add3A_2614 : i32 to vector<16xi32>
      %add3A_2616 = arith.addi %mul3A_2278, %add3A_2615 : vector<16xi32>
      %gather3A_2617 = tpu.vector_load_idx %arg15[%add3A_2282, %add3A_2616] : memref<128x128xf32, #tpu.memory_space<vmem>>[vector<16xi32>, vector<16xi32>], vector<16xf32>,
      %mul3A_2618 = arith.mulf %gather3A_2613, %gather3A_2617 : vector<16xf32>
      %add3A_2619 = arith.addf %add3A_2609, %mul3A_2618 : vector<16xf32>
      %swap3A_2620 = arith.index_cast %multiple_of3A_2262 : i32 to index
      %swap3A_2621 = tpu.vector_load %arg18[%swap3A_2620] {strides = array<i32>} : memref<512xf32, #tpu.memory_space<vmem>>, vector<16xf32>,
      tpu.vector_store %arg18[%swap3A_2620], %add3A_2619 {strides = array<i32>} : memref<512xf32, #tpu.memory_space<vmem>>, vector<16xf32>,
      %add3A_2622 = arith.constant 112 : i32
      %add3A_2623 = arith.addi %multiple_of3A, %add3A_2622 : i32
      %multiple_of3A_2624 = tpu.assume_multiple %add3A_2623, 16 : i32
      %get3A_2625 = arith.index_cast %multiple_of3A_2624 : i32 to index
      %get3A_2626 = tpu.vector_load %arg9[%get3A_2625] {strides = array<i32>} : memref<512xi32, #tpu.memory_space<vmem>>, vector<16xi32>,
      %get3A_2627 = arith.index_cast %multiple_of3A_2624 : i32 to index
      %get3A_2628 = tpu.vector_load %arg10[%get3A_2627] {strides = array<i32>} : memref<512xi32, #tpu.memory_space<vmem>>, vector<16xi32>,
      %and3A_2629 = arith.constant 3 : i32
      %and3A_2630 = vector.broadcast %and3A_2629 : i32 to vector<16xi32>
      %and3A_2631 = arith.andi %get3A_2626, %and3A_2630 : vector<16xi32>
      %mul3A_2632 = arith.constant 32 : i32
      %mul3A_2633 = vector.broadcast %mul3A_2632 : i32 to vector<16xi32>
      %mul3A_2634 = arith.muli %and3A_2631, %mul3A_2633 : vector<16xi32>
      %and3A_2635 = arith.constant 3 : i32
      %and3A_2636 = vector.broadcast %and3A_2635 : i32 to vector<16xi32>
      %and3A_2637 = arith.andi %get3A_2628, %and3A_2636 : vector<16xi32>
      %mul3A_2638 = arith.constant 32 : i32
      %mul3A_2639 = vector.broadcast %mul3A_2638 : i32 to vector<16xi32>
      %mul3A_2640 = arith.muli %and3A_2637, %mul3A_2639 : vector<16xi32>
      %iota3A_2641 = tpu.iota {dimensions = array<i32: 0>} : vector<16xi32>
      %add3A_2642 = arith.constant 112 : i32
      %add3A_2643 = vector.broadcast %add3A_2642 : i32 to vector<16xi32>
      %add3A_2644 = arith.addi %iota3A_2641, %add3A_2643 : vector<16xi32>
      %add3A_2645 = vector.broadcast %multiple_of3A : i32 to vector<16xi32>
      %add3A_2646 = arith.addi %add3A_2645, %add3A_2644 : vector<16xi32>
      %and3A_2647 = arith.constant 127 : i32
      %and3A_2648 = vector.broadcast %and3A_2647 : i32 to vector<16xi32>
      %and3A_2649 = arith.andi %get3A_2628, %and3A_2648 : vector<16xi32>
      %gather3A_2650 = tpu.vector_load_idx %arg16[%add3A_2646, %and3A_2649] : memref<512x128xf32, #tpu.memory_space<vmem>>[vector<16xi32>, vector<16xi32>], vector<16xf32>,
      %sub3A_2651 = arith.constant 999936 : i32
      %sub3A_2652 = vector.broadcast %sub3A_2651 : i32 to vector<16xi32>
      %sub3A_2653 = arith.subi %get3A_2628, %sub3A_2652 : vector<16xi32>
      %max3A_2654 = arith.constant 0 : i32
      %max3A_2655 = vector.broadcast %max3A_2654 : i32 to vector<16xi32>
      %max3A_2656 = arith.maxsi %sub3A_2653, %max3A_2655 : vector<16xi32>
      %gather3A_2657 = tpu.vector_load_idx %arg17[%max3A_2656] : memref<64xf32, #tpu.memory_space<vmem>>[vector<16xi32>], vector<16xf32>,
      %ge3A_2658 = arith.constant 999936 : i32
      %ge3A_2659 = vector.broadcast %ge3A_2658 : i32 to vector<16xi32>
      %ge3A_2660 = arith.cmpi sge, %get3A_2628, %ge3A_2659 : vector<16xi32>
      %select_n3A_2661 = arith.select %ge3A_2660, %gather3A_2657, %gather3A_2650 : vector<16xi1>, vector<16xf32>
      %add3A_2662 = arith.constant 0 : i32
      %add3A_2663 = vector.broadcast %add3A_2662 : i32 to vector<16xi32>
      %add3A_2664 = arith.addi %mul3A_2634, %add3A_2663 : vector<16xi32>
      %gather3A_2665 = tpu.vector_load_idx %arg14[%add3A_2644, %add3A_2664] : memref<128x128xf32, #tpu.memory_space<vmem>>[vector<16xi32>, vector<16xi32>], vector<16xf32>,
      %add3A_2666 = arith.constant 0 : i32
      %add3A_2667 = vector.broadcast %add3A_2666 : i32 to vector<16xi32>
      %add3A_2668 = arith.addi %mul3A_2640, %add3A_2667 : vector<16xi32>
      %gather3A_2669 = tpu.vector_load_idx %arg15[%add3A_2644, %add3A_2668] : memref<128x128xf32, #tpu.memory_space<vmem>>[vector<16xi32>, vector<16xi32>], vector<16xf32>,
      %mul3A_2670 = arith.mulf %gather3A_2665, %gather3A_2669 : vector<16xf32>
      %add3A_2671 = arith.addf %select_n3A_2661, %mul3A_2670 : vector<16xf32>
      %add3A_2672 = arith.constant 1 : i32
      %add3A_2673 = vector.broadcast %add3A_2672 : i32 to vector<16xi32>
      %add3A_2674 = arith.addi %mul3A_2634, %add3A_2673 : vector<16xi32>
      %gather3A_2675 = tpu.vector_load_idx %arg14[%add3A_2644, %add3A_2674] : memref<128x128xf32, #tpu.memory_space<vmem>>[vector<16xi32>, vector<16xi32>], vector<16xf32>,
      %add3A_2676 = arith.constant 1 : i32
      %add3A_2677 = vector.broadcast %add3A_2676 : i32 to vector<16xi32>
      %add3A_2678 = arith.addi %mul3A_2640, %add3A_2677 : vector<16xi32>
      %gather3A_2679 = tpu.vector_load_idx %arg15[%add3A_2644, %add3A_2678] : memref<128x128xf32, #tpu.memory_space<vmem>>[vector<16xi32>, vector<16xi32>], vector<16xf32>,
      %mul3A_2680 = arith.mulf %gather3A_2675, %gather3A_2679 : vector<16xf32>
      %add3A_2681 = arith.addf %add3A_2671, %mul3A_2680 : vector<16xf32>
      %add3A_2682 = arith.constant 2 : i32
      %add3A_2683 = vector.broadcast %add3A_2682 : i32 to vector<16xi32>
      %add3A_2684 = arith.addi %mul3A_2634, %add3A_2683 : vector<16xi32>
      %gather3A_2685 = tpu.vector_load_idx %arg14[%add3A_2644, %add3A_2684] : memref<128x128xf32, #tpu.memory_space<vmem>>[vector<16xi32>, vector<16xi32>], vector<16xf32>,
      %add3A_2686 = arith.constant 2 : i32
      %add3A_2687 = vector.broadcast %add3A_2686 : i32 to vector<16xi32>
      %add3A_2688 = arith.addi %mul3A_2640, %add3A_2687 : vector<16xi32>
      %gather3A_2689 = tpu.vector_load_idx %arg15[%add3A_2644, %add3A_2688] : memref<128x128xf32, #tpu.memory_space<vmem>>[vector<16xi32>, vector<16xi32>], vector<16xf32>,
      %mul3A_2690 = arith.mulf %gather3A_2685, %gather3A_2689 : vector<16xf32>
      %add3A_2691 = arith.addf %add3A_2681, %mul3A_2690 : vector<16xf32>
      %add3A_2692 = arith.constant 3 : i32
      %add3A_2693 = vector.broadcast %add3A_2692 : i32 to vector<16xi32>
      %add3A_2694 = arith.addi %mul3A_2634, %add3A_2693 : vector<16xi32>
      %gather3A_2695 = tpu.vector_load_idx %arg14[%add3A_2644, %add3A_2694] : memref<128x128xf32, #tpu.memory_space<vmem>>[vector<16xi32>, vector<16xi32>], vector<16xf32>,
      %add3A_2696 = arith.constant 3 : i32
      %add3A_2697 = vector.broadcast %add3A_2696 : i32 to vector<16xi32>
      %add3A_2698 = arith.addi %mul3A_2640, %add3A_2697 : vector<16xi32>
      %gather3A_2699 = tpu.vector_load_idx %arg15[%add3A_2644, %add3A_2698] : memref<128x128xf32, #tpu.memory_space<vmem>>[vector<16xi32>, vector<16xi32>], vector<16xf32>,
      %mul3A_2700 = arith.mulf %gather3A_2695, %gather3A_2699 : vector<16xf32>
      %add3A_2701 = arith.addf %add3A_2691, %mul3A_2700 : vector<16xf32>
      %add3A_2702 = arith.constant 4 : i32
      %add3A_2703 = vector.broadcast %add3A_2702 : i32 to vector<16xi32>
      %add3A_2704 = arith.addi %mul3A_2634, %add3A_2703 : vector<16xi32>
      %gather3A_2705 = tpu.vector_load_idx %arg14[%add3A_2644, %add3A_2704] : memref<128x128xf32, #tpu.memory_space<vmem>>[vector<16xi32>, vector<16xi32>], vector<16xf32>,
      %add3A_2706 = arith.constant 4 : i32
      %add3A_2707 = vector.broadcast %add3A_2706 : i32 to vector<16xi32>
      %add3A_2708 = arith.addi %mul3A_2640, %add3A_2707 : vector<16xi32>
      %gather3A_2709 = tpu.vector_load_idx %arg15[%add3A_2644, %add3A_2708] : memref<128x128xf32, #tpu.memory_space<vmem>>[vector<16xi32>, vector<16xi32>], vector<16xf32>,
      %mul3A_2710 = arith.mulf %gather3A_2705, %gather3A_2709 : vector<16xf32>
      %add3A_2711 = arith.addf %add3A_2701, %mul3A_2710 : vector<16xf32>
      %add3A_2712 = arith.constant 5 : i32
      %add3A_2713 = vector.broadcast %add3A_2712 : i32 to vector<16xi32>
      %add3A_2714 = arith.addi %mul3A_2634, %add3A_2713 : vector<16xi32>
      %gather3A_2715 = tpu.vector_load_idx %arg14[%add3A_2644, %add3A_2714] : memref<128x128xf32, #tpu.memory_space<vmem>>[vector<16xi32>, vector<16xi32>], vector<16xf32>,
      %add3A_2716 = arith.constant 5 : i32
      %add3A_2717 = vector.broadcast %add3A_2716 : i32 to vector<16xi32>
      %add3A_2718 = arith.addi %mul3A_2640, %add3A_2717 : vector<16xi32>
      %gather3A_2719 = tpu.vector_load_idx %arg15[%add3A_2644, %add3A_2718] : memref<128x128xf32, #tpu.memory_space<vmem>>[vector<16xi32>, vector<16xi32>], vector<16xf32>,
      %mul3A_2720 = arith.mulf %gather3A_2715, %gather3A_2719 : vector<16xf32>
      %add3A_2721 = arith.addf %add3A_2711, %mul3A_2720 : vector<16xf32>
      %add3A_2722 = arith.constant 6 : i32
      %add3A_2723 = vector.broadcast %add3A_2722 : i32 to vector<16xi32>
      %add3A_2724 = arith.addi %mul3A_2634, %add3A_2723 : vector<16xi32>
      %gather3A_2725 = tpu.vector_load_idx %arg14[%add3A_2644, %add3A_2724] : memref<128x128xf32, #tpu.memory_space<vmem>>[vector<16xi32>, vector<16xi32>], vector<16xf32>,
      %add3A_2726 = arith.constant 6 : i32
      %add3A_2727 = vector.broadcast %add3A_2726 : i32 to vector<16xi32>
      %add3A_2728 = arith.addi %mul3A_2640, %add3A_2727 : vector<16xi32>
      %gather3A_2729 = tpu.vector_load_idx %arg15[%add3A_2644, %add3A_2728] : memref<128x128xf32, #tpu.memory_space<vmem>>[vector<16xi32>, vector<16xi32>], vector<16xf32>,
      %mul3A_2730 = arith.mulf %gather3A_2725, %gather3A_2729 : vector<16xf32>
      %add3A_2731 = arith.addf %add3A_2721, %mul3A_2730 : vector<16xf32>
      %add3A_2732 = arith.constant 7 : i32
      %add3A_2733 = vector.broadcast %add3A_2732 : i32 to vector<16xi32>
      %add3A_2734 = arith.addi %mul3A_2634, %add3A_2733 : vector<16xi32>
      %gather3A_2735 = tpu.vector_load_idx %arg14[%add3A_2644, %add3A_2734] : memref<128x128xf32, #tpu.memory_space<vmem>>[vector<16xi32>, vector<16xi32>], vector<16xf32>,
      %add3A_2736 = arith.constant 7 : i32
      %add3A_2737 = vector.broadcast %add3A_2736 : i32 to vector<16xi32>
      %add3A_2738 = arith.addi %mul3A_2640, %add3A_2737 : vector<16xi32>
      %gather3A_2739 = tpu.vector_load_idx %arg15[%add3A_2644, %add3A_2738] : memref<128x128xf32, #tpu.memory_space<vmem>>[vector<16xi32>, vector<16xi32>], vector<16xf32>,
      %mul3A_2740 = arith.mulf %gather3A_2735, %gather3A_2739 : vector<16xf32>
      %add3A_2741 = arith.addf %add3A_2731, %mul3A_2740 : vector<16xf32>
      %add3A_2742 = arith.constant 8 : i32
      %add3A_2743 = vector.broadcast %add3A_2742 : i32 to vector<16xi32>
      %add3A_2744 = arith.addi %mul3A_2634, %add3A_2743 : vector<16xi32>
      %gather3A_2745 = tpu.vector_load_idx %arg14[%add3A_2644, %add3A_2744] : memref<128x128xf32, #tpu.memory_space<vmem>>[vector<16xi32>, vector<16xi32>], vector<16xf32>,
      %add3A_2746 = arith.constant 8 : i32
      %add3A_2747 = vector.broadcast %add3A_2746 : i32 to vector<16xi32>
      %add3A_2748 = arith.addi %mul3A_2640, %add3A_2747 : vector<16xi32>
      %gather3A_2749 = tpu.vector_load_idx %arg15[%add3A_2644, %add3A_2748] : memref<128x128xf32, #tpu.memory_space<vmem>>[vector<16xi32>, vector<16xi32>], vector<16xf32>,
      %mul3A_2750 = arith.mulf %gather3A_2745, %gather3A_2749 : vector<16xf32>
      %add3A_2751 = arith.addf %add3A_2741, %mul3A_2750 : vector<16xf32>
      %add3A_2752 = arith.constant 9 : i32
      %add3A_2753 = vector.broadcast %add3A_2752 : i32 to vector<16xi32>
      %add3A_2754 = arith.addi %mul3A_2634, %add3A_2753 : vector<16xi32>
      %gather3A_2755 = tpu.vector_load_idx %arg14[%add3A_2644, %add3A_2754] : memref<128x128xf32, #tpu.memory_space<vmem>>[vector<16xi32>, vector<16xi32>], vector<16xf32>,
      %add3A_2756 = arith.constant 9 : i32
      %add3A_2757 = vector.broadcast %add3A_2756 : i32 to vector<16xi32>
      %add3A_2758 = arith.addi %mul3A_2640, %add3A_2757 : vector<16xi32>
      %gather3A_2759 = tpu.vector_load_idx %arg15[%add3A_2644, %add3A_2758] : memref<128x128xf32, #tpu.memory_space<vmem>>[vector<16xi32>, vector<16xi32>], vector<16xf32>,
      %mul3A_2760 = arith.mulf %gather3A_2755, %gather3A_2759 : vector<16xf32>
      %add3A_2761 = arith.addf %add3A_2751, %mul3A_2760 : vector<16xf32>
      %add3A_2762 = arith.constant 10 : i32
      %add3A_2763 = vector.broadcast %add3A_2762 : i32 to vector<16xi32>
      %add3A_2764 = arith.addi %mul3A_2634, %add3A_2763 : vector<16xi32>
      %gather3A_2765 = tpu.vector_load_idx %arg14[%add3A_2644, %add3A_2764] : memref<128x128xf32, #tpu.memory_space<vmem>>[vector<16xi32>, vector<16xi32>], vector<16xf32>,
      %add3A_2766 = arith.constant 10 : i32
      %add3A_2767 = vector.broadcast %add3A_2766 : i32 to vector<16xi32>
      %add3A_2768 = arith.addi %mul3A_2640, %add3A_2767 : vector<16xi32>
      %gather3A_2769 = tpu.vector_load_idx %arg15[%add3A_2644, %add3A_2768] : memref<128x128xf32, #tpu.memory_space<vmem>>[vector<16xi32>, vector<16xi32>], vector<16xf32>,
      %mul3A_2770 = arith.mulf %gather3A_2765, %gather3A_2769 : vector<16xf32>
      %add3A_2771 = arith.addf %add3A_2761, %mul3A_2770 : vector<16xf32>
      %add3A_2772 = arith.constant 11 : i32
      %add3A_2773 = vector.broadcast %add3A_2772 : i32 to vector<16xi32>
      %add3A_2774 = arith.addi %mul3A_2634, %add3A_2773 : vector<16xi32>
      %gather3A_2775 = tpu.vector_load_idx %arg14[%add3A_2644, %add3A_2774] : memref<128x128xf32, #tpu.memory_space<vmem>>[vector<16xi32>, vector<16xi32>], vector<16xf32>,
      %add3A_2776 = arith.constant 11 : i32
      %add3A_2777 = vector.broadcast %add3A_2776 : i32 to vector<16xi32>
      %add3A_2778 = arith.addi %mul3A_2640, %add3A_2777 : vector<16xi32>
      %gather3A_2779 = tpu.vector_load_idx %arg15[%add3A_2644, %add3A_2778] : memref<128x128xf32, #tpu.memory_space<vmem>>[vector<16xi32>, vector<16xi32>], vector<16xf32>,
      %mul3A_2780 = arith.mulf %gather3A_2775, %gather3A_2779 : vector<16xf32>
      %add3A_2781 = arith.addf %add3A_2771, %mul3A_2780 : vector<16xf32>
      %add3A_2782 = arith.constant 12 : i32
      %add3A_2783 = vector.broadcast %add3A_2782 : i32 to vector<16xi32>
      %add3A_2784 = arith.addi %mul3A_2634, %add3A_2783 : vector<16xi32>
      %gather3A_2785 = tpu.vector_load_idx %arg14[%add3A_2644, %add3A_2784] : memref<128x128xf32, #tpu.memory_space<vmem>>[vector<16xi32>, vector<16xi32>], vector<16xf32>,
      %add3A_2786 = arith.constant 12 : i32
      %add3A_2787 = vector.broadcast %add3A_2786 : i32 to vector<16xi32>
      %add3A_2788 = arith.addi %mul3A_2640, %add3A_2787 : vector<16xi32>
      %gather3A_2789 = tpu.vector_load_idx %arg15[%add3A_2644, %add3A_2788] : memref<128x128xf32, #tpu.memory_space<vmem>>[vector<16xi32>, vector<16xi32>], vector<16xf32>,
      %mul3A_2790 = arith.mulf %gather3A_2785, %gather3A_2789 : vector<16xf32>
      %add3A_2791 = arith.addf %add3A_2781, %mul3A_2790 : vector<16xf32>
      %add3A_2792 = arith.constant 13 : i32
      %add3A_2793 = vector.broadcast %add3A_2792 : i32 to vector<16xi32>
      %add3A_2794 = arith.addi %mul3A_2634, %add3A_2793 : vector<16xi32>
      %gather3A_2795 = tpu.vector_load_idx %arg14[%add3A_2644, %add3A_2794] : memref<128x128xf32, #tpu.memory_space<vmem>>[vector<16xi32>, vector<16xi32>], vector<16xf32>,
      %add3A_2796 = arith.constant 13 : i32
      %add3A_2797 = vector.broadcast %add3A_2796 : i32 to vector<16xi32>
      %add3A_2798 = arith.addi %mul3A_2640, %add3A_2797 : vector<16xi32>
      %gather3A_2799 = tpu.vector_load_idx %arg15[%add3A_2644, %add3A_2798] : memref<128x128xf32, #tpu.memory_space<vmem>>[vector<16xi32>, vector<16xi32>], vector<16xf32>,
      %mul3A_2800 = arith.mulf %gather3A_2795, %gather3A_2799 : vector<16xf32>
      %add3A_2801 = arith.addf %add3A_2791, %mul3A_2800 : vector<16xf32>
      %add3A_2802 = arith.constant 14 : i32
      %add3A_2803 = vector.broadcast %add3A_2802 : i32 to vector<16xi32>
      %add3A_2804 = arith.addi %mul3A_2634, %add3A_2803 : vector<16xi32>
      %gather3A_2805 = tpu.vector_load_idx %arg14[%add3A_2644, %add3A_2804] : memref<128x128xf32, #tpu.memory_space<vmem>>[vector<16xi32>, vector<16xi32>], vector<16xf32>,
      %add3A_2806 = arith.constant 14 : i32
      %add3A_2807 = vector.broadcast %add3A_2806 : i32 to vector<16xi32>
      %add3A_2808 = arith.addi %mul3A_2640, %add3A_2807 : vector<16xi32>
      %gather3A_2809 = tpu.vector_load_idx %arg15[%add3A_2644, %add3A_2808] : memref<128x128xf32, #tpu.memory_space<vmem>>[vector<16xi32>, vector<16xi32>], vector<16xf32>,
      %mul3A_2810 = arith.mulf %gather3A_2805, %gather3A_2809 : vector<16xf32>
      %add3A_2811 = arith.addf %add3A_2801, %mul3A_2810 : vector<16xf32>
      %add3A_2812 = arith.constant 15 : i32
      %add3A_2813 = vector.broadcast %add3A_2812 : i32 to vector<16xi32>
      %add3A_2814 = arith.addi %mul3A_2634, %add3A_2813 : vector<16xi32>
      %gather3A_2815 = tpu.vector_load_idx %arg14[%add3A_2644, %add3A_2814] : memref<128x128xf32, #tpu.memory_space<vmem>>[vector<16xi32>, vector<16xi32>], vector<16xf32>,
      %add3A_2816 = arith.constant 15 : i32
      %add3A_2817 = vector.broadcast %add3A_2816 : i32 to vector<16xi32>
      %add3A_2818 = arith.addi %mul3A_2640, %add3A_2817 : vector<16xi32>
      %gather3A_2819 = tpu.vector_load_idx %arg15[%add3A_2644, %add3A_2818] : memref<128x128xf32, #tpu.memory_space<vmem>>[vector<16xi32>, vector<16xi32>], vector<16xf32>,
      %mul3A_2820 = arith.mulf %gather3A_2815, %gather3A_2819 : vector<16xf32>
      %add3A_2821 = arith.addf %add3A_2811, %mul3A_2820 : vector<16xf32>
      %add3A_2822 = arith.constant 16 : i32
      %add3A_2823 = vector.broadcast %add3A_2822 : i32 to vector<16xi32>
      %add3A_2824 = arith.addi %mul3A_2634, %add3A_2823 : vector<16xi32>
      %gather3A_2825 = tpu.vector_load_idx %arg14[%add3A_2644, %add3A_2824] : memref<128x128xf32, #tpu.memory_space<vmem>>[vector<16xi32>, vector<16xi32>], vector<16xf32>,
      %add3A_2826 = arith.constant 16 : i32
      %add3A_2827 = vector.broadcast %add3A_2826 : i32 to vector<16xi32>
      %add3A_2828 = arith.addi %mul3A_2640, %add3A_2827 : vector<16xi32>
      %gather3A_2829 = tpu.vector_load_idx %arg15[%add3A_2644, %add3A_2828] : memref<128x128xf32, #tpu.memory_space<vmem>>[vector<16xi32>, vector<16xi32>], vector<16xf32>,
      %mul3A_2830 = arith.mulf %gather3A_2825, %gather3A_2829 : vector<16xf32>
      %add3A_2831 = arith.addf %add3A_2821, %mul3A_2830 : vector<16xf32>
      %add3A_2832 = arith.constant 17 : i32
      %add3A_2833 = vector.broadcast %add3A_2832 : i32 to vector<16xi32>
      %add3A_2834 = arith.addi %mul3A_2634, %add3A_2833 : vector<16xi32>
      %gather3A_2835 = tpu.vector_load_idx %arg14[%add3A_2644, %add3A_2834] : memref<128x128xf32, #tpu.memory_space<vmem>>[vector<16xi32>, vector<16xi32>], vector<16xf32>,
      %add3A_2836 = arith.constant 17 : i32
      %add3A_2837 = vector.broadcast %add3A_2836 : i32 to vector<16xi32>
      %add3A_2838 = arith.addi %mul3A_2640, %add3A_2837 : vector<16xi32>
      %gather3A_2839 = tpu.vector_load_idx %arg15[%add3A_2644, %add3A_2838] : memref<128x128xf32, #tpu.memory_space<vmem>>[vector<16xi32>, vector<16xi32>], vector<16xf32>,
      %mul3A_2840 = arith.mulf %gather3A_2835, %gather3A_2839 : vector<16xf32>
      %add3A_2841 = arith.addf %add3A_2831, %mul3A_2840 : vector<16xf32>
      %add3A_2842 = arith.constant 18 : i32
      %add3A_2843 = vector.broadcast %add3A_2842 : i32 to vector<16xi32>
      %add3A_2844 = arith.addi %mul3A_2634, %add3A_2843 : vector<16xi32>
      %gather3A_2845 = tpu.vector_load_idx %arg14[%add3A_2644, %add3A_2844] : memref<128x128xf32, #tpu.memory_space<vmem>>[vector<16xi32>, vector<16xi32>], vector<16xf32>,
      %add3A_2846 = arith.constant 18 : i32
      %add3A_2847 = vector.broadcast %add3A_2846 : i32 to vector<16xi32>
      %add3A_2848 = arith.addi %mul3A_2640, %add3A_2847 : vector<16xi32>
      %gather3A_2849 = tpu.vector_load_idx %arg15[%add3A_2644, %add3A_2848] : memref<128x128xf32, #tpu.memory_space<vmem>>[vector<16xi32>, vector<16xi32>], vector<16xf32>,
      %mul3A_2850 = arith.mulf %gather3A_2845, %gather3A_2849 : vector<16xf32>
      %add3A_2851 = arith.addf %add3A_2841, %mul3A_2850 : vector<16xf32>
      %add3A_2852 = arith.constant 19 : i32
      %add3A_2853 = vector.broadcast %add3A_2852 : i32 to vector<16xi32>
      %add3A_2854 = arith.addi %mul3A_2634, %add3A_2853 : vector<16xi32>
      %gather3A_2855 = tpu.vector_load_idx %arg14[%add3A_2644, %add3A_2854] : memref<128x128xf32, #tpu.memory_space<vmem>>[vector<16xi32>, vector<16xi32>], vector<16xf32>,
      %add3A_2856 = arith.constant 19 : i32
      %add3A_2857 = vector.broadcast %add3A_2856 : i32 to vector<16xi32>
      %add3A_2858 = arith.addi %mul3A_2640, %add3A_2857 : vector<16xi32>
      %gather3A_2859 = tpu.vector_load_idx %arg15[%add3A_2644, %add3A_2858] : memref<128x128xf32, #tpu.memory_space<vmem>>[vector<16xi32>, vector<16xi32>], vector<16xf32>,
      %mul3A_2860 = arith.mulf %gather3A_2855, %gather3A_2859 : vector<16xf32>
      %add3A_2861 = arith.addf %add3A_2851, %mul3A_2860 : vector<16xf32>
      %add3A_2862 = arith.constant 20 : i32
      %add3A_2863 = vector.broadcast %add3A_2862 : i32 to vector<16xi32>
      %add3A_2864 = arith.addi %mul3A_2634, %add3A_2863 : vector<16xi32>
      %gather3A_2865 = tpu.vector_load_idx %arg14[%add3A_2644, %add3A_2864] : memref<128x128xf32, #tpu.memory_space<vmem>>[vector<16xi32>, vector<16xi32>], vector<16xf32>,
      %add3A_2866 = arith.constant 20 : i32
      %add3A_2867 = vector.broadcast %add3A_2866 : i32 to vector<16xi32>
      %add3A_2868 = arith.addi %mul3A_2640, %add3A_2867 : vector<16xi32>
      %gather3A_2869 = tpu.vector_load_idx %arg15[%add3A_2644, %add3A_2868] : memref<128x128xf32, #tpu.memory_space<vmem>>[vector<16xi32>, vector<16xi32>], vector<16xf32>,
      %mul3A_2870 = arith.mulf %gather3A_2865, %gather3A_2869 : vector<16xf32>
      %add3A_2871 = arith.addf %add3A_2861, %mul3A_2870 : vector<16xf32>
      %add3A_2872 = arith.constant 21 : i32
      %add3A_2873 = vector.broadcast %add3A_2872 : i32 to vector<16xi32>
      %add3A_2874 = arith.addi %mul3A_2634, %add3A_2873 : vector<16xi32>
      %gather3A_2875 = tpu.vector_load_idx %arg14[%add3A_2644, %add3A_2874] : memref<128x128xf32, #tpu.memory_space<vmem>>[vector<16xi32>, vector<16xi32>], vector<16xf32>,
      %add3A_2876 = arith.constant 21 : i32
      %add3A_2877 = vector.broadcast %add3A_2876 : i32 to vector<16xi32>
      %add3A_2878 = arith.addi %mul3A_2640, %add3A_2877 : vector<16xi32>
      %gather3A_2879 = tpu.vector_load_idx %arg15[%add3A_2644, %add3A_2878] : memref<128x128xf32, #tpu.memory_space<vmem>>[vector<16xi32>, vector<16xi32>], vector<16xf32>,
      %mul3A_2880 = arith.mulf %gather3A_2875, %gather3A_2879 : vector<16xf32>
      %add3A_2881 = arith.addf %add3A_2871, %mul3A_2880 : vector<16xf32>
      %add3A_2882 = arith.constant 22 : i32
      %add3A_2883 = vector.broadcast %add3A_2882 : i32 to vector<16xi32>
      %add3A_2884 = arith.addi %mul3A_2634, %add3A_2883 : vector<16xi32>
      %gather3A_2885 = tpu.vector_load_idx %arg14[%add3A_2644, %add3A_2884] : memref<128x128xf32, #tpu.memory_space<vmem>>[vector<16xi32>, vector<16xi32>], vector<16xf32>,
      %add3A_2886 = arith.constant 22 : i32
      %add3A_2887 = vector.broadcast %add3A_2886 : i32 to vector<16xi32>
      %add3A_2888 = arith.addi %mul3A_2640, %add3A_2887 : vector<16xi32>
      %gather3A_2889 = tpu.vector_load_idx %arg15[%add3A_2644, %add3A_2888] : memref<128x128xf32, #tpu.memory_space<vmem>>[vector<16xi32>, vector<16xi32>], vector<16xf32>,
      %mul3A_2890 = arith.mulf %gather3A_2885, %gather3A_2889 : vector<16xf32>
      %add3A_2891 = arith.addf %add3A_2881, %mul3A_2890 : vector<16xf32>
      %add3A_2892 = arith.constant 23 : i32
      %add3A_2893 = vector.broadcast %add3A_2892 : i32 to vector<16xi32>
      %add3A_2894 = arith.addi %mul3A_2634, %add3A_2893 : vector<16xi32>
      %gather3A_2895 = tpu.vector_load_idx %arg14[%add3A_2644, %add3A_2894] : memref<128x128xf32, #tpu.memory_space<vmem>>[vector<16xi32>, vector<16xi32>], vector<16xf32>,
      %add3A_2896 = arith.constant 23 : i32
      %add3A_2897 = vector.broadcast %add3A_2896 : i32 to vector<16xi32>
      %add3A_2898 = arith.addi %mul3A_2640, %add3A_2897 : vector<16xi32>
      %gather3A_2899 = tpu.vector_load_idx %arg15[%add3A_2644, %add3A_2898] : memref<128x128xf32, #tpu.memory_space<vmem>>[vector<16xi32>, vector<16xi32>], vector<16xf32>,
      %mul3A_2900 = arith.mulf %gather3A_2895, %gather3A_2899 : vector<16xf32>
      %add3A_2901 = arith.addf %add3A_2891, %mul3A_2900 : vector<16xf32>
      %add3A_2902 = arith.constant 24 : i32
      %add3A_2903 = vector.broadcast %add3A_2902 : i32 to vector<16xi32>
      %add3A_2904 = arith.addi %mul3A_2634, %add3A_2903 : vector<16xi32>
      %gather3A_2905 = tpu.vector_load_idx %arg14[%add3A_2644, %add3A_2904] : memref<128x128xf32, #tpu.memory_space<vmem>>[vector<16xi32>, vector<16xi32>], vector<16xf32>,
      %add3A_2906 = arith.constant 24 : i32
      %add3A_2907 = vector.broadcast %add3A_2906 : i32 to vector<16xi32>
      %add3A_2908 = arith.addi %mul3A_2640, %add3A_2907 : vector<16xi32>
      %gather3A_2909 = tpu.vector_load_idx %arg15[%add3A_2644, %add3A_2908] : memref<128x128xf32, #tpu.memory_space<vmem>>[vector<16xi32>, vector<16xi32>], vector<16xf32>,
      %mul3A_2910 = arith.mulf %gather3A_2905, %gather3A_2909 : vector<16xf32>
      %add3A_2911 = arith.addf %add3A_2901, %mul3A_2910 : vector<16xf32>
      %add3A_2912 = arith.constant 25 : i32
      %add3A_2913 = vector.broadcast %add3A_2912 : i32 to vector<16xi32>
      %add3A_2914 = arith.addi %mul3A_2634, %add3A_2913 : vector<16xi32>
      %gather3A_2915 = tpu.vector_load_idx %arg14[%add3A_2644, %add3A_2914] : memref<128x128xf32, #tpu.memory_space<vmem>>[vector<16xi32>, vector<16xi32>], vector<16xf32>,
      %add3A_2916 = arith.constant 25 : i32
      %add3A_2917 = vector.broadcast %add3A_2916 : i32 to vector<16xi32>
      %add3A_2918 = arith.addi %mul3A_2640, %add3A_2917 : vector<16xi32>
      %gather3A_2919 = tpu.vector_load_idx %arg15[%add3A_2644, %add3A_2918] : memref<128x128xf32, #tpu.memory_space<vmem>>[vector<16xi32>, vector<16xi32>], vector<16xf32>,
      %mul3A_2920 = arith.mulf %gather3A_2915, %gather3A_2919 : vector<16xf32>
      %add3A_2921 = arith.addf %add3A_2911, %mul3A_2920 : vector<16xf32>
      %add3A_2922 = arith.constant 26 : i32
      %add3A_2923 = vector.broadcast %add3A_2922 : i32 to vector<16xi32>
      %add3A_2924 = arith.addi %mul3A_2634, %add3A_2923 : vector<16xi32>
      %gather3A_2925 = tpu.vector_load_idx %arg14[%add3A_2644, %add3A_2924] : memref<128x128xf32, #tpu.memory_space<vmem>>[vector<16xi32>, vector<16xi32>], vector<16xf32>,
      %add3A_2926 = arith.constant 26 : i32
      %add3A_2927 = vector.broadcast %add3A_2926 : i32 to vector<16xi32>
      %add3A_2928 = arith.addi %mul3A_2640, %add3A_2927 : vector<16xi32>
      %gather3A_2929 = tpu.vector_load_idx %arg15[%add3A_2644, %add3A_2928] : memref<128x128xf32, #tpu.memory_space<vmem>>[vector<16xi32>, vector<16xi32>], vector<16xf32>,
      %mul3A_2930 = arith.mulf %gather3A_2925, %gather3A_2929 : vector<16xf32>
      %add3A_2931 = arith.addf %add3A_2921, %mul3A_2930 : vector<16xf32>
      %add3A_2932 = arith.constant 27 : i32
      %add3A_2933 = vector.broadcast %add3A_2932 : i32 to vector<16xi32>
      %add3A_2934 = arith.addi %mul3A_2634, %add3A_2933 : vector<16xi32>
      %gather3A_2935 = tpu.vector_load_idx %arg14[%add3A_2644, %add3A_2934] : memref<128x128xf32, #tpu.memory_space<vmem>>[vector<16xi32>, vector<16xi32>], vector<16xf32>,
      %add3A_2936 = arith.constant 27 : i32
      %add3A_2937 = vector.broadcast %add3A_2936 : i32 to vector<16xi32>
      %add3A_2938 = arith.addi %mul3A_2640, %add3A_2937 : vector<16xi32>
      %gather3A_2939 = tpu.vector_load_idx %arg15[%add3A_2644, %add3A_2938] : memref<128x128xf32, #tpu.memory_space<vmem>>[vector<16xi32>, vector<16xi32>], vector<16xf32>,
      %mul3A_2940 = arith.mulf %gather3A_2935, %gather3A_2939 : vector<16xf32>
      %add3A_2941 = arith.addf %add3A_2931, %mul3A_2940 : vector<16xf32>
      %add3A_2942 = arith.constant 28 : i32
      %add3A_2943 = vector.broadcast %add3A_2942 : i32 to vector<16xi32>
      %add3A_2944 = arith.addi %mul3A_2634, %add3A_2943 : vector<16xi32>
      %gather3A_2945 = tpu.vector_load_idx %arg14[%add3A_2644, %add3A_2944] : memref<128x128xf32, #tpu.memory_space<vmem>>[vector<16xi32>, vector<16xi32>], vector<16xf32>,
      %add3A_2946 = arith.constant 28 : i32
      %add3A_2947 = vector.broadcast %add3A_2946 : i32 to vector<16xi32>
      %add3A_2948 = arith.addi %mul3A_2640, %add3A_2947 : vector<16xi32>
      %gather3A_2949 = tpu.vector_load_idx %arg15[%add3A_2644, %add3A_2948] : memref<128x128xf32, #tpu.memory_space<vmem>>[vector<16xi32>, vector<16xi32>], vector<16xf32>,
      %mul3A_2950 = arith.mulf %gather3A_2945, %gather3A_2949 : vector<16xf32>
      %add3A_2951 = arith.addf %add3A_2941, %mul3A_2950 : vector<16xf32>
      %add3A_2952 = arith.constant 29 : i32
      %add3A_2953 = vector.broadcast %add3A_2952 : i32 to vector<16xi32>
      %add3A_2954 = arith.addi %mul3A_2634, %add3A_2953 : vector<16xi32>
      %gather3A_2955 = tpu.vector_load_idx %arg14[%add3A_2644, %add3A_2954] : memref<128x128xf32, #tpu.memory_space<vmem>>[vector<16xi32>, vector<16xi32>], vector<16xf32>,
      %add3A_2956 = arith.constant 29 : i32
      %add3A_2957 = vector.broadcast %add3A_2956 : i32 to vector<16xi32>
      %add3A_2958 = arith.addi %mul3A_2640, %add3A_2957 : vector<16xi32>
      %gather3A_2959 = tpu.vector_load_idx %arg15[%add3A_2644, %add3A_2958] : memref<128x128xf32, #tpu.memory_space<vmem>>[vector<16xi32>, vector<16xi32>], vector<16xf32>,
      %mul3A_2960 = arith.mulf %gather3A_2955, %gather3A_2959 : vector<16xf32>
      %add3A_2961 = arith.addf %add3A_2951, %mul3A_2960 : vector<16xf32>
      %add3A_2962 = arith.constant 30 : i32
      %add3A_2963 = vector.broadcast %add3A_2962 : i32 to vector<16xi32>
      %add3A_2964 = arith.addi %mul3A_2634, %add3A_2963 : vector<16xi32>
      %gather3A_2965 = tpu.vector_load_idx %arg14[%add3A_2644, %add3A_2964] : memref<128x128xf32, #tpu.memory_space<vmem>>[vector<16xi32>, vector<16xi32>], vector<16xf32>,
      %add3A_2966 = arith.constant 30 : i32
      %add3A_2967 = vector.broadcast %add3A_2966 : i32 to vector<16xi32>
      %add3A_2968 = arith.addi %mul3A_2640, %add3A_2967 : vector<16xi32>
      %gather3A_2969 = tpu.vector_load_idx %arg15[%add3A_2644, %add3A_2968] : memref<128x128xf32, #tpu.memory_space<vmem>>[vector<16xi32>, vector<16xi32>], vector<16xf32>,
      %mul3A_2970 = arith.mulf %gather3A_2965, %gather3A_2969 : vector<16xf32>
      %add3A_2971 = arith.addf %add3A_2961, %mul3A_2970 : vector<16xf32>
      %add3A_2972 = arith.constant 31 : i32
      %add3A_2973 = vector.broadcast %add3A_2972 : i32 to vector<16xi32>
      %add3A_2974 = arith.addi %mul3A_2634, %add3A_2973 : vector<16xi32>
      %gather3A_2975 = tpu.vector_load_idx %arg14[%add3A_2644, %add3A_2974] : memref<128x128xf32, #tpu.memory_space<vmem>>[vector<16xi32>, vector<16xi32>], vector<16xf32>,
      %add3A_2976 = arith.constant 31 : i32
      %add3A_2977 = vector.broadcast %add3A_2976 : i32 to vector<16xi32>
      %add3A_2978 = arith.addi %mul3A_2640, %add3A_2977 : vector<16xi32>
      %gather3A_2979 = tpu.vector_load_idx %arg15[%add3A_2644, %add3A_2978] : memref<128x128xf32, #tpu.memory_space<vmem>>[vector<16xi32>, vector<16xi32>], vector<16xf32>,
      %mul3A_2980 = arith.mulf %gather3A_2975, %gather3A_2979 : vector<16xf32>
      %add3A_2981 = arith.addf %add3A_2971, %mul3A_2980 : vector<16xf32>
      %swap3A_2982 = arith.index_cast %multiple_of3A_2624 : i32 to index
      %swap3A_2983 = tpu.vector_load %arg18[%swap3A_2982] {strides = array<i32>} : memref<512xf32, #tpu.memory_space<vmem>>, vector<16xf32>,
      tpu.vector_store %arg18[%swap3A_2982], %add3A_2981 {strides = array<i32>} : memref<512xf32, #tpu.memory_space<vmem>>, vector<16xf32>,
    }
    %scan3A_73 = arith.constant 4 : i32
    "tpu.region"() ({
      %run_scoped3A = tpu.sem_alloc : memref<!tpu.dma_semaphore, #tpu.memory_space<semaphore_mem>>
      %dma_start3A_74 = tpu.memref_slice %arg8[%mul3A_2] : memref<16384xf32, #tpu.memory_space<hbm>> -> memref<512xf32, #tpu.memory_space<hbm>>
      %dma_start3A_75 = tpu.memref_slice %arg8[%mul3A_2] : memref<16384xf32, #tpu.memory_space<hbm>> -> memref<512xf32, #tpu.memory_space<hbm>>
      tpu.enqueue_dma source(%arg18 : memref<512xf32, #tpu.memory_space<vmem>>) target(%dma_start3A_75 : memref<512xf32, #tpu.memory_space<hbm>>) target_semaphore(%run_scoped3A : memref<!tpu.dma_semaphore, #tpu.memory_space<semaphore_mem>>)
      %dma_wait3A_76 = tpu.memref_slice %arg8[%mul3A_2] : memref<16384xf32, #tpu.memory_space<hbm>> -> memref<512xf32, #tpu.memory_space<hbm>>
      %dma_wait3A_77 = tpu.memref_slice %arg8[%mul3A_2] : memref<16384xf32, #tpu.memory_space<hbm>> -> memref<512xf32, #tpu.memory_space<hbm>>
      tpu.wait_dma2 semaphore(%run_scoped3A : memref<!tpu.dma_semaphore, #tpu.memory_space<semaphore_mem>>) src(%arg18 : memref<512xf32, #tpu.memory_space<vmem>>) dst(%dma_wait3A_77 : memref<512xf32, #tpu.memory_space<hbm>>)
      tpu.yield
    }) : () -> ()
    return
  }
}

</mosaic_0001>

<sc_bundles>
// kernel: kernel.3.cloned.1.call-start
scs
__scs_entry_jumppad:
0x0: {  	(pc) =	sbr.rel $0x88, $3  }
0x1: {  	(tag) =	ssettag $0x0;
	lr =	simm.s32 $0x1  }
0x2: {  	[smem:$0x3F9C] =	sst lr;
	_ =	strace $0xD0000000  }
0x3: {  	_ = 	snop  }
0x4: {  	_ = 	snop  }
0x5: {  	_ = 	snop  }
0x6: {  	_ = 	snop  }
0x7: {  	_ = 	snop  }
__scs_overlays_trampoline_lowered:
0x8: {  	[smem:$0x3FAB] =	sst s0  }
0x9: {  	[smem:$0x3FAC] =	sst s1  }
0xa: {  	[smem:$0x3FAD] =	sst s2  }
0xb: {  	[smem:$0x3FAE] =	sst s3  }
0xc: {  	[smem:$0x3FAF] =	sst s4  }
0xd: {  	[smem:$0x3FB0] =	sst s5  }
0xe: {  	[smem:$0x3FB1] =	sst s6  }
0xf: {  	[smem:$0x3FB2] =	sst s7  }
0x10: {  	[smem:$0x3FB3] =	sst s8  }
0x11: {  	[smem:$0x3FB4] =	sst s9;
	s0 =	simm.s32 @!p0 $0x0  }
0x12: {  	s1 =	sld [smem:$0x3F9A];
	s0 =	simm.s32 @p0 $0x1  }
0x13: {  	[smem:$0x3FB5] =	sst s0;
	s0 =	simm.s32 @!p1 $0x0  }
0x14: {  	s2 =	sld [smem:$0x3F99];
	s0 =	simm.s32 @p1 $0x1  }
0x15: {  	[smem:$0x3FB6] =	sst s0;
	s0 =	simm.s32 @!p2 $0x0  }
0x16: {  	s3 =	sld [smem:$0x3FDB];
	s0 =	simm.s32 @p2 $0x1  }
0x17: {  	s4 =	simm.s32 $0x1BF5;
	[smem:$0x3FB8] =	sst s0  }
0x18: {  	s0 =	sld [smem:$0x3F9B];
	_ =	swait.ge [sflag:s4], $0x0  }
0x19: {  	s7 =	sld [smem:$0x3F9C]  }
0x1a: {  	s8 =	sadd.s32 $0xFFFFE003, lr  }
0x1b: {  	s9 =	sadd.s32 $0xFFFFFEF7, lr;
	s5 =	simm.s32 $0xFFFFFFFF;
	p2 =	slt.u32 s8, $0xFFFFF086  }
0x1c: {  	p1 =	slt.u32 s9, $0xF7A;
	s5 =	simm.s32 @!p2 $0x0  }
0x1d: {  	s5 =	simm.s32 @p1 $0x1;
	p0 =	seq.s32 s7, s2  }
0x1e: {  	s7 =	smul.u32 @!p0 $0xF7A, s2;
	p2 =	seq.s32 @!p0 s5, $0x0  }
0x1f: {  	s9 =	smul.u32 $0xF7A, s1;
	s8 =	simm.s32 @!p0 $0x1BF5;
	p2 =	por !p2, p0  }
0x20: {  	[sflag:s8] =	ssyncset.s32 @!p0 $0xFFFFF086;
	s6 =	sadd.s32 @!p0 s3, s7;
	s7 =	simm.s32 @!p0 $0x108  }
0x21: {  	s3 =	sadd.s32 s3, s9;
	s6 =	sadd.s32 @!p0 $0x88, s6;
	s7 =	simm.s32 @p2 $0x1082  }
0x22: {  	[simem:s7], [sflag:s8] =	dma.local @!p0 [hbm:s6], $0xF7A  }
0x23: {  	s9 =	sor.u32 $0xD0000000, s2;
	s6 =	simm.s32 $0x108;
	_ =	swait.ge @!p0 [sflag:s8], $0x0  }
0x24: {  	s3 =	sadd.s32 $0x88, s3;
	s6 =	simm.s32 @!p1 $0x1082;
	[sflag:s4] =	ssyncset.s32 $0xFFFFF086  }
0x25: {  	[simem:s6], [sflag:s4] =	dma.local [hbm:s3], $0xF7A  }
0x26: {  	[smem:$0x3F9C] =	sst s1;
	(tag) =	ssettag s2;
	_ =	strace s9  }
0x27: {  	s1 =	sld [smem:$0x3FAC]  }
0x28: {  	s2 =	sld [smem:$0x3FAD]  }
0x29: {  	s4 =	sld [smem:$0x3FAF]  }
0x2a: {  	p0 =	seq.s32 s5, $0x0;
	s5 =	sld [smem:$0x3FB0]  }
0x2b: {  	s6 =	sld [smem:$0x3FB1]  }
0x2c: {  	s7 =	sld [smem:$0x3FB2]  }
0x2d: {  	s3 =	simm.s32 $0x108;
	s8 =	sld [smem:$0x3FB3]  }
0x2e: {  	s3 =	simm.s32 @!p0 $0x1082;
	s9 =	sld [smem:$0x3FB4]  }
0x2f: {  	lr =	sadd.s32 s0, s3;
	s0 =	sld [smem:$0x3FAB]  }
0x30: {  	s3 =	sld [smem:$0x3FAE]  }
0x31: {  	[smem:$0x3FB7] =	sst s10  }
0x32: {  	s10 =	sld [smem:$0x3FB5];
	_ =	sdelay $0x3  }
0x33: {  	p0 =	seq.s32 s10, $0x1;
	s10 =	sld [smem:$0x3FB7];
	_ =	sdelay $0x3  }
0x34: {  	[smem:$0x3FB7] =	sst s10  }
0x35: {  	s10 =	sld [smem:$0x3FB6];
	_ =	sdelay $0x3  }
0x36: {  	p1 =	seq.s32 s10, $0x1;
	s10 =	sld [smem:$0x3FB7];
	_ =	sdelay $0x3  }
0x37: {  	[smem:$0x3FB7] =	sst s10  }
0x38: {  	s10 =	sld [smem:$0x3FB8]  }
0x39: {  	_ = 	snop;
	(pc) =	sbr.ind lr, $3  }
0x3a: {  	_ = 	snop  }
0x3b: {  	_ = 	snop  }
0x3c: {  	p2 =	seq.s32 s10, $0x1;
	s10 =	sld [smem:$0x3FB7]  }
0x3d: {  	_ =	shalt  }
0x3e: {  	_ =	shalt  }
0x3f: {  	_ =	shalt  }
0x40: {  	_ =	shalt  }
0x41: {  	_ =	shalt  }
0x42: {  	_ =	shalt  }
0x43: {  	_ =	shalt  }
0x44: {  	_ =	shalt  }
0x45: {  	_ =	shalt  }
0x46: {  	_ =	shalt  }
0x47: {  	_ =	shalt  }
0x48: {  	_ =	shalt  }
0x49: {  	_ =	shalt  }
0x4a: {  	_ =	shalt  }
0x4b: {  	_ =	shalt  }
0x4c: {  	_ =	shalt  }
0x4d: {  	_ =	shalt  }
0x4e: {  	_ =	shalt  }
0x4f: {  	_ =	shalt  }
0x50: {  	_ =	shalt  }
0x51: {  	_ =	shalt  }
0x52: {  	_ =	shalt  }
0x53: {  	_ =	shalt  }
0x54: {  	_ =	shalt  }
0x55: {  	_ =	shalt  }
0x56: {  	_ =	shalt  }
0x57: {  	_ =	shalt  }
0x58: {  	_ =	shalt  }
0x59: {  	_ =	shalt  }
0x5a: {  	_ =	shalt  }
0x5b: {  	_ =	shalt  }
0x5c: {  	_ =	shalt  }
0x5d: {  	_ =	shalt  }
0x5e: {  	_ =	shalt  }
0x5f: {  	_ =	shalt  }
0x60: {  	_ =	shalt  }
0x61: {  	_ =	shalt  }
0x62: {  	_ =	shalt  }
0x63: {  	_ =	shalt  }
0x64: {  	_ =	shalt  }
0x65: {  	_ =	shalt  }
0x66: {  	_ =	shalt  }
0x67: {  	_ =	shalt  }
0x68: {  	_ =	shalt  }
0x69: {  	_ =	shalt  }
0x6a: {  	_ =	shalt  }
0x6b: {  	_ =	shalt  }
0x6c: {  	_ =	shalt  }
0x6d: {  	_ =	shalt  }
0x6e: {  	_ =	shalt  }
0x6f: {  	_ =	shalt  }
0x70: {  	_ =	shalt  }
0x71: {  	_ =	shalt  }
0x72: {  	_ =	shalt  }
0x73: {  	_ =	shalt  }
0x74: {  	_ =	shalt  }
0x75: {  	_ =	shalt  }
0x76: {  	_ =	shalt  }
0x77: {  	_ =	shalt  }
0x78: {  	_ =	shalt  }
0x79: {  	_ =	shalt  }
0x7a: {  	_ =	shalt  }
0x7b: {  	_ =	shalt  }
0x7c: {  	_ =	shalt  }
0x7d: {  	_ =	shalt  }
0x7e: {  	_ =	shalt  }
0x7f: {  	_ =	shalt  }
0x80: {  	_ =	shalt  }
0x81: {  	_ =	shalt  }
0x82: {  	_ =	shalt  }
0x83: {  	_ =	shalt  }
0x84: {  	_ =	shalt  }
0x85: {  	_ =	shalt  }
0x86: {  	_ =	shalt  }
0x87: {  	_ =	shalt  }
.Lfunc_end0:
.L_simem_size_0:
called_computation_lowered:
.L_overlay_start_0:
0x88: {  	s2 =	sld [smem:$0x3FD9]  }
0x89: {  	s3 =	sld [smem:$0x3FFE];
	_ =	sdelay $0x1  }
0x8a: {  	s1 =	srdreg.scid  }
0x8b: {  	s0 =	sand.u32 $0x1, s1  }
0x8c: {  	s17 =	sshll.u32 s0, $0xA;
	s2 =	sadd.s32 s3, s2  }
0x8d: {  	s2 =	sadd.s32 s2, s17  }
0x8e: {  	[smem:$0x3FC3] =	sst s2  }
0x8f: {  	_ = 	snop  }
0x90: {  	s2 =	sld [smem:$0x3FC9]  }
0x91: {  	s18 =	sld [smem:$0x3FC8]  }
0x92: {  	s4 =	sld [smem:$0x3FD0];
	(tm) =	ssettm $0x1  }
0x93: {  	s5 =	sld [smem:$0x3FFB];
	_ =	sdelay $0x3  }
0x94: {  	_ =	strace s5  }
0x95: {  	s5 =	sld [smem:$0x3FFC];
	_ =	sdelay $0x3  }
0x96: {  	_ =	strace s5  }
0x97: {  	s5 =	sld [smem:$0x3FFD];
	_ =	sdelay $0x3  }
0x98: {  	_ =	strace s5  }
0x99: {  	_ =	strace $0x8FFFFFFF  }
0x9a: {  	s19 =	sld [smem:$0x3FDB];
	_ =	sdelay $0x1  }
0x9b: {  	s6 =	simm.s32 $_scs_section_size  }
0x9c: {  	s7 =	simm.s32 $_size__tile_overlayer_lowered;
	s8 =	simm.s32 $_tile_overlayer_lowered  }
0x9d: {  	s22 =	simm.s32 $0x1BFF;
	s21 =	sshll.u32 s8, $0x1;
	s5 =	sadd.s32 s6, s19  }
0x9e: {  	s9 =	simm.s32 $0x0;
	s20 =	sshll.u32 s7, $0x1;
	s7 =	sadd.s32 s21, s5  }
0x9f: {  	[timem:s9], [sflag:s22] =	dma.local [hbm:s7], s20  }
0xa0: {  	_ =	swait.ge [sflag:s22], s20  }
0xa1: {  	s6 =	ssub.s32 $0x0, s20;
	[sflag:s22] =	ssyncset.done $0x0  }
0xa2: {  	[sflag:s22] =	ssyncadd.s32 s6;
	_ =	sdelay $0x1  }
0xa3: {  	s23 =	simm.s32 $0x1B8B  }
0xa4: {  	_ =	swait.ge [sflag:s23], $0x1  }
0xa5: {  	[sflag:s23] =	ssyncset.done $0x0  }
0xa6: {  	s25 =	simm.s32 $0x1B8E;
	s24 =	sld [smem:$0x3FFE];
	[sflag:s23] =	ssyncadd.s32 $0xFFFFFFFF  }
0xa7: {  	s26 =	simm.s32 $execute0_lowered;
	[smem:$0x3FD2] =	sst s25  }
0xa8: {  	s7 =	sshll.u32 s26, $0x1;
	_ =	strace $0x80000046;
	[dreg:$0x1] =	wrdreg $0xFFFFFFFF  }
0xa9: {  	s28 =	simm.s32 $_size_execute0_lowered;
	s5 =	sadd.s32 s5, s7;
	[dreg:$0x0] =	wrdreg $0x0  }
0xaa: {  	s7 =	sshll.u32 s28, $0x1;
	[dreg:$0x2] =	wrdreg s5  }
0xab: {  	[dreg:$0x3] =	wrdreg s7  }
0xac: {  	[dreg:$0x4] =	wrdreg $0xC0  }
0xad: {  	_ =	task [dreg:s9], $0x5FFFF  }
0xae: {  	[dreg:$0x1] =	wrdreg $0xFFFFFFFF  }
0xaf: {  	[dreg:$0x0] =	wrdreg $0x60  }
0xb0: {  	[dreg:$0x2] =	wrdreg s2  }
0xb1: {  	[dreg:$0x3] =	wrdreg s18  }
0xb2: {  	[dreg:$0x4] =	wrdreg s24  }
0xb3: {  	[dreg:$0x5] =	wrdreg s4  }
0xb4: {  	[dreg:$0x6] =	wrdreg $0x9  }
0xb5: {  	_ =	task.clear_ibuf [dreg:s9], $0x7FFFF;
	_ =	strace $0x90000046  }
0xb6: {  	s29 =	simm.s32 $0x9;
	_ =	strace $0x80000048  }
0xb7: {  	_ =	swait.ge [sflag:s29], $0x1  }
0xb8: {  	[sflag:s29] =	ssyncadd.s32 $0xFFFFFFFF  }
0xb9: {  	_ =	strace $0x90000048  }
0xba: {  	_ =	sfence  }
0xbb: {  	s30 =	sld [smem:$0x0];
	_ =	sdelay $0x2  }
0xbc: {  	s31 =	sshll.u32 s1, $0xD;
	s1 =	sshrl.u32 s1, $0x2  }
0xbd: {  	s3 =	sand.u32 $0x4000, s31;
	s1 =	sadd.s32 s1, s30  }
0xbe: {  	s0 =	sor.u32 s3, s0;
	s1 =	sshll.u32 s1, $0x11  }
0xbf: {  	s0 =	sor.u32 s1, s0  }
0xc0: {  	s0 =	sadd.s32 $0x8F2B, s0  }
0xc1: {  	[sflag:s0] =	ssyncadd.remote.s32 $0x1  }
0xc2: {  	_ =	sfence.sel $0xFFFF  }
0xc3: {  	[dreg:$0x0] =	wrdreg $0xFFFFFFFF;
	(pc) =	sbr.abs _section_cstart, $3  }
0xc4: {  	[dreg:$0x1] =	wrdreg $0xFFFFFFFF  }
0xc5: {  	_ =	task.clear_ibuf [dreg:s9], $0x2FFFF;
	_ =	strace $0x9FFFFFFF  }
0xc6: {  	(tm) =	ssettm $0x7FFFFFFF  }
0xc7: {  	_ =	shalt  }
tec
execute0_lowered:
.L_overlay_start_1:
0x0: {  	(tag) =	ssettag $0x1  }
0x1: {  	v0 =	vlaneseq.u32  }
0x2: {  	v0 =	vmul.u32 $0x80, v0;
	_ =	sdelay $0x1  }
0x3: {  	v1 =	vor.u32 $0x6, v0  }
0x4: {  	[tilespmem:$0x1FC80] =	vst v1;
	v1 =	vor.u32 $0x7, v0  }
0x5: {  	[tilespmem:$0x1FC90] =	vst v1;
	v1 =	vor.u32 $0x8, v0  }
0x6: {  	[tilespmem:$0x1FCA0] =	vst v1;
	v1 =	vor.u32 $0x9, v0  }
0x7: {  	[tilespmem:$0x1FCB0] =	vst v1;
	v1 =	vor.u32 $0xA, v0  }
0x8: {  	[tilespmem:$0x1FCC0] =	vst v1;
	v1 =	vor.u32 $0xB, v0  }
0x9: {  	[tilespmem:$0x1FCD0] =	vst v1;
	v1 =	vor.u32 $0xC, v0  }
0xa: {  	[tilespmem:$0x1FCE0] =	vst v1;
	v1 =	vor.u32 $0xD, v0  }
0xb: {  	[tilespmem:$0x1FCF0] =	vst v1;
	v1 =	vor.u32 $0xE, v0  }
0xc: {  	[tilespmem:$0x1FD00] =	vst v1;
	v1 =	vor.u32 $0xF, v0  }
0xd: {  	[tilespmem:$0x1FD10] =	vst v1;
	v1 =	vor.u32 $0x10, v0  }
0xe: {  	[tilespmem:$0x1FD20] =	vst v1;
	v1 =	vor.u32 $0x11, v0  }
0xf: {  	[tilespmem:$0x1FD30] =	vst v1;
	v1 =	vor.u32 $0x12, v0  }
0x10: {  	[tilespmem:$0x1FD40] =	vst v1;
	v1 =	vor.u32 $0x13, v0  }
0x11: {  	[tilespmem:$0x1FD50] =	vst v1;
	v1 =	vor.u32 $0x14, v0  }
0x12: {  	[tilespmem:$0x1FD60] =	vst v1;
	v1 =	vor.u32 $0x15, v0  }
0x13: {  	[tilespmem:$0x1FD70] =	vst v1;
	v1 =	vor.u32 $0x16, v0  }
0x14: {  	[tilespmem:$0x1FD80] =	vst v1;
	v1 =	vor.u32 $0x17, v0  }
0x15: {  	s1 =	rddreg [dreg:$0x0];
	[tilespmem:$0x1FD90] =	vst v1;
	v1 =	vor.u32 $0x18, v0  }
0x16: {  	s3 =	rddreg [dreg:$0x1];
	[tilespmem:$0x1FDA0] =	vst v1;
	v1 =	vor.u32 $0x19, v0  }
0x17: {  	s0 =	rddreg [dreg:$0x2];
	s2 =	simm.s32 $0x0;
	[tilespmem:$0x1FDB0] =	vst v1;
	v1 =	vor.u32 $0x1A, v0  }
0x18: {  	[smem:$0x7FF] =	sst s2;
	[tilespmem:$0x1FDC0] =	vst v1;
	v1 =	vor.u32 $0x1B, v0  }
0x19: {  	s9 =	rddreg [dreg:$0x3];
	_ =	strace $0x80000047;
	[tilespmem:$0x1FDD0] =	vst v1;
	v1 =	vor.u32 $0x1C, v0  }
0x1a: {  	[tilespmem:$0x1FDE0] =	vst v1;
	v1 =	vor.u32 $0x1D, v0  }
0x1b: {  	[tilespmem:$0x1FDF0] =	vst v1;
	v1 =	vor.u32 $0x1E, v0  }
0x1c: {  	[tilespmem:$0x1FE00] =	vst v1;
	v1 =	vor.u32 $0x1F, v0  }
0x1d: {  	[tilespmem:$0x1FE10] =	vst v1;
	v1 =	vor.u32 $0x801, v0  }
0x1e: {  	[tilespmem:$0x1FE20] =	vst v1;
	v1 =	vor.u32 $0x802, v0  }
0x1f: {  	[tilespmem:$0x1FE30] =	vst v1;
	v1 =	vor.u32 $0x803, v0  }
0x20: {  	[tilespmem:$0x1FE40] =	vst v1;
	v1 =	vor.u32 $0x804, v0  }
0x21: {  	[tilespmem:$0x1FE50] =	vst v1;
	v1 =	vor.u32 $0x805, v0  }
0x22: {  	[tilespmem:$0x1FE60] =	vst v1;
	v1 =	vor.u32 $0x806, v0  }
0x23: {  	[tilespmem:$0x1FE70] =	vst v1;
	v1 =	vor.u32 $0x807, v0  }
0x24: {  	[tilespmem:$0x1FE80] =	vst v1;
	v1 =	vor.u32 $0x808, v0  }
0x25: {  	[tilespmem:$0x1FE90] =	vst v1;
	v1 =	vor.u32 $0x809, v0  }
0x26: {  	[tilespmem:$0x1FEA0] =	vst v1;
	v1 =	vor.u32 $0x80A, v0  }
0x27: {  	[tilespmem:$0x1FEB0] =	vst v1;
	v1 =	vor.u32 $0x80B, v0  }
0x28: {  	[tilespmem:$0x1FEC0] =	vst v1;
	v1 =	vor.u32 $0x80C, v0  }
0x29: {  	[tilespmem:$0x1FED0] =	vst v1;
	v1 =	vor.u32 $0x80D, v0  }
0x2a: {  	[tilespmem:$0x1FEE0] =	vst v1;
	v1 =	vor.u32 $0x80E, v0  }
0x2b: {  	[tilespmem:$0x1FEF0] =	vst v1;
	v1 =	vor.u32 $0x80F, v0  }
0x2c: {  	[tilespmem:$0x1FF00] =	vst v1;
	v1 =	vor.u32 $0x810, v0  }
0x2d: {  	[tilespmem:$0x1FF10] =	vst v1;
	v1 =	vor.u32 $0x811, v0  }
0x2e: {  	[tilespmem:$0x1FF20] =	vst v1;
	v1 =	vor.u32 $0x812, v0  }
0x2f: {  	[tilespmem:$0x1FF30] =	vst v1;
	v1 =	vor.u32 $0x813, v0  }
0x30: {  	[tilespmem:$0x1FF40] =	vst v1;
	v1 =	vor.u32 $0x814, v0  }
0x31: {  	s5 =	srdreg.scid;
	s6 =	stileid.u32;
	[tilespmem:$0x1FF50] =	vst v1;
	v1 =	vor.u32 $0x815, v0  }
0x32: {  	s13 =	simm.s32 $0x18A00;
	s14 =	simm.s32 $0x80;
	s16 =	simm.s32 $0x8A00;
	[tilespmem:$0x1FF60] =	vst v1;
	v1 =	vor.u32 $0x816, v0  }
0x33: {  	s17 =	simm.s32 $0x880;
	s18 =	simm.s32 $0xCA00;
	s19 =	simm.s32 $0x900;
	[tilespmem:$0x1FF70] =	vst v1;
	v1 =	vor.u32 $0x817, v0  }
0x34: {  	s20 =	simm.s32 $0x10A00;
	s21 =	simm.s32 $0x980;
	s22 =	simm.s32 $0x14A00;
	[tilespmem:$0x1FF80] =	vst v1;
	v1 =	vor.u32 $0x818, v0  }
0x35: {  	s23 =	simm.s32 $0x2;
	s24 =	simm.s32 $0xA00;
	s25 =	simm.s32 $0x4A00;
	[tilespmem:$0x1FF90] =	vst v1;
	v1 =	vor.u32 $0x819, v0  }
0x36: {  	s26 =	simm.s32 $0x1;
	s28 =	simm.s32 $0x18A80;
	s29 =	simm.s32 $0x0;
	[tilespmem:$0x1FFA0] =	vst v1;
	v1 =	vor.u32 $0x81A, v0  }
0x37: {  	s4 =	sadd.s32 $0xF42400, s0;
	s5 =	sand.u32 $0x1, s5;
	s6 =	sshll.u32 s6, $0x7;
	[tilespmem:$0x1FFB0] =	vst v1;
	v1 =	vor.u32 $0x81B, v0  }
0x38: {  	s7 =	ssub.s32 $0x2, s5;
	s8 =	sshll.u32 s5, $0x6;
	s5 =	sadd.s32 $0x1312E00, s0;
	[tilespmem:$0x1FFC0] =	vst v1;
	v1 =	vor.u32 $0x81C, v0  }
0x39: {  	v17 =	vor.u32 $0x1, v0;
	s10 =	sshrl.u32 s7, $0x1;
	s11 =	sor.u32 s8, s6;
	s6 =	sadd.s32 $0x1EA00, s0;
	[tilespmem:$0x1FFD0] =	vst v1;
	v1 =	vor.u32 $0x81D, v0  }
0x3a: {  	v18 =	vor.u32 $0x2, v0;
	v19 =	vor.u32 $0x3, v0;
	s10 =	ssub.s32 s7, s10;
	s7 =	sadd.s32 s1, s11;
	s8 =	sadd.s32 s3, s11;
	[tilespmem:$0x1FFE0] =	vst v1;
	v1 =	vor.u32 $0x81E, v0  }
0x3b: {  	v20 =	vor.u32 $0x4, v0;
	v21 =	vor.u32 $0x5, v0;
	v32 =	vor.u32 $0x800, v0;
	s9 =	sadd.s32 s9, s11;
	s11 =	simm.s32 $0x3;
	s10 =	smax.u32 s10, $0x1;
	[tilespmem:$0x1FFF0] =	vst v1  }
.LBB2_1:
0x3c: {  	[tilespmem:s2], [sflag:$0x3] =	stream.linear.gather [hbm4b:s7+s2], $0x200, $0x38;
	[tilespmem:$0x18C80] =	vst v63  }
0x3d: {  	_ =	swait.ge [sflag:s11], $0x200  }
0x3e: {  	[sflag:s11] =	ssyncset.done $0x0  }
0x3f: {  	s1 =	simm.s32 $0x200;
	[sflag:s11] =	ssyncadd.s32 $0xFFFFFE00  }
0x40: {  	[tilespmem:s1], [sflag:$0x3] =	stream.linear.gather [hbm4b:s8+s2], $0x200, $0x38;
	[tilespmem:$0x18C80] =	vst v63  }
0x41: {  	_ =	swait.ge [sflag:s11], $0x200  }
0x42: {  	[sflag:s11] =	ssyncset.done $0x0  }
0x43: {  	s1 =	simm.s32 $0x0;
	[sflag:s11] =	ssyncadd.s32 $0xFFFFFE00  }
0x44: {  	[tilespmem:s13], [sflag:$0x2] =	stream.linear.gather [hbm4b:s6+s2], $0x80, $0x38;
	[tilespmem:$0x18C80] =	vst v63  }
0x45: {  	v1 =	vld [tilespmem:s1+$0x200];
	_ =	sdelay $0x1  }
0x46: {  	s3 =	simm.s32 $0x40;
	v2 =	vld [tilespmem:s1+$0x0]  }
.LBB2_2:
0x47: {  	p0 =	sne.s32 s3, $0x7C0  }
.Ltmp0:
0x48: {  	_ = 	snop;
	(pc) =	sbr.rel @p0 .LBB2_2-.Ltmp0, $4  }
0x49: {  	s12 =	sshra.s32 s3, $0x2;
	v63 =	vshrl.u32 v1, $0x2;
	v3 =	vshrl.u32 v1, $0x7  }
0x4a: {  	v1 =	vld [tilespmem:s12+$0x200];
	[tilespmem:s1+$0x600] =	vst v63;
	v3 =	vmin.u32 v3, $0x1E83  }
0x4b: {  	v4 =	vshrl.u32 v2, $0x2;
	v2 =	vld [tilespmem:s12+$0x0];
	[tilespmem:s1+$0x800] =	vst v3  }
0x4c: {  	s3 =	sadd.s32 $0x40, s3;
	[tilespmem:s1+$0x400] =	vst v4;
	s1 =	smov.u32 s12  }
0x4d: {  	_ =	sdelay $0x1  }
0x4e: {  	v3 =	vshrl.u32 v1, $0x2;
	v1 =	vshrl.u32 v1, $0x7  }
0x4f: {  	[tilespmem:s1+$0x600] =	vst v3;
	v1 =	vmin.u32 v1, $0x1E83  }
0x50: {  	v2 =	vshrl.u32 v2, $0x2;
	[tilespmem:s1+$0x800] =	vst v1  }
0x51: {  	s15 =	simm.s32 $0x800;
	[tilespmem:s1+$0x400] =	vst v2  }
0x52: {  	[tilespmem:s16], [sflag:$0x2] =	stream.indirect.gather [hbm4b:s0+s14], $0x80, s15, s14, $0xb8;
	[tilespmem:$0x18C80] =	vst v63  }
0x53: {  	_ = 	snop  }
0x54: {  	[tilespmem:s18], [sflag:$0x2] =	stream.indirect.gather [hbm4b:s0+s14], $0x80, s17, s14, $0xb8;
	[tilespmem:$0x18C80] =	vst v63  }
0x55: {  	_ = 	snop  }
0x56: {  	[tilespmem:s20], [sflag:$0x2] =	stream.indirect.gather [hbm4b:s0+s14], $0x80, s19, s14, $0xb8;
	[tilespmem:$0x18C80] =	vst v63  }
0x57: {  	_ = 	snop  }
0x58: {  	[tilespmem:s22], [sflag:$0x2] =	stream.indirect.gather [hbm4b:s0+s14], $0x80, s21, s14, $0xb8;
	[tilespmem:$0x18C80] =	vst v63  }
0x59: {  	_ =	swait.ge [sflag:s23], $0x4000  }
0x5a: {  	[sflag:s23] =	ssyncset.done $0x0  }
0x5b: {  	[sflag:s23] =	ssyncadd.s32 $0xFFFFC000  }
0x5c: {  	_ =	swait.ge [sflag:s23], $0x4000  }
0x5d: {  	[sflag:s23] =	ssyncset.done $0x0  }
0x5e: {  	[sflag:s23] =	ssyncadd.s32 $0xFFFFC000  }
0x5f: {  	_ =	swait.ge [sflag:s23], $0x4000  }
0x60: {  	[sflag:s23] =	ssyncset.done $0x0  }
0x61: {  	[sflag:s23] =	ssyncadd.s32 $0xFFFFC000  }
0x62: {  	_ =	swait.ge [sflag:s23], $0x4000  }
0x63: {  	[sflag:s23] =	ssyncset.done $0x0  }
0x64: {  	[sflag:s23] =	ssyncadd.s32 $0xFFFFC000  }
0x65: {  	_ =	swait.ge [sflag:s23], $0x80  }
0x66: {  	v39 =	vld [tilespmem:$0x1FD80]  }
0x67: {  	v40 =	vld [tilespmem:$0x1FD90]  }
0x68: {  	v41 =	vld [tilespmem:$0x1FDA0]  }
0x69: {  	v42 =	vld [tilespmem:$0x1FDB0]  }
0x6a: {  	v43 =	vld [tilespmem:$0x1FDC0]  }
0x6b: {  	v44 =	vld [tilespmem:$0x1FDD0]  }
0x6c: {  	v45 =	vld [tilespmem:$0x1FDE0]  }
0x6d: {  	v46 =	vld [tilespmem:$0x1FDF0]  }
0x6e: {  	v47 =	vld [tilespmem:$0x1FE00]  }
0x6f: {  	v48 =	vld [tilespmem:$0x1FE10]  }
0x70: {  	v49 =	vld [tilespmem:$0x1FE20]  }
0x71: {  	v50 =	vld [tilespmem:$0x1FE30]  }
0x72: {  	v51 =	vld [tilespmem:$0x1FE40]  }
0x73: {  	v52 =	vld [tilespmem:$0x1FE50]  }
0x74: {  	v53 =	vld [tilespmem:$0x1FE60]  }
0x75: {  	v54 =	vld [tilespmem:$0x1FE70]  }
0x76: {  	v55 =	vld [tilespmem:$0x1FE80]  }
0x77: {  	v56 =	vld [tilespmem:$0x1FE90]  }
0x78: {  	v57 =	vld [tilespmem:$0x1FEA0]  }
0x79: {  	v58 =	vld [tilespmem:$0x1FEB0]  }
0x7a: {  	v59 =	vld [tilespmem:$0x1FEC0]  }
0x7b: {  	v60 =	vld [tilespmem:$0x1FED0]  }
0x7c: {  	v61 =	vld [tilespmem:$0x1FEE0]  }
0x7d: {  	v62 =	vld [tilespmem:$0x1FEF0]  }
0x7e: {  	v22 =	vld [tilespmem:$0x1FF00]  }
0x7f: {  	v23 =	vld [tilespmem:$0x1FF10]  }
0x80: {  	v24 =	vld [tilespmem:$0x1FF20]  }
0x81: {  	v25 =	vld [tilespmem:$0x1FF30]  }
0x82: {  	v26 =	vld [tilespmem:$0x1FF40]  }
0x83: {  	v27 =	vld [tilespmem:$0x1FF50]  }
0x84: {  	v28 =	vld [tilespmem:$0x1FF60]  }
0x85: {  	v29 =	vld [tilespmem:$0x1FF70]  }
0x86: {  	v30 =	vld [tilespmem:$0x1FF80]  }
0x87: {  	v31 =	vld [tilespmem:$0x1FF90]  }
0x88: {  	v33 =	vld [tilespmem:$0x1FFA0]  }
0x89: {  	v34 =	vld [tilespmem:$0x1FFB0]  }
0x8a: {  	v35 =	vld [tilespmem:$0x1FFC0]  }
0x8b: {  	s30 =	simm.s32 $0x0;
	s31 =	simm.s32 $0x400;
	v36 =	vld [tilespmem:$0x1FFD0]  }
0x8c: {  	s3 =	simm.s32 $0x18AC0;
	s12 =	simm.s32 $0x240;
	[sflag:s23] =	ssyncset.done $0x0;
	v37 =	vld [tilespmem:$0x1FFE0]  }
0x8d: {  	s1 =	simm.s32 $0x600;
	s15 =	simm.s32 $0x40;
	v38 =	vld [tilespmem:$0x1FFF0];
	[sflag:s23] =	ssyncadd.s32 $0xFFFFFF80  }
.LBB2_4:
0x8e: {  	[tilespmem:s24], [sflag:$0x1] =	stream.indirect.gather [hbm4b:s4+s14], $0x80, s31, s14, $0xb8;
	[tilespmem:$0x18C80] =	vst v63  }
0x8f: {  	_ = 	snop  }
0x90: {  	[tilespmem:s25], [sflag:$0x1] =	stream.indirect.gather [hbm4b:s5+s14], $0x80, s1, s14, $0xb8;
	[tilespmem:$0x18C80] =	vst v63  }
0x91: {  	_ =	swait.ge [sflag:s26], $0x4000  }
0x92: {  	[sflag:s26] =	ssyncset.done $0x0  }
0x93: {  	[sflag:s26] =	ssyncadd.s32 $0xFFFFC000  }
0x94: {  	_ =	swait.ge [sflag:s26], $0x4000  }
0x95: {  	[sflag:s26] =	ssyncset.done $0x0  }
0x96: {  	[sflag:s26] =	ssyncadd.s32 $0xFFFFC000  }
0x97: {  	v3 =	vld [tilespmem:s12+$0xFFFFFFC0]  }
0x98: {  	v1 =	vld [tilespmem:s15+$0xFFFFFFC0];
	_ =	sdelay $0x1  }
0x99: {  	v2 =	vmov s30  }
0x9a: {  	v63 =	vshll.u32 v2, $0x7  }
0x9b: {  	v4 =	vor.u32 v0, v63;
	v2 =	vand.u32 $0x7F, v3;
	v5 =	vadd.s32 $0xFFF0BE00, v3  }
0x9c: {  	v1 =	vshll.u32 v1, $0x5;
	v4 =	vor.u32 v4, v2;
	vm0 =	vgt.s32 v5, $0x0  }
0x9d: {  	v2 =	vand.u32 $0x60, v1;
	v5 =	vnsel vm0, $0x0, v5  }
0x9e: {  	v1 =	vshll.u32 v3, $0x5;
	v6 =	vor.u32 v0, v2  }
0x9f: {  	v1 =	vand.u32 $0x60, v1;
	v8 =	vor.u32 v17, v2  }
0xa0: {  	v7 =	vor.u32 v0, v1  }
0xa1: {  	v9 =	vor.u32 v17, v1;
	v4 =	vld.idx.msk [tilespmem:v4+s16+$0x0], $0xffff  }
0xa2: {  	v13 =	vor.u32 v19, v1;
	v5 =	vld.idx.msk [tilespmem:v5+s13+$0x0], $0xffff  }
0xa3: {  	v6 =	vld.idx.msk [tilespmem:v6+s24+$0x0], $0xffff  }
0xa4: {  	v10 =	vor.u32 v18, v2;
	v8 =	vld.idx.msk [tilespmem:v8+s24+$0x0], $0xffff  }
0xa5: {  	v11 =	vor.u32 v18, v1;
	v7 =	vld.idx.msk [tilespmem:v7+s25+$0x0], $0xffff  }
0xa6: {  	vm13 =	vgt.s32 v3, $0xF41FF;
	v9 =	vld.idx.msk [tilespmem:v9+s25+$0x0], $0xffff  }
0xa7: {  	v12 =	vor.u32 v19, v2;
	v4 =	vsel vm13, v5, v4;
	v5 =	vld.idx.msk [tilespmem:v13+s25+$0x0], $0xffff  }
0xa8: {  	v15 =	vor.u32 v20, v1;
	v13 =	vld [tilespmem:$0x1FC80]  }
0xa9: {  	v10 =	vld.idx.msk [tilespmem:v10+s24+$0x0], $0xffff  }
0xaa: {  	v16 =	vor.u32 v21, v2;
	v11 =	vld.idx.msk [tilespmem:v11+s25+$0x0], $0xffff;
	v3 =	vmul.f32 v7, v6;
	_ =	sdelay $0x1  }
0xab: {  	v6 =	vld.idx.msk [tilespmem:v12+s24+$0x0], $0xffff;
	v3 =	vadd.f32 v3, v4  }
0xac: {  	v4 =	vmul.f32 v9, v8;
	v12 =	vor.u32 v13, v2;
	v9 =	vor.u32 v13, v1;
	v13 =	vld.idx.msk [tilespmem:v15+s25+$0x0], $0xffff  }
0xad: {  	v15 =	vld [tilespmem:$0x1FC90]  }
0xae: {  	v14 =	vor.u32 v20, v2;
	v3 =	vadd.f32 v4, v3;
	v4 =	vmul.f32 v11, v10;
	v10 =	vld.idx.msk [tilespmem:v16+s24+$0x0], $0xffff  }
0xaf: {  	v16 =	vld [tilespmem:$0x1FCA0];
	_ =	sdelay $0x2  }
0xb0: {  	v7 =	vor.u32 v21, v1  }
0xb1: {  	v8 =	vld.idx.msk [tilespmem:v14+s24+$0x0], $0xffff;
	v3 =	vadd.f32 v4, v3;
	v4 =	vmul.f32 v5, v6;
	v14 =	vor.u32 v15, v2  }
0xb2: {  	v11 =	vor.u32 v15, v1;
	v15 =	vor.u32 v16, v2;
	v6 =	vor.u32 v16, v1;
	v16 =	vld [tilespmem:$0x1FCB0];
	_ =	sdelay $0x2  }
0xb3: {  	v7 =	vld.idx.msk [tilespmem:v7+s25+$0x0], $0xffff  }
0xb4: {  	v3 =	vadd.f32 v4, v3;
	v5 =	vld.idx.msk [tilespmem:v12+s24+$0x0], $0xffff  }
0xb5: {  	v4 =	vmul.f32 v13, v8;
	v12 =	vor.u32 v16, v2;
	v13 =	vor.u32 v16, v1;
	v16 =	vld [tilespmem:$0x1FCC0];
	_ =	sdelay $0x2  }
0xb6: {  	v9 =	vld.idx.msk [tilespmem:v9+s25+$0x0], $0xffff  }
0xb7: {  	v3 =	vadd.f32 v4, v3;
	v8 =	vld.idx.msk [tilespmem:v14+s24+$0x0], $0xffff  }
0xb8: {  	v4 =	vmul.f32 v7, v10;
	v14 =	vor.u32 v16, v2;
	v10 =	vor.u32 v16, v1;
	v16 =	vld [tilespmem:$0x1FCD0];
	_ =	sdelay $0x2  }
0xb9: {  	v11 =	vld.idx.msk [tilespmem:v11+s25+$0x0], $0xffff  }
0xba: {  	v3 =	vadd.f32 v4, v3;
	v7 =	vld.idx.msk [tilespmem:v15+s24+$0x0], $0xffff  }
0xbb: {  	v4 =	vmul.f32 v9, v5;
	v15 =	vor.u32 v16, v2;
	v9 =	vor.u32 v16, v1;
	v16 =	vld [tilespmem:$0x1FCE0];
	_ =	sdelay $0x1  }
0xbc: {  	v6 =	vld.idx.msk [tilespmem:v6+s25+$0x0], $0xffff  }
0xbd: {  	v5 =	vld.idx.msk [tilespmem:v12+s24+$0x0], $0xffff  }
0xbe: {  	v3 =	vadd.f32 v4, v3;
	v12 =	vld.idx.msk [tilespmem:v13+s25+$0x0], $0xffff  }
0xbf: {  	v4 =	vmul.f32 v11, v8;
	v13 =	vor.u32 v16, v2;
	v11 =	vor.u32 v16, v1;
	v16 =	vld [tilespmem:$0x1FCF0];
	_ =	sdelay $0x3  }
0xc0: {  	v3 =	vadd.f32 v4, v3;
	v8 =	vld.idx.msk [tilespmem:v14+s24+$0x0], $0xffff  }
0xc1: {  	v4 =	vmul.f32 v6, v7;
	v14 =	vor.u32 v16, v2;
	v7 =	vor.u32 v16, v1;
	v16 =	vld [tilespmem:$0x1FD00];
	_ =	sdelay $0x2  }
0xc2: {  	v10 =	vld.idx.msk [tilespmem:v10+s25+$0x0], $0xffff  }
0xc3: {  	v3 =	vadd.f32 v4, v3;
	v6 =	vld.idx.msk [tilespmem:v15+s24+$0x0], $0xffff  }
0xc4: {  	v4 =	vmul.f32 v12, v5;
	v15 =	vor.u32 v16, v2;
	v12 =	vor.u32 v16, v1;
	v16 =	vld [tilespmem:$0x1FD10];
	_ =	sdelay $0x2  }
0xc5: {  	v9 =	vld.idx.msk [tilespmem:v9+s25+$0x0], $0xffff  }
0xc6: {  	v3 =	vadd.f32 v4, v3;
	v5 =	vld.idx.msk [tilespmem:v13+s24+$0x0], $0xffff  }
0xc7: {  	v4 =	vmul.f32 v10, v8;
	v13 =	vor.u32 v16, v2;
	v10 =	vor.u32 v16, v1;
	v16 =	vld [tilespmem:$0x1FD20];
	_ =	sdelay $0x2  }
0xc8: {  	v11 =	vld.idx.msk [tilespmem:v11+s25+$0x0], $0xffff  }
0xc9: {  	v3 =	vadd.f32 v4, v3;
	v8 =	vld.idx.msk [tilespmem:v14+s24+$0x0], $0xffff  }
0xca: {  	v4 =	vmul.f32 v9, v6;
	v14 =	vor.u32 v16, v2;
	v9 =	vor.u32 v16, v1;
	v16 =	vld [tilespmem:$0x1FD30];
	_ =	sdelay $0x2  }
0xcb: {  	v7 =	vld.idx.msk [tilespmem:v7+s25+$0x0], $0xffff  }
0xcc: {  	v3 =	vadd.f32 v4, v3;
	v6 =	vld.idx.msk [tilespmem:v15+s24+$0x0], $0xffff  }
0xcd: {  	v4 =	vmul.f32 v11, v5;
	v15 =	vor.u32 v16, v2;
	v11 =	vor.u32 v16, v1;
	v16 =	vld [tilespmem:$0x1FD40];
	_ =	sdelay $0x2  }
0xce: {  	v12 =	vld.idx.msk [tilespmem:v12+s25+$0x0], $0xffff  }
0xcf: {  	v3 =	vadd.f32 v4, v3;
	v5 =	vld.idx.msk [tilespmem:v13+s24+$0x0], $0xffff  }
0xd0: {  	v4 =	vmul.f32 v7, v8;
	v13 =	vor.u32 v16, v2;
	v8 =	vor.u32 v16, v1;
	v16 =	vld [tilespmem:$0x1FD50];
	_ =	sdelay $0x2  }
0xd1: {  	v10 =	vld.idx.msk [tilespmem:v10+s25+$0x0], $0xffff  }
0xd2: {  	v3 =	vadd.f32 v4, v3;
	v7 =	vld.idx.msk [tilespmem:v14+s24+$0x0], $0xffff  }
0xd3: {  	v4 =	vmul.f32 v12, v6;
	v14 =	vor.u32 v16, v2;
	v12 =	vor.u32 v16, v1;
	v16 =	vld [tilespmem:$0x1FD60];
	_ =	sdelay $0x2  }
0xd4: {  	v9 =	vld.idx.msk [tilespmem:v9+s25+$0x0], $0xffff  }
0xd5: {  	v3 =	vadd.f32 v4, v3;
	v6 =	vld.idx.msk [tilespmem:v15+s24+$0x0], $0xffff  }
0xd6: {  	v4 =	vmul.f32 v10, v5;
	v15 =	vor.u32 v16, v2;
	v10 =	vor.u32 v16, v1;
	v16 =	vld [tilespmem:$0x1FD70];
	_ =	sdelay $0x1  }
0xd7: {  	v11 =	vld.idx.msk [tilespmem:v11+s25+$0x0], $0xffff  }
0xd8: {  	v5 =	vld.idx.msk [tilespmem:v13+s24+$0x0], $0xffff  }
0xd9: {  	v8 =	vld.idx.msk [tilespmem:v8+s25+$0x0], $0xffff  }
0xda: {  	v3 =	vadd.f32 v4, v3;
	v4 =	vmul.f32 v9, v7;
	v7 =	vld.idx.msk [tilespmem:v14+s24+$0x0], $0xffff;
	v13 =	vor.u32 v16, v2  }
0xdb: {  	v12 =	vld.idx.msk [tilespmem:v12+s25+$0x0], $0xffff;
	v9 =	vor.u32 v16, v1  }
0xdc: {  	v3 =	vadd.f32 v4, v3;
	v4 =	vmul.f32 v11, v6;
	v11 =	vor.u32 v39, v1;
	v6 =	vld.idx.msk [tilespmem:v15+s24+$0x0], $0xffff  }
0xdd: {  	v14 =	vor.u32 v39, v2;
	v10 =	vld.idx.msk [tilespmem:v10+s25+$0x0], $0xffff  }
0xde: {  	v3 =	vadd.f32 v4, v3;
	v4 =	vmul.f32 v8, v5;
	v8 =	vor.u32 v40, v1  }
0xdf: {  	v15 =	vor.u32 v40, v2;
	v5 =	vld.idx.msk [tilespmem:v13+s24+$0x0], $0xffff  }
0xe0: {  	v3 =	vadd.f32 v4, v3;
	v4 =	vmul.f32 v12, v7;
	v9 =	vld.idx.msk [tilespmem:v9+s25+$0x0], $0xffff;
	v13 =	vor.u32 v41, v2  }
0xe1: {  	v11 =	vld.idx.msk [tilespmem:v11+s25+$0x0], $0xffff;
	v12 =	vor.u32 v41, v1  }
0xe2: {  	v7 =	vld.idx.msk [tilespmem:v14+s24+$0x0], $0xffff;
	v3 =	vadd.f32 v4, v3;
	v4 =	vmul.f32 v10, v6;
	v10 =	vor.u32 v42, v1  }
0xe3: {  	v14 =	vor.u32 v42, v2;
	v8 =	vld.idx.msk [tilespmem:v8+s25+$0x0], $0xffff  }
0xe4: {  	v6 =	vld.idx.msk [tilespmem:v15+s24+$0x0], $0xffff;
	v15 =	vor.u32 v43, v2  }
0xe5: {  	v3 =	vadd.f32 v4, v3;
	v4 =	vmul.f32 v9, v5;
	v5 =	vld.idx.msk [tilespmem:v13+s24+$0x0], $0xffff;
	v9 =	vor.u32 v43, v1  }
0xe6: {  	v12 =	vld.idx.msk [tilespmem:v12+s25+$0x0], $0xffff;
	v13 =	vor.u32 v44, v2  }
0xe7: {  	v10 =	vld.idx.msk [tilespmem:v10+s25+$0x0], $0xffff;
	v3 =	vadd.f32 v4, v3;
	v4 =	vmul.f32 v11, v7;
	v11 =	vor.u32 v44, v1  }
0xe8: {  	v7 =	vld.idx.msk [tilespmem:v14+s24+$0x0], $0xffff;
	v14 =	vor.u32 v45, v2  }
0xe9: {  	v3 =	vadd.f32 v4, v3;
	v4 =	vmul.f32 v8, v6;
	v6 =	vld.idx.msk [tilespmem:v15+s24+$0x0], $0xffff;
	v8 =	vor.u32 v45, v1  }
0xea: {  	v15 =	vor.u32 v46, v2;
	v9 =	vld.idx.msk [tilespmem:v9+s25+$0x0], $0xffff  }
0xeb: {  	v3 =	vadd.f32 v4, v3;
	v4 =	vmul.f32 v12, v5;
	v5 =	vld.idx.msk [tilespmem:v13+s24+$0x0], $0xffff;
	v12 =	vor.u32 v46, v1  }
0xec: {  	v13 =	vor.u32 v47, v2;
	v11 =	vld.idx.msk [tilespmem:v11+s25+$0x0], $0xffff  }
0xed: {  	v3 =	vadd.f32 v4, v3;
	v4 =	vmul.f32 v10, v7;
	v7 =	vld.idx.msk [tilespmem:v14+s24+$0x0], $0xffff;
	v10 =	vor.u32 v47, v1  }
0xee: {  	v2 =	vor.u32 v48, v2;
	v8 =	vld.idx.msk [tilespmem:v8+s25+$0x0], $0xffff  }
0xef: {  	v1 =	vor.u32 v48, v1;
	v3 =	vadd.f32 v4, v3;
	v14 =	vmul.f32 v9, v6;
	v6 =	vld.idx.msk [tilespmem:v15+s24+$0x0], $0xffff  }
0xf0: {  	v9 =	vld.idx.msk [tilespmem:v12+s25+$0x0], $0xffff  }
0xf1: {  	v3 =	vadd.f32 v14, v3;
	v12 =	vmul.f32 v11, v5;
	v14 =	vld.idx.msk [tilespmem:v13+s24+$0x0], $0xffff  }
0xf2: {  	v10 =	vld.idx.msk [tilespmem:v10+s25+$0x0], $0xffff  }
0xf3: {  	v2 =	vld.idx.msk [tilespmem:v2+s24+$0x0], $0xffff;
	v3 =	vadd.f32 v12, v3;
	v8 =	vmul.f32 v8, v7  }
0xf4: {  	v1 =	vld.idx.msk [tilespmem:v1+s25+$0x0], $0xffff  }
0xf5: {  	v3 =	vadd.f32 v8, v3;
	v9 =	vmul.f32 v9, v6;
	_ =	sdelay $0x1  }
0xf6: {  	v3 =	vadd.f32 v9, v3;
	v10 =	vmul.f32 v10, v14;
	_ =	sdelay $0x1  }
0xf7: {  	v1 =	vmul.f32 v1, v2;
	v3 =	vadd.f32 v10, v3;
	_ =	sdelay $0x1  }
0xf8: {  	v1 =	vadd.f32 v1, v3;
	_ =	sdelay $0x1  }
0xf9: {  	[tilespmem:s3+$0xFFFFFFC0] =	vst v1  }
0xfa: {  	v3 =	vld [tilespmem:s12+$0xFFFFFFD0]  }
0xfb: {  	v1 =	vld [tilespmem:s15+$0xFFFFFFD0];
	_ =	sdelay $0x3  }
0xfc: {  	v11 =	vor.u32 v32, v63;
	v2 =	vand.u32 $0x7F, v3;
	v12 =	vadd.s32 $0xFFF0BE00, v3  }
0xfd: {  	v1 =	vshll.u32 v1, $0x5;
	v4 =	vor.u32 v11, v2;
	vm14 =	vgt.s32 v12, $0x0  }
0xfe: {  	v2 =	vand.u32 $0x60, v1;
	v1 =	vshll.u32 v3, $0x5;
	v5 =	vnsel vm14, $0x0, v12  }
0xff: {  	v1 =	vand.u32 $0x60, v1;
	v13 =	vor.u32 v32, v2  }
0x100: {  	v14 =	vor.u32 v32, v1  }
0x101: {  	v8 =	vor.u32 v49, v2  }
0x102: {  	v9 =	vor.u32 v49, v1;
	v4 =	vld.idx.msk [tilespmem:v4+s16+$0x0], $0xffff  }
0x103: {  	v10 =	vor.u32 v50, v2;
	v5 =	vld.idx.msk [tilespmem:v5+s13+$0x0], $0xffff  }
0x104: {  	v11 =	vor.u32 v50, v1;
	v6 =	vld.idx.msk [tilespmem:v13+s24+$0x0], $0xffff  }
0x105: {  	v13 =	vor.u32 v51, v1;
	v7 =	vld.idx.msk [tilespmem:v14+s25+$0x0], $0xffff  }
0x106: {  	v12 =	vor.u32 v51, v2;
	v8 =	vld.idx.msk [tilespmem:v8+s24+$0x0], $0xffff  }
0x107: {  	v15 =	vor.u32 v52, v1;
	v9 =	vld.idx.msk [tilespmem:v9+s25+$0x0], $0xffff  }
0x108: {  	v10 =	vld.idx.msk [tilespmem:v10+s24+$0x0], $0xffff;
	v14 =	vor.u32 v52, v2  }
0x109: {  	vm15 =	vgt.s32 v3, $0xF41FF;
	v16 =	vor.u32 v53, v2;
	v11 =	vld.idx.msk [tilespmem:v11+s25+$0x0], $0xffff  }
0x10a: {  	v4 =	vsel vm15, v5, v4;
	v5 =	vld.idx.msk [tilespmem:v13+s25+$0x0], $0xffff;
	v3 =	vmul.f32 v7, v6;
	v7 =	vor.u32 v53, v1  }
0x10b: {  	v6 =	vld.idx.msk [tilespmem:v12+s24+$0x0], $0xffff;
	v12 =	vor.u32 v54, v2  }
0x10c: {  	v13 =	vld.idx.msk [tilespmem:v15+s25+$0x0], $0xffff;
	v3 =	vadd.f32 v3, v4;
	v4 =	vmul.f32 v9, v8;
	v9 =	vor.u32 v54, v1  }
0x10d: {  	v8 =	vld.idx.msk [tilespmem:v14+s24+$0x0], $0xffff;
	v14 =	vor.u32 v55, v2  }
0x10e: {  	v3 =	vadd.f32 v4, v3;
	v4 =	vmul.f32 v11, v10;
	v10 =	vld.idx.msk [tilespmem:v16+s24+$0x0], $0xffff;
	v11 =	vor.u32 v55, v1  }
0x10f: {  	v15 =	vor.u32 v56, v2;
	v7 =	vld.idx.msk [tilespmem:v7+s25+$0x0], $0xffff  }
0x110: {  	v3 =	vadd.f32 v4, v3;
	v4 =	vmul.f32 v5, v6;
	v5 =	vld.idx.msk [tilespmem:v12+s24+$0x0], $0xffff;
	v6 =	vor.u32 v56, v1  }
0x111: {  	v12 =	vor.u32 v57, v2;
	v9 =	vld.idx.msk [tilespmem:v9+s25+$0x0], $0xffff  }
0x112: {  	v3 =	vadd.f32 v4, v3;
	v4 =	vmul.f32 v13, v8;
	v8 =	vld.idx.msk [tilespmem:v14+s24+$0x0], $0xffff;
	v13 =	vor.u32 v57, v1  }
0x113: {  	v14 =	vor.u32 v58, v2;
	v11 =	vld.idx.msk [tilespmem:v11+s25+$0x0], $0xffff  }
0x114: {  	v3 =	vadd.f32 v4, v3;
	v4 =	vmul.f32 v7, v10;
	v7 =	vld.idx.msk [tilespmem:v15+s24+$0x0], $0xffff;
	v10 =	vor.u32 v58, v1  }
0x115: {  	v15 =	vor.u32 v59, v2;
	v6 =	vld.idx.msk [tilespmem:v6+s25+$0x0], $0xffff  }
0x116: {  	v3 =	vadd.f32 v4, v3;
	v4 =	vmul.f32 v9, v5;
	v5 =	vld.idx.msk [tilespmem:v12+s24+$0x0], $0xffff;
	v9 =	vor.u32 v59, v1  }
0x117: {  	v12 =	vld.idx.msk [tilespmem:v13+s25+$0x0], $0xffff;
	v13 =	vor.u32 v60, v2  }
0x118: {  	v3 =	vadd.f32 v4, v3;
	v4 =	vmul.f32 v11, v8;
	v8 =	vld.idx.msk [tilespmem:v14+s24+$0x0], $0xffff;
	v11 =	vor.u32 v60, v1  }
0x119: {  	v14 =	vor.u32 v61, v2;
	v10 =	vld.idx.msk [tilespmem:v10+s25+$0x0], $0xffff  }
0x11a: {  	v3 =	vadd.f32 v4, v3;
	v4 =	vmul.f32 v6, v7;
	v6 =	vld.idx.msk [tilespmem:v15+s24+$0x0], $0xffff;
	v7 =	vor.u32 v61, v1  }
0x11b: {  	v15 =	vor.u32 v62, v2;
	v9 =	vld.idx.msk [tilespmem:v9+s25+$0x0], $0xffff  }
0x11c: {  	v3 =	vadd.f32 v4, v3;
	v4 =	vmul.f32 v12, v5;
	v5 =	vld.idx.msk [tilespmem:v13+s24+$0x0], $0xffff;
	v12 =	vor.u32 v62, v1  }
0x11d: {  	v13 =	vor.u32 v22, v2;
	v11 =	vld.idx.msk [tilespmem:v11+s25+$0x0], $0xffff  }
0x11e: {  	v3 =	vadd.f32 v4, v3;
	v4 =	vmul.f32 v10, v8;
	v8 =	vld.idx.msk [tilespmem:v14+s24+$0x0], $0xffff;
	v10 =	vor.u32 v22, v1  }
0x11f: {  	v14 =	vor.u32 v23, v2;
	v7 =	vld.idx.msk [tilespmem:v7+s25+$0x0], $0xffff  }
0x120: {  	v3 =	vadd.f32 v4, v3;
	v4 =	vmul.f32 v9, v6;
	v6 =	vld.idx.msk [tilespmem:v15+s24+$0x0], $0xffff;
	v9 =	vor.u32 v23, v1  }
0x121: {  	v15 =	vor.u32 v24, v2;
	v12 =	vld.idx.msk [tilespmem:v12+s25+$0x0], $0xffff  }
0x122: {  	v3 =	vadd.f32 v4, v3;
	v4 =	vmul.f32 v11, v5;
	v5 =	vld.idx.msk [tilespmem:v13+s24+$0x0], $0xffff;
	v11 =	vor.u32 v24, v1  }
0x123: {  	v13 =	vor.u32 v25, v2;
	v10 =	vld.idx.msk [tilespmem:v10+s25+$0x0], $0xffff  }
0x124: {  	v3 =	vadd.f32 v4, v3;
	v4 =	vmul.f32 v7, v8;
	v7 =	vld.idx.msk [tilespmem:v14+s24+$0x0], $0xffff;
	v8 =	vor.u32 v25, v1  }
0x125: {  	v14 =	vor.u32 v26, v2;
	v9 =	vld.idx.msk [tilespmem:v9+s25+$0x0], $0xffff  }
0x126: {  	v3 =	vadd.f32 v4, v3;
	v4 =	vmul.f32 v12, v6;
	v6 =	vld.idx.msk [tilespmem:v15+s24+$0x0], $0xffff;
	v12 =	vor.u32 v26, v1  }
0x127: {  	v15 =	vor.u32 v27, v2;
	v11 =	vld.idx.msk [tilespmem:v11+s25+$0x0], $0xffff  }
0x128: {  	v3 =	vadd.f32 v4, v3;
	v4 =	vmul.f32 v10, v5;
	v5 =	vld.idx.msk [tilespmem:v13+s24+$0x0], $0xffff;
	v10 =	vor.u32 v27, v1  }
0x129: {  	v13 =	vor.u32 v28, v2;
	v8 =	vld.idx.msk [tilespmem:v8+s25+$0x0], $0xffff  }
0x12a: {  	v3 =	vadd.f32 v4, v3;
	v4 =	vmul.f32 v9, v7;
	v7 =	vld.idx.msk [tilespmem:v14+s24+$0x0], $0xffff;
	v9 =	vor.u32 v28, v1  }
0x12b: {  	v14 =	vor.u32 v29, v2;
	v12 =	vld.idx.msk [tilespmem:v12+s25+$0x0], $0xffff  }
0x12c: {  	v3 =	vadd.f32 v4, v3;
	v4 =	vmul.f32 v11, v6;
	v6 =	vld.idx.msk [tilespmem:v15+s24+$0x0], $0xffff;
	v11 =	vor.u32 v29, v1  }
0x12d: {  	v15 =	vor.u32 v30, v2;
	v10 =	vld.idx.msk [tilespmem:v10+s25+$0x0], $0xffff  }
0x12e: {  	v3 =	vadd.f32 v4, v3;
	v4 =	vmul.f32 v8, v5;
	v5 =	vld.idx.msk [tilespmem:v13+s24+$0x0], $0xffff;
	v8 =	vor.u32 v30, v1  }
0x12f: {  	v13 =	vor.u32 v31, v2;
	v9 =	vld.idx.msk [tilespmem:v9+s25+$0x0], $0xffff  }
0x130: {  	v3 =	vadd.f32 v4, v3;
	v4 =	vmul.f32 v12, v7;
	v7 =	vld.idx.msk [tilespmem:v14+s24+$0x0], $0xffff;
	v12 =	vor.u32 v31, v1  }
0x131: {  	v11 =	vld.idx.msk [tilespmem:v11+s25+$0x0], $0xffff  }
0x132: {  	v3 =	vadd.f32 v4, v3;
	v4 =	vmul.f32 v10, v6;
	v6 =	vld.idx.msk [tilespmem:v15+s24+$0x0], $0xffff;
	v10 =	vor.u32 v33, v2  }
0x133: {  	v14 =	vor.u32 v33, v1;
	v8 =	vld.idx.msk [tilespmem:v8+s25+$0x0], $0xffff  }
0x134: {  	v3 =	vadd.f32 v4, v3;
	v4 =	vmul.f32 v9, v5;
	v5 =	vld.idx.msk [tilespmem:v13+s24+$0x0], $0xffff;
	v9 =	vor.u32 v34, v2  }
0x135: {  	v13 =	vor.u32 v34, v1;
	v12 =	vld.idx.msk [tilespmem:v12+s25+$0x0], $0xffff  }
0x136: {  	v3 =	vadd.f32 v4, v3;
	v4 =	vmul.f32 v11, v7;
	v7 =	vor.u32 v35, v2  }
0x137: {  	v11 =	vor.u32 v35, v1;
	v10 =	vld.idx.msk [tilespmem:v10+s24+$0x0], $0xffff  }
0x138: {  	v3 =	vadd.f32 v4, v3;
	v4 =	vmul.f32 v8, v6;
	v6 =	vld.idx.msk [tilespmem:v14+s25+$0x0], $0xffff;
	v8 =	vor.u32 v36, v2  }
0x139: {  	v14 =	vor.u32 v36, v1;
	v9 =	vld.idx.msk [tilespmem:v9+s24+$0x0], $0xffff  }
0x13a: {  	v3 =	vadd.f32 v4, v3;
	v4 =	vmul.f32 v12, v5;
	v5 =	vld.idx.msk [tilespmem:v13+s25+$0x0], $0xffff;
	v12 =	vor.u32 v37, v2  }
0x13b: {  	v13 =	vor.u32 v37, v1;
	v7 =	vld.idx.msk [tilespmem:v7+s24+$0x0], $0xffff  }
0x13c: {  	v3 =	vadd.f32 v4, v3;
	v4 =	vld.idx.msk [tilespmem:v11+s25+$0x0], $0xffff;
	v11 =	vor.u32 v38, v2  }
0x13d: {  	v15 =	vor.u32 $0x81F, v0;
	v6 =	vmul.f32 v6, v10;
	v8 =	vld.idx.msk [tilespmem:v8+s24+$0x0], $0xffff;
	v10 =	vor.u32 v38, v1  }
0x13e: {  	v2 =	vor.u32 v15, v2;
	v14 =	vld.idx.msk [tilespmem:v14+s25+$0x0], $0xffff  }
0x13f: {  	v1 =	vor.u32 v15, v1;
	v3 =	vadd.f32 v6, v3;
	v5 =	vmul.f32 v5, v9;
	v6 =	vld.idx.msk [tilespmem:v12+s24+$0x0], $0xffff  }
0x140: {  	v9 =	vld.idx.msk [tilespmem:v13+s25+$0x0], $0xffff  }
0x141: {  	v3 =	vadd.f32 v5, v3;
	v4 =	vmul.f32 v4, v7;
	v11 =	vld.idx.msk [tilespmem:v11+s24+$0x0], $0xffff  }
0x142: {  	v12 =	vld.idx.msk [tilespmem:v10+s25+$0x0], $0xffff  }
0x143: {  	v2 =	vld.idx.msk [tilespmem:v2+s24+$0x0], $0xffff;
	v13 =	vmul.f32 v14, v8;
	v3 =	vadd.f32 v4, v3  }
0x144: {  	v1 =	vld.idx.msk [tilespmem:v1+s25+$0x0], $0xffff  }
0x145: {  	v14 =	vmul.f32 v9, v6;
	v3 =	vadd.f32 v13, v3;
	_ =	sdelay $0x1  }
0x146: {  	v3 =	vadd.f32 v14, v3;
	v8 =	vmul.f32 v12, v11;
	_ =	sdelay $0x1  }
0x147: {  	v1 =	vmul.f32 v1, v2;
	v3 =	vadd.f32 v8, v3;
	_ =	sdelay $0x1  }
0x148: {  	v1 =	vadd.f32 v1, v3;
	_ =	sdelay $0x1  }
0x149: {  	[tilespmem:s3+$0xFFFFFFD0] =	vst v1  }
0x14a: {  	v3 =	vld [tilespmem:s12+$0xFFFFFFE0]  }
0x14b: {  	v1 =	vld [tilespmem:s15+$0xFFFFFFE0];
	_ =	sdelay $0x2  }
0x14c: {  	v9 =	vor.u32 $0x1000, v0  }
0x14d: {  	v10 =	vor.u32 v9, v63;
	v2 =	vand.u32 $0x7F, v3;
	v11 =	vadd.s32 $0xFFF0BE00, v3  }
0x14e: {  	v1 =	vshll.u32 v1, $0x5;
	v5 =	vor.u32 v10, v2;
	vm4 =	vgt.s32 v11, $0x0  }
0x14f: {  	v2 =	vand.u32 $0x60, v1;
	v1 =	vshll.u32 v3, $0x5;
	v6 =	vnsel vm4, $0x0, v11  }
0x150: {  	v1 =	vand.u32 $0x60, v1;
	v12 =	vor.u32 v9, v2  }
0x151: {  	v13 =	vor.u32 $0x1001, v0;
	v4 =	vor.u32 v9, v1  }
0x152: {  	v9 =	vor.u32 v13, v2  }
0x153: {  	v14 =	vor.u32 $0x1002, v0;
	v8 =	vor.u32 v13, v1;
	v5 =	vld.idx.msk [tilespmem:v5+s16+$0x0], $0xffff  }
0x154: {  	v11 =	vor.u32 v14, v2;
	v6 =	vld.idx.msk [tilespmem:v6+s13+$0x0], $0xffff  }
0x155: {  	v10 =	vor.u32 v14, v1;
	v7 =	vld.idx.msk [tilespmem:v12+s24+$0x0], $0xffff;
	v12 =	vor.u32 $0x1003, v0  }
0x156: {  	v4 =	vld.idx.msk [tilespmem:v4+s25+$0x0], $0xffff;
	v13 =	vor.u32 v12, v2  }
0x157: {  	v9 =	vld.idx.msk [tilespmem:v9+s24+$0x0], $0xffff;
	v12 =	vor.u32 v12, v1  }
0x158: {  	v14 =	vor.u32 $0x1004, v0;
	v8 =	vld.idx.msk [tilespmem:v8+s25+$0x0], $0xffff  }
0x159: {  	v15 =	vor.u32 v14, v2;
	v11 =	vld.idx.msk [tilespmem:v11+s24+$0x0], $0xffff  }
0x15a: {  	v16 =	vor.u32 $0x1005, v0;
	v14 =	vor.u32 v14, v1;
	v10 =	vld.idx.msk [tilespmem:v10+s25+$0x0], $0xffff  }
0x15b: {  	vm5 =	vgt.s32 v3, $0xF41FF;
	v3 =	vmul.f32 v4, v7;
	v4 =	vld.idx.msk [tilespmem:v13+s24+$0x0], $0xffff;
	v7 =	vor.u32 v16, v2  }
0x15c: {  	v5 =	vsel vm5, v6, v5;
	v6 =	vld.idx.msk [tilespmem:v12+s25+$0x0], $0xffff;
	v12 =	vor.u32 v16, v1;
	v13 =	vor.u32 $0x1006, v0  }
0x15d: {  	v3 =	vadd.f32 v3, v5;
	v5 =	vmul.f32 v8, v9;
	v8 =	vor.u32 v13, v2  }
0x15e: {  	v9 =	vld.idx.msk [tilespmem:v15+s24+$0x0], $0xffff;
	v13 =	vor.u32 v13, v1;
	v15 =	vor.u32 $0x1007, v0  }
0x15f: {  	v3 =	vadd.f32 v5, v3;
	v5 =	vmul.f32 v10, v11;
	v10 =	vld.idx.msk [tilespmem:v14+s25+$0x0], $0xffff;
	v11 =	vor.u32 v15, v2  }
0x160: {  	v14 =	vor.u32 v15, v1;
	v15 =	vor.u32 $0x1008, v0;
	v7 =	vld.idx.msk [tilespmem:v7+s24+$0x0], $0xffff  }
0x161: {  	v4 =	vmul.f32 v6, v4;
	v6 =	vor.u32 v15, v2;
	v3 =	vadd.f32 v5, v3;
	v5 =	vld.idx.msk [tilespmem:v12+s25+$0x0], $0xffff  }
0x162: {  	v12 =	vor.u32 v15, v1;
	v15 =	vor.u32 $0x1009, v0;
	v8 =	vld.idx.msk [tilespmem:v8+s24+$0x0], $0xffff  }
0x163: {  	v3 =	vadd.f32 v4, v3;
	v4 =	vld.idx.msk [tilespmem:v13+s25+$0x0], $0xffff;
	v13 =	vor.u32 v15, v2  }
0x164: {  	v9 =	vmul.f32 v10, v9;
	v10 =	vld.idx.msk [tilespmem:v11+s24+$0x0], $0xffff;
	v11 =	vor.u32 v15, v1;
	v15 =	vor.u32 $0x100A, v0  }
0x165: {  	v14 =	vld.idx.msk [tilespmem:v14+s25+$0x0], $0xffff;
	v16 =	vor.u32 v15, v2  }
0x166: {  	v6 =	vld.idx.msk [tilespmem:v6+s24+$0x0], $0xffff;
	v3 =	vadd.f32 v9, v3;
	v5 =	vmul.f32 v5, v7;
	v7 =	vor.u32 v15, v1  }
0x167: {  	v9 =	vld.idx.msk [tilespmem:v12+s25+$0x0], $0xffff;
	v12 =	vor.u32 $0x100B, v0  }
0x168: {  	v3 =	vadd.f32 v5, v3;
	v4 =	vmul.f32 v4, v8;
	v5 =	vld.idx.msk [tilespmem:v13+s24+$0x0], $0xffff;
	v8 =	vor.u32 v12, v2  }
0x169: {  	v12 =	vor.u32 v12, v1;
	v13 =	vor.u32 $0x100C, v0;
	v11 =	vld.idx.msk [tilespmem:v11+s25+$0x0], $0xffff  }
0x16a: {  	v3 =	vadd.f32 v4, v3;
	v4 =	vmul.f32 v14, v10;
	v10 =	vld.idx.msk [tilespmem:v16+s24+$0x0], $0xffff;
	v14 =	vor.u32 v13, v2  }
0x16b: {  	v15 =	vor.u32 $0x100D, v0;
	v13 =	vor.u32 v13, v1;
	v7 =	vld.idx.msk [tilespmem:v7+s25+$0x0], $0xffff  }
0x16c: {  	v3 =	vadd.f32 v4, v3;
	v4 =	vmul.f32 v9, v6;
	v6 =	vor.u32 v15, v2  }
0x16d: {  	v9 =	vor.u32 v15, v1;
	v15 =	vor.u32 $0x100E, v0;
	v8 =	vld.idx.msk [tilespmem:v8+s24+$0x0], $0xffff  }
0x16e: {  	v3 =	vadd.f32 v4, v3;
	v4 =	vmul.f32 v11, v5;
	v5 =	vld.idx.msk [tilespmem:v12+s25+$0x0], $0xffff;
	v11 =	vor.u32 v15, v2  }
0x16f: {  	v12 =	vld.idx.msk [tilespmem:v14+s24+$0x0], $0xffff;
	v14 =	vor.u32 v15, v1;
	v15 =	vor.u32 $0x100F, v0  }
0x170: {  	v3 =	vadd.f32 v4, v3;
	v4 =	vmul.f32 v7, v10;
	v7 =	vld.idx.msk [tilespmem:v13+s25+$0x0], $0xffff;
	v10 =	vor.u32 v15, v2  }
0x171: {  	v13 =	vor.u32 v15, v1;
	v15 =	vor.u32 $0x1010, v0;
	v6 =	vld.idx.msk [tilespmem:v6+s24+$0x0], $0xffff  }
0x172: {  	v3 =	vadd.f32 v4, v3;
	v4 =	vld.idx.msk [tilespmem:v9+s25+$0x0], $0xffff;
	v9 =	vor.u32 v15, v2  }
0x173: {  	v5 =	vmul.f32 v5, v8;
	v8 =	vld.idx.msk [tilespmem:v11+s24+$0x0], $0xffff;
	v11 =	vor.u32 v15, v1;
	v15 =	vor.u32 $0x1011, v0  }
0x174: {  	v14 =	vld.idx.msk [tilespmem:v14+s25+$0x0], $0xffff;
	v16 =	vor.u32 v15, v2  }
0x175: {  	v3 =	vadd.f32 v5, v3;
	v5 =	vmul.f32 v7, v12;
	v7 =	vld.idx.msk [tilespmem:v10+s24+$0x0], $0xffff;
	v10 =	vor.u32 v15, v1  }
0x176: {  	v12 =	vld.idx.msk [tilespmem:v13+s25+$0x0], $0xffff;
	v13 =	vor.u32 $0x1012, v0  }
0x177: {  	v3 =	vadd.f32 v5, v3;
	v4 =	vmul.f32 v4, v6;
	v5 =	vld.idx.msk [tilespmem:v9+s24+$0x0], $0xffff;
	v6 =	vor.u32 v13, v2  }
0x178: {  	v9 =	vld.idx.msk [tilespmem:v11+s25+$0x0], $0xffff;
	v11 =	vor.u32 v13, v1;
	v13 =	vor.u32 $0x1013, v0  }
0x179: {  	v3 =	vadd.f32 v4, v3;
	v4 =	vmul.f32 v14, v8;
	v8 =	vld.idx.msk [tilespmem:v16+s24+$0x0], $0xffff;
	v14 =	vor.u32 v13, v2  }
0x17a: {  	v15 =	vor.u32 $0x1014, v0;
	v13 =	vor.u32 v13, v1;
	v10 =	vld.idx.msk [tilespmem:v10+s25+$0x0], $0xffff  }
0x17b: {  	v3 =	vadd.f32 v4, v3;
	v4 =	vmul.f32 v12, v7;
	v7 =	vor.u32 v15, v2  }
0x17c: {  	v12 =	vor.u32 v15, v1;
	v15 =	vor.u32 $0x1015, v0;
	v6 =	vld.idx.msk [tilespmem:v6+s24+$0x0], $0xffff  }
0x17d: {  	v3 =	vadd.f32 v4, v3;
	v4 =	vmul.f32 v9, v5;
	v5 =	vld.idx.msk [tilespmem:v11+s25+$0x0], $0xffff;
	v9 =	vor.u32 v15, v2  }
0x17e: {  	v11 =	vld.idx.msk [tilespmem:v14+s24+$0x0], $0xffff;
	v14 =	vor.u32 v15, v1;
	v15 =	vor.u32 $0x1016, v0  }
0x17f: {  	v3 =	vadd.f32 v4, v3;
	v4 =	vmul.f32 v10, v8;
	v8 =	vld.idx.msk [tilespmem:v13+s25+$0x0], $0xffff;
	v10 =	vor.u32 v15, v2  }
0x180: {  	v13 =	vor.u32 v15, v1;
	v15 =	vor.u32 $0x1017, v0;
	v7 =	vld.idx.msk [tilespmem:v7+s24+$0x0], $0xffff  }
0x181: {  	v3 =	vadd.f32 v4, v3;
	v4 =	vld.idx.msk [tilespmem:v12+s25+$0x0], $0xffff;
	v12 =	vor.u32 v15, v2  }
0x182: {  	v5 =	vmul.f32 v5, v6;
	v6 =	vld.idx.msk [tilespmem:v9+s24+$0x0], $0xffff;
	v9 =	vor.u32 v15, v1;
	v15 =	vor.u32 $0x1018, v0  }
0x183: {  	v14 =	vld.idx.msk [tilespmem:v14+s25+$0x0], $0xffff;
	v16 =	vor.u32 v15, v2  }
0x184: {  	v3 =	vadd.f32 v5, v3;
	v5 =	vmul.f32 v8, v11;
	v8 =	vld.idx.msk [tilespmem:v10+s24+$0x0], $0xffff;
	v10 =	vor.u32 v15, v1  }
0x185: {  	v11 =	vld.idx.msk [tilespmem:v13+s25+$0x0], $0xffff;
	v13 =	vor.u32 $0x1019, v0  }
0x186: {  	v3 =	vadd.f32 v5, v3;
	v4 =	vmul.f32 v4, v7;
	v5 =	vld.idx.msk [tilespmem:v12+s24+$0x0], $0xffff;
	v7 =	vor.u32 v13, v2  }
0x187: {  	v12 =	vor.u32 v13, v1;
	v13 =	vor.u32 $0x101A, v0;
	v9 =	vld.idx.msk [tilespmem:v9+s25+$0x0], $0xffff  }
0x188: {  	v3 =	vadd.f32 v4, v3;
	v4 =	vmul.f32 v14, v6;
	v6 =	vld.idx.msk [tilespmem:v16+s24+$0x0], $0xffff;
	v14 =	vor.u32 v13, v2  }
0x189: {  	v15 =	vor.u32 $0x101B, v0;
	v13 =	vor.u32 v13, v1;
	v10 =	vld.idx.msk [tilespmem:v10+s25+$0x0], $0xffff  }
0x18a: {  	v3 =	vadd.f32 v4, v3;
	v4 =	vmul.f32 v11, v8;
	v8 =	vor.u32 v15, v2  }
0x18b: {  	v11 =	vor.u32 v15, v1;
	v15 =	vor.u32 $0x101C, v0;
	v7 =	vld.idx.msk [tilespmem:v7+s24+$0x0], $0xffff  }
0x18c: {  	v3 =	vadd.f32 v4, v3;
	v4 =	vmul.f32 v9, v5;
	v5 =	vld.idx.msk [tilespmem:v12+s25+$0x0], $0xffff;
	v9 =	vor.u32 v15, v2  }
0x18d: {  	v12 =	vld.idx.msk [tilespmem:v14+s24+$0x0], $0xffff;
	v14 =	vor.u32 v15, v1;
	v15 =	vor.u32 $0x101D, v0  }
0x18e: {  	v3 =	vadd.f32 v4, v3;
	v4 =	vmul.f32 v10, v6;
	v6 =	vld.idx.msk [tilespmem:v13+s25+$0x0], $0xffff;
	v10 =	vor.u32 v15, v2  }
0x18f: {  	v13 =	vor.u32 v15, v1;
	v15 =	vor.u32 $0x101E, v0;
	v8 =	vld.idx.msk [tilespmem:v8+s24+$0x0], $0xffff  }
0x190: {  	v3 =	vadd.f32 v4, v3;
	v4 =	vld.idx.msk [tilespmem:v11+s25+$0x0], $0xffff;
	v11 =	vor.u32 v15, v2  }
0x191: {  	v5 =	vmul.f32 v5, v7;
	v7 =	vld.idx.msk [tilespmem:v9+s24+$0x0], $0xffff;
	v9 =	vor.u32 v15, v1;
	v15 =	vor.u32 $0x101F, v0  }
0x192: {  	v14 =	vld.idx.msk [tilespmem:v14+s25+$0x0], $0xffff;
	v2 =	vor.u32 v15, v2  }
0x193: {  	v1 =	vor.u32 v15, v1;
	v3 =	vadd.f32 v5, v3;
	v12 =	vmul.f32 v6, v12;
	v6 =	vld.idx.msk [tilespmem:v10+s24+$0x0], $0xffff  }
0x194: {  	v10 =	vld.idx.msk [tilespmem:v13+s25+$0x0], $0xffff  }
0x195: {  	v3 =	vadd.f32 v12, v3;
	v4 =	vmul.f32 v4, v8;
	v5 =	vld.idx.msk [tilespmem:v11+s24+$0x0], $0xffff  }
0x196: {  	v12 =	vld.idx.msk [tilespmem:v9+s25+$0x0], $0xffff  }
0x197: {  	v3 =	vadd.f32 v4, v3;
	v13 =	vmul.f32 v14, v7;
	v2 =	vld.idx.msk [tilespmem:v2+s24+$0x0], $0xffff  }
0x198: {  	v1 =	vld.idx.msk [tilespmem:v1+s25+$0x0], $0xffff  }
0x199: {  	v14 =	vmul.f32 v10, v6;
	v3 =	vadd.f32 v13, v3;
	_ =	sdelay $0x1  }
0x19a: {  	v3 =	vadd.f32 v14, v3;
	v8 =	vmul.f32 v12, v5;
	_ =	sdelay $0x1  }
0x19b: {  	v1 =	vmul.f32 v1, v2;
	v3 =	vadd.f32 v8, v3;
	_ =	sdelay $0x1  }
0x19c: {  	v1 =	vadd.f32 v1, v3;
	_ =	sdelay $0x1  }
0x19d: {  	[tilespmem:s3+$0xFFFFFFE0] =	vst v1  }
0x19e: {  	v3 =	vld [tilespmem:s12+$0xFFFFFFF0]  }
0x19f: {  	v1 =	vld [tilespmem:s15+$0xFFFFFFF0];
	_ =	sdelay $0x2  }
0x1a0: {  	v9 =	vor.u32 $0x1800, v0  }
0x1a1: {  	v10 =	vor.u32 v9, v63;
	v2 =	vand.u32 $0x7F, v3;
	v11 =	vadd.s32 $0xFFF0BE00, v3  }
0x1a2: {  	v1 =	vshll.u32 v1, $0x5;
	v5 =	vor.u32 v10, v2;
	vm6 =	vgt.s32 v11, $0x0  }
0x1a3: {  	v2 =	vand.u32 $0x60, v1;
	v1 =	vshll.u32 v3, $0x5;
	v6 =	vnsel vm6, $0x0, v11  }
0x1a4: {  	v1 =	vand.u32 $0x60, v1;
	v12 =	vor.u32 v9, v2  }
0x1a5: {  	v13 =	vor.u32 $0x1801, v0;
	v4 =	vor.u32 v9, v1  }
0x1a6: {  	v9 =	vor.u32 v13, v2  }
0x1a7: {  	v14 =	vor.u32 $0x1802, v0;
	v8 =	vor.u32 v13, v1;
	v5 =	vld.idx.msk [tilespmem:v5+s16+$0x0], $0xffff  }
0x1a8: {  	v11 =	vor.u32 v14, v2;
	v6 =	vld.idx.msk [tilespmem:v6+s13+$0x0], $0xffff  }
0x1a9: {  	v10 =	vor.u32 v14, v1;
	v7 =	vld.idx.msk [tilespmem:v12+s24+$0x0], $0xffff;
	v12 =	vor.u32 $0x1803, v0  }
0x1aa: {  	v4 =	vld.idx.msk [tilespmem:v4+s25+$0x0], $0xffff;
	v13 =	vor.u32 v12, v2  }
0x1ab: {  	v9 =	vld.idx.msk [tilespmem:v9+s24+$0x0], $0xffff;
	v12 =	vor.u32 v12, v1  }
0x1ac: {  	v14 =	vor.u32 $0x1804, v0;
	v8 =	vld.idx.msk [tilespmem:v8+s25+$0x0], $0xffff  }
0x1ad: {  	v15 =	vor.u32 v14, v2;
	v11 =	vld.idx.msk [tilespmem:v11+s24+$0x0], $0xffff  }
0x1ae: {  	v16 =	vor.u32 $0x1805, v0;
	v14 =	vor.u32 v14, v1;
	v10 =	vld.idx.msk [tilespmem:v10+s25+$0x0], $0xffff  }
0x1af: {  	vm7 =	vgt.s32 v3, $0xF41FF;
	v3 =	vmul.f32 v4, v7;
	v4 =	vld.idx.msk [tilespmem:v13+s24+$0x0], $0xffff;
	v7 =	vor.u32 v16, v2  }
0x1b0: {  	v5 =	vsel vm7, v6, v5;
	v6 =	vld.idx.msk [tilespmem:v12+s25+$0x0], $0xffff;
	v12 =	vor.u32 v16, v1;
	v13 =	vor.u32 $0x1806, v0  }
0x1b1: {  	v3 =	vadd.f32 v3, v5;
	v5 =	vmul.f32 v8, v9;
	v8 =	vor.u32 v13, v2  }
0x1b2: {  	v9 =	vld.idx.msk [tilespmem:v15+s24+$0x0], $0xffff;
	v13 =	vor.u32 v13, v1;
	v15 =	vor.u32 $0x1807, v0  }
0x1b3: {  	v3 =	vadd.f32 v5, v3;
	v5 =	vmul.f32 v10, v11;
	v10 =	vld.idx.msk [tilespmem:v14+s25+$0x0], $0xffff;
	v11 =	vor.u32 v15, v2  }
0x1b4: {  	v14 =	vor.u32 v15, v1;
	v15 =	vor.u32 $0x1808, v0;
	v7 =	vld.idx.msk [tilespmem:v7+s24+$0x0], $0xffff  }
0x1b5: {  	v4 =	vmul.f32 v6, v4;
	v6 =	vor.u32 v15, v2;
	v3 =	vadd.f32 v5, v3;
	v5 =	vld.idx.msk [tilespmem:v12+s25+$0x0], $0xffff  }
0x1b6: {  	v12 =	vor.u32 v15, v1;
	v15 =	vor.u32 $0x1809, v0;
	v8 =	vld.idx.msk [tilespmem:v8+s24+$0x0], $0xffff  }
0x1b7: {  	v3 =	vadd.f32 v4, v3;
	v4 =	vld.idx.msk [tilespmem:v13+s25+$0x0], $0xffff;
	v13 =	vor.u32 v15, v2  }
0x1b8: {  	v9 =	vmul.f32 v10, v9;
	v10 =	vld.idx.msk [tilespmem:v11+s24+$0x0], $0xffff;
	v11 =	vor.u32 v15, v1;
	v15 =	vor.u32 $0x180A, v0  }
0x1b9: {  	v14 =	vld.idx.msk [tilespmem:v14+s25+$0x0], $0xffff;
	v16 =	vor.u32 v15, v2  }
0x1ba: {  	v6 =	vld.idx.msk [tilespmem:v6+s24+$0x0], $0xffff;
	v3 =	vadd.f32 v9, v3;
	v5 =	vmul.f32 v5, v7;
	v7 =	vor.u32 v15, v1  }
0x1bb: {  	v9 =	vld.idx.msk [tilespmem:v12+s25+$0x0], $0xffff;
	v12 =	vor.u32 $0x180B, v0  }
0x1bc: {  	v3 =	vadd.f32 v5, v3;
	v4 =	vmul.f32 v4, v8;
	v5 =	vld.idx.msk [tilespmem:v13+s24+$0x0], $0xffff;
	v8 =	vor.u32 v12, v2  }
0x1bd: {  	v12 =	vor.u32 v12, v1;
	v13 =	vor.u32 $0x180C, v0;
	v11 =	vld.idx.msk [tilespmem:v11+s25+$0x0], $0xffff  }
0x1be: {  	v3 =	vadd.f32 v4, v3;
	v4 =	vmul.f32 v14, v10;
	v10 =	vld.idx.msk [tilespmem:v16+s24+$0x0], $0xffff;
	v14 =	vor.u32 v13, v2  }
0x1bf: {  	v15 =	vor.u32 $0x180D, v0;
	v13 =	vor.u32 v13, v1;
	v7 =	vld.idx.msk [tilespmem:v7+s25+$0x0], $0xffff  }
0x1c0: {  	v3 =	vadd.f32 v4, v3;
	v4 =	vmul.f32 v9, v6;
	v6 =	vor.u32 v15, v2  }
0x1c1: {  	v9 =	vor.u32 v15, v1;
	v15 =	vor.u32 $0x180E, v0;
	v8 =	vld.idx.msk [tilespmem:v8+s24+$0x0], $0xffff  }
0x1c2: {  	v3 =	vadd.f32 v4, v3;
	v4 =	vmul.f32 v11, v5;
	v5 =	vld.idx.msk [tilespmem:v12+s25+$0x0], $0xffff;
	v11 =	vor.u32 v15, v2  }
0x1c3: {  	v12 =	vld.idx.msk [tilespmem:v14+s24+$0x0], $0xffff;
	v14 =	vor.u32 v15, v1;
	v15 =	vor.u32 $0x180F, v0  }
0x1c4: {  	v3 =	vadd.f32 v4, v3;
	v4 =	vmul.f32 v7, v10;
	v7 =	vld.idx.msk [tilespmem:v13+s25+$0x0], $0xffff;
	v10 =	vor.u32 v15, v2  }
0x1c5: {  	v13 =	vor.u32 v15, v1;
	v15 =	vor.u32 $0x1810, v0;
	v6 =	vld.idx.msk [tilespmem:v6+s24+$0x0], $0xffff  }
0x1c6: {  	v3 =	vadd.f32 v4, v3;
	v4 =	vld.idx.msk [tilespmem:v9+s25+$0x0], $0xffff;
	v9 =	vor.u32 v15, v2  }
0x1c7: {  	v5 =	vmul.f32 v5, v8;
	v8 =	vld.idx.msk [tilespmem:v11+s24+$0x0], $0xffff;
	v11 =	vor.u32 v15, v1;
	v15 =	vor.u32 $0x1811, v0  }
0x1c8: {  	v14 =	vld.idx.msk [tilespmem:v14+s25+$0x0], $0xffff;
	v16 =	vor.u32 v15, v2  }
0x1c9: {  	v3 =	vadd.f32 v5, v3;
	v5 =	vmul.f32 v7, v12;
	v7 =	vld.idx.msk [tilespmem:v10+s24+$0x0], $0xffff;
	v10 =	vor.u32 v15, v1  }
0x1ca: {  	v12 =	vld.idx.msk [tilespmem:v13+s25+$0x0], $0xffff;
	v13 =	vor.u32 $0x1812, v0  }
0x1cb: {  	v3 =	vadd.f32 v5, v3;
	v4 =	vmul.f32 v4, v6;
	v5 =	vld.idx.msk [tilespmem:v9+s24+$0x0], $0xffff;
	v6 =	vor.u32 v13, v2  }
0x1cc: {  	v9 =	vld.idx.msk [tilespmem:v11+s25+$0x0], $0xffff;
	v11 =	vor.u32 v13, v1;
	v13 =	vor.u32 $0x1813, v0  }
0x1cd: {  	v3 =	vadd.f32 v4, v3;
	v4 =	vmul.f32 v14, v8;
	v8 =	vld.idx.msk [tilespmem:v16+s24+$0x0], $0xffff;
	v14 =	vor.u32 v13, v2  }
0x1ce: {  	v15 =	vor.u32 $0x1814, v0;
	v13 =	vor.u32 v13, v1;
	v10 =	vld.idx.msk [tilespmem:v10+s25+$0x0], $0xffff  }
0x1cf: {  	v3 =	vadd.f32 v4, v3;
	v4 =	vmul.f32 v12, v7;
	v7 =	vor.u32 v15, v2  }
0x1d0: {  	v12 =	vor.u32 v15, v1;
	v15 =	vor.u32 $0x1815, v0;
	v6 =	vld.idx.msk [tilespmem:v6+s24+$0x0], $0xffff  }
0x1d1: {  	v3 =	vadd.f32 v4, v3;
	v4 =	vmul.f32 v9, v5;
	v5 =	vld.idx.msk [tilespmem:v11+s25+$0x0], $0xffff;
	v9 =	vor.u32 v15, v2  }
0x1d2: {  	v11 =	vld.idx.msk [tilespmem:v14+s24+$0x0], $0xffff;
	v14 =	vor.u32 v15, v1;
	v15 =	vor.u32 $0x1816, v0  }
0x1d3: {  	v3 =	vadd.f32 v4, v3;
	v4 =	vmul.f32 v10, v8;
	v8 =	vld.idx.msk [tilespmem:v13+s25+$0x0], $0xffff;
	v10 =	vor.u32 v15, v2  }
0x1d4: {  	v13 =	vor.u32 v15, v1;
	v15 =	vor.u32 $0x1817, v0;
	v7 =	vld.idx.msk [tilespmem:v7+s24+$0x0], $0xffff  }
0x1d5: {  	v3 =	vadd.f32 v4, v3;
	v4 =	vld.idx.msk [tilespmem:v12+s25+$0x0], $0xffff;
	v12 =	vor.u32 v15, v2  }
0x1d6: {  	v5 =	vmul.f32 v5, v6;
	v6 =	vld.idx.msk [tilespmem:v9+s24+$0x0], $0xffff;
	v9 =	vor.u32 v15, v1;
	v15 =	vor.u32 $0x1818, v0  }
0x1d7: {  	v14 =	vld.idx.msk [tilespmem:v14+s25+$0x0], $0xffff;
	v16 =	vor.u32 v15, v2  }
0x1d8: {  	v3 =	vadd.f32 v5, v3;
	v5 =	vmul.f32 v8, v11;
	v8 =	vld.idx.msk [tilespmem:v10+s24+$0x0], $0xffff;
	v10 =	vor.u32 v15, v1  }
0x1d9: {  	v11 =	vld.idx.msk [tilespmem:v13+s25+$0x0], $0xffff;
	v13 =	vor.u32 $0x1819, v0  }
0x1da: {  	v3 =	vadd.f32 v5, v3;
	v4 =	vmul.f32 v4, v7;
	v5 =	vld.idx.msk [tilespmem:v12+s24+$0x0], $0xffff;
	v7 =	vor.u32 v13, v2  }
0x1db: {  	v12 =	vor.u32 v13, v1;
	v13 =	vor.u32 $0x181A, v0;
	v9 =	vld.idx.msk [tilespmem:v9+s25+$0x0], $0xffff  }
0x1dc: {  	v3 =	vadd.f32 v4, v3;
	v4 =	vmul.f32 v14, v6;
	v6 =	vld.idx.msk [tilespmem:v16+s24+$0x0], $0xffff;
	v14 =	vor.u32 v13, v2  }
0x1dd: {  	v15 =	vor.u32 $0x181B, v0;
	v13 =	vor.u32 v13, v1;
	v10 =	vld.idx.msk [tilespmem:v10+s25+$0x0], $0xffff  }
0x1de: {  	v3 =	vadd.f32 v4, v3;
	v4 =	vmul.f32 v11, v8;
	v8 =	vor.u32 v15, v2  }
0x1df: {  	v11 =	vor.u32 v15, v1;
	v15 =	vor.u32 $0x181C, v0;
	v7 =	vld.idx.msk [tilespmem:v7+s24+$0x0], $0xffff  }
0x1e0: {  	v3 =	vadd.f32 v4, v3;
	v4 =	vmul.f32 v9, v5;
	v5 =	vld.idx.msk [tilespmem:v12+s25+$0x0], $0xffff;
	v9 =	vor.u32 v15, v2  }
0x1e1: {  	v12 =	vld.idx.msk [tilespmem:v14+s24+$0x0], $0xffff;
	v14 =	vor.u32 v15, v1;
	v15 =	vor.u32 $0x181D, v0  }
0x1e2: {  	v3 =	vadd.f32 v4, v3;
	v4 =	vmul.f32 v10, v6;
	v6 =	vld.idx.msk [tilespmem:v13+s25+$0x0], $0xffff;
	v10 =	vor.u32 v15, v2  }
0x1e3: {  	v13 =	vor.u32 v15, v1;
	v15 =	vor.u32 $0x181E, v0;
	v8 =	vld.idx.msk [tilespmem:v8+s24+$0x0], $0xffff  }
0x1e4: {  	v3 =	vadd.f32 v4, v3;
	v4 =	vld.idx.msk [tilespmem:v11+s25+$0x0], $0xffff;
	v11 =	vor.u32 v15, v2  }
0x1e5: {  	v5 =	vmul.f32 v5, v7;
	v7 =	vld.idx.msk [tilespmem:v9+s24+$0x0], $0xffff;
	v9 =	vor.u32 v15, v1;
	v15 =	vor.u32 $0x181F, v0  }
0x1e6: {  	v14 =	vld.idx.msk [tilespmem:v14+s25+$0x0], $0xffff;
	v2 =	vor.u32 v15, v2  }
0x1e7: {  	v1 =	vor.u32 v15, v1;
	v3 =	vadd.f32 v5, v3;
	v12 =	vmul.f32 v6, v12;
	v6 =	vld.idx.msk [tilespmem:v10+s24+$0x0], $0xffff  }
0x1e8: {  	v10 =	vld.idx.msk [tilespmem:v13+s25+$0x0], $0xffff  }
0x1e9: {  	v3 =	vadd.f32 v12, v3;
	v4 =	vmul.f32 v4, v8;
	v5 =	vld.idx.msk [tilespmem:v11+s24+$0x0], $0xffff  }
0x1ea: {  	v12 =	vld.idx.msk [tilespmem:v9+s25+$0x0], $0xffff  }
0x1eb: {  	v3 =	vadd.f32 v4, v3;
	v13 =	vmul.f32 v14, v7;
	v2 =	vld.idx.msk [tilespmem:v2+s24+$0x0], $0xffff  }
0x1ec: {  	v1 =	vld.idx.msk [tilespmem:v1+s25+$0x0], $0xffff  }
0x1ed: {  	v14 =	vmul.f32 v10, v6;
	v3 =	vadd.f32 v13, v3;
	_ =	sdelay $0x1  }
0x1ee: {  	v3 =	vadd.f32 v14, v3;
	v8 =	vmul.f32 v12, v5;
	_ =	sdelay $0x1  }
0x1ef: {  	v1 =	vmul.f32 v1, v2;
	v3 =	vadd.f32 v8, v3;
	_ =	sdelay $0x1  }
0x1f0: {  	v1 =	vadd.f32 v1, v3;
	_ =	sdelay $0x1  }
0x1f1: {  	[tilespmem:s3+$0xFFFFFFF0] =	vst v1  }
0x1f2: {  	v3 =	vld [tilespmem:s12+$0x0]  }
0x1f3: {  	v1 =	vld [tilespmem:s15+$0x0];
	_ =	sdelay $0x2  }
0x1f4: {  	v9 =	vor.u32 $0x2000, v0  }
0x1f5: {  	v10 =	vor.u32 v9, v63;
	v2 =	vand.u32 $0x7F, v3;
	v11 =	vadd.s32 $0xFFF0BE00, v3  }
0x1f6: {  	v1 =	vshll.u32 v1, $0x5;
	v5 =	vor.u32 v10, v2;
	vm8 =	vgt.s32 v11, $0x0  }
0x1f7: {  	v2 =	vand.u32 $0x60, v1;
	v1 =	vshll.u32 v3, $0x5;
	v6 =	vnsel vm8, $0x0, v11  }
0x1f8: {  	v1 =	vand.u32 $0x60, v1;
	v12 =	vor.u32 v9, v2  }
0x1f9: {  	v13 =	vor.u32 $0x2001, v0;
	v4 =	vor.u32 v9, v1  }
0x1fa: {  	v9 =	vor.u32 v13, v2  }
0x1fb: {  	v14 =	vor.u32 $0x2002, v0;
	v8 =	vor.u32 v13, v1;
	v5 =	vld.idx.msk [tilespmem:v5+s16+$0x0], $0xffff  }
0x1fc: {  	v11 =	vor.u32 v14, v2;
	v6 =	vld.idx.msk [tilespmem:v6+s13+$0x0], $0xffff  }
0x1fd: {  	v10 =	vor.u32 v14, v1;
	v7 =	vld.idx.msk [tilespmem:v12+s24+$0x0], $0xffff;
	v12 =	vor.u32 $0x2003, v0  }
0x1fe: {  	v4 =	vld.idx.msk [tilespmem:v4+s25+$0x0], $0xffff;
	v13 =	vor.u32 v12, v2  }
0x1ff: {  	v9 =	vld.idx.msk [tilespmem:v9+s24+$0x0], $0xffff;
	v12 =	vor.u32 v12, v1  }
0x200: {  	v14 =	vor.u32 $0x2004, v0;
	v8 =	vld.idx.msk [tilespmem:v8+s25+$0x0], $0xffff  }
0x201: {  	v15 =	vor.u32 v14, v2;
	v11 =	vld.idx.msk [tilespmem:v11+s24+$0x0], $0xffff  }
0x202: {  	v16 =	vor.u32 $0x2005, v0;
	v14 =	vor.u32 v14, v1;
	v10 =	vld.idx.msk [tilespmem:v10+s25+$0x0], $0xffff  }
0x203: {  	vm9 =	vgt.s32 v3, $0xF41FF;
	v3 =	vmul.f32 v4, v7;
	v4 =	vld.idx.msk [tilespmem:v13+s24+$0x0], $0xffff;
	v7 =	vor.u32 v16, v2  }
0x204: {  	v5 =	vsel vm9, v6, v5;
	v6 =	vld.idx.msk [tilespmem:v12+s25+$0x0], $0xffff;
	v12 =	vor.u32 v16, v1;
	v13 =	vor.u32 $0x2006, v0  }
0x205: {  	v3 =	vadd.f32 v3, v5;
	v5 =	vmul.f32 v8, v9;
	v8 =	vor.u32 v13, v2  }
0x206: {  	v9 =	vld.idx.msk [tilespmem:v15+s24+$0x0], $0xffff;
	v13 =	vor.u32 v13, v1;
	v15 =	vor.u32 $0x2007, v0  }
0x207: {  	v3 =	vadd.f32 v5, v3;
	v5 =	vmul.f32 v10, v11;
	v10 =	vld.idx.msk [tilespmem:v14+s25+$0x0], $0xffff;
	v11 =	vor.u32 v15, v2  }
0x208: {  	v14 =	vor.u32 v15, v1;
	v15 =	vor.u32 $0x2008, v0;
	v7 =	vld.idx.msk [tilespmem:v7+s24+$0x0], $0xffff  }
0x209: {  	v4 =	vmul.f32 v6, v4;
	v6 =	vor.u32 v15, v2;
	v3 =	vadd.f32 v5, v3;
	v5 =	vld.idx.msk [tilespmem:v12+s25+$0x0], $0xffff  }
0x20a: {  	v12 =	vor.u32 v15, v1;
	v15 =	vor.u32 $0x2009, v0;
	v8 =	vld.idx.msk [tilespmem:v8+s24+$0x0], $0xffff  }
0x20b: {  	v3 =	vadd.f32 v4, v3;
	v4 =	vld.idx.msk [tilespmem:v13+s25+$0x0], $0xffff;
	v13 =	vor.u32 v15, v2  }
0x20c: {  	v9 =	vmul.f32 v10, v9;
	v10 =	vld.idx.msk [tilespmem:v11+s24+$0x0], $0xffff;
	v11 =	vor.u32 v15, v1;
	v15 =	vor.u32 $0x200A, v0  }
0x20d: {  	v14 =	vld.idx.msk [tilespmem:v14+s25+$0x0], $0xffff;
	v16 =	vor.u32 v15, v2  }
0x20e: {  	v6 =	vld.idx.msk [tilespmem:v6+s24+$0x0], $0xffff;
	v3 =	vadd.f32 v9, v3;
	v5 =	vmul.f32 v5, v7;
	v7 =	vor.u32 v15, v1  }
0x20f: {  	v9 =	vld.idx.msk [tilespmem:v12+s25+$0x0], $0xffff;
	v12 =	vor.u32 $0x200B, v0  }
0x210: {  	v3 =	vadd.f32 v5, v3;
	v4 =	vmul.f32 v4, v8;
	v5 =	vld.idx.msk [tilespmem:v13+s24+$0x0], $0xffff;
	v8 =	vor.u32 v12, v2  }
0x211: {  	v12 =	vor.u32 v12, v1;
	v13 =	vor.u32 $0x200C, v0;
	v11 =	vld.idx.msk [tilespmem:v11+s25+$0x0], $0xffff  }
0x212: {  	v3 =	vadd.f32 v4, v3;
	v4 =	vmul.f32 v14, v10;
	v10 =	vld.idx.msk [tilespmem:v16+s24+$0x0], $0xffff;
	v14 =	vor.u32 v13, v2  }
0x213: {  	v15 =	vor.u32 $0x200D, v0;
	v13 =	vor.u32 v13, v1;
	v7 =	vld.idx.msk [tilespmem:v7+s25+$0x0], $0xffff  }
0x214: {  	v3 =	vadd.f32 v4, v3;
	v4 =	vmul.f32 v9, v6;
	v6 =	vor.u32 v15, v2  }
0x215: {  	v9 =	vor.u32 v15, v1;
	v15 =	vor.u32 $0x200E, v0;
	v8 =	vld.idx.msk [tilespmem:v8+s24+$0x0], $0xffff  }
0x216: {  	v3 =	vadd.f32 v4, v3;
	v4 =	vmul.f32 v11, v5;
	v5 =	vld.idx.msk [tilespmem:v12+s25+$0x0], $0xffff;
	v11 =	vor.u32 v15, v2  }
0x217: {  	v12 =	vld.idx.msk [tilespmem:v14+s24+$0x0], $0xffff;
	v14 =	vor.u32 v15, v1;
	v15 =	vor.u32 $0x200F, v0  }
0x218: {  	v3 =	vadd.f32 v4, v3;
	v4 =	vmul.f32 v7, v10;
	v7 =	vld.idx.msk [tilespmem:v13+s25+$0x0], $0xffff;
	v10 =	vor.u32 v15, v2  }
0x219: {  	v13 =	vor.u32 v15, v1;
	v15 =	vor.u32 $0x2010, v0;
	v6 =	vld.idx.msk [tilespmem:v6+s24+$0x0], $0xffff  }
0x21a: {  	v3 =	vadd.f32 v4, v3;
	v4 =	vld.idx.msk [tilespmem:v9+s25+$0x0], $0xffff;
	v9 =	vor.u32 v15, v2  }
0x21b: {  	v5 =	vmul.f32 v5, v8;
	v8 =	vld.idx.msk [tilespmem:v11+s24+$0x0], $0xffff;
	v11 =	vor.u32 v15, v1;
	v15 =	vor.u32 $0x2011, v0  }
0x21c: {  	v14 =	vld.idx.msk [tilespmem:v14+s25+$0x0], $0xffff;
	v16 =	vor.u32 v15, v2  }
0x21d: {  	v3 =	vadd.f32 v5, v3;
	v5 =	vmul.f32 v7, v12;
	v7 =	vld.idx.msk [tilespmem:v10+s24+$0x0], $0xffff;
	v10 =	vor.u32 v15, v1  }
0x21e: {  	v12 =	vld.idx.msk [tilespmem:v13+s25+$0x0], $0xffff;
	v13 =	vor.u32 $0x2012, v0  }
0x21f: {  	v3 =	vadd.f32 v5, v3;
	v4 =	vmul.f32 v4, v6;
	v5 =	vld.idx.msk [tilespmem:v9+s24+$0x0], $0xffff;
	v6 =	vor.u32 v13, v2  }
0x220: {  	v9 =	vld.idx.msk [tilespmem:v11+s25+$0x0], $0xffff;
	v11 =	vor.u32 v13, v1;
	v13 =	vor.u32 $0x2013, v0  }
0x221: {  	v3 =	vadd.f32 v4, v3;
	v4 =	vmul.f32 v14, v8;
	v8 =	vld.idx.msk [tilespmem:v16+s24+$0x0], $0xffff;
	v14 =	vor.u32 v13, v2  }
0x222: {  	v15 =	vor.u32 $0x2014, v0;
	v13 =	vor.u32 v13, v1;
	v10 =	vld.idx.msk [tilespmem:v10+s25+$0x0], $0xffff  }
0x223: {  	v3 =	vadd.f32 v4, v3;
	v4 =	vmul.f32 v12, v7;
	v7 =	vor.u32 v15, v2  }
0x224: {  	v12 =	vor.u32 v15, v1;
	v15 =	vor.u32 $0x2015, v0;
	v6 =	vld.idx.msk [tilespmem:v6+s24+$0x0], $0xffff  }
0x225: {  	v3 =	vadd.f32 v4, v3;
	v4 =	vmul.f32 v9, v5;
	v5 =	vld.idx.msk [tilespmem:v11+s25+$0x0], $0xffff;
	v9 =	vor.u32 v15, v2  }
0x226: {  	v11 =	vld.idx.msk [tilespmem:v14+s24+$0x0], $0xffff;
	v14 =	vor.u32 v15, v1;
	v15 =	vor.u32 $0x2016, v0  }
0x227: {  	v3 =	vadd.f32 v4, v3;
	v4 =	vmul.f32 v10, v8;
	v8 =	vld.idx.msk [tilespmem:v13+s25+$0x0], $0xffff;
	v10 =	vor.u32 v15, v2  }
0x228: {  	v13 =	vor.u32 v15, v1;
	v15 =	vor.u32 $0x2017, v0;
	v7 =	vld.idx.msk [tilespmem:v7+s24+$0x0], $0xffff  }
0x229: {  	v3 =	vadd.f32 v4, v3;
	v4 =	vld.idx.msk [tilespmem:v12+s25+$0x0], $0xffff;
	v12 =	vor.u32 v15, v2  }
0x22a: {  	v5 =	vmul.f32 v5, v6;
	v6 =	vld.idx.msk [tilespmem:v9+s24+$0x0], $0xffff;
	v9 =	vor.u32 v15, v1;
	v15 =	vor.u32 $0x2018, v0  }
0x22b: {  	v14 =	vld.idx.msk [tilespmem:v14+s25+$0x0], $0xffff;
	v16 =	vor.u32 v15, v2  }
0x22c: {  	v3 =	vadd.f32 v5, v3;
	v5 =	vmul.f32 v8, v11;
	v8 =	vld.idx.msk [tilespmem:v10+s24+$0x0], $0xffff;
	v10 =	vor.u32 v15, v1  }
0x22d: {  	v11 =	vld.idx.msk [tilespmem:v13+s25+$0x0], $0xffff;
	v13 =	vor.u32 $0x2019, v0  }
0x22e: {  	v3 =	vadd.f32 v5, v3;
	v4 =	vmul.f32 v4, v7;
	v5 =	vld.idx.msk [tilespmem:v12+s24+$0x0], $0xffff;
	v7 =	vor.u32 v13, v2  }
0x22f: {  	v12 =	vor.u32 v13, v1;
	v13 =	vor.u32 $0x201A, v0;
	v9 =	vld.idx.msk [tilespmem:v9+s25+$0x0], $0xffff  }
0x230: {  	v3 =	vadd.f32 v4, v3;
	v4 =	vmul.f32 v14, v6;
	v6 =	vld.idx.msk [tilespmem:v16+s24+$0x0], $0xffff;
	v14 =	vor.u32 v13, v2  }
0x231: {  	v15 =	vor.u32 $0x201B, v0;
	v13 =	vor.u32 v13, v1;
	v10 =	vld.idx.msk [tilespmem:v10+s25+$0x0], $0xffff  }
0x232: {  	v3 =	vadd.f32 v4, v3;
	v4 =	vmul.f32 v11, v8;
	v8 =	vor.u32 v15, v2  }
0x233: {  	v11 =	vor.u32 v15, v1;
	v15 =	vor.u32 $0x201C, v0;
	v7 =	vld.idx.msk [tilespmem:v7+s24+$0x0], $0xffff  }
0x234: {  	v3 =	vadd.f32 v4, v3;
	v4 =	vmul.f32 v9, v5;
	v5 =	vld.idx.msk [tilespmem:v12+s25+$0x0], $0xffff;
	v9 =	vor.u32 v15, v2  }
0x235: {  	v12 =	vld.idx.msk [tilespmem:v14+s24+$0x0], $0xffff;
	v14 =	vor.u32 v15, v1;
	v15 =	vor.u32 $0x201D, v0  }
0x236: {  	v3 =	vadd.f32 v4, v3;
	v4 =	vmul.f32 v10, v6;
	v6 =	vld.idx.msk [tilespmem:v13+s25+$0x0], $0xffff;
	v10 =	vor.u32 v15, v2  }
0x237: {  	v13 =	vor.u32 v15, v1;
	v15 =	vor.u32 $0x201E, v0;
	v8 =	vld.idx.msk [tilespmem:v8+s24+$0x0], $0xffff  }
0x238: {  	v3 =	vadd.f32 v4, v3;
	v4 =	vld.idx.msk [tilespmem:v11+s25+$0x0], $0xffff;
	v11 =	vor.u32 v15, v2  }
0x239: {  	v5 =	vmul.f32 v5, v7;
	v7 =	vld.idx.msk [tilespmem:v9+s24+$0x0], $0xffff;
	v9 =	vor.u32 v15, v1;
	v15 =	vor.u32 $0x201F, v0  }
0x23a: {  	v14 =	vld.idx.msk [tilespmem:v14+s25+$0x0], $0xffff;
	v2 =	vor.u32 v15, v2  }
0x23b: {  	v1 =	vor.u32 v15, v1;
	v3 =	vadd.f32 v5, v3;
	v12 =	vmul.f32 v6, v12;
	v6 =	vld.idx.msk [tilespmem:v10+s24+$0x0], $0xffff  }
0x23c: {  	v10 =	vld.idx.msk [tilespmem:v13+s25+$0x0], $0xffff  }
0x23d: {  	v3 =	vadd.f32 v12, v3;
	v4 =	vmul.f32 v4, v8;
	v5 =	vld.idx.msk [tilespmem:v11+s24+$0x0], $0xffff  }
0x23e: {  	v12 =	vld.idx.msk [tilespmem:v9+s25+$0x0], $0xffff  }
0x23f: {  	v3 =	vadd.f32 v4, v3;
	v13 =	vmul.f32 v14, v7;
	v2 =	vld.idx.msk [tilespmem:v2+s24+$0x0], $0xffff  }
0x240: {  	v1 =	vld.idx.msk [tilespmem:v1+s25+$0x0], $0xffff  }
0x241: {  	v14 =	vmul.f32 v10, v6;
	v3 =	vadd.f32 v13, v3;
	_ =	sdelay $0x1  }
0x242: {  	v3 =	vadd.f32 v14, v3;
	v8 =	vmul.f32 v12, v5;
	_ =	sdelay $0x1  }
0x243: {  	v1 =	vmul.f32 v1, v2;
	v3 =	vadd.f32 v8, v3;
	_ =	sdelay $0x1  }
0x244: {  	v1 =	vadd.f32 v1, v3;
	_ =	sdelay $0x1  }
0x245: {  	[tilespmem:s3+$0x0] =	vst v1  }
0x246: {  	v3 =	vld [tilespmem:s12+$0x10]  }
0x247: {  	v1 =	vld [tilespmem:s15+$0x10];
	_ =	sdelay $0x2  }
0x248: {  	v9 =	vor.u32 $0x2800, v0  }
0x249: {  	v10 =	vor.u32 v9, v63;
	v2 =	vand.u32 $0x7F, v3;
	v11 =	vadd.s32 $0xFFF0BE00, v3  }
0x24a: {  	v1 =	vshll.u32 v1, $0x5;
	v5 =	vor.u32 v10, v2;
	vm10 =	vgt.s32 v11, $0x0  }
0x24b: {  	v2 =	vand.u32 $0x60, v1;
	v1 =	vshll.u32 v3, $0x5;
	v6 =	vnsel vm10, $0x0, v11  }
0x24c: {  	v1 =	vand.u32 $0x60, v1;
	v12 =	vor.u32 v9, v2  }
0x24d: {  	v13 =	vor.u32 $0x2801, v0;
	v4 =	vor.u32 v9, v1  }
0x24e: {  	v9 =	vor.u32 v13, v2  }
0x24f: {  	v14 =	vor.u32 $0x2802, v0;
	v8 =	vor.u32 v13, v1;
	v5 =	vld.idx.msk [tilespmem:v5+s16+$0x0], $0xffff  }
0x250: {  	v11 =	vor.u32 v14, v2;
	v6 =	vld.idx.msk [tilespmem:v6+s13+$0x0], $0xffff  }
0x251: {  	v10 =	vor.u32 v14, v1;
	v7 =	vld.idx.msk [tilespmem:v12+s24+$0x0], $0xffff;
	v12 =	vor.u32 $0x2803, v0  }
0x252: {  	v4 =	vld.idx.msk [tilespmem:v4+s25+$0x0], $0xffff;
	v13 =	vor.u32 v12, v2  }
0x253: {  	v9 =	vld.idx.msk [tilespmem:v9+s24+$0x0], $0xffff;
	v12 =	vor.u32 v12, v1  }
0x254: {  	v14 =	vor.u32 $0x2804, v0;
	v8 =	vld.idx.msk [tilespmem:v8+s25+$0x0], $0xffff  }
0x255: {  	v15 =	vor.u32 v14, v2;
	v11 =	vld.idx.msk [tilespmem:v11+s24+$0x0], $0xffff  }
0x256: {  	v16 =	vor.u32 $0x2805, v0;
	v14 =	vor.u32 v14, v1;
	v10 =	vld.idx.msk [tilespmem:v10+s25+$0x0], $0xffff  }
0x257: {  	vm11 =	vgt.s32 v3, $0xF41FF;
	v3 =	vmul.f32 v4, v7;
	v4 =	vld.idx.msk [tilespmem:v13+s24+$0x0], $0xffff;
	v7 =	vor.u32 v16, v2  }
0x258: {  	v5 =	vsel vm11, v6, v5;
	v6 =	vld.idx.msk [tilespmem:v12+s25+$0x0], $0xffff;
	v12 =	vor.u32 v16, v1;
	v13 =	vor.u32 $0x2806, v0  }
0x259: {  	v3 =	vadd.f32 v3, v5;
	v5 =	vmul.f32 v8, v9;
	v8 =	vor.u32 v13, v2  }
0x25a: {  	v9 =	vld.idx.msk [tilespmem:v15+s24+$0x0], $0xffff;
	v13 =	vor.u32 v13, v1;
	v15 =	vor.u32 $0x2807, v0  }
0x25b: {  	v3 =	vadd.f32 v5, v3;
	v5 =	vmul.f32 v10, v11;
	v10 =	vld.idx.msk [tilespmem:v14+s25+$0x0], $0xffff;
	v11 =	vor.u32 v15, v2  }
0x25c: {  	v14 =	vor.u32 v15, v1;
	v15 =	vor.u32 $0x2808, v0;
	v7 =	vld.idx.msk [tilespmem:v7+s24+$0x0], $0xffff  }
0x25d: {  	v4 =	vmul.f32 v6, v4;
	v6 =	vor.u32 v15, v2;
	v3 =	vadd.f32 v5, v3;
	v5 =	vld.idx.msk [tilespmem:v12+s25+$0x0], $0xffff  }
0x25e: {  	v12 =	vor.u32 v15, v1;
	v15 =	vor.u32 $0x2809, v0;
	v8 =	vld.idx.msk [tilespmem:v8+s24+$0x0], $0xffff  }
0x25f: {  	v3 =	vadd.f32 v4, v3;
	v4 =	vld.idx.msk [tilespmem:v13+s25+$0x0], $0xffff;
	v13 =	vor.u32 v15, v2  }
0x260: {  	v9 =	vmul.f32 v10, v9;
	v10 =	vld.idx.msk [tilespmem:v11+s24+$0x0], $0xffff;
	v11 =	vor.u32 v15, v1;
	v15 =	vor.u32 $0x280A, v0  }
0x261: {  	v14 =	vld.idx.msk [tilespmem:v14+s25+$0x0], $0xffff;
	v16 =	vor.u32 v15, v2  }
0x262: {  	v6 =	vld.idx.msk [tilespmem:v6+s24+$0x0], $0xffff;
	v3 =	vadd.f32 v9, v3;
	v5 =	vmul.f32 v5, v7;
	v7 =	vor.u32 v15, v1  }
0x263: {  	v9 =	vld.idx.msk [tilespmem:v12+s25+$0x0], $0xffff;
	v12 =	vor.u32 $0x280B, v0  }
0x264: {  	v3 =	vadd.f32 v5, v3;
	v4 =	vmul.f32 v4, v8;
	v5 =	vld.idx.msk [tilespmem:v13+s24+$0x0], $0xffff;
	v8 =	vor.u32 v12, v2  }
0x265: {  	v12 =	vor.u32 v12, v1;
	v13 =	vor.u32 $0x280C, v0;
	v11 =	vld.idx.msk [tilespmem:v11+s25+$0x0], $0xffff  }
0x266: {  	v3 =	vadd.f32 v4, v3;
	v4 =	vmul.f32 v14, v10;
	v10 =	vld.idx.msk [tilespmem:v16+s24+$0x0], $0xffff;
	v14 =	vor.u32 v13, v2  }
0x267: {  	v15 =	vor.u32 $0x280D, v0;
	v13 =	vor.u32 v13, v1;
	v7 =	vld.idx.msk [tilespmem:v7+s25+$0x0], $0xffff  }
0x268: {  	v3 =	vadd.f32 v4, v3;
	v4 =	vmul.f32 v9, v6;
	v6 =	vor.u32 v15, v2  }
0x269: {  	v9 =	vor.u32 v15, v1;
	v15 =	vor.u32 $0x280E, v0;
	v8 =	vld.idx.msk [tilespmem:v8+s24+$0x0], $0xffff  }
0x26a: {  	v3 =	vadd.f32 v4, v3;
	v4 =	vmul.f32 v11, v5;
	v5 =	vld.idx.msk [tilespmem:v12+s25+$0x0], $0xffff;
	v11 =	vor.u32 v15, v2  }
0x26b: {  	v12 =	vld.idx.msk [tilespmem:v14+s24+$0x0], $0xffff;
	v14 =	vor.u32 v15, v1;
	v15 =	vor.u32 $0x280F, v0  }
0x26c: {  	v3 =	vadd.f32 v4, v3;
	v4 =	vmul.f32 v7, v10;
	v7 =	vld.idx.msk [tilespmem:v13+s25+$0x0], $0xffff;
	v10 =	vor.u32 v15, v2  }
0x26d: {  	v13 =	vor.u32 v15, v1;
	v15 =	vor.u32 $0x2810, v0;
	v6 =	vld.idx.msk [tilespmem:v6+s24+$0x0], $0xffff  }
0x26e: {  	v3 =	vadd.f32 v4, v3;
	v4 =	vld.idx.msk [tilespmem:v9+s25+$0x0], $0xffff;
	v9 =	vor.u32 v15, v2  }
0x26f: {  	v5 =	vmul.f32 v5, v8;
	v8 =	vld.idx.msk [tilespmem:v11+s24+$0x0], $0xffff;
	v11 =	vor.u32 v15, v1;
	v15 =	vor.u32 $0x2811, v0  }
0x270: {  	v14 =	vld.idx.msk [tilespmem:v14+s25+$0x0], $0xffff;
	v16 =	vor.u32 v15, v2  }
0x271: {  	v3 =	vadd.f32 v5, v3;
	v5 =	vmul.f32 v7, v12;
	v7 =	vld.idx.msk [tilespmem:v10+s24+$0x0], $0xffff;
	v10 =	vor.u32 v15, v1  }
0x272: {  	v12 =	vld.idx.msk [tilespmem:v13+s25+$0x0], $0xffff;
	v13 =	vor.u32 $0x2812, v0  }
0x273: {  	v3 =	vadd.f32 v5, v3;
	v4 =	vmul.f32 v4, v6;
	v5 =	vld.idx.msk [tilespmem:v9+s24+$0x0], $0xffff;
	v6 =	vor.u32 v13, v2  }
0x274: {  	v9 =	vld.idx.msk [tilespmem:v11+s25+$0x0], $0xffff;
	v11 =	vor.u32 v13, v1;
	v13 =	vor.u32 $0x2813, v0  }
0x275: {  	v3 =	vadd.f32 v4, v3;
	v4 =	vmul.f32 v14, v8;
	v8 =	vld.idx.msk [tilespmem:v16+s24+$0x0], $0xffff;
	v14 =	vor.u32 v13, v2  }
0x276: {  	v15 =	vor.u32 $0x2814, v0;
	v13 =	vor.u32 v13, v1;
	v10 =	vld.idx.msk [tilespmem:v10+s25+$0x0], $0xffff  }
0x277: {  	v3 =	vadd.f32 v4, v3;
	v4 =	vmul.f32 v12, v7;
	v7 =	vor.u32 v15, v2  }
0x278: {  	v12 =	vor.u32 v15, v1;
	v15 =	vor.u32 $0x2815, v0;
	v6 =	vld.idx.msk [tilespmem:v6+s24+$0x0], $0xffff  }
0x279: {  	v3 =	vadd.f32 v4, v3;
	v4 =	vmul.f32 v9, v5;
	v5 =	vld.idx.msk [tilespmem:v11+s25+$0x0], $0xffff;
	v9 =	vor.u32 v15, v2  }
0x27a: {  	v11 =	vld.idx.msk [tilespmem:v14+s24+$0x0], $0xffff;
	v14 =	vor.u32 v15, v1;
	v15 =	vor.u32 $0x2816, v0  }
0x27b: {  	v3 =	vadd.f32 v4, v3;
	v4 =	vmul.f32 v10, v8;
	v8 =	vld.idx.msk [tilespmem:v13+s25+$0x0], $0xffff;
	v10 =	vor.u32 v15, v2  }
0x27c: {  	v13 =	vor.u32 v15, v1;
	v15 =	vor.u32 $0x2817, v0;
	v7 =	vld.idx.msk [tilespmem:v7+s24+$0x0], $0xffff  }
0x27d: {  	v3 =	vadd.f32 v4, v3;
	v4 =	vld.idx.msk [tilespmem:v12+s25+$0x0], $0xffff;
	v12 =	vor.u32 v15, v2  }
0x27e: {  	v5 =	vmul.f32 v5, v6;
	v6 =	vld.idx.msk [tilespmem:v9+s24+$0x0], $0xffff;
	v9 =	vor.u32 v15, v1;
	v15 =	vor.u32 $0x2818, v0  }
0x27f: {  	v14 =	vld.idx.msk [tilespmem:v14+s25+$0x0], $0xffff;
	v16 =	vor.u32 v15, v2  }
0x280: {  	v3 =	vadd.f32 v5, v3;
	v5 =	vmul.f32 v8, v11;
	v8 =	vld.idx.msk [tilespmem:v10+s24+$0x0], $0xffff;
	v10 =	vor.u32 v15, v1  }
0x281: {  	v11 =	vld.idx.msk [tilespmem:v13+s25+$0x0], $0xffff;
	v13 =	vor.u32 $0x2819, v0  }
0x282: {  	v3 =	vadd.f32 v5, v3;
	v4 =	vmul.f32 v4, v7;
	v5 =	vld.idx.msk [tilespmem:v12+s24+$0x0], $0xffff;
	v7 =	vor.u32 v13, v2  }
0x283: {  	v12 =	vor.u32 v13, v1;
	v13 =	vor.u32 $0x281A, v0;
	v9 =	vld.idx.msk [tilespmem:v9+s25+$0x0], $0xffff  }
0x284: {  	v3 =	vadd.f32 v4, v3;
	v4 =	vmul.f32 v14, v6;
	v6 =	vld.idx.msk [tilespmem:v16+s24+$0x0], $0xffff;
	v14 =	vor.u32 v13, v2  }
0x285: {  	v15 =	vor.u32 $0x281B, v0;
	v13 =	vor.u32 v13, v1;
	v10 =	vld.idx.msk [tilespmem:v10+s25+$0x0], $0xffff  }
0x286: {  	v3 =	vadd.f32 v4, v3;
	v4 =	vmul.f32 v11, v8;
	v8 =	vor.u32 v15, v2  }
0x287: {  	v11 =	vor.u32 v15, v1;
	v15 =	vor.u32 $0x281C, v0;
	v7 =	vld.idx.msk [tilespmem:v7+s24+$0x0], $0xffff  }
0x288: {  	v3 =	vadd.f32 v4, v3;
	v4 =	vmul.f32 v9, v5;
	v5 =	vld.idx.msk [tilespmem:v12+s25+$0x0], $0xffff;
	v9 =	vor.u32 v15, v2  }
0x289: {  	v12 =	vld.idx.msk [tilespmem:v14+s24+$0x0], $0xffff;
	v14 =	vor.u32 v15, v1;
	v15 =	vor.u32 $0x281D, v0  }
0x28a: {  	v3 =	vadd.f32 v4, v3;
	v4 =	vmul.f32 v10, v6;
	v6 =	vld.idx.msk [tilespmem:v13+s25+$0x0], $0xffff;
	v10 =	vor.u32 v15, v2  }
0x28b: {  	v13 =	vor.u32 v15, v1;
	v15 =	vor.u32 $0x281E, v0;
	v8 =	vld.idx.msk [tilespmem:v8+s24+$0x0], $0xffff  }
0x28c: {  	v3 =	vadd.f32 v4, v3;
	v4 =	vld.idx.msk [tilespmem:v11+s25+$0x0], $0xffff;
	v11 =	vor.u32 v15, v2  }
0x28d: {  	v5 =	vmul.f32 v5, v7;
	v7 =	vld.idx.msk [tilespmem:v9+s24+$0x0], $0xffff;
	v9 =	vor.u32 v15, v1;
	v15 =	vor.u32 $0x281F, v0  }
0x28e: {  	v14 =	vld.idx.msk [tilespmem:v14+s25+$0x0], $0xffff;
	v2 =	vor.u32 v15, v2  }
0x28f: {  	v1 =	vor.u32 v15, v1;
	v3 =	vadd.f32 v5, v3;
	v12 =	vmul.f32 v6, v12;
	v6 =	vld.idx.msk [tilespmem:v10+s24+$0x0], $0xffff  }
0x290: {  	v10 =	vld.idx.msk [tilespmem:v13+s25+$0x0], $0xffff  }
0x291: {  	v3 =	vadd.f32 v12, v3;
	v4 =	vmul.f32 v4, v8;
	v5 =	vld.idx.msk [tilespmem:v11+s24+$0x0], $0xffff  }
0x292: {  	v12 =	vld.idx.msk [tilespmem:v9+s25+$0x0], $0xffff  }
0x293: {  	v3 =	vadd.f32 v4, v3;
	v13 =	vmul.f32 v14, v7;
	v2 =	vld.idx.msk [tilespmem:v2+s24+$0x0], $0xffff  }
0x294: {  	v1 =	vld.idx.msk [tilespmem:v1+s25+$0x0], $0xffff  }
0x295: {  	v14 =	vmul.f32 v10, v6;
	v3 =	vadd.f32 v13, v3;
	_ =	sdelay $0x1  }
0x296: {  	v3 =	vadd.f32 v14, v3;
	v8 =	vmul.f32 v12, v5;
	_ =	sdelay $0x1  }
0x297: {  	v1 =	vmul.f32 v1, v2;
	v3 =	vadd.f32 v8, v3;
	_ =	sdelay $0x1  }
0x298: {  	v1 =	vadd.f32 v1, v3;
	_ =	sdelay $0x1  }
0x299: {  	[tilespmem:s3+$0x10] =	vst v1  }
0x29a: {  	v3 =	vld [tilespmem:s12+$0x20]  }
0x29b: {  	v1 =	vld [tilespmem:s15+$0x20];
	_ =	sdelay $0x2  }
0x29c: {  	v9 =	vor.u32 $0x3000, v0  }
0x29d: {  	v10 =	vor.u32 v9, v63;
	v2 =	vand.u32 $0x7F, v3;
	v11 =	vadd.s32 $0xFFF0BE00, v3  }
0x29e: {  	v1 =	vshll.u32 v1, $0x5;
	v5 =	vor.u32 v10, v2;
	vm12 =	vgt.s32 v11, $0x0  }
0x29f: {  	v2 =	vand.u32 $0x60, v1;
	v1 =	vshll.u32 v3, $0x5;
	v6 =	vnsel vm12, $0x0, v11  }
0x2a0: {  	v1 =	vand.u32 $0x60, v1;
	v12 =	vor.u32 v9, v2  }
0x2a1: {  	v13 =	vor.u32 $0x3001, v0;
	v4 =	vor.u32 v9, v1  }
0x2a2: {  	v9 =	vor.u32 v13, v2  }
0x2a3: {  	v14 =	vor.u32 $0x3002, v0;
	v8 =	vor.u32 v13, v1;
	v5 =	vld.idx.msk [tilespmem:v5+s16+$0x0], $0xffff  }
0x2a4: {  	v11 =	vor.u32 v14, v2;
	v6 =	vld.idx.msk [tilespmem:v6+s13+$0x0], $0xffff  }
0x2a5: {  	v10 =	vor.u32 v14, v1;
	v7 =	vld.idx.msk [tilespmem:v12+s24+$0x0], $0xffff;
	v12 =	vor.u32 $0x3003, v0  }
0x2a6: {  	v4 =	vld.idx.msk [tilespmem:v4+s25+$0x0], $0xffff;
	v13 =	vor.u32 v12, v2  }
0x2a7: {  	v9 =	vld.idx.msk [tilespmem:v9+s24+$0x0], $0xffff;
	v12 =	vor.u32 v12, v1  }
0x2a8: {  	v14 =	vor.u32 $0x3004, v0;
	v8 =	vld.idx.msk [tilespmem:v8+s25+$0x0], $0xffff  }
0x2a9: {  	v15 =	vor.u32 v14, v2;
	v11 =	vld.idx.msk [tilespmem:v11+s24+$0x0], $0xffff  }
0x2aa: {  	v16 =	vor.u32 $0x3005, v0;
	v14 =	vor.u32 v14, v1;
	v10 =	vld.idx.msk [tilespmem:v10+s25+$0x0], $0xffff  }
0x2ab: {  	vm13 =	vgt.s32 v3, $0xF41FF;
	v3 =	vmul.f32 v4, v7;
	v4 =	vld.idx.msk [tilespmem:v13+s24+$0x0], $0xffff;
	v7 =	vor.u32 v16, v2  }
0x2ac: {  	v5 =	vsel vm13, v6, v5;
	v6 =	vld.idx.msk [tilespmem:v12+s25+$0x0], $0xffff;
	v12 =	vor.u32 v16, v1;
	v13 =	vor.u32 $0x3006, v0  }
0x2ad: {  	v3 =	vadd.f32 v3, v5;
	v5 =	vmul.f32 v8, v9;
	v8 =	vor.u32 v13, v2  }
0x2ae: {  	v9 =	vld.idx.msk [tilespmem:v15+s24+$0x0], $0xffff;
	v13 =	vor.u32 v13, v1;
	v15 =	vor.u32 $0x3007, v0  }
0x2af: {  	v3 =	vadd.f32 v5, v3;
	v5 =	vmul.f32 v10, v11;
	v10 =	vld.idx.msk [tilespmem:v14+s25+$0x0], $0xffff;
	v11 =	vor.u32 v15, v2  }
0x2b0: {  	v14 =	vor.u32 v15, v1;
	v15 =	vor.u32 $0x3008, v0;
	v7 =	vld.idx.msk [tilespmem:v7+s24+$0x0], $0xffff  }
0x2b1: {  	v4 =	vmul.f32 v6, v4;
	v6 =	vor.u32 v15, v2;
	v3 =	vadd.f32 v5, v3;
	v5 =	vld.idx.msk [tilespmem:v12+s25+$0x0], $0xffff  }
0x2b2: {  	v12 =	vor.u32 v15, v1;
	v15 =	vor.u32 $0x3009, v0;
	v8 =	vld.idx.msk [tilespmem:v8+s24+$0x0], $0xffff  }
0x2b3: {  	v3 =	vadd.f32 v4, v3;
	v4 =	vld.idx.msk [tilespmem:v13+s25+$0x0], $0xffff;
	v13 =	vor.u32 v15, v2  }
0x2b4: {  	v9 =	vmul.f32 v10, v9;
	v10 =	vld.idx.msk [tilespmem:v11+s24+$0x0], $0xffff;
	v11 =	vor.u32 v15, v1;
	v15 =	vor.u32 $0x300A, v0  }
0x2b5: {  	v14 =	vld.idx.msk [tilespmem:v14+s25+$0x0], $0xffff;
	v16 =	vor.u32 v15, v2  }
0x2b6: {  	v6 =	vld.idx.msk [tilespmem:v6+s24+$0x0], $0xffff;
	v3 =	vadd.f32 v9, v3;
	v5 =	vmul.f32 v5, v7;
	v7 =	vor.u32 v15, v1  }
0x2b7: {  	v9 =	vld.idx.msk [tilespmem:v12+s25+$0x0], $0xffff;
	v12 =	vor.u32 $0x300B, v0  }
0x2b8: {  	v3 =	vadd.f32 v5, v3;
	v4 =	vmul.f32 v4, v8;
	v5 =	vld.idx.msk [tilespmem:v13+s24+$0x0], $0xffff;
	v8 =	vor.u32 v12, v2  }
0x2b9: {  	v12 =	vor.u32 v12, v1;
	v13 =	vor.u32 $0x300C, v0;
	v11 =	vld.idx.msk [tilespmem:v11+s25+$0x0], $0xffff  }
0x2ba: {  	v3 =	vadd.f32 v4, v3;
	v4 =	vmul.f32 v14, v10;
	v10 =	vld.idx.msk [tilespmem:v16+s24+$0x0], $0xffff;
	v14 =	vor.u32 v13, v2  }
0x2bb: {  	v15 =	vor.u32 $0x300D, v0;
	v13 =	vor.u32 v13, v1;
	v7 =	vld.idx.msk [tilespmem:v7+s25+$0x0], $0xffff  }
0x2bc: {  	v3 =	vadd.f32 v4, v3;
	v4 =	vmul.f32 v9, v6;
	v6 =	vor.u32 v15, v2  }
0x2bd: {  	v9 =	vor.u32 v15, v1;
	v15 =	vor.u32 $0x300E, v0;
	v8 =	vld.idx.msk [tilespmem:v8+s24+$0x0], $0xffff  }
0x2be: {  	v3 =	vadd.f32 v4, v3;
	v4 =	vmul.f32 v11, v5;
	v5 =	vld.idx.msk [tilespmem:v12+s25+$0x0], $0xffff;
	v11 =	vor.u32 v15, v2  }
0x2bf: {  	v12 =	vld.idx.msk [tilespmem:v14+s24+$0x0], $0xffff;
	v14 =	vor.u32 v15, v1;
	v15 =	vor.u32 $0x300F, v0  }
0x2c0: {  	v3 =	vadd.f32 v4, v3;
	v4 =	vmul.f32 v7, v10;
	v7 =	vld.idx.msk [tilespmem:v13+s25+$0x0], $0xffff;
	v10 =	vor.u32 v15, v2  }
0x2c1: {  	v13 =	vor.u32 v15, v1;
	v15 =	vor.u32 $0x3010, v0;
	v6 =	vld.idx.msk [tilespmem:v6+s24+$0x0], $0xffff  }
0x2c2: {  	v3 =	vadd.f32 v4, v3;
	v4 =	vld.idx.msk [tilespmem:v9+s25+$0x0], $0xffff;
	v9 =	vor.u32 v15, v2  }
0x2c3: {  	v5 =	vmul.f32 v5, v8;
	v8 =	vld.idx.msk [tilespmem:v11+s24+$0x0], $0xffff;
	v11 =	vor.u32 v15, v1;
	v15 =	vor.u32 $0x3011, v0  }
0x2c4: {  	v14 =	vld.idx.msk [tilespmem:v14+s25+$0x0], $0xffff;
	v16 =	vor.u32 v15, v2  }
0x2c5: {  	v3 =	vadd.f32 v5, v3;
	v5 =	vmul.f32 v7, v12;
	v7 =	vld.idx.msk [tilespmem:v10+s24+$0x0], $0xffff;
	v10 =	vor.u32 v15, v1  }
0x2c6: {  	v12 =	vld.idx.msk [tilespmem:v13+s25+$0x0], $0xffff;
	v13 =	vor.u32 $0x3012, v0  }
0x2c7: {  	v3 =	vadd.f32 v5, v3;
	v4 =	vmul.f32 v4, v6;
	v5 =	vld.idx.msk [tilespmem:v9+s24+$0x0], $0xffff;
	v6 =	vor.u32 v13, v2  }
0x2c8: {  	v9 =	vld.idx.msk [tilespmem:v11+s25+$0x0], $0xffff;
	v11 =	vor.u32 v13, v1;
	v13 =	vor.u32 $0x3013, v0  }
0x2c9: {  	v3 =	vadd.f32 v4, v3;
	v4 =	vmul.f32 v14, v8;
	v8 =	vld.idx.msk [tilespmem:v16+s24+$0x0], $0xffff;
	v14 =	vor.u32 v13, v2  }
0x2ca: {  	v15 =	vor.u32 $0x3014, v0;
	v13 =	vor.u32 v13, v1;
	v10 =	vld.idx.msk [tilespmem:v10+s25+$0x0], $0xffff  }
0x2cb: {  	v3 =	vadd.f32 v4, v3;
	v4 =	vmul.f32 v12, v7;
	v7 =	vor.u32 v15, v2  }
0x2cc: {  	v12 =	vor.u32 v15, v1;
	v15 =	vor.u32 $0x3015, v0;
	v6 =	vld.idx.msk [tilespmem:v6+s24+$0x0], $0xffff  }
0x2cd: {  	v3 =	vadd.f32 v4, v3;
	v4 =	vmul.f32 v9, v5;
	v5 =	vld.idx.msk [tilespmem:v11+s25+$0x0], $0xffff;
	v9 =	vor.u32 v15, v2  }
0x2ce: {  	v11 =	vld.idx.msk [tilespmem:v14+s24+$0x0], $0xffff;
	v14 =	vor.u32 v15, v1;
	v15 =	vor.u32 $0x3016, v0  }
0x2cf: {  	v3 =	vadd.f32 v4, v3;
	v4 =	vmul.f32 v10, v8;
	v8 =	vld.idx.msk [tilespmem:v13+s25+$0x0], $0xffff;
	v10 =	vor.u32 v15, v2  }
0x2d0: {  	v13 =	vor.u32 v15, v1;
	v15 =	vor.u32 $0x3017, v0;
	v7 =	vld.idx.msk [tilespmem:v7+s24+$0x0], $0xffff  }
0x2d1: {  	v3 =	vadd.f32 v4, v3;
	v4 =	vld.idx.msk [tilespmem:v12+s25+$0x0], $0xffff;
	v12 =	vor.u32 v15, v2  }
0x2d2: {  	v5 =	vmul.f32 v5, v6;
	v6 =	vld.idx.msk [tilespmem:v9+s24+$0x0], $0xffff;
	v9 =	vor.u32 v15, v1;
	v15 =	vor.u32 $0x3018, v0  }
0x2d3: {  	v14 =	vld.idx.msk [tilespmem:v14+s25+$0x0], $0xffff;
	v16 =	vor.u32 v15, v2  }
0x2d4: {  	v3 =	vadd.f32 v5, v3;
	v5 =	vmul.f32 v8, v11;
	v8 =	vld.idx.msk [tilespmem:v10+s24+$0x0], $0xffff;
	v10 =	vor.u32 v15, v1  }
0x2d5: {  	v11 =	vld.idx.msk [tilespmem:v13+s25+$0x0], $0xffff;
	v13 =	vor.u32 $0x3019, v0  }
0x2d6: {  	v3 =	vadd.f32 v5, v3;
	v4 =	vmul.f32 v4, v7;
	v5 =	vld.idx.msk [tilespmem:v12+s24+$0x0], $0xffff;
	v7 =	vor.u32 v13, v2  }
0x2d7: {  	v12 =	vor.u32 v13, v1;
	v13 =	vor.u32 $0x301A, v0;
	v9 =	vld.idx.msk [tilespmem:v9+s25+$0x0], $0xffff  }
0x2d8: {  	v3 =	vadd.f32 v4, v3;
	v4 =	vmul.f32 v14, v6;
	v6 =	vld.idx.msk [tilespmem:v16+s24+$0x0], $0xffff;
	v14 =	vor.u32 v13, v2  }
0x2d9: {  	v15 =	vor.u32 $0x301B, v0;
	v13 =	vor.u32 v13, v1;
	v10 =	vld.idx.msk [tilespmem:v10+s25+$0x0], $0xffff  }
0x2da: {  	v3 =	vadd.f32 v4, v3;
	v4 =	vmul.f32 v11, v8;
	v8 =	vor.u32 v15, v2  }
0x2db: {  	v11 =	vor.u32 v15, v1;
	v15 =	vor.u32 $0x301C, v0;
	v7 =	vld.idx.msk [tilespmem:v7+s24+$0x0], $0xffff  }
0x2dc: {  	v3 =	vadd.f32 v4, v3;
	v4 =	vmul.f32 v9, v5;
	v5 =	vld.idx.msk [tilespmem:v12+s25+$0x0], $0xffff;
	v9 =	vor.u32 v15, v2  }
0x2dd: {  	v12 =	vld.idx.msk [tilespmem:v14+s24+$0x0], $0xffff;
	v14 =	vor.u32 v15, v1;
	v15 =	vor.u32 $0x301D, v0  }
0x2de: {  	v3 =	vadd.f32 v4, v3;
	v4 =	vmul.f32 v10, v6;
	v6 =	vld.idx.msk [tilespmem:v13+s25+$0x0], $0xffff;
	v10 =	vor.u32 v15, v2  }
0x2df: {  	v13 =	vor.u32 v15, v1;
	v15 =	vor.u32 $0x301E, v0;
	v8 =	vld.idx.msk [tilespmem:v8+s24+$0x0], $0xffff  }
0x2e0: {  	v3 =	vadd.f32 v4, v3;
	v4 =	vld.idx.msk [tilespmem:v11+s25+$0x0], $0xffff;
	v11 =	vor.u32 v15, v2  }
0x2e1: {  	v5 =	vmul.f32 v5, v7;
	v7 =	vld.idx.msk [tilespmem:v9+s24+$0x0], $0xffff;
	v9 =	vor.u32 v15, v1;
	v15 =	vor.u32 $0x301F, v0  }
0x2e2: {  	v14 =	vld.idx.msk [tilespmem:v14+s25+$0x0], $0xffff;
	v2 =	vor.u32 v15, v2  }
0x2e3: {  	v1 =	vor.u32 v15, v1;
	v3 =	vadd.f32 v5, v3;
	v12 =	vmul.f32 v6, v12;
	v6 =	vld.idx.msk [tilespmem:v10+s24+$0x0], $0xffff  }
0x2e4: {  	v10 =	vld.idx.msk [tilespmem:v13+s25+$0x0], $0xffff  }
0x2e5: {  	v3 =	vadd.f32 v12, v3;
	v4 =	vmul.f32 v4, v8;
	v5 =	vld.idx.msk [tilespmem:v11+s24+$0x0], $0xffff  }
0x2e6: {  	v12 =	vld.idx.msk [tilespmem:v9+s25+$0x0], $0xffff  }
0x2e7: {  	v3 =	vadd.f32 v4, v3;
	v13 =	vmul.f32 v14, v7;
	v2 =	vld.idx.msk [tilespmem:v2+s24+$0x0], $0xffff  }
0x2e8: {  	v1 =	vld.idx.msk [tilespmem:v1+s25+$0x0], $0xffff  }
0x2e9: {  	v14 =	vmul.f32 v10, v6;
	v3 =	vadd.f32 v13, v3;
	_ =	sdelay $0x1  }
0x2ea: {  	v3 =	vadd.f32 v14, v3;
	v8 =	vmul.f32 v12, v5;
	_ =	sdelay $0x1  }
0x2eb: {  	v1 =	vmul.f32 v1, v2;
	v3 =	vadd.f32 v8, v3;
	_ =	sdelay $0x1  }
0x2ec: {  	v1 =	vadd.f32 v1, v3;
	_ =	sdelay $0x1  }
0x2ed: {  	[tilespmem:s3+$0x20] =	vst v1  }
0x2ee: {  	v3 =	vld [tilespmem:s12+$0x30]  }
0x2ef: {  	v1 =	vld [tilespmem:s15+$0x30];
	_ =	sdelay $0x2  }
0x2f0: {  	v9 =	vor.u32 $0x3800, v0  }
0x2f1: {  	v10 =	vor.u32 v9, v63;
	v2 =	vand.u32 $0x7F, v3;
	v11 =	vadd.s32 $0xFFF0BE00, v3  }
0x2f2: {  	v1 =	vshll.u32 v1, $0x5;
	v5 =	vor.u32 v10, v2;
	vm14 =	vgt.s32 v11, $0x0  }
0x2f3: {  	v1 =	vand.u32 $0x60, v1;
	v2 =	vshll.u32 v3, $0x5;
	v6 =	vnsel vm14, $0x0, v11  }
0x2f4: {  	v2 =	vand.u32 $0x60, v2;
	v12 =	vor.u32 v9, v1  }
0x2f5: {  	v13 =	vor.u32 $0x3801, v0;
	v4 =	vor.u32 v9, v2  }
0x2f6: {  	v9 =	vor.u32 v13, v1  }
0x2f7: {  	v14 =	vor.u32 $0x3802, v0;
	v8 =	vor.u32 v13, v2;
	v5 =	vld.idx.msk [tilespmem:v5+s16+$0x0], $0xffff  }
0x2f8: {  	v11 =	vor.u32 v14, v1;
	v6 =	vld.idx.msk [tilespmem:v6+s13+$0x0], $0xffff  }
0x2f9: {  	v63 =	vor.u32 $0x3803, v0;
	v10 =	vor.u32 v14, v2;
	v7 =	vld.idx.msk [tilespmem:v12+s24+$0x0], $0xffff  }
0x2fa: {  	v12 =	vor.u32 v63, v2;
	v4 =	vld.idx.msk [tilespmem:v4+s25+$0x0], $0xffff  }
0x2fb: {  	v13 =	vor.u32 v63, v1;
	v9 =	vld.idx.msk [tilespmem:v9+s24+$0x0], $0xffff  }
0x2fc: {  	v63 =	vor.u32 $0x3804, v0;
	v8 =	vld.idx.msk [tilespmem:v8+s25+$0x0], $0xffff  }
0x2fd: {  	v11 =	vld.idx.msk [tilespmem:v11+s24+$0x0], $0xffff;
	v15 =	vor.u32 v63, v1  }
0x2fe: {  	v16 =	vor.u32 $0x3805, v0;
	vm15 =	vgt.s32 v3, $0xF41FF;
	v10 =	vld.idx.msk [tilespmem:v10+s25+$0x0], $0xffff;
	v14 =	vor.u32 v63, v2  }
0x2ff: {  	v5 =	vsel vm15, v6, v5;
	v6 =	vld.idx.msk [tilespmem:v12+s25+$0x0], $0xffff;
	v12 =	vor.u32 v16, v2;
	v3 =	vmul.f32 v4, v7  }
0x300: {  	v4 =	vld.idx.msk [tilespmem:v13+s24+$0x0], $0xffff;
	v7 =	vor.u32 v16, v1;
	v13 =	vor.u32 $0x3806, v0  }
0x301: {  	v63 =	vmul.f32 v8, v9;
	v8 =	vor.u32 v13, v1;
	v3 =	vadd.f32 v3, v5  }
0x302: {  	v9 =	vld.idx.msk [tilespmem:v15+s24+$0x0], $0xffff;
	v15 =	vor.u32 $0x3807, v0;
	v13 =	vor.u32 v13, v2  }
0x303: {  	v3 =	vadd.f32 v63, v3;
	v63 =	vmul.f32 v10, v11;
	v10 =	vld.idx.msk [tilespmem:v14+s25+$0x0], $0xffff;
	v11 =	vor.u32 v15, v1  }
0x304: {  	v14 =	vor.u32 v15, v2;
	v15 =	vor.u32 $0x3808, v0;
	v5 =	vld.idx.msk [tilespmem:v12+s25+$0x0], $0xffff  }
0x305: {  	v7 =	vld.idx.msk [tilespmem:v7+s24+$0x0], $0xffff;
	v4 =	vmul.f32 v6, v4;
	v6 =	vor.u32 v15, v1;
	v3 =	vadd.f32 v63, v3  }
0x306: {  	v8 =	vld.idx.msk [tilespmem:v8+s24+$0x0], $0xffff;
	v63 =	vor.u32 v15, v2;
	v15 =	vor.u32 $0x3809, v0  }
0x307: {  	v3 =	vadd.f32 v4, v3;
	v4 =	vld.idx.msk [tilespmem:v13+s25+$0x0], $0xffff;
	v13 =	vor.u32 v15, v1  }
0x308: {  	v9 =	vmul.f32 v10, v9;
	v10 =	vld.idx.msk [tilespmem:v11+s24+$0x0], $0xffff;
	v11 =	vor.u32 v15, v2;
	v15 =	vor.u32 $0x380A, v0  }
0x309: {  	v14 =	vld.idx.msk [tilespmem:v14+s25+$0x0], $0xffff;
	v16 =	vor.u32 v15, v1  }
0x30a: {  	v5 =	vmul.f32 v5, v7;
	v6 =	vld.idx.msk [tilespmem:v6+s24+$0x0], $0xffff;
	v7 =	vor.u32 v15, v2;
	v3 =	vadd.f32 v9, v3  }
0x30b: {  	v9 =	vld.idx.msk [tilespmem:v63+s25+$0x0], $0xffff;
	v63 =	vor.u32 $0x380B, v0  }
0x30c: {  	v3 =	vadd.f32 v5, v3;
	v4 =	vmul.f32 v4, v8;
	v5 =	vld.idx.msk [tilespmem:v13+s24+$0x0], $0xffff;
	v8 =	vor.u32 v63, v1  }
0x30d: {  	v12 =	vor.u32 v63, v2;
	v13 =	vor.u32 $0x380C, v0;
	v11 =	vld.idx.msk [tilespmem:v11+s25+$0x0], $0xffff  }
0x30e: {  	v63 =	vmul.f32 v14, v10;
	v14 =	vor.u32 v13, v1;
	v3 =	vadd.f32 v4, v3;
	v10 =	vld.idx.msk [tilespmem:v16+s24+$0x0], $0xffff  }
0x30f: {  	v15 =	vor.u32 $0x380D, v0;
	v13 =	vor.u32 v13, v2;
	v7 =	vld.idx.msk [tilespmem:v7+s25+$0x0], $0xffff  }
0x310: {  	v3 =	vadd.f32 v63, v3;
	v63 =	vmul.f32 v9, v6;
	v6 =	vor.u32 v15, v1  }
0x311: {  	v9 =	vor.u32 v15, v2;
	v15 =	vor.u32 $0x380E, v0;
	v8 =	vld.idx.msk [tilespmem:v8+s24+$0x0], $0xffff  }
0x312: {  	v3 =	vadd.f32 v63, v3;
	v63 =	vmul.f32 v11, v5;
	v5 =	vld.idx.msk [tilespmem:v12+s25+$0x0], $0xffff;
	v11 =	vor.u32 v15, v1  }
0x313: {  	v12 =	vld.idx.msk [tilespmem:v14+s24+$0x0], $0xffff;
	v14 =	vor.u32 v15, v2;
	v15 =	vor.u32 $0x380F, v0  }
0x314: {  	v4 =	vmul.f32 v7, v10;
	v7 =	vld.idx.msk [tilespmem:v13+s25+$0x0], $0xffff;
	v10 =	vor.u32 v15, v1;
	v3 =	vadd.f32 v63, v3  }
0x315: {  	v63 =	vor.u32 v15, v2;
	v15 =	vor.u32 $0x3810, v0;
	v6 =	vld.idx.msk [tilespmem:v6+s24+$0x0], $0xffff  }
0x316: {  	v3 =	vadd.f32 v4, v3;
	v4 =	vld.idx.msk [tilespmem:v9+s25+$0x0], $0xffff;
	v9 =	vor.u32 v15, v1  }
0x317: {  	v5 =	vmul.f32 v5, v8;
	v8 =	vld.idx.msk [tilespmem:v11+s24+$0x0], $0xffff;
	v11 =	vor.u32 v15, v2;
	v15 =	vor.u32 $0x3811, v0  }
0x318: {  	v14 =	vld.idx.msk [tilespmem:v14+s25+$0x0], $0xffff;
	v16 =	vor.u32 v15, v1  }
0x319: {  	v3 =	vadd.f32 v5, v3;
	v5 =	vmul.f32 v7, v12;
	v7 =	vld.idx.msk [tilespmem:v10+s24+$0x0], $0xffff;
	v10 =	vor.u32 v15, v2  }
0x31a: {  	v12 =	vld.idx.msk [tilespmem:v63+s25+$0x0], $0xffff;
	v63 =	vor.u32 $0x3812, v0  }
0x31b: {  	v3 =	vadd.f32 v5, v3;
	v4 =	vmul.f32 v4, v6;
	v5 =	vld.idx.msk [tilespmem:v9+s24+$0x0], $0xffff;
	v6 =	vor.u32 v63, v1  }
0x31c: {  	v13 =	vor.u32 $0x3813, v0;
	v9 =	vld.idx.msk [tilespmem:v11+s25+$0x0], $0xffff;
	v11 =	vor.u32 v63, v2  }
0x31d: {  	v63 =	vmul.f32 v14, v8;
	v14 =	vor.u32 v13, v1;
	v3 =	vadd.f32 v4, v3;
	v8 =	vld.idx.msk [tilespmem:v16+s24+$0x0], $0xffff  }
0x31e: {  	v15 =	vor.u32 $0x3814, v0;
	v13 =	vor.u32 v13, v2;
	v10 =	vld.idx.msk [tilespmem:v10+s25+$0x0], $0xffff  }
0x31f: {  	v3 =	vadd.f32 v63, v3;
	v63 =	vmul.f32 v12, v7;
	v7 =	vor.u32 v15, v1  }
0x320: {  	v12 =	vor.u32 v15, v2;
	v15 =	vor.u32 $0x3815, v0;
	v6 =	vld.idx.msk [tilespmem:v6+s24+$0x0], $0xffff  }
0x321: {  	v3 =	vadd.f32 v63, v3;
	v63 =	vmul.f32 v9, v5;
	v5 =	vld.idx.msk [tilespmem:v11+s25+$0x0], $0xffff;
	v9 =	vor.u32 v15, v1  }
0x322: {  	v11 =	vld.idx.msk [tilespmem:v14+s24+$0x0], $0xffff;
	v14 =	vor.u32 v15, v2;
	v15 =	vor.u32 $0x3816, v0  }
0x323: {  	v3 =	vadd.f32 v63, v3;
	v4 =	vmul.f32 v10, v8;
	v8 =	vld.idx.msk [tilespmem:v13+s25+$0x0], $0xffff;
	v10 =	vor.u32 v15, v1  }
0x324: {  	v63 =	vor.u32 v15, v2;
	v15 =	vor.u32 $0x3817, v0;
	v7 =	vld.idx.msk [tilespmem:v7+s24+$0x0], $0xffff  }
0x325: {  	v3 =	vadd.f32 v4, v3;
	v4 =	vld.idx.msk [tilespmem:v12+s25+$0x0], $0xffff;
	v12 =	vor.u32 v15, v1  }
0x326: {  	v5 =	vmul.f32 v5, v6;
	v6 =	vld.idx.msk [tilespmem:v9+s24+$0x0], $0xffff;
	v9 =	vor.u32 v15, v2;
	v15 =	vor.u32 $0x3818, v0  }
0x327: {  	v14 =	vld.idx.msk [tilespmem:v14+s25+$0x0], $0xffff;
	v16 =	vor.u32 v15, v1  }
0x328: {  	v3 =	vadd.f32 v5, v3;
	v5 =	vmul.f32 v8, v11;
	v8 =	vld.idx.msk [tilespmem:v10+s24+$0x0], $0xffff;
	v10 =	vor.u32 v15, v2  }
0x329: {  	v11 =	vld.idx.msk [tilespmem:v63+s25+$0x0], $0xffff;
	v63 =	vor.u32 $0x3819, v0  }
0x32a: {  	v3 =	vadd.f32 v5, v3;
	v4 =	vmul.f32 v4, v7;
	v5 =	vld.idx.msk [tilespmem:v12+s24+$0x0], $0xffff;
	v7 =	vor.u32 v63, v1  }
0x32b: {  	v13 =	vor.u32 $0x381A, v0;
	v12 =	vor.u32 v63, v2;
	v9 =	vld.idx.msk [tilespmem:v9+s25+$0x0], $0xffff  }
0x32c: {  	v63 =	vmul.f32 v14, v6;
	v14 =	vor.u32 v13, v1;
	v3 =	vadd.f32 v4, v3;
	v6 =	vld.idx.msk [tilespmem:v16+s24+$0x0], $0xffff  }
0x32d: {  	v15 =	vor.u32 $0x381B, v0;
	v13 =	vor.u32 v13, v2;
	v10 =	vld.idx.msk [tilespmem:v10+s25+$0x0], $0xffff  }
0x32e: {  	v3 =	vadd.f32 v63, v3;
	v63 =	vmul.f32 v11, v8;
	v8 =	vor.u32 v15, v1  }
0x32f: {  	v11 =	vor.u32 v15, v2;
	v15 =	vor.u32 $0x381C, v0;
	v7 =	vld.idx.msk [tilespmem:v7+s24+$0x0], $0xffff  }
0x330: {  	v3 =	vadd.f32 v63, v3;
	v63 =	vmul.f32 v9, v5;
	v5 =	vld.idx.msk [tilespmem:v12+s25+$0x0], $0xffff;
	v9 =	vor.u32 v15, v1  }
0x331: {  	v12 =	vld.idx.msk [tilespmem:v14+s24+$0x0], $0xffff;
	v14 =	vor.u32 v15, v2;
	v15 =	vor.u32 $0x381D, v0  }
0x332: {  	v3 =	vadd.f32 v63, v3;
	v63 =	vmul.f32 v10, v6;
	v6 =	vld.idx.msk [tilespmem:v13+s25+$0x0], $0xffff;
	v10 =	vor.u32 v15, v1  }
0x333: {  	v13 =	vor.u32 v15, v2;
	v15 =	vor.u32 $0x381E, v0;
	v8 =	vld.idx.msk [tilespmem:v8+s24+$0x0], $0xffff  }
0x334: {  	v4 =	vld.idx.msk [tilespmem:v11+s25+$0x0], $0xffff;
	v3 =	vadd.f32 v63, v3;
	v63 =	vor.u32 v15, v1  }
0x335: {  	v5 =	vmul.f32 v5, v7;
	v7 =	vld.idx.msk [tilespmem:v9+s24+$0x0], $0xffff;
	v9 =	vor.u32 v15, v2;
	v15 =	vor.u32 $0x381F, v0  }
0x336: {  	v14 =	vld.idx.msk [tilespmem:v14+s25+$0x0], $0xffff;
	v1 =	vor.u32 v15, v1  }
0x337: {  	v2 =	vor.u32 v15, v2;
	v3 =	vadd.f32 v5, v3;
	v12 =	vmul.f32 v6, v12;
	v6 =	vld.idx.msk [tilespmem:v10+s24+$0x0], $0xffff  }
0x338: {  	v10 =	vld.idx.msk [tilespmem:v13+s25+$0x0], $0xffff  }
0x339: {  	v4 =	vmul.f32 v4, v8;
	v3 =	vadd.f32 v12, v3;
	v63 =	vld.idx.msk [tilespmem:v63+s24+$0x0], $0xffff  }
0x33a: {  	v12 =	vld.idx.msk [tilespmem:v9+s25+$0x0], $0xffff  }
0x33b: {  	v13 =	vmul.f32 v14, v7;
	v3 =	vadd.f32 v4, v3;
	v1 =	vld.idx.msk [tilespmem:v1+s24+$0x0], $0xffff  }
0x33c: {  	v2 =	vld.idx.msk [tilespmem:v2+s25+$0x0], $0xffff  }
0x33d: {  	v14 =	vmul.f32 v10, v6;
	v3 =	vadd.f32 v13, v3;
	_ =	sdelay $0x1  }
0x33e: {  	v3 =	vadd.f32 v14, v3;
	v63 =	vmul.f32 v12, v63  }
0x33f: {  	p0 =	sne.s32 s30, $0x180  }
.Ltmp1:
0x340: {  	v1 =	vmul.f32 v2, v1;
	v3 =	vadd.f32 v63, v3;
	(pc) =	sbr.rel @p0 .LBB2_4-.Ltmp1, $4  }
0x341: {  	_ = 	snop  }
0x342: {  	v1 =	vadd.f32 v1, v3  }
0x343: {  	s31 =	sadd.s32 $0x80, s31;
	s30 =	sadd.s32 $0x80, s30;
	s1 =	sadd.s32 $0x80, s1  }
0x344: {  	s12 =	sadd.s32 $0x80, s12;
	s15 =	sadd.s32 $0x80, s15;
	[tilespmem:s3+$0x30] =	vst v1;
	s3 =	sadd.s32 $0x80, s3  }
0x345: {  	s29 =	sadd.s32 $0x1, s29  }
0x346: {  	p0 =	sne.s32 s29, s10  }
.Ltmp2:
0x347: {  	_ = 	snop;
	(pc) =	sbr.rel @p0 .LBB2_1-.Ltmp2, $4  }
0x348: {  	[hbm4b:s9+s2] =	stream.linear.scatter [tilespmem:s28], [sflag:$0x3], $0x200, $0x38;
	[tilespmem:$0x18C80] =	vst v63  }
0x349: {  	_ =	swait.ge [sflag:s11], $0x200  }
0x34a: {  	[sflag:s11] =	ssyncset.done $0x0  }
0x34b: {  	[sflag:s11] =	ssyncadd.s32 $0xFFFFFE00  }
0x34c: {  	_ =	sfence.sel $0x180000  }
0x34d: {  	[bflag:$0x0] =	sbarrier.arrive $0xFFFF  }
0x34e: {  	_ =	strace $0x90000047  }
0x34f: {  	s0 =	stileid.u32;
	[bflag:$0x2] =	sbarrier.arrive $0xFFFF  }
0x350: {  	p0 =	sne.s32 s0, $0x0;
	s0 =	rddreg [dreg:$0x4]  }
0x351: {  	s0 =	sadd.s32 @!p0 $0x100000, s0  }
0x352: {  	[sflag:s0] =	ssyncadd.tile.s32 @!p0 $0x1;
	_ =	shalt  }
.Lfunc_end2:
_tile_overlayer_lowered:
.L_overlay_start_2:
0x353: {  	(tag) =	ssettag $0x2  }
0x354: {  	s0 =	rddreg [dreg:$0x0];
	s2 =	stileid.u32  }
0x355: {  	s1 =	rddreg [dreg:$0x1];
	p0 =	sne.s32 s2, $0x0  }
0x356: {  	s3 =	rddreg [dreg:$0x2];
	[bflag:$0x3] =	sbarrier.arrive $0xFFFF;
	s2 =	simm.s32 @!p0 $0x1C03  }
0x357: {  	[timem:s3], [sflag:s2] =	dma.local @!p0 [hbm:s0], s1  }
0x358: {  	s0 =	simm.s32 @!p0 $0x3  }
0x359: {  	_ =	swait.ge @!p0 [sflag:s0], s1  }
0x35a: {  	s1 =	ssub.s32 @!p0 $0x0, s1;
	[sflag:s0] =	ssyncset.done @!p0 $0x0  }
0x35b: {  	[sflag:s0] =	ssyncadd.s32 @!p0 s1  }
0x35c: {  	[bflag:$0x3] =	sbarrier.arrive $0xFFFF  }
0x35d: {  	_ =	shalt  }

</sc_bundles>
